<compile_context>
chip_gen: v7x
topology: tpu7x:2x2x1
jax: 0.10.2.dev20260603
libtpu: 0.0.44.dev20260713+nightly
codegen_flags: <defaults>
</compile_context>

<pallas_src>
import functools

import jax
import jax.numpy as jnp
from jax import lax
from jax.experimental import pallas as pl
from jax.experimental.pallas import tpu as pltpu
from jax.experimental.pallas import tpu_sc as plsc

_B = 16384
_F = 26
_E = 16
_NC = 2
_NS = 16
_NW = _NC * _NS
_RPW = _B // _NW
_C = 64
_NCHUNK = _RPW // _C
_IPC = _C * _F
_G = 128
_NG = _IPC // _G

_mesh = plsc.VectorSubcoreMesh(core_axis_name="c", subcore_axis_name="s")

_NB = 7813
_NBF = _NB - 1
_SPW = 245
_DEPTH = 4


@functools.partial(
    pl.kernel,
    out_type=jax.ShapeDtypeStruct((16000000,), jnp.float32),
    mesh=_mesh,
    compiler_params=pltpu.CompilerParams(
        needs_layout_passes=False, use_tc_tiling_on_sc=True
    ),
    scratch_types=[
        pltpu.VMEM((_DEPTH, 16, 128), jnp.float32),
        pltpu.VMEM((2, 2048), jnp.float32),
        pltpu.SemaphoreType.DMA,
        pltpu.SemaphoreType.DMA,
    ],
)
def _detile_sc(emb_t_ref, out_ref, ibuf, obuf, isem, osem):
    wid = lax.axis_index("s") * _NC + lax.axis_index("c")
    lane = lax.iota(jnp.int32, 16)
    _dn = lax.GatherDimensionNumbers(
        offset_dims=(), collapsed_slice_dims=(0,), start_index_map=(0,)
    )
    perms = {s: (lane ^ s)[:, None] for s in (1, 2, 4, 8)}
    masks = {s: (lane & s) == 0 for s in (1, 2, 4, 8)}

    def _shuf(v, s):
        return lax.gather(
            v, perms[s], _dn, (1,), mode=lax.GatherScatterMode.PROMISE_IN_BOUNDS
        )

    def _transpose16(t):
        for s in (8, 4, 2, 1):
            m = masks[s]
            for i in range(16):
                if i & s:
                    continue
                j = i | s
                a, b = t[i], t[j]
                sh = _shuf(jnp.where(m, b, a), s)
                t[i] = jnp.where(m, a, sh)
                t[j] = jnp.where(m, sh, b)
        return t

    def in_copy(step, slot):
        c0 = (wid + step * _NW) * 128
        return pltpu.make_async_copy(
            emb_t_ref.at[:, pl.ds(c0, 128)], ibuf.at[slot, :, pl.ds(0, 128)], isem
        )

    for k in range(_DEPTH):
        @pl.when(wid + k * _NW < _NBF)
        def _():
            in_copy(k, k).start()

    def step_body(step, carry):
        tj = wid + step * _NW
        slot = lax.rem(step, _DEPTH)
        oslot = lax.rem(step, 2)

        @pl.when(tj < _NBF)
        def _():
            in_copy(step, slot).wait()
            @pl.when(step >= 2)
            def _():
                pltpu.make_async_copy(
                    obuf.at[oslot], out_ref.at[pl.ds(0, 2048)], osem
                ).wait()
            for g in range(8):
                t = [ibuf[slot, c, pl.ds(g * 16, 16)] for c in range(16)]
                t = _transpose16(t)
                for r in range(16):
                    obuf[oslot, pl.ds((g * 16 + r) * 16, 16)] = t[r]
            pltpu.async_copy(obuf.at[oslot], out_ref.at[pl.ds(tj * 2048, 2048)], osem)
            @pl.when(step + _DEPTH < _SPW)
            def _():
                @pl.when(tj + _DEPTH * _NW < _NBF)
                def _():
                    in_copy(step + _DEPTH, slot).start()
        return carry

    lax.fori_loop(0, _SPW, step_body, 0)

    nvalid = lax.div(_NBF - wid + _NW - 1, _NW)
    for t in range(2):
        s = nvalid - 2 + t
        @pl.when(s >= 0)
        def _():
            pltpu.make_async_copy(
                obuf.at[lax.rem(s, 2)], out_ref.at[pl.ds(0, 2048)], osem
            ).wait()



@functools.partial(
    pl.kernel,
    out_type=jax.ShapeDtypeStruct((_B,), jnp.float32),
    mesh=_mesh,
    compiler_params=pltpu.CompilerParams(
        needs_layout_passes=False, use_tc_tiling_on_sc=False
    ),
    scratch_types=[
        pltpu.VMEM((2, _IPC), jnp.int32),
        pltpu.VMEM((2, _IPC, _E), jnp.float32),
        pltpu.VMEM((2, _IPC + 32), jnp.float32),
        pltpu.VMEM((_RPW,), jnp.float32),
        pltpu.VMEM((256,), jnp.float32),
        pltpu.SemaphoreType.DMA,
        pltpu.SemaphoreType.DMA,
    ],
)
def _fm_sc(x_ref, emb_ref, w_ref, out_ref, idx_v, emb_v, w_v, out_v, mat_v, gsem, wsem):
    wid = lax.axis_index("s") * _NC + lax.axis_index("c")
    row0 = wid * _RPW
    lane = lax.iota(jnp.int32, 16)
    tail_mask = lane < (_F - 16)

    def stage_idx(g, slot):
        base_i = (row0 + g * _C) * _F
        pltpu.sync_copy(x_ref.at[pl.ds(base_i, _IPC)], idx_v.at[slot])

    def fire(slot):
        for j in range(_NG):
            sl = pl.ds(j * _G, _G)
            pltpu.async_copy(emb_ref.at[idx_v.at[slot, sl]], emb_v.at[slot, sl], gsem)
            pltpu.async_copy(w_ref.at[idx_v.at[slot, sl]], w_v.at[slot, sl], wsem)

    stage_idx(0, 0)
    fire(0)
    stage_idx(1, 1)

    def chunk_body(g, carry):
        slot = lax.rem(g, 2)
        nslot = lax.rem(g + 1, 2)

        @pl.when(g + 1 < _NCHUNK)
        def _():
            fire(nslot)
        pltpu.make_async_copy(
            emb_ref.at[pl.ds(0, _IPC)], emb_v.at[slot], gsem
        ).wait()
        pltpu.make_async_copy(
            w_ref.at[pl.ds(0, _IPC)], w_v.at[slot, pl.ds(0, _IPC)], wsem
        ).wait()

        @pl.when(g + 2 < _NCHUNK)
        def _():
            stage_idx(g + 2, slot)

        def group_body(t, tc):
            def row_body(i, rc):
                r26 = (t * 16 + i) * _F
                e0 = emb_v[slot, r26, :]
                s = e0
                q = e0 * e0
                for j in range(1, _F):
                    e = emb_v[slot, r26 + j, :]
                    s = s + e
                    q = q + e * e
                w1 = w_v[slot, pl.ds(r26, 16)]
                w2 = jnp.where(tail_mask, w_v[slot, pl.ds(r26 + 16, 16)], 0.0)
                mat_v[pl.ds(i * 16, 16)] = 0.5 * (s * s - q) + w1 + w2
                return rc

            lax.fori_loop(0, 16, row_body, 0)
            acc = plsc.load_gather(mat_v, [lane * 16])
            for d in range(1, 16):
                acc = acc + plsc.load_gather(mat_v, [lane * 16 + d])
            out_v[pl.ds(g * _C + t * 16, 16)] = acc
            return tc

        return lax.fori_loop(0, _C // 16, group_body, carry)

    lax.fori_loop(0, _NCHUNK, chunk_body, 0)
    pltpu.sync_copy(out_v, out_ref.at[pl.ds(row0, _RPW)])


def kernel(x, kernel_emb, kernel_w):
    emb_flat = _detile_sc(kernel_emb.T)
    tail = kernel_emb[_NBF * 128 :].reshape(-1)
    emb_flat = jax.lax.dynamic_update_slice(emb_flat, tail, (_NBF * 128 * _E,))
    table = emb_flat.reshape(1000000, _E)
    out = _fm_sc(x.reshape(-1), table, kernel_w.reshape(-1))
    return out.reshape(_B, 1)

# --- scband reference (transcript-rebuilt; emitter-appended) ---
"""Pipeline reference for scband-fmlayer-61761629717131 (READ-ONLY COPY).

The authoritative reference and input builder live on the scoring server;
editing this copy changes nothing except your own understanding.
"""

import jax, jax.numpy as jnp
import numpy as np

FEATURE_SIZE = 1000000
EMB_SIZE = 16
BATCH = 16384
N_FIELDS = 26

def _glorot(key, shape):
    fan_in, fan_out = shape[0], shape[1]
    limit = jnp.sqrt(6.0 / (fan_in + fan_out))
    return jax.random.uniform(key, shape, dtype=jnp.float32, minval=-limit, maxval=limit)

def setup_inputs(seed: int = 0) -> dict:
    key = jax.random.key(seed)
    k1, k2, k3 = jax.random.split(key, 3)
    x = jax.random.randint(k1, (BATCH, N_FIELDS), 0, FEATURE_SIZE, dtype=jnp.int64 if jax.config.read('jax_enable_x64') else jnp.int32)
    kernel_emb = _glorot(k2, (FEATURE_SIZE, EMB_SIZE))
    kernel_w = _glorot(k3, (FEATURE_SIZE, 1))
    return {"x": x, "kernel_emb": kernel_emb, "kernel_w": kernel_w}

def reference(x, kernel_emb, kernel_w):
    # 1st order: lookup scalar weights and sum over fields -> [B, 1]
    x_1st_order = jnp.sum(jnp.take(kernel_w, x, axis=0), axis=1)
    # 2nd order via 0.5 * ((sum emb)^2 - sum(emb^2))
    x_emb = jnp.take(kernel_emb, x, axis=0)  # [B, F, E]
    x_square_of_sum = jnp.square(jnp.sum(x_emb, axis=1))  # [B, E]
    x_sum_of_square = jnp.sum(jnp.square(x_emb), axis=1)  # [B, E]
    x_2nd_order = 0.5 * (x_square_of_sum - x_sum_of_square)
    x_2nd_order = jnp.sum(x_2nd_order, axis=1, keepdims=True)  # [B, 1]
    fm_res = x_1st_order + x_2nd_order  # [B, 1]
    return fm_res

if __name__ == "__main__":
    import jax
    _d = setup_inputs()
    print(jax.jit(kernel)(*tuple(_d.values())))

</pallas_src>

<mosaic_0001>
#map = affine_map<(d0, d1) -> (0, 0)>
#map1 = affine_map<(d0, d1) -> (0)>
module attributes {stable_mosaic.version = 14 : i64} {
  func.func @_detile_sc(%arg0: i32, %arg1: i32, %arg2: memref<16x1000000xf32, #tpu.memory_space<hbm>>, %arg3: memref<16000000xf32, #tpu.memory_space<hbm>>, %arg4: memref<4x16x128xf32, #tpu.memory_space<vmem>>, %arg5: memref<2x2048xf32, #tpu.memory_space<vmem>>, %arg6: memref<!tpu.dma_semaphore, #tpu.memory_space<semaphore_mem>>, %arg7: memref<!tpu.dma_semaphore, #tpu.memory_space<semaphore_mem>>) attributes {dimension_semantics = [#tpu.dimension_semantics<core_parallel>, #tpu.dimension_semantics<subcore_parallel>], iteration_bounds = array<i64: 2, 16>, scalar_prefetch = 0 : i64, scratch_operands = 4 : i64, tpu.core_type = #tpu.core_type<sc_vector_subcore>, window_params = [{transform_indices = #map}, {transform_indices = #map1}]} {
    %mul3A = arith.constant 2 : i32
    %mul3A_0 = arith.muli %arg1, %mul3A : i32
    %add3A = arith.addi %mul3A_0, %arg0 : i32
    %iota3A = tpu.iota {dimensions = array<i32: 0>} : vector<16xi32>
    %xor3A = arith.constant 1 : i32
    %xor3A_1 = vector.broadcast %xor3A : i32 to vector<16xi32>
    %xor3A_2 = arith.xori %iota3A, %xor3A_1 : vector<16xi32>
    %broadcast_in_dim3A = vector.shape_cast %xor3A_2 : vector<16xi32> to vector<16x1xi32>
    %xor3A_3 = arith.constant 2 : i32
    %xor3A_4 = vector.broadcast %xor3A_3 : i32 to vector<16xi32>
    %xor3A_5 = arith.xori %iota3A, %xor3A_4 : vector<16xi32>
    %broadcast_in_dim3A_6 = vector.shape_cast %xor3A_5 : vector<16xi32> to vector<16x1xi32>
    %xor3A_7 = arith.constant 4 : i32
    %xor3A_8 = vector.broadcast %xor3A_7 : i32 to vector<16xi32>
    %xor3A_9 = arith.xori %iota3A, %xor3A_8 : vector<16xi32>
    %broadcast_in_dim3A_10 = vector.shape_cast %xor3A_9 : vector<16xi32> to vector<16x1xi32>
    %xor3A_11 = arith.constant 8 : i32
    %xor3A_12 = vector.broadcast %xor3A_11 : i32 to vector<16xi32>
    %xor3A_13 = arith.xori %iota3A, %xor3A_12 : vector<16xi32>
    %broadcast_in_dim3A_14 = vector.shape_cast %xor3A_13 : vector<16xi32> to vector<16x1xi32>
    %and3A = arith.constant 1 : i32
    %and3A_15 = vector.broadcast %and3A : i32 to vector<16xi32>
    %and3A_16 = arith.andi %iota3A, %and3A_15 : vector<16xi32>
    %eq3A = arith.constant 0 : i32
    %eq3A_17 = vector.broadcast %eq3A : i32 to vector<16xi32>
    %eq3A_18 = arith.cmpi eq, %and3A_16, %eq3A_17 : vector<16xi32>
    %and3A_19 = arith.constant 2 : i32
    %and3A_20 = vector.broadcast %and3A_19 : i32 to vector<16xi32>
    %and3A_21 = arith.andi %iota3A, %and3A_20 : vector<16xi32>
    %eq3A_22 = arith.constant 0 : i32
    %eq3A_23 = vector.broadcast %eq3A_22 : i32 to vector<16xi32>
    %eq3A_24 = arith.cmpi eq, %and3A_21, %eq3A_23 : vector<16xi32>
    %and3A_25 = arith.constant 4 : i32
    %and3A_26 = vector.broadcast %and3A_25 : i32 to vector<16xi32>
    %and3A_27 = arith.andi %iota3A, %and3A_26 : vector<16xi32>
    %eq3A_28 = arith.constant 0 : i32
    %eq3A_29 = vector.broadcast %eq3A_28 : i32 to vector<16xi32>
    %eq3A_30 = arith.cmpi eq, %and3A_27, %eq3A_29 : vector<16xi32>
    %and3A_31 = arith.constant 8 : i32
    %and3A_32 = vector.broadcast %and3A_31 : i32 to vector<16xi32>
    %and3A_33 = arith.andi %iota3A, %and3A_32 : vector<16xi32>
    %eq3A_34 = arith.constant 0 : i32
    %eq3A_35 = vector.broadcast %eq3A_34 : i32 to vector<16xi32>
    %eq3A_36 = arith.cmpi eq, %and3A_33, %eq3A_35 : vector<16xi32>
    %add3A_37 = arith.constant 0 : i32
    %add3A_38 = arith.addi %add3A, %add3A_37 : i32
    %lt3A = arith.constant 7812 : i32
    %lt3A_39 = arith.cmpi slt, %add3A_38, %lt3A : i32
    %convert_element_type3A = arith.extui %lt3A_39 : i1 to i32
    %cond3A = arith.constant 0 : i32
    %cond3A_40 = arith.cmpi ne, %convert_element_type3A, %cond3A : i32
    scf.if %cond3A_40 {
      %add3A_90 = arith.constant 0 : i32
      %add3A_91 = arith.addi %add3A, %add3A_90 : i32
      %mul3A_92 = arith.constant 128 : i32
      %mul3A_93 = arith.muli %add3A_91, %mul3A_92 : i32
      %dma_start3A = arith.constant 0 : i32
      %dma_start3A_94 = arith.constant 0 : i32
      %dma_start3A_95 = arith.constant 0 : i32
      %dma_start3A_96 = tpu.memref_slice %arg4[%dma_start3A, %dma_start3A_94, %dma_start3A_95] : memref<4x16x128xf32, #tpu.memory_space<vmem>> -> memref<1x16x128xf32, #tpu.memory_space<vmem>>
      %dma_start3A_97 = tpu.memref_squeeze %dma_start3A_96 : memref<1x16x128xf32, #tpu.memory_space<vmem>> -> memref<16x128xf32, #tpu.memory_space<vmem>>
      %dma_start3A_98 = arith.constant 0 : i32
      %dma_start3A_99 = tpu.memref_slice %arg2[%dma_start3A_98, %mul3A_93] : memref<16x1000000xf32, #tpu.memory_space<hbm>> -> memref<16x128xf32, #tpu.memory_space<hbm>>
      %dma_start3A_100 = arith.constant 0 : i32
      %dma_start3A_101 = arith.constant 0 : i32
      %dma_start3A_102 = tpu.memref_slice %arg4[%dma_start3A, %dma_start3A_100, %dma_start3A_101] : memref<4x16x128xf32, #tpu.memory_space<vmem>> -> memref<1x16x128xf32, #tpu.memory_space<vmem>>
      %dma_start3A_103 = tpu.memref_squeeze %dma_start3A_102 : memref<1x16x128xf32, #tpu.memory_space<vmem>> -> memref<16x128xf32, #tpu.memory_space<vmem>>
      %dma_start3A_104 = arith.constant 0 : i32
      %dma_start3A_105 = tpu.memref_slice %arg2[%dma_start3A_104, %mul3A_93] : memref<16x1000000xf32, #tpu.memory_space<hbm>> -> memref<16x128xf32, #tpu.memory_space<hbm>>
      tpu.enqueue_dma source(%dma_start3A_105 : memref<16x128xf32, #tpu.memory_space<hbm>>) target(%dma_start3A_103 : memref<16x128xf32, #tpu.memory_space<vmem>>) target_semaphore(%arg6 : memref<!tpu.dma_semaphore, #tpu.memory_space<semaphore_mem>>)
    } else {
    }
    %add3A_41 = arith.constant 32 : i32
    %add3A_42 = arith.addi %add3A, %add3A_41 : i32
    %lt3A_43 = arith.constant 7812 : i32
    %lt3A_44 = arith.cmpi slt, %add3A_42, %lt3A_43 : i32
    %convert_element_type3A_45 = arith.extui %lt3A_44 : i1 to i32
    %cond3A_46 = arith.constant 0 : i32
    %cond3A_47 = arith.cmpi ne, %convert_element_type3A_45, %cond3A_46 : i32
    scf.if %cond3A_47 {
      %add3A_90 = arith.constant 32 : i32
      %add3A_91 = arith.addi %add3A, %add3A_90 : i32
      %mul3A_92 = arith.constant 128 : i32
      %mul3A_93 = arith.muli %add3A_91, %mul3A_92 : i32
      %dma_start3A = arith.constant 1 : i32
      %dma_start3A_94 = arith.constant 0 : i32
      %dma_start3A_95 = arith.constant 0 : i32
      %dma_start3A_96 = tpu.memref_slice %arg4[%dma_start3A, %dma_start3A_94, %dma_start3A_95] : memref<4x16x128xf32, #tpu.memory_space<vmem>> -> memref<1x16x128xf32, #tpu.memory_space<vmem>>
      %dma_start3A_97 = tpu.memref_squeeze %dma_start3A_96 : memref<1x16x128xf32, #tpu.memory_space<vmem>> -> memref<16x128xf32, #tpu.memory_space<vmem>>
      %dma_start3A_98 = arith.constant 0 : i32
      %dma_start3A_99 = tpu.memref_slice %arg2[%dma_start3A_98, %mul3A_93] : memref<16x1000000xf32, #tpu.memory_space<hbm>> -> memref<16x128xf32, #tpu.memory_space<hbm>>
      %dma_start3A_100 = arith.constant 0 : i32
      %dma_start3A_101 = arith.constant 0 : i32
      %dma_start3A_102 = tpu.memref_slice %arg4[%dma_start3A, %dma_start3A_100, %dma_start3A_101] : memref<4x16x128xf32, #tpu.memory_space<vmem>> -> memref<1x16x128xf32, #tpu.memory_space<vmem>>
      %dma_start3A_103 = tpu.memref_squeeze %dma_start3A_102 : memref<1x16x128xf32, #tpu.memory_space<vmem>> -> memref<16x128xf32, #tpu.memory_space<vmem>>
      %dma_start3A_104 = arith.constant 0 : i32
      %dma_start3A_105 = tpu.memref_slice %arg2[%dma_start3A_104, %mul3A_93] : memref<16x1000000xf32, #tpu.memory_space<hbm>> -> memref<16x128xf32, #tpu.memory_space<hbm>>
      tpu.enqueue_dma source(%dma_start3A_105 : memref<16x128xf32, #tpu.memory_space<hbm>>) target(%dma_start3A_103 : memref<16x128xf32, #tpu.memory_space<vmem>>) target_semaphore(%arg6 : memref<!tpu.dma_semaphore, #tpu.memory_space<semaphore_mem>>)
    } else {
    }
    %add3A_48 = arith.constant 64 : i32
    %add3A_49 = arith.addi %add3A, %add3A_48 : i32
    %lt3A_50 = arith.constant 7812 : i32
    %lt3A_51 = arith.cmpi slt, %add3A_49, %lt3A_50 : i32
    %convert_element_type3A_52 = arith.extui %lt3A_51 : i1 to i32
    %cond3A_53 = arith.constant 0 : i32
    %cond3A_54 = arith.cmpi ne, %convert_element_type3A_52, %cond3A_53 : i32
    scf.if %cond3A_54 {
      %add3A_90 = arith.constant 64 : i32
      %add3A_91 = arith.addi %add3A, %add3A_90 : i32
      %mul3A_92 = arith.constant 128 : i32
      %mul3A_93 = arith.muli %add3A_91, %mul3A_92 : i32
      %dma_start3A = arith.constant 2 : i32
      %dma_start3A_94 = arith.constant 0 : i32
      %dma_start3A_95 = arith.constant 0 : i32
      %dma_start3A_96 = tpu.memref_slice %arg4[%dma_start3A, %dma_start3A_94, %dma_start3A_95] : memref<4x16x128xf32, #tpu.memory_space<vmem>> -> memref<1x16x128xf32, #tpu.memory_space<vmem>>
      %dma_start3A_97 = tpu.memref_squeeze %dma_start3A_96 : memref<1x16x128xf32, #tpu.memory_space<vmem>> -> memref<16x128xf32, #tpu.memory_space<vmem>>
      %dma_start3A_98 = arith.constant 0 : i32
      %dma_start3A_99 = tpu.memref_slice %arg2[%dma_start3A_98, %mul3A_93] : memref<16x1000000xf32, #tpu.memory_space<hbm>> -> memref<16x128xf32, #tpu.memory_space<hbm>>
      %dma_start3A_100 = arith.constant 0 : i32
      %dma_start3A_101 = arith.constant 0 : i32
      %dma_start3A_102 = tpu.memref_slice %arg4[%dma_start3A, %dma_start3A_100, %dma_start3A_101] : memref<4x16x128xf32, #tpu.memory_space<vmem>> -> memref<1x16x128xf32, #tpu.memory_space<vmem>>
      %dma_start3A_103 = tpu.memref_squeeze %dma_start3A_102 : memref<1x16x128xf32, #tpu.memory_space<vmem>> -> memref<16x128xf32, #tpu.memory_space<vmem>>
      %dma_start3A_104 = arith.constant 0 : i32
      %dma_start3A_105 = tpu.memref_slice %arg2[%dma_start3A_104, %mul3A_93] : memref<16x1000000xf32, #tpu.memory_space<hbm>> -> memref<16x128xf32, #tpu.memory_space<hbm>>
      tpu.enqueue_dma source(%dma_start3A_105 : memref<16x128xf32, #tpu.memory_space<hbm>>) target(%dma_start3A_103 : memref<16x128xf32, #tpu.memory_space<vmem>>) target_semaphore(%arg6 : memref<!tpu.dma_semaphore, #tpu.memory_space<semaphore_mem>>)
    } else {
    }
    %add3A_55 = arith.constant 96 : i32
    %add3A_56 = arith.addi %add3A, %add3A_55 : i32
    %lt3A_57 = arith.constant 7812 : i32
    %lt3A_58 = arith.cmpi slt, %add3A_56, %lt3A_57 : i32
    %convert_element_type3A_59 = arith.extui %lt3A_58 : i1 to i32
    %cond3A_60 = arith.constant 0 : i32
    %cond3A_61 = arith.cmpi ne, %convert_element_type3A_59, %cond3A_60 : i32
    scf.if %cond3A_61 {
      %add3A_90 = arith.constant 96 : i32
      %add3A_91 = arith.addi %add3A, %add3A_90 : i32
      %mul3A_92 = arith.constant 128 : i32
      %mul3A_93 = arith.muli %add3A_91, %mul3A_92 : i32
      %dma_start3A = arith.constant 3 : i32
      %dma_start3A_94 = arith.constant 0 : i32
      %dma_start3A_95 = arith.constant 0 : i32
      %dma_start3A_96 = tpu.memref_slice %arg4[%dma_start3A, %dma_start3A_94, %dma_start3A_95] : memref<4x16x128xf32, #tpu.memory_space<vmem>> -> memref<1x16x128xf32, #tpu.memory_space<vmem>>
      %dma_start3A_97 = tpu.memref_squeeze %dma_start3A_96 : memref<1x16x128xf32, #tpu.memory_space<vmem>> -> memref<16x128xf32, #tpu.memory_space<vmem>>
      %dma_start3A_98 = arith.constant 0 : i32
      %dma_start3A_99 = tpu.memref_slice %arg2[%dma_start3A_98, %mul3A_93] : memref<16x1000000xf32, #tpu.memory_space<hbm>> -> memref<16x128xf32, #tpu.memory_space<hbm>>
      %dma_start3A_100 = arith.constant 0 : i32
      %dma_start3A_101 = arith.constant 0 : i32
      %dma_start3A_102 = tpu.memref_slice %arg4[%dma_start3A, %dma_start3A_100, %dma_start3A_101] : memref<4x16x128xf32, #tpu.memory_space<vmem>> -> memref<1x16x128xf32, #tpu.memory_space<vmem>>
      %dma_start3A_103 = tpu.memref_squeeze %dma_start3A_102 : memref<1x16x128xf32, #tpu.memory_space<vmem>> -> memref<16x128xf32, #tpu.memory_space<vmem>>
      %dma_start3A_104 = arith.constant 0 : i32
      %dma_start3A_105 = tpu.memref_slice %arg2[%dma_start3A_104, %mul3A_93] : memref<16x1000000xf32, #tpu.memory_space<hbm>> -> memref<16x128xf32, #tpu.memory_space<hbm>>
      tpu.enqueue_dma source(%dma_start3A_105 : memref<16x128xf32, #tpu.memory_space<hbm>>) target(%dma_start3A_103 : memref<16x128xf32, #tpu.memory_space<vmem>>) target_semaphore(%arg6 : memref<!tpu.dma_semaphore, #tpu.memory_space<semaphore_mem>>)
    } else {
    }
    %scan3A = arith.constant 0 : i32
    %scan3A_62 = arith.constant 0 : i32
    %scan3A_63 = arith.constant 245 : i32
    %scan3A_64 = arith.addi %scan3A_62, %scan3A_63 : i32
    %scan3A_65 = arith.constant 1 : i32
    scf.for %scan3A_90 = %scan3A_62 to %scan3A_64 step %scan3A_65  : i32 {
      %mul3A_91 = arith.constant 32 : i32
      %mul3A_92 = arith.muli %scan3A_90, %mul3A_91 : i32
      %add3A_93 = arith.addi %add3A, %mul3A_92 : i32
      %rem3A = arith.constant 4 : i32
      %rem3A_94 = arith.remsi %scan3A_90, %rem3A : i32
      %rem3A_95 = arith.constant 2 : i32
      %rem3A_96 = arith.remsi %scan3A_90, %rem3A_95 : i32
      %lt3A_97 = arith.constant 7812 : i32
      %lt3A_98 = arith.cmpi slt, %add3A_93, %lt3A_97 : i32
      %convert_element_type3A_99 = arith.extui %lt3A_98 : i1 to i32
      %cond3A_100 = arith.constant 0 : i32
      %cond3A_101 = arith.cmpi ne, %convert_element_type3A_99, %cond3A_100 : i32
      scf.if %cond3A_101 {
        %mul3A_102 = arith.constant 32 : i32
        %mul3A_103 = arith.muli %scan3A_90, %mul3A_102 : i32
        %add3A_104 = arith.addi %add3A, %mul3A_103 : i32
        %mul3A_105 = arith.constant 128 : i32
        %mul3A_106 = arith.muli %add3A_104, %mul3A_105 : i32
        %dma_wait3A = arith.constant 0 : i32
        %dma_wait3A_107 = arith.constant 0 : i32
        %dma_wait3A_108 = tpu.memref_slice %arg4[%rem3A_94, %dma_wait3A, %dma_wait3A_107] : memref<4x16x128xf32, #tpu.memory_space<vmem>> -> memref<1x16x128xf32, #tpu.memory_space<vmem>>
        %dma_wait3A_109 = tpu.memref_squeeze %dma_wait3A_108 : memref<1x16x128xf32, #tpu.memory_space<vmem>> -> memref<16x128xf32, #tpu.memory_space<vmem>>
        %dma_wait3A_110 = arith.constant 0 : i32
        %dma_wait3A_111 = tpu.memref_slice %arg2[%dma_wait3A_110, %mul3A_106] : memref<16x1000000xf32, #tpu.memory_space<hbm>> -> memref<16x128xf32, #tpu.memory_space<hbm>>
        %dma_wait3A_112 = arith.constant 0 : i32
        %dma_wait3A_113 = arith.constant 0 : i32
        %dma_wait3A_114 = tpu.memref_slice %arg4[%rem3A_94, %dma_wait3A_112, %dma_wait3A_113] : memref<4x16x128xf32, #tpu.memory_space<vmem>> -> memref<1x16x128xf32, #tpu.memory_space<vmem>>
        %dma_wait3A_115 = tpu.memref_squeeze %dma_wait3A_114 : memref<1x16x128xf32, #tpu.memory_space<vmem>> -> memref<16x128xf32, #tpu.memory_space<vmem>>
        %dma_wait3A_116 = arith.constant 0 : i32
        %dma_wait3A_117 = tpu.memref_slice %arg2[%dma_wait3A_116, %mul3A_106] : memref<16x1000000xf32, #tpu.memory_space<hbm>> -> memref<16x128xf32, #tpu.memory_space<hbm>>
        tpu.wait_dma2 semaphore(%arg6 : memref<!tpu.dma_semaphore, #tpu.memory_space<semaphore_mem>>) src(%dma_wait3A_117 : memref<16x128xf32, #tpu.memory_space<hbm>>) dst(%dma_wait3A_115 : memref<16x128xf32, #tpu.memory_space<vmem>>)
        %ge3A_118 = arith.constant 2 : i32
        %ge3A_119 = arith.cmpi sge, %scan3A_90, %ge3A_118 : i32
        %convert_element_type3A_120 = arith.extui %ge3A_119 : i1 to i32
        %cond3A_121 = arith.constant 0 : i32
        %cond3A_122 = arith.cmpi ne, %convert_element_type3A_120, %cond3A_121 : i32
        scf.if %cond3A_122 {
          %dma_wait3A_2439 = arith.constant 0 : i32
          %dma_wait3A_2440 = tpu.memref_slice %arg5[%rem3A_96, %dma_wait3A_2439] : memref<2x2048xf32, #tpu.memory_space<vmem>> -> memref<1x2048xf32, #tpu.memory_space<vmem>>
          %dma_wait3A_2441 = tpu.memref_squeeze %dma_wait3A_2440 : memref<1x2048xf32, #tpu.memory_space<vmem>> -> memref<2048xf32, #tpu.memory_space<vmem>>
          %dma_wait3A_2442 = arith.constant 0 : i32
          %dma_wait3A_2443 = tpu.memref_slice %arg3[%dma_wait3A_2442] : memref<16000000xf32, #tpu.memory_space<hbm>> -> memref<2048xf32, #tpu.memory_space<hbm>>
          %dma_wait3A_2444 = arith.constant 0 : i32
          %dma_wait3A_2445 = tpu.memref_slice %arg3[%dma_wait3A_2444] : memref<16000000xf32, #tpu.memory_space<hbm>> -> memref<2048xf32, #tpu.memory_space<hbm>>
          %dma_wait3A_2446 = arith.constant 0 : i32
          %dma_wait3A_2447 = tpu.memref_slice %arg5[%rem3A_96, %dma_wait3A_2446] : memref<2x2048xf32, #tpu.memory_space<vmem>> -> memref<1x2048xf32, #tpu.memory_space<vmem>>
          %dma_wait3A_2448 = tpu.memref_squeeze %dma_wait3A_2447 : memref<1x2048xf32, #tpu.memory_space<vmem>> -> memref<2048xf32, #tpu.memory_space<vmem>>
          tpu.wait_dma2 semaphore(%arg7 : memref<!tpu.dma_semaphore, #tpu.memory_space<semaphore_mem>>) src(%dma_wait3A_2448 : memref<2048xf32, #tpu.memory_space<vmem>>) dst(%dma_wait3A_2445 : memref<2048xf32, #tpu.memory_space<hbm>>)
        } else {
        }
        %get3A = arith.constant 0 : i32
        %get3A_123 = arith.index_cast %rem3A_94 : i32 to index
        %get3A_124 = arith.index_cast %get3A : i32 to index
        %get3A_125 = arith.constant 0 : index
        %get3A_126 = tpu.vector_load %arg4[%get3A_123, %get3A_124, %get3A_125] {strides = array<i32>} : memref<4x16x128xf32, #tpu.memory_space<vmem>>, vector<16xf32>,
        %get3A_127 = arith.constant 1 : i32
        %get3A_128 = arith.index_cast %rem3A_94 : i32 to index
        %get3A_129 = arith.index_cast %get3A_127 : i32 to index
        %get3A_130 = arith.constant 0 : index
        %get3A_131 = tpu.vector_load %arg4[%get3A_128, %get3A_129, %get3A_130] {strides = array<i32>} : memref<4x16x128xf32, #tpu.memory_space<vmem>>, vector<16xf32>,
        %get3A_132 = arith.constant 2 : i32
        %get3A_133 = arith.index_cast %rem3A_94 : i32 to index
        %get3A_134 = arith.index_cast %get3A_132 : i32 to index
        %get3A_135 = arith.constant 0 : index
        %get3A_136 = tpu.vector_load %arg4[%get3A_133, %get3A_134, %get3A_135] {strides = array<i32>} : memref<4x16x128xf32, #tpu.memory_space<vmem>>, vector<16xf32>,
        %get3A_137 = arith.constant 3 : i32
        %get3A_138 = arith.index_cast %rem3A_94 : i32 to index
        %get3A_139 = arith.index_cast %get3A_137 : i32 to index
        %get3A_140 = arith.constant 0 : index
        %get3A_141 = tpu.vector_load %arg4[%get3A_138, %get3A_139, %get3A_140] {strides = array<i32>} : memref<4x16x128xf32, #tpu.memory_space<vmem>>, vector<16xf32>,
        %get3A_142 = arith.constant 4 : i32
        %get3A_143 = arith.index_cast %rem3A_94 : i32 to index
        %get3A_144 = arith.index_cast %get3A_142 : i32 to index
        %get3A_145 = arith.constant 0 : index
        %get3A_146 = tpu.vector_load %arg4[%get3A_143, %get3A_144, %get3A_145] {strides = array<i32>} : memref<4x16x128xf32, #tpu.memory_space<vmem>>, vector<16xf32>,
        %get3A_147 = arith.constant 5 : i32
        %get3A_148 = arith.index_cast %rem3A_94 : i32 to index
        %get3A_149 = arith.index_cast %get3A_147 : i32 to index
        %get3A_150 = arith.constant 0 : index
        %get3A_151 = tpu.vector_load %arg4[%get3A_148, %get3A_149, %get3A_150] {strides = array<i32>} : memref<4x16x128xf32, #tpu.memory_space<vmem>>, vector<16xf32>,
        %get3A_152 = arith.constant 6 : i32
        %get3A_153 = arith.index_cast %rem3A_94 : i32 to index
        %get3A_154 = arith.index_cast %get3A_152 : i32 to index
        %get3A_155 = arith.constant 0 : index
        %get3A_156 = tpu.vector_load %arg4[%get3A_153, %get3A_154, %get3A_155] {strides = array<i32>} : memref<4x16x128xf32, #tpu.memory_space<vmem>>, vector<16xf32>,
        %get3A_157 = arith.constant 7 : i32
        %get3A_158 = arith.index_cast %rem3A_94 : i32 to index
        %get3A_159 = arith.index_cast %get3A_157 : i32 to index
        %get3A_160 = arith.constant 0 : index
        %get3A_161 = tpu.vector_load %arg4[%get3A_158, %get3A_159, %get3A_160] {strides = array<i32>} : memref<4x16x128xf32, #tpu.memory_space<vmem>>, vector<16xf32>,
        %get3A_162 = arith.constant 8 : i32
        %get3A_163 = arith.index_cast %rem3A_94 : i32 to index
        %get3A_164 = arith.index_cast %get3A_162 : i32 to index
        %get3A_165 = arith.constant 0 : index
        %get3A_166 = tpu.vector_load %arg4[%get3A_163, %get3A_164, %get3A_165] {strides = array<i32>} : memref<4x16x128xf32, #tpu.memory_space<vmem>>, vector<16xf32>,
        %get3A_167 = arith.constant 9 : i32
        %get3A_168 = arith.index_cast %rem3A_94 : i32 to index
        %get3A_169 = arith.index_cast %get3A_167 : i32 to index
        %get3A_170 = arith.constant 0 : index
        %get3A_171 = tpu.vector_load %arg4[%get3A_168, %get3A_169, %get3A_170] {strides = array<i32>} : memref<4x16x128xf32, #tpu.memory_space<vmem>>, vector<16xf32>,
        %get3A_172 = arith.constant 10 : i32
        %get3A_173 = arith.index_cast %rem3A_94 : i32 to index
        %get3A_174 = arith.index_cast %get3A_172 : i32 to index
        %get3A_175 = arith.constant 0 : index
        %get3A_176 = tpu.vector_load %arg4[%get3A_173, %get3A_174, %get3A_175] {strides = array<i32>} : memref<4x16x128xf32, #tpu.memory_space<vmem>>, vector<16xf32>,
        %get3A_177 = arith.constant 11 : i32
        %get3A_178 = arith.index_cast %rem3A_94 : i32 to index
        %get3A_179 = arith.index_cast %get3A_177 : i32 to index
        %get3A_180 = arith.constant 0 : index
        %get3A_181 = tpu.vector_load %arg4[%get3A_178, %get3A_179, %get3A_180] {strides = array<i32>} : memref<4x16x128xf32, #tpu.memory_space<vmem>>, vector<16xf32>,
        %get3A_182 = arith.constant 12 : i32
        %get3A_183 = arith.index_cast %rem3A_94 : i32 to index
        %get3A_184 = arith.index_cast %get3A_182 : i32 to index
        %get3A_185 = arith.constant 0 : index
        %get3A_186 = tpu.vector_load %arg4[%get3A_183, %get3A_184, %get3A_185] {strides = array<i32>} : memref<4x16x128xf32, #tpu.memory_space<vmem>>, vector<16xf32>,
        %get3A_187 = arith.constant 13 : i32
        %get3A_188 = arith.index_cast %rem3A_94 : i32 to index
        %get3A_189 = arith.index_cast %get3A_187 : i32 to index
        %get3A_190 = arith.constant 0 : index
        %get3A_191 = tpu.vector_load %arg4[%get3A_188, %get3A_189, %get3A_190] {strides = array<i32>} : memref<4x16x128xf32, #tpu.memory_space<vmem>>, vector<16xf32>,
        %get3A_192 = arith.constant 14 : i32
        %get3A_193 = arith.index_cast %rem3A_94 : i32 to index
        %get3A_194 = arith.index_cast %get3A_192 : i32 to index
        %get3A_195 = arith.constant 0 : index
        %get3A_196 = tpu.vector_load %arg4[%get3A_193, %get3A_194, %get3A_195] {strides = array<i32>} : memref<4x16x128xf32, #tpu.memory_space<vmem>>, vector<16xf32>,
        %get3A_197 = arith.constant 15 : i32
        %get3A_198 = arith.index_cast %rem3A_94 : i32 to index
        %get3A_199 = arith.index_cast %get3A_197 : i32 to index
        %get3A_200 = arith.constant 0 : index
        %get3A_201 = tpu.vector_load %arg4[%get3A_198, %get3A_199, %get3A_200] {strides = array<i32>} : memref<4x16x128xf32, #tpu.memory_space<vmem>>, vector<16xf32>,
        %select_n3A = arith.select %eq3A_36, %get3A_166, %get3A_126 : vector<16xi1>, vector<16xf32>
        %gather3A = vector.shape_cast %broadcast_in_dim3A_14 : vector<16x1xi32> to vector<16xi32>
        %gather3A_202 = tpu.dynamic_gather %select_n3A[%gather3A] in [0] : vector<16xf32>, vector<16xi32> -> vector<16xf32>
        %select_n3A_203 = arith.select %eq3A_36, %get3A_126, %gather3A_202 : vector<16xi1>, vector<16xf32>
        %select_n3A_204 = arith.select %eq3A_36, %gather3A_202, %get3A_166 : vector<16xi1>, vector<16xf32>
        %select_n3A_205 = arith.select %eq3A_36, %get3A_171, %get3A_131 : vector<16xi1>, vector<16xf32>
        %gather3A_206 = vector.shape_cast %broadcast_in_dim3A_14 : vector<16x1xi32> to vector<16xi32>
        %gather3A_207 = tpu.dynamic_gather %select_n3A_205[%gather3A_206] in [0] : vector<16xf32>, vector<16xi32> -> vector<16xf32>
        %select_n3A_208 = arith.select %eq3A_36, %get3A_131, %gather3A_207 : vector<16xi1>, vector<16xf32>
        %select_n3A_209 = arith.select %eq3A_36, %gather3A_207, %get3A_171 : vector<16xi1>, vector<16xf32>
        %select_n3A_210 = arith.select %eq3A_36, %get3A_176, %get3A_136 : vector<16xi1>, vector<16xf32>
        %gather3A_211 = vector.shape_cast %broadcast_in_dim3A_14 : vector<16x1xi32> to vector<16xi32>
        %gather3A_212 = tpu.dynamic_gather %select_n3A_210[%gather3A_211] in [0] : vector<16xf32>, vector<16xi32> -> vector<16xf32>
        %select_n3A_213 = arith.select %eq3A_36, %get3A_136, %gather3A_212 : vector<16xi1>, vector<16xf32>
        %select_n3A_214 = arith.select %eq3A_36, %gather3A_212, %get3A_176 : vector<16xi1>, vector<16xf32>
        %select_n3A_215 = arith.select %eq3A_36, %get3A_181, %get3A_141 : vector<16xi1>, vector<16xf32>
        %gather3A_216 = vector.shape_cast %broadcast_in_dim3A_14 : vector<16x1xi32> to vector<16xi32>
        %gather3A_217 = tpu.dynamic_gather %select_n3A_215[%gather3A_216] in [0] : vector<16xf32>, vector<16xi32> -> vector<16xf32>
        %select_n3A_218 = arith.select %eq3A_36, %get3A_141, %gather3A_217 : vector<16xi1>, vector<16xf32>
        %select_n3A_219 = arith.select %eq3A_36, %gather3A_217, %get3A_181 : vector<16xi1>, vector<16xf32>
        %select_n3A_220 = arith.select %eq3A_36, %get3A_186, %get3A_146 : vector<16xi1>, vector<16xf32>
        %gather3A_221 = vector.shape_cast %broadcast_in_dim3A_14 : vector<16x1xi32> to vector<16xi32>
        %gather3A_222 = tpu.dynamic_gather %select_n3A_220[%gather3A_221] in [0] : vector<16xf32>, vector<16xi32> -> vector<16xf32>
        %select_n3A_223 = arith.select %eq3A_36, %get3A_146, %gather3A_222 : vector<16xi1>, vector<16xf32>
        %select_n3A_224 = arith.select %eq3A_36, %gather3A_222, %get3A_186 : vector<16xi1>, vector<16xf32>
        %select_n3A_225 = arith.select %eq3A_36, %get3A_191, %get3A_151 : vector<16xi1>, vector<16xf32>
        %gather3A_226 = vector.shape_cast %broadcast_in_dim3A_14 : vector<16x1xi32> to vector<16xi32>
        %gather3A_227 = tpu.dynamic_gather %select_n3A_225[%gather3A_226] in [0] : vector<16xf32>, vector<16xi32> -> vector<16xf32>
        %select_n3A_228 = arith.select %eq3A_36, %get3A_151, %gather3A_227 : vector<16xi1>, vector<16xf32>
        %select_n3A_229 = arith.select %eq3A_36, %gather3A_227, %get3A_191 : vector<16xi1>, vector<16xf32>
        %select_n3A_230 = arith.select %eq3A_36, %get3A_196, %get3A_156 : vector<16xi1>, vector<16xf32>
        %gather3A_231 = vector.shape_cast %broadcast_in_dim3A_14 : vector<16x1xi32> to vector<16xi32>
        %gather3A_232 = tpu.dynamic_gather %select_n3A_230[%gather3A_231] in [0] : vector<16xf32>, vector<16xi32> -> vector<16xf32>
        %select_n3A_233 = arith.select %eq3A_36, %get3A_156, %gather3A_232 : vector<16xi1>, vector<16xf32>
        %select_n3A_234 = arith.select %eq3A_36, %gather3A_232, %get3A_196 : vector<16xi1>, vector<16xf32>
        %select_n3A_235 = arith.select %eq3A_36, %get3A_201, %get3A_161 : vector<16xi1>, vector<16xf32>
        %gather3A_236 = vector.shape_cast %broadcast_in_dim3A_14 : vector<16x1xi32> to vector<16xi32>
        %gather3A_237 = tpu.dynamic_gather %select_n3A_235[%gather3A_236] in [0] : vector<16xf32>, vector<16xi32> -> vector<16xf32>
        %select_n3A_238 = arith.select %eq3A_36, %get3A_161, %gather3A_237 : vector<16xi1>, vector<16xf32>
        %select_n3A_239 = arith.select %eq3A_36, %gather3A_237, %get3A_201 : vector<16xi1>, vector<16xf32>
        %select_n3A_240 = arith.select %eq3A_30, %select_n3A_223, %select_n3A_203 : vector<16xi1>, vector<16xf32>
        %gather3A_241 = vector.shape_cast %broadcast_in_dim3A_10 : vector<16x1xi32> to vector<16xi32>
        %gather3A_242 = tpu.dynamic_gather %select_n3A_240[%gather3A_241] in [0] : vector<16xf32>, vector<16xi32> -> vector<16xf32>
        %select_n3A_243 = arith.select %eq3A_30, %select_n3A_203, %gather3A_242 : vector<16xi1>, vector<16xf32>
        %select_n3A_244 = arith.select %eq3A_30, %gather3A_242, %select_n3A_223 : vector<16xi1>, vector<16xf32>
        %select_n3A_245 = arith.select %eq3A_30, %select_n3A_228, %select_n3A_208 : vector<16xi1>, vector<16xf32>
        %gather3A_246 = vector.shape_cast %broadcast_in_dim3A_10 : vector<16x1xi32> to vector<16xi32>
        %gather3A_247 = tpu.dynamic_gather %select_n3A_245[%gather3A_246] in [0] : vector<16xf32>, vector<16xi32> -> vector<16xf32>
        %select_n3A_248 = arith.select %eq3A_30, %select_n3A_208, %gather3A_247 : vector<16xi1>, vector<16xf32>
        %select_n3A_249 = arith.select %eq3A_30, %gather3A_247, %select_n3A_228 : vector<16xi1>, vector<16xf32>
        %select_n3A_250 = arith.select %eq3A_30, %select_n3A_233, %select_n3A_213 : vector<16xi1>, vector<16xf32>
        %gather3A_251 = vector.shape_cast %broadcast_in_dim3A_10 : vector<16x1xi32> to vector<16xi32>
        %gather3A_252 = tpu.dynamic_gather %select_n3A_250[%gather3A_251] in [0] : vector<16xf32>, vector<16xi32> -> vector<16xf32>
        %select_n3A_253 = arith.select %eq3A_30, %select_n3A_213, %gather3A_252 : vector<16xi1>, vector<16xf32>
        %select_n3A_254 = arith.select %eq3A_30, %gather3A_252, %select_n3A_233 : vector<16xi1>, vector<16xf32>
        %select_n3A_255 = arith.select %eq3A_30, %select_n3A_238, %select_n3A_218 : vector<16xi1>, vector<16xf32>
        %gather3A_256 = vector.shape_cast %broadcast_in_dim3A_10 : vector<16x1xi32> to vector<16xi32>
        %gather3A_257 = tpu.dynamic_gather %select_n3A_255[%gather3A_256] in [0] : vector<16xf32>, vector<16xi32> -> vector<16xf32>
        %select_n3A_258 = arith.select %eq3A_30, %select_n3A_218, %gather3A_257 : vector<16xi1>, vector<16xf32>
        %select_n3A_259 = arith.select %eq3A_30, %gather3A_257, %select_n3A_238 : vector<16xi1>, vector<16xf32>
        %select_n3A_260 = arith.select %eq3A_30, %select_n3A_224, %select_n3A_204 : vector<16xi1>, vector<16xf32>
        %gather3A_261 = vector.shape_cast %broadcast_in_dim3A_10 : vector<16x1xi32> to vector<16xi32>
        %gather3A_262 = tpu.dynamic_gather %select_n3A_260[%gather3A_261] in [0] : vector<16xf32>, vector<16xi32> -> vector<16xf32>
        %select_n3A_263 = arith.select %eq3A_30, %select_n3A_204, %gather3A_262 : vector<16xi1>, vector<16xf32>
        %select_n3A_264 = arith.select %eq3A_30, %gather3A_262, %select_n3A_224 : vector<16xi1>, vector<16xf32>
        %select_n3A_265 = arith.select %eq3A_30, %select_n3A_229, %select_n3A_209 : vector<16xi1>, vector<16xf32>
        %gather3A_266 = vector.shape_cast %broadcast_in_dim3A_10 : vector<16x1xi32> to vector<16xi32>
        %gather3A_267 = tpu.dynamic_gather %select_n3A_265[%gather3A_266] in [0] : vector<16xf32>, vector<16xi32> -> vector<16xf32>
        %select_n3A_268 = arith.select %eq3A_30, %select_n3A_209, %gather3A_267 : vector<16xi1>, vector<16xf32>
        %select_n3A_269 = arith.select %eq3A_30, %gather3A_267, %select_n3A_229 : vector<16xi1>, vector<16xf32>
        %select_n3A_270 = arith.select %eq3A_30, %select_n3A_234, %select_n3A_214 : vector<16xi1>, vector<16xf32>
        %gather3A_271 = vector.shape_cast %broadcast_in_dim3A_10 : vector<16x1xi32> to vector<16xi32>
        %gather3A_272 = tpu.dynamic_gather %select_n3A_270[%gather3A_271] in [0] : vector<16xf32>, vector<16xi32> -> vector<16xf32>
        %select_n3A_273 = arith.select %eq3A_30, %select_n3A_214, %gather3A_272 : vector<16xi1>, vector<16xf32>
        %select_n3A_274 = arith.select %eq3A_30, %gather3A_272, %select_n3A_234 : vector<16xi1>, vector<16xf32>
        %select_n3A_275 = arith.select %eq3A_30, %select_n3A_239, %select_n3A_219 : vector<16xi1>, vector<16xf32>
        %gather3A_276 = vector.shape_cast %broadcast_in_dim3A_10 : vector<16x1xi32> to vector<16xi32>
        %gather3A_277 = tpu.dynamic_gather %select_n3A_275[%gather3A_276] in [0] : vector<16xf32>, vector<16xi32> -> vector<16xf32>
        %select_n3A_278 = arith.select %eq3A_30, %select_n3A_219, %gather3A_277 : vector<16xi1>, vector<16xf32>
        %select_n3A_279 = arith.select %eq3A_30, %gather3A_277, %select_n3A_239 : vector<16xi1>, vector<16xf32>
        %select_n3A_280 = arith.select %eq3A_24, %select_n3A_253, %select_n3A_243 : vector<16xi1>, vector<16xf32>
        %gather3A_281 = vector.shape_cast %broadcast_in_dim3A_6 : vector<16x1xi32> to vector<16xi32>
        %gather3A_282 = tpu.dynamic_gather %select_n3A_280[%gather3A_281] in [0] : vector<16xf32>, vector<16xi32> -> vector<16xf32>
        %select_n3A_283 = arith.select %eq3A_24, %select_n3A_243, %gather3A_282 : vector<16xi1>, vector<16xf32>
        %select_n3A_284 = arith.select %eq3A_24, %gather3A_282, %select_n3A_253 : vector<16xi1>, vector<16xf32>
        %select_n3A_285 = arith.select %eq3A_24, %select_n3A_258, %select_n3A_248 : vector<16xi1>, vector<16xf32>
        %gather3A_286 = vector.shape_cast %broadcast_in_dim3A_6 : vector<16x1xi32> to vector<16xi32>
        %gather3A_287 = tpu.dynamic_gather %select_n3A_285[%gather3A_286] in [0] : vector<16xf32>, vector<16xi32> -> vector<16xf32>
        %select_n3A_288 = arith.select %eq3A_24, %select_n3A_248, %gather3A_287 : vector<16xi1>, vector<16xf32>
        %select_n3A_289 = arith.select %eq3A_24, %gather3A_287, %select_n3A_258 : vector<16xi1>, vector<16xf32>
        %select_n3A_290 = arith.select %eq3A_24, %select_n3A_254, %select_n3A_244 : vector<16xi1>, vector<16xf32>
        %gather3A_291 = vector.shape_cast %broadcast_in_dim3A_6 : vector<16x1xi32> to vector<16xi32>
        %gather3A_292 = tpu.dynamic_gather %select_n3A_290[%gather3A_291] in [0] : vector<16xf32>, vector<16xi32> -> vector<16xf32>
        %select_n3A_293 = arith.select %eq3A_24, %select_n3A_244, %gather3A_292 : vector<16xi1>, vector<16xf32>
        %select_n3A_294 = arith.select %eq3A_24, %gather3A_292, %select_n3A_254 : vector<16xi1>, vector<16xf32>
        %select_n3A_295 = arith.select %eq3A_24, %select_n3A_259, %select_n3A_249 : vector<16xi1>, vector<16xf32>
        %gather3A_296 = vector.shape_cast %broadcast_in_dim3A_6 : vector<16x1xi32> to vector<16xi32>
        %gather3A_297 = tpu.dynamic_gather %select_n3A_295[%gather3A_296] in [0] : vector<16xf32>, vector<16xi32> -> vector<16xf32>
        %select_n3A_298 = arith.select %eq3A_24, %select_n3A_249, %gather3A_297 : vector<16xi1>, vector<16xf32>
        %select_n3A_299 = arith.select %eq3A_24, %gather3A_297, %select_n3A_259 : vector<16xi1>, vector<16xf32>
        %select_n3A_300 = arith.select %eq3A_24, %select_n3A_273, %select_n3A_263 : vector<16xi1>, vector<16xf32>
        %gather3A_301 = vector.shape_cast %broadcast_in_dim3A_6 : vector<16x1xi32> to vector<16xi32>
        %gather3A_302 = tpu.dynamic_gather %select_n3A_300[%gather3A_301] in [0] : vector<16xf32>, vector<16xi32> -> vector<16xf32>
        %select_n3A_303 = arith.select %eq3A_24, %select_n3A_263, %gather3A_302 : vector<16xi1>, vector<16xf32>
        %select_n3A_304 = arith.select %eq3A_24, %gather3A_302, %select_n3A_273 : vector<16xi1>, vector<16xf32>
        %select_n3A_305 = arith.select %eq3A_24, %select_n3A_278, %select_n3A_268 : vector<16xi1>, vector<16xf32>
        %gather3A_306 = vector.shape_cast %broadcast_in_dim3A_6 : vector<16x1xi32> to vector<16xi32>
        %gather3A_307 = tpu.dynamic_gather %select_n3A_305[%gather3A_306] in [0] : vector<16xf32>, vector<16xi32> -> vector<16xf32>
        %select_n3A_308 = arith.select %eq3A_24, %select_n3A_268, %gather3A_307 : vector<16xi1>, vector<16xf32>
        %select_n3A_309 = arith.select %eq3A_24, %gather3A_307, %select_n3A_278 : vector<16xi1>, vector<16xf32>
        %select_n3A_310 = arith.select %eq3A_24, %select_n3A_274, %select_n3A_264 : vector<16xi1>, vector<16xf32>
        %gather3A_311 = vector.shape_cast %broadcast_in_dim3A_6 : vector<16x1xi32> to vector<16xi32>
        %gather3A_312 = tpu.dynamic_gather %select_n3A_310[%gather3A_311] in [0] : vector<16xf32>, vector<16xi32> -> vector<16xf32>
        %select_n3A_313 = arith.select %eq3A_24, %select_n3A_264, %gather3A_312 : vector<16xi1>, vector<16xf32>
        %select_n3A_314 = arith.select %eq3A_24, %gather3A_312, %select_n3A_274 : vector<16xi1>, vector<16xf32>
        %select_n3A_315 = arith.select %eq3A_24, %select_n3A_279, %select_n3A_269 : vector<16xi1>, vector<16xf32>
        %gather3A_316 = vector.shape_cast %broadcast_in_dim3A_6 : vector<16x1xi32> to vector<16xi32>
        %gather3A_317 = tpu.dynamic_gather %select_n3A_315[%gather3A_316] in [0] : vector<16xf32>, vector<16xi32> -> vector<16xf32>
        %select_n3A_318 = arith.select %eq3A_24, %select_n3A_269, %gather3A_317 : vector<16xi1>, vector<16xf32>
        %select_n3A_319 = arith.select %eq3A_24, %gather3A_317, %select_n3A_279 : vector<16xi1>, vector<16xf32>
        %select_n3A_320 = arith.select %eq3A_18, %select_n3A_288, %select_n3A_283 : vector<16xi1>, vector<16xf32>
        %gather3A_321 = vector.shape_cast %broadcast_in_dim3A : vector<16x1xi32> to vector<16xi32>
        %gather3A_322 = tpu.dynamic_gather %select_n3A_320[%gather3A_321] in [0] : vector<16xf32>, vector<16xi32> -> vector<16xf32>
        %select_n3A_323 = arith.select %eq3A_18, %select_n3A_283, %gather3A_322 : vector<16xi1>, vector<16xf32>
        %select_n3A_324 = arith.select %eq3A_18, %gather3A_322, %select_n3A_288 : vector<16xi1>, vector<16xf32>
        %select_n3A_325 = arith.select %eq3A_18, %select_n3A_289, %select_n3A_284 : vector<16xi1>, vector<16xf32>
        %gather3A_326 = vector.shape_cast %broadcast_in_dim3A : vector<16x1xi32> to vector<16xi32>
        %gather3A_327 = tpu.dynamic_gather %select_n3A_325[%gather3A_326] in [0] : vector<16xf32>, vector<16xi32> -> vector<16xf32>
        %select_n3A_328 = arith.select %eq3A_18, %select_n3A_284, %gather3A_327 : vector<16xi1>, vector<16xf32>
        %select_n3A_329 = arith.select %eq3A_18, %gather3A_327, %select_n3A_289 : vector<16xi1>, vector<16xf32>
        %select_n3A_330 = arith.select %eq3A_18, %select_n3A_298, %select_n3A_293 : vector<16xi1>, vector<16xf32>
        %gather3A_331 = vector.shape_cast %broadcast_in_dim3A : vector<16x1xi32> to vector<16xi32>
        %gather3A_332 = tpu.dynamic_gather %select_n3A_330[%gather3A_331] in [0] : vector<16xf32>, vector<16xi32> -> vector<16xf32>
        %select_n3A_333 = arith.select %eq3A_18, %select_n3A_293, %gather3A_332 : vector<16xi1>, vector<16xf32>
        %select_n3A_334 = arith.select %eq3A_18, %gather3A_332, %select_n3A_298 : vector<16xi1>, vector<16xf32>
        %select_n3A_335 = arith.select %eq3A_18, %select_n3A_299, %select_n3A_294 : vector<16xi1>, vector<16xf32>
        %gather3A_336 = vector.shape_cast %broadcast_in_dim3A : vector<16x1xi32> to vector<16xi32>
        %gather3A_337 = tpu.dynamic_gather %select_n3A_335[%gather3A_336] in [0] : vector<16xf32>, vector<16xi32> -> vector<16xf32>
        %select_n3A_338 = arith.select %eq3A_18, %select_n3A_294, %gather3A_337 : vector<16xi1>, vector<16xf32>
        %select_n3A_339 = arith.select %eq3A_18, %gather3A_337, %select_n3A_299 : vector<16xi1>, vector<16xf32>
        %select_n3A_340 = arith.select %eq3A_18, %select_n3A_308, %select_n3A_303 : vector<16xi1>, vector<16xf32>
        %gather3A_341 = vector.shape_cast %broadcast_in_dim3A : vector<16x1xi32> to vector<16xi32>
        %gather3A_342 = tpu.dynamic_gather %select_n3A_340[%gather3A_341] in [0] : vector<16xf32>, vector<16xi32> -> vector<16xf32>
        %select_n3A_343 = arith.select %eq3A_18, %select_n3A_303, %gather3A_342 : vector<16xi1>, vector<16xf32>
        %select_n3A_344 = arith.select %eq3A_18, %gather3A_342, %select_n3A_308 : vector<16xi1>, vector<16xf32>
        %select_n3A_345 = arith.select %eq3A_18, %select_n3A_309, %select_n3A_304 : vector<16xi1>, vector<16xf32>
        %gather3A_346 = vector.shape_cast %broadcast_in_dim3A : vector<16x1xi32> to vector<16xi32>
        %gather3A_347 = tpu.dynamic_gather %select_n3A_345[%gather3A_346] in [0] : vector<16xf32>, vector<16xi32> -> vector<16xf32>
        %select_n3A_348 = arith.select %eq3A_18, %select_n3A_304, %gather3A_347 : vector<16xi1>, vector<16xf32>
        %select_n3A_349 = arith.select %eq3A_18, %gather3A_347, %select_n3A_309 : vector<16xi1>, vector<16xf32>
        %select_n3A_350 = arith.select %eq3A_18, %select_n3A_318, %select_n3A_313 : vector<16xi1>, vector<16xf32>
        %gather3A_351 = vector.shape_cast %broadcast_in_dim3A : vector<16x1xi32> to vector<16xi32>
        %gather3A_352 = tpu.dynamic_gather %select_n3A_350[%gather3A_351] in [0] : vector<16xf32>, vector<16xi32> -> vector<16xf32>
        %select_n3A_353 = arith.select %eq3A_18, %select_n3A_313, %gather3A_352 : vector<16xi1>, vector<16xf32>
        %select_n3A_354 = arith.select %eq3A_18, %gather3A_352, %select_n3A_318 : vector<16xi1>, vector<16xf32>
        %select_n3A_355 = arith.select %eq3A_18, %select_n3A_319, %select_n3A_314 : vector<16xi1>, vector<16xf32>
        %gather3A_356 = vector.shape_cast %broadcast_in_dim3A : vector<16x1xi32> to vector<16xi32>
        %gather3A_357 = tpu.dynamic_gather %select_n3A_355[%gather3A_356] in [0] : vector<16xf32>, vector<16xi32> -> vector<16xf32>
        %select_n3A_358 = arith.select %eq3A_18, %select_n3A_314, %gather3A_357 : vector<16xi1>, vector<16xf32>
        %select_n3A_359 = arith.select %eq3A_18, %gather3A_357, %select_n3A_319 : vector<16xi1>, vector<16xf32>
        %swap3A = arith.index_cast %rem3A_96 : i32 to index
        %swap3A_360 = arith.constant 0 : index
        %swap3A_361 = tpu.vector_load %arg5[%swap3A, %swap3A_360] {strides = array<i32>} : memref<2x2048xf32, #tpu.memory_space<vmem>>, vector<16xf32>,
        tpu.vector_store %arg5[%swap3A, %swap3A_360], %select_n3A_323 {strides = array<i32>} : memref<2x2048xf32, #tpu.memory_space<vmem>>, vector<16xf32>,
        %swap3A_362 = arith.index_cast %rem3A_96 : i32 to index
        %swap3A_363 = arith.constant 16 : index
        %swap3A_364 = tpu.vector_load %arg5[%swap3A_362, %swap3A_363] {strides = array<i32>} : memref<2x2048xf32, #tpu.memory_space<vmem>>, vector<16xf32>,
        tpu.vector_store %arg5[%swap3A_362, %swap3A_363], %select_n3A_324 {strides = array<i32>} : memref<2x2048xf32, #tpu.memory_space<vmem>>, vector<16xf32>,
        %swap3A_365 = arith.index_cast %rem3A_96 : i32 to index
        %swap3A_366 = arith.constant 32 : index
        %swap3A_367 = tpu.vector_load %arg5[%swap3A_365, %swap3A_366] {strides = array<i32>} : memref<2x2048xf32, #tpu.memory_space<vmem>>, vector<16xf32>,
        tpu.vector_store %arg5[%swap3A_365, %swap3A_366], %select_n3A_328 {strides = array<i32>} : memref<2x2048xf32, #tpu.memory_space<vmem>>, vector<16xf32>,
        %swap3A_368 = arith.index_cast %rem3A_96 : i32 to index
        %swap3A_369 = arith.constant 48 : index
        %swap3A_370 = tpu.vector_load %arg5[%swap3A_368, %swap3A_369] {strides = array<i32>} : memref<2x2048xf32, #tpu.memory_space<vmem>>, vector<16xf32>,
        tpu.vector_store %arg5[%swap3A_368, %swap3A_369], %select_n3A_329 {strides = array<i32>} : memref<2x2048xf32, #tpu.memory_space<vmem>>, vector<16xf32>,
        %swap3A_371 = arith.index_cast %rem3A_96 : i32 to index
        %swap3A_372 = arith.constant 64 : index
        %swap3A_373 = tpu.vector_load %arg5[%swap3A_371, %swap3A_372] {strides = array<i32>} : memref<2x2048xf32, #tpu.memory_space<vmem>>, vector<16xf32>,
        tpu.vector_store %arg5[%swap3A_371, %swap3A_372], %select_n3A_333 {strides = array<i32>} : memref<2x2048xf32, #tpu.memory_space<vmem>>, vector<16xf32>,
        %swap3A_374 = arith.index_cast %rem3A_96 : i32 to index
        %swap3A_375 = arith.constant 80 : index
        %swap3A_376 = tpu.vector_load %arg5[%swap3A_374, %swap3A_375] {strides = array<i32>} : memref<2x2048xf32, #tpu.memory_space<vmem>>, vector<16xf32>,
        tpu.vector_store %arg5[%swap3A_374, %swap3A_375], %select_n3A_334 {strides = array<i32>} : memref<2x2048xf32, #tpu.memory_space<vmem>>, vector<16xf32>,
        %swap3A_377 = arith.index_cast %rem3A_96 : i32 to index
        %swap3A_378 = arith.constant 96 : index
        %swap3A_379 = tpu.vector_load %arg5[%swap3A_377, %swap3A_378] {strides = array<i32>} : memref<2x2048xf32, #tpu.memory_space<vmem>>, vector<16xf32>,
        tpu.vector_store %arg5[%swap3A_377, %swap3A_378], %select_n3A_338 {strides = array<i32>} : memref<2x2048xf32, #tpu.memory_space<vmem>>, vector<16xf32>,
        %swap3A_380 = arith.index_cast %rem3A_96 : i32 to index
        %swap3A_381 = arith.constant 112 : index
        %swap3A_382 = tpu.vector_load %arg5[%swap3A_380, %swap3A_381] {strides = array<i32>} : memref<2x2048xf32, #tpu.memory_space<vmem>>, vector<16xf32>,
        tpu.vector_store %arg5[%swap3A_380, %swap3A_381], %select_n3A_339 {strides = array<i32>} : memref<2x2048xf32, #tpu.memory_space<vmem>>, vector<16xf32>,
        %swap3A_383 = arith.index_cast %rem3A_96 : i32 to index
        %swap3A_384 = arith.constant 128 : index
        %swap3A_385 = tpu.vector_load %arg5[%swap3A_383, %swap3A_384] {strides = array<i32>} : memref<2x2048xf32, #tpu.memory_space<vmem>>, vector<16xf32>,
        tpu.vector_store %arg5[%swap3A_383, %swap3A_384], %select_n3A_343 {strides = array<i32>} : memref<2x2048xf32, #tpu.memory_space<vmem>>, vector<16xf32>,
        %swap3A_386 = arith.index_cast %rem3A_96 : i32 to index
        %swap3A_387 = arith.constant 144 : index
        %swap3A_388 = tpu.vector_load %arg5[%swap3A_386, %swap3A_387] {strides = array<i32>} : memref<2x2048xf32, #tpu.memory_space<vmem>>, vector<16xf32>,
        tpu.vector_store %arg5[%swap3A_386, %swap3A_387], %select_n3A_344 {strides = array<i32>} : memref<2x2048xf32, #tpu.memory_space<vmem>>, vector<16xf32>,
        %swap3A_389 = arith.index_cast %rem3A_96 : i32 to index
        %swap3A_390 = arith.constant 160 : index
        %swap3A_391 = tpu.vector_load %arg5[%swap3A_389, %swap3A_390] {strides = array<i32>} : memref<2x2048xf32, #tpu.memory_space<vmem>>, vector<16xf32>,
        tpu.vector_store %arg5[%swap3A_389, %swap3A_390], %select_n3A_348 {strides = array<i32>} : memref<2x2048xf32, #tpu.memory_space<vmem>>, vector<16xf32>,
        %swap3A_392 = arith.index_cast %rem3A_96 : i32 to index
        %swap3A_393 = arith.constant 176 : index
        %swap3A_394 = tpu.vector_load %arg5[%swap3A_392, %swap3A_393] {strides = array<i32>} : memref<2x2048xf32, #tpu.memory_space<vmem>>, vector<16xf32>,
        tpu.vector_store %arg5[%swap3A_392, %swap3A_393], %select_n3A_349 {strides = array<i32>} : memref<2x2048xf32, #tpu.memory_space<vmem>>, vector<16xf32>,
        %swap3A_395 = arith.index_cast %rem3A_96 : i32 to index
        %swap3A_396 = arith.constant 192 : index
        %swap3A_397 = tpu.vector_load %arg5[%swap3A_395, %swap3A_396] {strides = array<i32>} : memref<2x2048xf32, #tpu.memory_space<vmem>>, vector<16xf32>,
        tpu.vector_store %arg5[%swap3A_395, %swap3A_396], %select_n3A_353 {strides = array<i32>} : memref<2x2048xf32, #tpu.memory_space<vmem>>, vector<16xf32>,
        %swap3A_398 = arith.index_cast %rem3A_96 : i32 to index
        %swap3A_399 = arith.constant 208 : index
        %swap3A_400 = tpu.vector_load %arg5[%swap3A_398, %swap3A_399] {strides = array<i32>} : memref<2x2048xf32, #tpu.memory_space<vmem>>, vector<16xf32>,
        tpu.vector_store %arg5[%swap3A_398, %swap3A_399], %select_n3A_354 {strides = array<i32>} : memref<2x2048xf32, #tpu.memory_space<vmem>>, vector<16xf32>,
        %swap3A_401 = arith.index_cast %rem3A_96 : i32 to index
        %swap3A_402 = arith.constant 224 : index
        %swap3A_403 = tpu.vector_load %arg5[%swap3A_401, %swap3A_402] {strides = array<i32>} : memref<2x2048xf32, #tpu.memory_space<vmem>>, vector<16xf32>,
        tpu.vector_store %arg5[%swap3A_401, %swap3A_402], %select_n3A_358 {strides = array<i32>} : memref<2x2048xf32, #tpu.memory_space<vmem>>, vector<16xf32>,
        %swap3A_404 = arith.index_cast %rem3A_96 : i32 to index
        %swap3A_405 = arith.constant 240 : index
        %swap3A_406 = tpu.vector_load %arg5[%swap3A_404, %swap3A_405] {strides = array<i32>} : memref<2x2048xf32, #tpu.memory_space<vmem>>, vector<16xf32>,
        tpu.vector_store %arg5[%swap3A_404, %swap3A_405], %select_n3A_359 {strides = array<i32>} : memref<2x2048xf32, #tpu.memory_space<vmem>>, vector<16xf32>,
        %get3A_407 = arith.constant 0 : i32
        %get3A_408 = arith.index_cast %rem3A_94 : i32 to index
        %get3A_409 = arith.index_cast %get3A_407 : i32 to index
        %get3A_410 = arith.constant 16 : index
        %get3A_411 = tpu.vector_load %arg4[%get3A_408, %get3A_409, %get3A_410] {strides = array<i32>} : memref<4x16x128xf32, #tpu.memory_space<vmem>>, vector<16xf32>,
        %get3A_412 = arith.constant 1 : i32
        %get3A_413 = arith.index_cast %rem3A_94 : i32 to index
        %get3A_414 = arith.index_cast %get3A_412 : i32 to index
        %get3A_415 = arith.constant 16 : index
        %get3A_416 = tpu.vector_load %arg4[%get3A_413, %get3A_414, %get3A_415] {strides = array<i32>} : memref<4x16x128xf32, #tpu.memory_space<vmem>>, vector<16xf32>,
        %get3A_417 = arith.constant 2 : i32
        %get3A_418 = arith.index_cast %rem3A_94 : i32 to index
        %get3A_419 = arith.index_cast %get3A_417 : i32 to index
        %get3A_420 = arith.constant 16 : index
        %get3A_421 = tpu.vector_load %arg4[%get3A_418, %get3A_419, %get3A_420] {strides = array<i32>} : memref<4x16x128xf32, #tpu.memory_space<vmem>>, vector<16xf32>,
        %get3A_422 = arith.constant 3 : i32
        %get3A_423 = arith.index_cast %rem3A_94 : i32 to index
        %get3A_424 = arith.index_cast %get3A_422 : i32 to index
        %get3A_425 = arith.constant 16 : index
        %get3A_426 = tpu.vector_load %arg4[%get3A_423, %get3A_424, %get3A_425] {strides = array<i32>} : memref<4x16x128xf32, #tpu.memory_space<vmem>>, vector<16xf32>,
        %get3A_427 = arith.constant 4 : i32
        %get3A_428 = arith.index_cast %rem3A_94 : i32 to index
        %get3A_429 = arith.index_cast %get3A_427 : i32 to index
        %get3A_430 = arith.constant 16 : index
        %get3A_431 = tpu.vector_load %arg4[%get3A_428, %get3A_429, %get3A_430] {strides = array<i32>} : memref<4x16x128xf32, #tpu.memory_space<vmem>>, vector<16xf32>,
        %get3A_432 = arith.constant 5 : i32
        %get3A_433 = arith.index_cast %rem3A_94 : i32 to index
        %get3A_434 = arith.index_cast %get3A_432 : i32 to index
        %get3A_435 = arith.constant 16 : index
        %get3A_436 = tpu.vector_load %arg4[%get3A_433, %get3A_434, %get3A_435] {strides = array<i32>} : memref<4x16x128xf32, #tpu.memory_space<vmem>>, vector<16xf32>,
        %get3A_437 = arith.constant 6 : i32
        %get3A_438 = arith.index_cast %rem3A_94 : i32 to index
        %get3A_439 = arith.index_cast %get3A_437 : i32 to index
        %get3A_440 = arith.constant 16 : index
        %get3A_441 = tpu.vector_load %arg4[%get3A_438, %get3A_439, %get3A_440] {strides = array<i32>} : memref<4x16x128xf32, #tpu.memory_space<vmem>>, vector<16xf32>,
        %get3A_442 = arith.constant 7 : i32
        %get3A_443 = arith.index_cast %rem3A_94 : i32 to index
        %get3A_444 = arith.index_cast %get3A_442 : i32 to index
        %get3A_445 = arith.constant 16 : index
        %get3A_446 = tpu.vector_load %arg4[%get3A_443, %get3A_444, %get3A_445] {strides = array<i32>} : memref<4x16x128xf32, #tpu.memory_space<vmem>>, vector<16xf32>,
        %get3A_447 = arith.constant 8 : i32
        %get3A_448 = arith.index_cast %rem3A_94 : i32 to index
        %get3A_449 = arith.index_cast %get3A_447 : i32 to index
        %get3A_450 = arith.constant 16 : index
        %get3A_451 = tpu.vector_load %arg4[%get3A_448, %get3A_449, %get3A_450] {strides = array<i32>} : memref<4x16x128xf32, #tpu.memory_space<vmem>>, vector<16xf32>,
        %get3A_452 = arith.constant 9 : i32
        %get3A_453 = arith.index_cast %rem3A_94 : i32 to index
        %get3A_454 = arith.index_cast %get3A_452 : i32 to index
        %get3A_455 = arith.constant 16 : index
        %get3A_456 = tpu.vector_load %arg4[%get3A_453, %get3A_454, %get3A_455] {strides = array<i32>} : memref<4x16x128xf32, #tpu.memory_space<vmem>>, vector<16xf32>,
        %get3A_457 = arith.constant 10 : i32
        %get3A_458 = arith.index_cast %rem3A_94 : i32 to index
        %get3A_459 = arith.index_cast %get3A_457 : i32 to index
        %get3A_460 = arith.constant 16 : index
        %get3A_461 = tpu.vector_load %arg4[%get3A_458, %get3A_459, %get3A_460] {strides = array<i32>} : memref<4x16x128xf32, #tpu.memory_space<vmem>>, vector<16xf32>,
        %get3A_462 = arith.constant 11 : i32
        %get3A_463 = arith.index_cast %rem3A_94 : i32 to index
        %get3A_464 = arith.index_cast %get3A_462 : i32 to index
        %get3A_465 = arith.constant 16 : index
        %get3A_466 = tpu.vector_load %arg4[%get3A_463, %get3A_464, %get3A_465] {strides = array<i32>} : memref<4x16x128xf32, #tpu.memory_space<vmem>>, vector<16xf32>,
        %get3A_467 = arith.constant 12 : i32
        %get3A_468 = arith.index_cast %rem3A_94 : i32 to index
        %get3A_469 = arith.index_cast %get3A_467 : i32 to index
        %get3A_470 = arith.constant 16 : index
        %get3A_471 = tpu.vector_load %arg4[%get3A_468, %get3A_469, %get3A_470] {strides = array<i32>} : memref<4x16x128xf32, #tpu.memory_space<vmem>>, vector<16xf32>,
        %get3A_472 = arith.constant 13 : i32
        %get3A_473 = arith.index_cast %rem3A_94 : i32 to index
        %get3A_474 = arith.index_cast %get3A_472 : i32 to index
        %get3A_475 = arith.constant 16 : index
        %get3A_476 = tpu.vector_load %arg4[%get3A_473, %get3A_474, %get3A_475] {strides = array<i32>} : memref<4x16x128xf32, #tpu.memory_space<vmem>>, vector<16xf32>,
        %get3A_477 = arith.constant 14 : i32
        %get3A_478 = arith.index_cast %rem3A_94 : i32 to index
        %get3A_479 = arith.index_cast %get3A_477 : i32 to index
        %get3A_480 = arith.constant 16 : index
        %get3A_481 = tpu.vector_load %arg4[%get3A_478, %get3A_479, %get3A_480] {strides = array<i32>} : memref<4x16x128xf32, #tpu.memory_space<vmem>>, vector<16xf32>,
        %get3A_482 = arith.constant 15 : i32
        %get3A_483 = arith.index_cast %rem3A_94 : i32 to index
        %get3A_484 = arith.index_cast %get3A_482 : i32 to index
        %get3A_485 = arith.constant 16 : index
        %get3A_486 = tpu.vector_load %arg4[%get3A_483, %get3A_484, %get3A_485] {strides = array<i32>} : memref<4x16x128xf32, #tpu.memory_space<vmem>>, vector<16xf32>,
        %select_n3A_487 = arith.select %eq3A_36, %get3A_451, %get3A_411 : vector<16xi1>, vector<16xf32>
        %gather3A_488 = vector.shape_cast %broadcast_in_dim3A_14 : vector<16x1xi32> to vector<16xi32>
        %gather3A_489 = tpu.dynamic_gather %select_n3A_487[%gather3A_488] in [0] : vector<16xf32>, vector<16xi32> -> vector<16xf32>
        %select_n3A_490 = arith.select %eq3A_36, %get3A_411, %gather3A_489 : vector<16xi1>, vector<16xf32>
        %select_n3A_491 = arith.select %eq3A_36, %gather3A_489, %get3A_451 : vector<16xi1>, vector<16xf32>
        %select_n3A_492 = arith.select %eq3A_36, %get3A_456, %get3A_416 : vector<16xi1>, vector<16xf32>
        %gather3A_493 = vector.shape_cast %broadcast_in_dim3A_14 : vector<16x1xi32> to vector<16xi32>
        %gather3A_494 = tpu.dynamic_gather %select_n3A_492[%gather3A_493] in [0] : vector<16xf32>, vector<16xi32> -> vector<16xf32>
        %select_n3A_495 = arith.select %eq3A_36, %get3A_416, %gather3A_494 : vector<16xi1>, vector<16xf32>
        %select_n3A_496 = arith.select %eq3A_36, %gather3A_494, %get3A_456 : vector<16xi1>, vector<16xf32>
        %select_n3A_497 = arith.select %eq3A_36, %get3A_461, %get3A_421 : vector<16xi1>, vector<16xf32>
        %gather3A_498 = vector.shape_cast %broadcast_in_dim3A_14 : vector<16x1xi32> to vector<16xi32>
        %gather3A_499 = tpu.dynamic_gather %select_n3A_497[%gather3A_498] in [0] : vector<16xf32>, vector<16xi32> -> vector<16xf32>
        %select_n3A_500 = arith.select %eq3A_36, %get3A_421, %gather3A_499 : vector<16xi1>, vector<16xf32>
        %select_n3A_501 = arith.select %eq3A_36, %gather3A_499, %get3A_461 : vector<16xi1>, vector<16xf32>
        %select_n3A_502 = arith.select %eq3A_36, %get3A_466, %get3A_426 : vector<16xi1>, vector<16xf32>
        %gather3A_503 = vector.shape_cast %broadcast_in_dim3A_14 : vector<16x1xi32> to vector<16xi32>
        %gather3A_504 = tpu.dynamic_gather %select_n3A_502[%gather3A_503] in [0] : vector<16xf32>, vector<16xi32> -> vector<16xf32>
        %select_n3A_505 = arith.select %eq3A_36, %get3A_426, %gather3A_504 : vector<16xi1>, vector<16xf32>
        %select_n3A_506 = arith.select %eq3A_36, %gather3A_504, %get3A_466 : vector<16xi1>, vector<16xf32>
        %select_n3A_507 = arith.select %eq3A_36, %get3A_471, %get3A_431 : vector<16xi1>, vector<16xf32>
        %gather3A_508 = vector.shape_cast %broadcast_in_dim3A_14 : vector<16x1xi32> to vector<16xi32>
        %gather3A_509 = tpu.dynamic_gather %select_n3A_507[%gather3A_508] in [0] : vector<16xf32>, vector<16xi32> -> vector<16xf32>
        %select_n3A_510 = arith.select %eq3A_36, %get3A_431, %gather3A_509 : vector<16xi1>, vector<16xf32>
        %select_n3A_511 = arith.select %eq3A_36, %gather3A_509, %get3A_471 : vector<16xi1>, vector<16xf32>
        %select_n3A_512 = arith.select %eq3A_36, %get3A_476, %get3A_436 : vector<16xi1>, vector<16xf32>
        %gather3A_513 = vector.shape_cast %broadcast_in_dim3A_14 : vector<16x1xi32> to vector<16xi32>
        %gather3A_514 = tpu.dynamic_gather %select_n3A_512[%gather3A_513] in [0] : vector<16xf32>, vector<16xi32> -> vector<16xf32>
        %select_n3A_515 = arith.select %eq3A_36, %get3A_436, %gather3A_514 : vector<16xi1>, vector<16xf32>
        %select_n3A_516 = arith.select %eq3A_36, %gather3A_514, %get3A_476 : vector<16xi1>, vector<16xf32>
        %select_n3A_517 = arith.select %eq3A_36, %get3A_481, %get3A_441 : vector<16xi1>, vector<16xf32>
        %gather3A_518 = vector.shape_cast %broadcast_in_dim3A_14 : vector<16x1xi32> to vector<16xi32>
        %gather3A_519 = tpu.dynamic_gather %select_n3A_517[%gather3A_518] in [0] : vector<16xf32>, vector<16xi32> -> vector<16xf32>
        %select_n3A_520 = arith.select %eq3A_36, %get3A_441, %gather3A_519 : vector<16xi1>, vector<16xf32>
        %select_n3A_521 = arith.select %eq3A_36, %gather3A_519, %get3A_481 : vector<16xi1>, vector<16xf32>
        %select_n3A_522 = arith.select %eq3A_36, %get3A_486, %get3A_446 : vector<16xi1>, vector<16xf32>
        %gather3A_523 = vector.shape_cast %broadcast_in_dim3A_14 : vector<16x1xi32> to vector<16xi32>
        %gather3A_524 = tpu.dynamic_gather %select_n3A_522[%gather3A_523] in [0] : vector<16xf32>, vector<16xi32> -> vector<16xf32>
        %select_n3A_525 = arith.select %eq3A_36, %get3A_446, %gather3A_524 : vector<16xi1>, vector<16xf32>
        %select_n3A_526 = arith.select %eq3A_36, %gather3A_524, %get3A_486 : vector<16xi1>, vector<16xf32>
        %select_n3A_527 = arith.select %eq3A_30, %select_n3A_510, %select_n3A_490 : vector<16xi1>, vector<16xf32>
        %gather3A_528 = vector.shape_cast %broadcast_in_dim3A_10 : vector<16x1xi32> to vector<16xi32>
        %gather3A_529 = tpu.dynamic_gather %select_n3A_527[%gather3A_528] in [0] : vector<16xf32>, vector<16xi32> -> vector<16xf32>
        %select_n3A_530 = arith.select %eq3A_30, %select_n3A_490, %gather3A_529 : vector<16xi1>, vector<16xf32>
        %select_n3A_531 = arith.select %eq3A_30, %gather3A_529, %select_n3A_510 : vector<16xi1>, vector<16xf32>
        %select_n3A_532 = arith.select %eq3A_30, %select_n3A_515, %select_n3A_495 : vector<16xi1>, vector<16xf32>
        %gather3A_533 = vector.shape_cast %broadcast_in_dim3A_10 : vector<16x1xi32> to vector<16xi32>
        %gather3A_534 = tpu.dynamic_gather %select_n3A_532[%gather3A_533] in [0] : vector<16xf32>, vector<16xi32> -> vector<16xf32>
        %select_n3A_535 = arith.select %eq3A_30, %select_n3A_495, %gather3A_534 : vector<16xi1>, vector<16xf32>
        %select_n3A_536 = arith.select %eq3A_30, %gather3A_534, %select_n3A_515 : vector<16xi1>, vector<16xf32>
        %select_n3A_537 = arith.select %eq3A_30, %select_n3A_520, %select_n3A_500 : vector<16xi1>, vector<16xf32>
        %gather3A_538 = vector.shape_cast %broadcast_in_dim3A_10 : vector<16x1xi32> to vector<16xi32>
        %gather3A_539 = tpu.dynamic_gather %select_n3A_537[%gather3A_538] in [0] : vector<16xf32>, vector<16xi32> -> vector<16xf32>
        %select_n3A_540 = arith.select %eq3A_30, %select_n3A_500, %gather3A_539 : vector<16xi1>, vector<16xf32>
        %select_n3A_541 = arith.select %eq3A_30, %gather3A_539, %select_n3A_520 : vector<16xi1>, vector<16xf32>
        %select_n3A_542 = arith.select %eq3A_30, %select_n3A_525, %select_n3A_505 : vector<16xi1>, vector<16xf32>
        %gather3A_543 = vector.shape_cast %broadcast_in_dim3A_10 : vector<16x1xi32> to vector<16xi32>
        %gather3A_544 = tpu.dynamic_gather %select_n3A_542[%gather3A_543] in [0] : vector<16xf32>, vector<16xi32> -> vector<16xf32>
        %select_n3A_545 = arith.select %eq3A_30, %select_n3A_505, %gather3A_544 : vector<16xi1>, vector<16xf32>
        %select_n3A_546 = arith.select %eq3A_30, %gather3A_544, %select_n3A_525 : vector<16xi1>, vector<16xf32>
        %select_n3A_547 = arith.select %eq3A_30, %select_n3A_511, %select_n3A_491 : vector<16xi1>, vector<16xf32>
        %gather3A_548 = vector.shape_cast %broadcast_in_dim3A_10 : vector<16x1xi32> to vector<16xi32>
        %gather3A_549 = tpu.dynamic_gather %select_n3A_547[%gather3A_548] in [0] : vector<16xf32>, vector<16xi32> -> vector<16xf32>
        %select_n3A_550 = arith.select %eq3A_30, %select_n3A_491, %gather3A_549 : vector<16xi1>, vector<16xf32>
        %select_n3A_551 = arith.select %eq3A_30, %gather3A_549, %select_n3A_511 : vector<16xi1>, vector<16xf32>
        %select_n3A_552 = arith.select %eq3A_30, %select_n3A_516, %select_n3A_496 : vector<16xi1>, vector<16xf32>
        %gather3A_553 = vector.shape_cast %broadcast_in_dim3A_10 : vector<16x1xi32> to vector<16xi32>
        %gather3A_554 = tpu.dynamic_gather %select_n3A_552[%gather3A_553] in [0] : vector<16xf32>, vector<16xi32> -> vector<16xf32>
        %select_n3A_555 = arith.select %eq3A_30, %select_n3A_496, %gather3A_554 : vector<16xi1>, vector<16xf32>
        %select_n3A_556 = arith.select %eq3A_30, %gather3A_554, %select_n3A_516 : vector<16xi1>, vector<16xf32>
        %select_n3A_557 = arith.select %eq3A_30, %select_n3A_521, %select_n3A_501 : vector<16xi1>, vector<16xf32>
        %gather3A_558 = vector.shape_cast %broadcast_in_dim3A_10 : vector<16x1xi32> to vector<16xi32>
        %gather3A_559 = tpu.dynamic_gather %select_n3A_557[%gather3A_558] in [0] : vector<16xf32>, vector<16xi32> -> vector<16xf32>
        %select_n3A_560 = arith.select %eq3A_30, %select_n3A_501, %gather3A_559 : vector<16xi1>, vector<16xf32>
        %select_n3A_561 = arith.select %eq3A_30, %gather3A_559, %select_n3A_521 : vector<16xi1>, vector<16xf32>
        %select_n3A_562 = arith.select %eq3A_30, %select_n3A_526, %select_n3A_506 : vector<16xi1>, vector<16xf32>
        %gather3A_563 = vector.shape_cast %broadcast_in_dim3A_10 : vector<16x1xi32> to vector<16xi32>
        %gather3A_564 = tpu.dynamic_gather %select_n3A_562[%gather3A_563] in [0] : vector<16xf32>, vector<16xi32> -> vector<16xf32>
        %select_n3A_565 = arith.select %eq3A_30, %select_n3A_506, %gather3A_564 : vector<16xi1>, vector<16xf32>
        %select_n3A_566 = arith.select %eq3A_30, %gather3A_564, %select_n3A_526 : vector<16xi1>, vector<16xf32>
        %select_n3A_567 = arith.select %eq3A_24, %select_n3A_540, %select_n3A_530 : vector<16xi1>, vector<16xf32>
        %gather3A_568 = vector.shape_cast %broadcast_in_dim3A_6 : vector<16x1xi32> to vector<16xi32>
        %gather3A_569 = tpu.dynamic_gather %select_n3A_567[%gather3A_568] in [0] : vector<16xf32>, vector<16xi32> -> vector<16xf32>
        %select_n3A_570 = arith.select %eq3A_24, %select_n3A_530, %gather3A_569 : vector<16xi1>, vector<16xf32>
        %select_n3A_571 = arith.select %eq3A_24, %gather3A_569, %select_n3A_540 : vector<16xi1>, vector<16xf32>
        %select_n3A_572 = arith.select %eq3A_24, %select_n3A_545, %select_n3A_535 : vector<16xi1>, vector<16xf32>
        %gather3A_573 = vector.shape_cast %broadcast_in_dim3A_6 : vector<16x1xi32> to vector<16xi32>
        %gather3A_574 = tpu.dynamic_gather %select_n3A_572[%gather3A_573] in [0] : vector<16xf32>, vector<16xi32> -> vector<16xf32>
        %select_n3A_575 = arith.select %eq3A_24, %select_n3A_535, %gather3A_574 : vector<16xi1>, vector<16xf32>
        %select_n3A_576 = arith.select %eq3A_24, %gather3A_574, %select_n3A_545 : vector<16xi1>, vector<16xf32>
        %select_n3A_577 = arith.select %eq3A_24, %select_n3A_541, %select_n3A_531 : vector<16xi1>, vector<16xf32>
        %gather3A_578 = vector.shape_cast %broadcast_in_dim3A_6 : vector<16x1xi32> to vector<16xi32>
        %gather3A_579 = tpu.dynamic_gather %select_n3A_577[%gather3A_578] in [0] : vector<16xf32>, vector<16xi32> -> vector<16xf32>
        %select_n3A_580 = arith.select %eq3A_24, %select_n3A_531, %gather3A_579 : vector<16xi1>, vector<16xf32>
        %select_n3A_581 = arith.select %eq3A_24, %gather3A_579, %select_n3A_541 : vector<16xi1>, vector<16xf32>
        %select_n3A_582 = arith.select %eq3A_24, %select_n3A_546, %select_n3A_536 : vector<16xi1>, vector<16xf32>
        %gather3A_583 = vector.shape_cast %broadcast_in_dim3A_6 : vector<16x1xi32> to vector<16xi32>
        %gather3A_584 = tpu.dynamic_gather %select_n3A_582[%gather3A_583] in [0] : vector<16xf32>, vector<16xi32> -> vector<16xf32>
        %select_n3A_585 = arith.select %eq3A_24, %select_n3A_536, %gather3A_584 : vector<16xi1>, vector<16xf32>
        %select_n3A_586 = arith.select %eq3A_24, %gather3A_584, %select_n3A_546 : vector<16xi1>, vector<16xf32>
        %select_n3A_587 = arith.select %eq3A_24, %select_n3A_560, %select_n3A_550 : vector<16xi1>, vector<16xf32>
        %gather3A_588 = vector.shape_cast %broadcast_in_dim3A_6 : vector<16x1xi32> to vector<16xi32>
        %gather3A_589 = tpu.dynamic_gather %select_n3A_587[%gather3A_588] in [0] : vector<16xf32>, vector<16xi32> -> vector<16xf32>
        %select_n3A_590 = arith.select %eq3A_24, %select_n3A_550, %gather3A_589 : vector<16xi1>, vector<16xf32>
        %select_n3A_591 = arith.select %eq3A_24, %gather3A_589, %select_n3A_560 : vector<16xi1>, vector<16xf32>
        %select_n3A_592 = arith.select %eq3A_24, %select_n3A_565, %select_n3A_555 : vector<16xi1>, vector<16xf32>
        %gather3A_593 = vector.shape_cast %broadcast_in_dim3A_6 : vector<16x1xi32> to vector<16xi32>
        %gather3A_594 = tpu.dynamic_gather %select_n3A_592[%gather3A_593] in [0] : vector<16xf32>, vector<16xi32> -> vector<16xf32>
        %select_n3A_595 = arith.select %eq3A_24, %select_n3A_555, %gather3A_594 : vector<16xi1>, vector<16xf32>
        %select_n3A_596 = arith.select %eq3A_24, %gather3A_594, %select_n3A_565 : vector<16xi1>, vector<16xf32>
        %select_n3A_597 = arith.select %eq3A_24, %select_n3A_561, %select_n3A_551 : vector<16xi1>, vector<16xf32>
        %gather3A_598 = vector.shape_cast %broadcast_in_dim3A_6 : vector<16x1xi32> to vector<16xi32>
        %gather3A_599 = tpu.dynamic_gather %select_n3A_597[%gather3A_598] in [0] : vector<16xf32>, vector<16xi32> -> vector<16xf32>
        %select_n3A_600 = arith.select %eq3A_24, %select_n3A_551, %gather3A_599 : vector<16xi1>, vector<16xf32>
        %select_n3A_601 = arith.select %eq3A_24, %gather3A_599, %select_n3A_561 : vector<16xi1>, vector<16xf32>
        %select_n3A_602 = arith.select %eq3A_24, %select_n3A_566, %select_n3A_556 : vector<16xi1>, vector<16xf32>
        %gather3A_603 = vector.shape_cast %broadcast_in_dim3A_6 : vector<16x1xi32> to vector<16xi32>
        %gather3A_604 = tpu.dynamic_gather %select_n3A_602[%gather3A_603] in [0] : vector<16xf32>, vector<16xi32> -> vector<16xf32>
        %select_n3A_605 = arith.select %eq3A_24, %select_n3A_556, %gather3A_604 : vector<16xi1>, vector<16xf32>
        %select_n3A_606 = arith.select %eq3A_24, %gather3A_604, %select_n3A_566 : vector<16xi1>, vector<16xf32>
        %select_n3A_607 = arith.select %eq3A_18, %select_n3A_575, %select_n3A_570 : vector<16xi1>, vector<16xf32>
        %gather3A_608 = vector.shape_cast %broadcast_in_dim3A : vector<16x1xi32> to vector<16xi32>
        %gather3A_609 = tpu.dynamic_gather %select_n3A_607[%gather3A_608] in [0] : vector<16xf32>, vector<16xi32> -> vector<16xf32>
        %select_n3A_610 = arith.select %eq3A_18, %select_n3A_570, %gather3A_609 : vector<16xi1>, vector<16xf32>
        %select_n3A_611 = arith.select %eq3A_18, %gather3A_609, %select_n3A_575 : vector<16xi1>, vector<16xf32>
        %select_n3A_612 = arith.select %eq3A_18, %select_n3A_576, %select_n3A_571 : vector<16xi1>, vector<16xf32>
        %gather3A_613 = vector.shape_cast %broadcast_in_dim3A : vector<16x1xi32> to vector<16xi32>
        %gather3A_614 = tpu.dynamic_gather %select_n3A_612[%gather3A_613] in [0] : vector<16xf32>, vector<16xi32> -> vector<16xf32>
        %select_n3A_615 = arith.select %eq3A_18, %select_n3A_571, %gather3A_614 : vector<16xi1>, vector<16xf32>
        %select_n3A_616 = arith.select %eq3A_18, %gather3A_614, %select_n3A_576 : vector<16xi1>, vector<16xf32>
        %select_n3A_617 = arith.select %eq3A_18, %select_n3A_585, %select_n3A_580 : vector<16xi1>, vector<16xf32>
        %gather3A_618 = vector.shape_cast %broadcast_in_dim3A : vector<16x1xi32> to vector<16xi32>
        %gather3A_619 = tpu.dynamic_gather %select_n3A_617[%gather3A_618] in [0] : vector<16xf32>, vector<16xi32> -> vector<16xf32>
        %select_n3A_620 = arith.select %eq3A_18, %select_n3A_580, %gather3A_619 : vector<16xi1>, vector<16xf32>
        %select_n3A_621 = arith.select %eq3A_18, %gather3A_619, %select_n3A_585 : vector<16xi1>, vector<16xf32>
        %select_n3A_622 = arith.select %eq3A_18, %select_n3A_586, %select_n3A_581 : vector<16xi1>, vector<16xf32>
        %gather3A_623 = vector.shape_cast %broadcast_in_dim3A : vector<16x1xi32> to vector<16xi32>
        %gather3A_624 = tpu.dynamic_gather %select_n3A_622[%gather3A_623] in [0] : vector<16xf32>, vector<16xi32> -> vector<16xf32>
        %select_n3A_625 = arith.select %eq3A_18, %select_n3A_581, %gather3A_624 : vector<16xi1>, vector<16xf32>
        %select_n3A_626 = arith.select %eq3A_18, %gather3A_624, %select_n3A_586 : vector<16xi1>, vector<16xf32>
        %select_n3A_627 = arith.select %eq3A_18, %select_n3A_595, %select_n3A_590 : vector<16xi1>, vector<16xf32>
        %gather3A_628 = vector.shape_cast %broadcast_in_dim3A : vector<16x1xi32> to vector<16xi32>
        %gather3A_629 = tpu.dynamic_gather %select_n3A_627[%gather3A_628] in [0] : vector<16xf32>, vector<16xi32> -> vector<16xf32>
        %select_n3A_630 = arith.select %eq3A_18, %select_n3A_590, %gather3A_629 : vector<16xi1>, vector<16xf32>
        %select_n3A_631 = arith.select %eq3A_18, %gather3A_629, %select_n3A_595 : vector<16xi1>, vector<16xf32>
        %select_n3A_632 = arith.select %eq3A_18, %select_n3A_596, %select_n3A_591 : vector<16xi1>, vector<16xf32>
        %gather3A_633 = vector.shape_cast %broadcast_in_dim3A : vector<16x1xi32> to vector<16xi32>
        %gather3A_634 = tpu.dynamic_gather %select_n3A_632[%gather3A_633] in [0] : vector<16xf32>, vector<16xi32> -> vector<16xf32>
        %select_n3A_635 = arith.select %eq3A_18, %select_n3A_591, %gather3A_634 : vector<16xi1>, vector<16xf32>
        %select_n3A_636 = arith.select %eq3A_18, %gather3A_634, %select_n3A_596 : vector<16xi1>, vector<16xf32>
        %select_n3A_637 = arith.select %eq3A_18, %select_n3A_605, %select_n3A_600 : vector<16xi1>, vector<16xf32>
        %gather3A_638 = vector.shape_cast %broadcast_in_dim3A : vector<16x1xi32> to vector<16xi32>
        %gather3A_639 = tpu.dynamic_gather %select_n3A_637[%gather3A_638] in [0] : vector<16xf32>, vector<16xi32> -> vector<16xf32>
        %select_n3A_640 = arith.select %eq3A_18, %select_n3A_600, %gather3A_639 : vector<16xi1>, vector<16xf32>
        %select_n3A_641 = arith.select %eq3A_18, %gather3A_639, %select_n3A_605 : vector<16xi1>, vector<16xf32>
        %select_n3A_642 = arith.select %eq3A_18, %select_n3A_606, %select_n3A_601 : vector<16xi1>, vector<16xf32>
        %gather3A_643 = vector.shape_cast %broadcast_in_dim3A : vector<16x1xi32> to vector<16xi32>
        %gather3A_644 = tpu.dynamic_gather %select_n3A_642[%gather3A_643] in [0] : vector<16xf32>, vector<16xi32> -> vector<16xf32>
        %select_n3A_645 = arith.select %eq3A_18, %select_n3A_601, %gather3A_644 : vector<16xi1>, vector<16xf32>
        %select_n3A_646 = arith.select %eq3A_18, %gather3A_644, %select_n3A_606 : vector<16xi1>, vector<16xf32>
        %swap3A_647 = arith.index_cast %rem3A_96 : i32 to index
        %swap3A_648 = arith.constant 256 : index
        %swap3A_649 = tpu.vector_load %arg5[%swap3A_647, %swap3A_648] {strides = array<i32>} : memref<2x2048xf32, #tpu.memory_space<vmem>>, vector<16xf32>,
        tpu.vector_store %arg5[%swap3A_647, %swap3A_648], %select_n3A_610 {strides = array<i32>} : memref<2x2048xf32, #tpu.memory_space<vmem>>, vector<16xf32>,
        %swap3A_650 = arith.index_cast %rem3A_96 : i32 to index
        %swap3A_651 = arith.constant 272 : index
        %swap3A_652 = tpu.vector_load %arg5[%swap3A_650, %swap3A_651] {strides = array<i32>} : memref<2x2048xf32, #tpu.memory_space<vmem>>, vector<16xf32>,
        tpu.vector_store %arg5[%swap3A_650, %swap3A_651], %select_n3A_611 {strides = array<i32>} : memref<2x2048xf32, #tpu.memory_space<vmem>>, vector<16xf32>,
        %swap3A_653 = arith.index_cast %rem3A_96 : i32 to index
        %swap3A_654 = arith.constant 288 : index
        %swap3A_655 = tpu.vector_load %arg5[%swap3A_653, %swap3A_654] {strides = array<i32>} : memref<2x2048xf32, #tpu.memory_space<vmem>>, vector<16xf32>,
        tpu.vector_store %arg5[%swap3A_653, %swap3A_654], %select_n3A_615 {strides = array<i32>} : memref<2x2048xf32, #tpu.memory_space<vmem>>, vector<16xf32>,
        %swap3A_656 = arith.index_cast %rem3A_96 : i32 to index
        %swap3A_657 = arith.constant 304 : index
        %swap3A_658 = tpu.vector_load %arg5[%swap3A_656, %swap3A_657] {strides = array<i32>} : memref<2x2048xf32, #tpu.memory_space<vmem>>, vector<16xf32>,
        tpu.vector_store %arg5[%swap3A_656, %swap3A_657], %select_n3A_616 {strides = array<i32>} : memref<2x2048xf32, #tpu.memory_space<vmem>>, vector<16xf32>,
        %swap3A_659 = arith.index_cast %rem3A_96 : i32 to index
        %swap3A_660 = arith.constant 320 : index
        %swap3A_661 = tpu.vector_load %arg5[%swap3A_659, %swap3A_660] {strides = array<i32>} : memref<2x2048xf32, #tpu.memory_space<vmem>>, vector<16xf32>,
        tpu.vector_store %arg5[%swap3A_659, %swap3A_660], %select_n3A_620 {strides = array<i32>} : memref<2x2048xf32, #tpu.memory_space<vmem>>, vector<16xf32>,
        %swap3A_662 = arith.index_cast %rem3A_96 : i32 to index
        %swap3A_663 = arith.constant 336 : index
        %swap3A_664 = tpu.vector_load %arg5[%swap3A_662, %swap3A_663] {strides = array<i32>} : memref<2x2048xf32, #tpu.memory_space<vmem>>, vector<16xf32>,
        tpu.vector_store %arg5[%swap3A_662, %swap3A_663], %select_n3A_621 {strides = array<i32>} : memref<2x2048xf32, #tpu.memory_space<vmem>>, vector<16xf32>,
        %swap3A_665 = arith.index_cast %rem3A_96 : i32 to index
        %swap3A_666 = arith.constant 352 : index
        %swap3A_667 = tpu.vector_load %arg5[%swap3A_665, %swap3A_666] {strides = array<i32>} : memref<2x2048xf32, #tpu.memory_space<vmem>>, vector<16xf32>,
        tpu.vector_store %arg5[%swap3A_665, %swap3A_666], %select_n3A_625 {strides = array<i32>} : memref<2x2048xf32, #tpu.memory_space<vmem>>, vector<16xf32>,
        %swap3A_668 = arith.index_cast %rem3A_96 : i32 to index
        %swap3A_669 = arith.constant 368 : index
        %swap3A_670 = tpu.vector_load %arg5[%swap3A_668, %swap3A_669] {strides = array<i32>} : memref<2x2048xf32, #tpu.memory_space<vmem>>, vector<16xf32>,
        tpu.vector_store %arg5[%swap3A_668, %swap3A_669], %select_n3A_626 {strides = array<i32>} : memref<2x2048xf32, #tpu.memory_space<vmem>>, vector<16xf32>,
        %swap3A_671 = arith.index_cast %rem3A_96 : i32 to index
        %swap3A_672 = arith.constant 384 : index
        %swap3A_673 = tpu.vector_load %arg5[%swap3A_671, %swap3A_672] {strides = array<i32>} : memref<2x2048xf32, #tpu.memory_space<vmem>>, vector<16xf32>,
        tpu.vector_store %arg5[%swap3A_671, %swap3A_672], %select_n3A_630 {strides = array<i32>} : memref<2x2048xf32, #tpu.memory_space<vmem>>, vector<16xf32>,
        %swap3A_674 = arith.index_cast %rem3A_96 : i32 to index
        %swap3A_675 = arith.constant 400 : index
        %swap3A_676 = tpu.vector_load %arg5[%swap3A_674, %swap3A_675] {strides = array<i32>} : memref<2x2048xf32, #tpu.memory_space<vmem>>, vector<16xf32>,
        tpu.vector_store %arg5[%swap3A_674, %swap3A_675], %select_n3A_631 {strides = array<i32>} : memref<2x2048xf32, #tpu.memory_space<vmem>>, vector<16xf32>,
        %swap3A_677 = arith.index_cast %rem3A_96 : i32 to index
        %swap3A_678 = arith.constant 416 : index
        %swap3A_679 = tpu.vector_load %arg5[%swap3A_677, %swap3A_678] {strides = array<i32>} : memref<2x2048xf32, #tpu.memory_space<vmem>>, vector<16xf32>,
        tpu.vector_store %arg5[%swap3A_677, %swap3A_678], %select_n3A_635 {strides = array<i32>} : memref<2x2048xf32, #tpu.memory_space<vmem>>, vector<16xf32>,
        %swap3A_680 = arith.index_cast %rem3A_96 : i32 to index
        %swap3A_681 = arith.constant 432 : index
        %swap3A_682 = tpu.vector_load %arg5[%swap3A_680, %swap3A_681] {strides = array<i32>} : memref<2x2048xf32, #tpu.memory_space<vmem>>, vector<16xf32>,
        tpu.vector_store %arg5[%swap3A_680, %swap3A_681], %select_n3A_636 {strides = array<i32>} : memref<2x2048xf32, #tpu.memory_space<vmem>>, vector<16xf32>,
        %swap3A_683 = arith.index_cast %rem3A_96 : i32 to index
        %swap3A_684 = arith.constant 448 : index
        %swap3A_685 = tpu.vector_load %arg5[%swap3A_683, %swap3A_684] {strides = array<i32>} : memref<2x2048xf32, #tpu.memory_space<vmem>>, vector<16xf32>,
        tpu.vector_store %arg5[%swap3A_683, %swap3A_684], %select_n3A_640 {strides = array<i32>} : memref<2x2048xf32, #tpu.memory_space<vmem>>, vector<16xf32>,
        %swap3A_686 = arith.index_cast %rem3A_96 : i32 to index
        %swap3A_687 = arith.constant 464 : index
        %swap3A_688 = tpu.vector_load %arg5[%swap3A_686, %swap3A_687] {strides = array<i32>} : memref<2x2048xf32, #tpu.memory_space<vmem>>, vector<16xf32>,
        tpu.vector_store %arg5[%swap3A_686, %swap3A_687], %select_n3A_641 {strides = array<i32>} : memref<2x2048xf32, #tpu.memory_space<vmem>>, vector<16xf32>,
        %swap3A_689 = arith.index_cast %rem3A_96 : i32 to index
        %swap3A_690 = arith.constant 480 : index
        %swap3A_691 = tpu.vector_load %arg5[%swap3A_689, %swap3A_690] {strides = array<i32>} : memref<2x2048xf32, #tpu.memory_space<vmem>>, vector<16xf32>,
        tpu.vector_store %arg5[%swap3A_689, %swap3A_690], %select_n3A_645 {strides = array<i32>} : memref<2x2048xf32, #tpu.memory_space<vmem>>, vector<16xf32>,
        %swap3A_692 = arith.index_cast %rem3A_96 : i32 to index
        %swap3A_693 = arith.constant 496 : index
        %swap3A_694 = tpu.vector_load %arg5[%swap3A_692, %swap3A_693] {strides = array<i32>} : memref<2x2048xf32, #tpu.memory_space<vmem>>, vector<16xf32>,
        tpu.vector_store %arg5[%swap3A_692, %swap3A_693], %select_n3A_646 {strides = array<i32>} : memref<2x2048xf32, #tpu.memory_space<vmem>>, vector<16xf32>,
        %get3A_695 = arith.constant 0 : i32
        %get3A_696 = arith.index_cast %rem3A_94 : i32 to index
        %get3A_697 = arith.index_cast %get3A_695 : i32 to index
        %get3A_698 = arith.constant 32 : index
        %get3A_699 = tpu.vector_load %arg4[%get3A_696, %get3A_697, %get3A_698] {strides = array<i32>} : memref<4x16x128xf32, #tpu.memory_space<vmem>>, vector<16xf32>,
        %get3A_700 = arith.constant 1 : i32
        %get3A_701 = arith.index_cast %rem3A_94 : i32 to index
        %get3A_702 = arith.index_cast %get3A_700 : i32 to index
        %get3A_703 = arith.constant 32 : index
        %get3A_704 = tpu.vector_load %arg4[%get3A_701, %get3A_702, %get3A_703] {strides = array<i32>} : memref<4x16x128xf32, #tpu.memory_space<vmem>>, vector<16xf32>,
        %get3A_705 = arith.constant 2 : i32
        %get3A_706 = arith.index_cast %rem3A_94 : i32 to index
        %get3A_707 = arith.index_cast %get3A_705 : i32 to index
        %get3A_708 = arith.constant 32 : index
        %get3A_709 = tpu.vector_load %arg4[%get3A_706, %get3A_707, %get3A_708] {strides = array<i32>} : memref<4x16x128xf32, #tpu.memory_space<vmem>>, vector<16xf32>,
        %get3A_710 = arith.constant 3 : i32
        %get3A_711 = arith.index_cast %rem3A_94 : i32 to index
        %get3A_712 = arith.index_cast %get3A_710 : i32 to index
        %get3A_713 = arith.constant 32 : index
        %get3A_714 = tpu.vector_load %arg4[%get3A_711, %get3A_712, %get3A_713] {strides = array<i32>} : memref<4x16x128xf32, #tpu.memory_space<vmem>>, vector<16xf32>,
        %get3A_715 = arith.constant 4 : i32
        %get3A_716 = arith.index_cast %rem3A_94 : i32 to index
        %get3A_717 = arith.index_cast %get3A_715 : i32 to index
        %get3A_718 = arith.constant 32 : index
        %get3A_719 = tpu.vector_load %arg4[%get3A_716, %get3A_717, %get3A_718] {strides = array<i32>} : memref<4x16x128xf32, #tpu.memory_space<vmem>>, vector<16xf32>,
        %get3A_720 = arith.constant 5 : i32
        %get3A_721 = arith.index_cast %rem3A_94 : i32 to index
        %get3A_722 = arith.index_cast %get3A_720 : i32 to index
        %get3A_723 = arith.constant 32 : index
        %get3A_724 = tpu.vector_load %arg4[%get3A_721, %get3A_722, %get3A_723] {strides = array<i32>} : memref<4x16x128xf32, #tpu.memory_space<vmem>>, vector<16xf32>,
        %get3A_725 = arith.constant 6 : i32
        %get3A_726 = arith.index_cast %rem3A_94 : i32 to index
        %get3A_727 = arith.index_cast %get3A_725 : i32 to index
        %get3A_728 = arith.constant 32 : index
        %get3A_729 = tpu.vector_load %arg4[%get3A_726, %get3A_727, %get3A_728] {strides = array<i32>} : memref<4x16x128xf32, #tpu.memory_space<vmem>>, vector<16xf32>,
        %get3A_730 = arith.constant 7 : i32
        %get3A_731 = arith.index_cast %rem3A_94 : i32 to index
        %get3A_732 = arith.index_cast %get3A_730 : i32 to index
        %get3A_733 = arith.constant 32 : index
        %get3A_734 = tpu.vector_load %arg4[%get3A_731, %get3A_732, %get3A_733] {strides = array<i32>} : memref<4x16x128xf32, #tpu.memory_space<vmem>>, vector<16xf32>,
        %get3A_735 = arith.constant 8 : i32
        %get3A_736 = arith.index_cast %rem3A_94 : i32 to index
        %get3A_737 = arith.index_cast %get3A_735 : i32 to index
        %get3A_738 = arith.constant 32 : index
        %get3A_739 = tpu.vector_load %arg4[%get3A_736, %get3A_737, %get3A_738] {strides = array<i32>} : memref<4x16x128xf32, #tpu.memory_space<vmem>>, vector<16xf32>,
        %get3A_740 = arith.constant 9 : i32
        %get3A_741 = arith.index_cast %rem3A_94 : i32 to index
        %get3A_742 = arith.index_cast %get3A_740 : i32 to index
        %get3A_743 = arith.constant 32 : index
        %get3A_744 = tpu.vector_load %arg4[%get3A_741, %get3A_742, %get3A_743] {strides = array<i32>} : memref<4x16x128xf32, #tpu.memory_space<vmem>>, vector<16xf32>,
        %get3A_745 = arith.constant 10 : i32
        %get3A_746 = arith.index_cast %rem3A_94 : i32 to index
        %get3A_747 = arith.index_cast %get3A_745 : i32 to index
        %get3A_748 = arith.constant 32 : index
        %get3A_749 = tpu.vector_load %arg4[%get3A_746, %get3A_747, %get3A_748] {strides = array<i32>} : memref<4x16x128xf32, #tpu.memory_space<vmem>>, vector<16xf32>,
        %get3A_750 = arith.constant 11 : i32
        %get3A_751 = arith.index_cast %rem3A_94 : i32 to index
        %get3A_752 = arith.index_cast %get3A_750 : i32 to index
        %get3A_753 = arith.constant 32 : index
        %get3A_754 = tpu.vector_load %arg4[%get3A_751, %get3A_752, %get3A_753] {strides = array<i32>} : memref<4x16x128xf32, #tpu.memory_space<vmem>>, vector<16xf32>,
        %get3A_755 = arith.constant 12 : i32
        %get3A_756 = arith.index_cast %rem3A_94 : i32 to index
        %get3A_757 = arith.index_cast %get3A_755 : i32 to index
        %get3A_758 = arith.constant 32 : index
        %get3A_759 = tpu.vector_load %arg4[%get3A_756, %get3A_757, %get3A_758] {strides = array<i32>} : memref<4x16x128xf32, #tpu.memory_space<vmem>>, vector<16xf32>,
        %get3A_760 = arith.constant 13 : i32
        %get3A_761 = arith.index_cast %rem3A_94 : i32 to index
        %get3A_762 = arith.index_cast %get3A_760 : i32 to index
        %get3A_763 = arith.constant 32 : index
        %get3A_764 = tpu.vector_load %arg4[%get3A_761, %get3A_762, %get3A_763] {strides = array<i32>} : memref<4x16x128xf32, #tpu.memory_space<vmem>>, vector<16xf32>,
        %get3A_765 = arith.constant 14 : i32
        %get3A_766 = arith.index_cast %rem3A_94 : i32 to index
        %get3A_767 = arith.index_cast %get3A_765 : i32 to index
        %get3A_768 = arith.constant 32 : index
        %get3A_769 = tpu.vector_load %arg4[%get3A_766, %get3A_767, %get3A_768] {strides = array<i32>} : memref<4x16x128xf32, #tpu.memory_space<vmem>>, vector<16xf32>,
        %get3A_770 = arith.constant 15 : i32
        %get3A_771 = arith.index_cast %rem3A_94 : i32 to index
        %get3A_772 = arith.index_cast %get3A_770 : i32 to index
        %get3A_773 = arith.constant 32 : index
        %get3A_774 = tpu.vector_load %arg4[%get3A_771, %get3A_772, %get3A_773] {strides = array<i32>} : memref<4x16x128xf32, #tpu.memory_space<vmem>>, vector<16xf32>,
        %select_n3A_775 = arith.select %eq3A_36, %get3A_739, %get3A_699 : vector<16xi1>, vector<16xf32>
        %gather3A_776 = vector.shape_cast %broadcast_in_dim3A_14 : vector<16x1xi32> to vector<16xi32>
        %gather3A_777 = tpu.dynamic_gather %select_n3A_775[%gather3A_776] in [0] : vector<16xf32>, vector<16xi32> -> vector<16xf32>
        %select_n3A_778 = arith.select %eq3A_36, %get3A_699, %gather3A_777 : vector<16xi1>, vector<16xf32>
        %select_n3A_779 = arith.select %eq3A_36, %gather3A_777, %get3A_739 : vector<16xi1>, vector<16xf32>
        %select_n3A_780 = arith.select %eq3A_36, %get3A_744, %get3A_704 : vector<16xi1>, vector<16xf32>
        %gather3A_781 = vector.shape_cast %broadcast_in_dim3A_14 : vector<16x1xi32> to vector<16xi32>
        %gather3A_782 = tpu.dynamic_gather %select_n3A_780[%gather3A_781] in [0] : vector<16xf32>, vector<16xi32> -> vector<16xf32>
        %select_n3A_783 = arith.select %eq3A_36, %get3A_704, %gather3A_782 : vector<16xi1>, vector<16xf32>
        %select_n3A_784 = arith.select %eq3A_36, %gather3A_782, %get3A_744 : vector<16xi1>, vector<16xf32>
        %select_n3A_785 = arith.select %eq3A_36, %get3A_749, %get3A_709 : vector<16xi1>, vector<16xf32>
        %gather3A_786 = vector.shape_cast %broadcast_in_dim3A_14 : vector<16x1xi32> to vector<16xi32>
        %gather3A_787 = tpu.dynamic_gather %select_n3A_785[%gather3A_786] in [0] : vector<16xf32>, vector<16xi32> -> vector<16xf32>
        %select_n3A_788 = arith.select %eq3A_36, %get3A_709, %gather3A_787 : vector<16xi1>, vector<16xf32>
        %select_n3A_789 = arith.select %eq3A_36, %gather3A_787, %get3A_749 : vector<16xi1>, vector<16xf32>
        %select_n3A_790 = arith.select %eq3A_36, %get3A_754, %get3A_714 : vector<16xi1>, vector<16xf32>
        %gather3A_791 = vector.shape_cast %broadcast_in_dim3A_14 : vector<16x1xi32> to vector<16xi32>
        %gather3A_792 = tpu.dynamic_gather %select_n3A_790[%gather3A_791] in [0] : vector<16xf32>, vector<16xi32> -> vector<16xf32>
        %select_n3A_793 = arith.select %eq3A_36, %get3A_714, %gather3A_792 : vector<16xi1>, vector<16xf32>
        %select_n3A_794 = arith.select %eq3A_36, %gather3A_792, %get3A_754 : vector<16xi1>, vector<16xf32>
        %select_n3A_795 = arith.select %eq3A_36, %get3A_759, %get3A_719 : vector<16xi1>, vector<16xf32>
        %gather3A_796 = vector.shape_cast %broadcast_in_dim3A_14 : vector<16x1xi32> to vector<16xi32>
        %gather3A_797 = tpu.dynamic_gather %select_n3A_795[%gather3A_796] in [0] : vector<16xf32>, vector<16xi32> -> vector<16xf32>
        %select_n3A_798 = arith.select %eq3A_36, %get3A_719, %gather3A_797 : vector<16xi1>, vector<16xf32>
        %select_n3A_799 = arith.select %eq3A_36, %gather3A_797, %get3A_759 : vector<16xi1>, vector<16xf32>
        %select_n3A_800 = arith.select %eq3A_36, %get3A_764, %get3A_724 : vector<16xi1>, vector<16xf32>
        %gather3A_801 = vector.shape_cast %broadcast_in_dim3A_14 : vector<16x1xi32> to vector<16xi32>
        %gather3A_802 = tpu.dynamic_gather %select_n3A_800[%gather3A_801] in [0] : vector<16xf32>, vector<16xi32> -> vector<16xf32>
        %select_n3A_803 = arith.select %eq3A_36, %get3A_724, %gather3A_802 : vector<16xi1>, vector<16xf32>
        %select_n3A_804 = arith.select %eq3A_36, %gather3A_802, %get3A_764 : vector<16xi1>, vector<16xf32>
        %select_n3A_805 = arith.select %eq3A_36, %get3A_769, %get3A_729 : vector<16xi1>, vector<16xf32>
        %gather3A_806 = vector.shape_cast %broadcast_in_dim3A_14 : vector<16x1xi32> to vector<16xi32>
        %gather3A_807 = tpu.dynamic_gather %select_n3A_805[%gather3A_806] in [0] : vector<16xf32>, vector<16xi32> -> vector<16xf32>
        %select_n3A_808 = arith.select %eq3A_36, %get3A_729, %gather3A_807 : vector<16xi1>, vector<16xf32>
        %select_n3A_809 = arith.select %eq3A_36, %gather3A_807, %get3A_769 : vector<16xi1>, vector<16xf32>
        %select_n3A_810 = arith.select %eq3A_36, %get3A_774, %get3A_734 : vector<16xi1>, vector<16xf32>
        %gather3A_811 = vector.shape_cast %broadcast_in_dim3A_14 : vector<16x1xi32> to vector<16xi32>
        %gather3A_812 = tpu.dynamic_gather %select_n3A_810[%gather3A_811] in [0] : vector<16xf32>, vector<16xi32> -> vector<16xf32>
        %select_n3A_813 = arith.select %eq3A_36, %get3A_734, %gather3A_812 : vector<16xi1>, vector<16xf32>
        %select_n3A_814 = arith.select %eq3A_36, %gather3A_812, %get3A_774 : vector<16xi1>, vector<16xf32>
        %select_n3A_815 = arith.select %eq3A_30, %select_n3A_798, %select_n3A_778 : vector<16xi1>, vector<16xf32>
        %gather3A_816 = vector.shape_cast %broadcast_in_dim3A_10 : vector<16x1xi32> to vector<16xi32>
        %gather3A_817 = tpu.dynamic_gather %select_n3A_815[%gather3A_816] in [0] : vector<16xf32>, vector<16xi32> -> vector<16xf32>
        %select_n3A_818 = arith.select %eq3A_30, %select_n3A_778, %gather3A_817 : vector<16xi1>, vector<16xf32>
        %select_n3A_819 = arith.select %eq3A_30, %gather3A_817, %select_n3A_798 : vector<16xi1>, vector<16xf32>
        %select_n3A_820 = arith.select %eq3A_30, %select_n3A_803, %select_n3A_783 : vector<16xi1>, vector<16xf32>
        %gather3A_821 = vector.shape_cast %broadcast_in_dim3A_10 : vector<16x1xi32> to vector<16xi32>
        %gather3A_822 = tpu.dynamic_gather %select_n3A_820[%gather3A_821] in [0] : vector<16xf32>, vector<16xi32> -> vector<16xf32>
        %select_n3A_823 = arith.select %eq3A_30, %select_n3A_783, %gather3A_822 : vector<16xi1>, vector<16xf32>
        %select_n3A_824 = arith.select %eq3A_30, %gather3A_822, %select_n3A_803 : vector<16xi1>, vector<16xf32>
        %select_n3A_825 = arith.select %eq3A_30, %select_n3A_808, %select_n3A_788 : vector<16xi1>, vector<16xf32>
        %gather3A_826 = vector.shape_cast %broadcast_in_dim3A_10 : vector<16x1xi32> to vector<16xi32>
        %gather3A_827 = tpu.dynamic_gather %select_n3A_825[%gather3A_826] in [0] : vector<16xf32>, vector<16xi32> -> vector<16xf32>
        %select_n3A_828 = arith.select %eq3A_30, %select_n3A_788, %gather3A_827 : vector<16xi1>, vector<16xf32>
        %select_n3A_829 = arith.select %eq3A_30, %gather3A_827, %select_n3A_808 : vector<16xi1>, vector<16xf32>
        %select_n3A_830 = arith.select %eq3A_30, %select_n3A_813, %select_n3A_793 : vector<16xi1>, vector<16xf32>
        %gather3A_831 = vector.shape_cast %broadcast_in_dim3A_10 : vector<16x1xi32> to vector<16xi32>
        %gather3A_832 = tpu.dynamic_gather %select_n3A_830[%gather3A_831] in [0] : vector<16xf32>, vector<16xi32> -> vector<16xf32>
        %select_n3A_833 = arith.select %eq3A_30, %select_n3A_793, %gather3A_832 : vector<16xi1>, vector<16xf32>
        %select_n3A_834 = arith.select %eq3A_30, %gather3A_832, %select_n3A_813 : vector<16xi1>, vector<16xf32>
        %select_n3A_835 = arith.select %eq3A_30, %select_n3A_799, %select_n3A_779 : vector<16xi1>, vector<16xf32>
        %gather3A_836 = vector.shape_cast %broadcast_in_dim3A_10 : vector<16x1xi32> to vector<16xi32>
        %gather3A_837 = tpu.dynamic_gather %select_n3A_835[%gather3A_836] in [0] : vector<16xf32>, vector<16xi32> -> vector<16xf32>
        %select_n3A_838 = arith.select %eq3A_30, %select_n3A_779, %gather3A_837 : vector<16xi1>, vector<16xf32>
        %select_n3A_839 = arith.select %eq3A_30, %gather3A_837, %select_n3A_799 : vector<16xi1>, vector<16xf32>
        %select_n3A_840 = arith.select %eq3A_30, %select_n3A_804, %select_n3A_784 : vector<16xi1>, vector<16xf32>
        %gather3A_841 = vector.shape_cast %broadcast_in_dim3A_10 : vector<16x1xi32> to vector<16xi32>
        %gather3A_842 = tpu.dynamic_gather %select_n3A_840[%gather3A_841] in [0] : vector<16xf32>, vector<16xi32> -> vector<16xf32>
        %select_n3A_843 = arith.select %eq3A_30, %select_n3A_784, %gather3A_842 : vector<16xi1>, vector<16xf32>
        %select_n3A_844 = arith.select %eq3A_30, %gather3A_842, %select_n3A_804 : vector<16xi1>, vector<16xf32>
        %select_n3A_845 = arith.select %eq3A_30, %select_n3A_809, %select_n3A_789 : vector<16xi1>, vector<16xf32>
        %gather3A_846 = vector.shape_cast %broadcast_in_dim3A_10 : vector<16x1xi32> to vector<16xi32>
        %gather3A_847 = tpu.dynamic_gather %select_n3A_845[%gather3A_846] in [0] : vector<16xf32>, vector<16xi32> -> vector<16xf32>
        %select_n3A_848 = arith.select %eq3A_30, %select_n3A_789, %gather3A_847 : vector<16xi1>, vector<16xf32>
        %select_n3A_849 = arith.select %eq3A_30, %gather3A_847, %select_n3A_809 : vector<16xi1>, vector<16xf32>
        %select_n3A_850 = arith.select %eq3A_30, %select_n3A_814, %select_n3A_794 : vector<16xi1>, vector<16xf32>
        %gather3A_851 = vector.shape_cast %broadcast_in_dim3A_10 : vector<16x1xi32> to vector<16xi32>
        %gather3A_852 = tpu.dynamic_gather %select_n3A_850[%gather3A_851] in [0] : vector<16xf32>, vector<16xi32> -> vector<16xf32>
        %select_n3A_853 = arith.select %eq3A_30, %select_n3A_794, %gather3A_852 : vector<16xi1>, vector<16xf32>
        %select_n3A_854 = arith.select %eq3A_30, %gather3A_852, %select_n3A_814 : vector<16xi1>, vector<16xf32>
        %select_n3A_855 = arith.select %eq3A_24, %select_n3A_828, %select_n3A_818 : vector<16xi1>, vector<16xf32>
        %gather3A_856 = vector.shape_cast %broadcast_in_dim3A_6 : vector<16x1xi32> to vector<16xi32>
        %gather3A_857 = tpu.dynamic_gather %select_n3A_855[%gather3A_856] in [0] : vector<16xf32>, vector<16xi32> -> vector<16xf32>
        %select_n3A_858 = arith.select %eq3A_24, %select_n3A_818, %gather3A_857 : vector<16xi1>, vector<16xf32>
        %select_n3A_859 = arith.select %eq3A_24, %gather3A_857, %select_n3A_828 : vector<16xi1>, vector<16xf32>
        %select_n3A_860 = arith.select %eq3A_24, %select_n3A_833, %select_n3A_823 : vector<16xi1>, vector<16xf32>
        %gather3A_861 = vector.shape_cast %broadcast_in_dim3A_6 : vector<16x1xi32> to vector<16xi32>
        %gather3A_862 = tpu.dynamic_gather %select_n3A_860[%gather3A_861] in [0] : vector<16xf32>, vector<16xi32> -> vector<16xf32>
        %select_n3A_863 = arith.select %eq3A_24, %select_n3A_823, %gather3A_862 : vector<16xi1>, vector<16xf32>
        %select_n3A_864 = arith.select %eq3A_24, %gather3A_862, %select_n3A_833 : vector<16xi1>, vector<16xf32>
        %select_n3A_865 = arith.select %eq3A_24, %select_n3A_829, %select_n3A_819 : vector<16xi1>, vector<16xf32>
        %gather3A_866 = vector.shape_cast %broadcast_in_dim3A_6 : vector<16x1xi32> to vector<16xi32>
        %gather3A_867 = tpu.dynamic_gather %select_n3A_865[%gather3A_866] in [0] : vector<16xf32>, vector<16xi32> -> vector<16xf32>
        %select_n3A_868 = arith.select %eq3A_24, %select_n3A_819, %gather3A_867 : vector<16xi1>, vector<16xf32>
        %select_n3A_869 = arith.select %eq3A_24, %gather3A_867, %select_n3A_829 : vector<16xi1>, vector<16xf32>
        %select_n3A_870 = arith.select %eq3A_24, %select_n3A_834, %select_n3A_824 : vector<16xi1>, vector<16xf32>
        %gather3A_871 = vector.shape_cast %broadcast_in_dim3A_6 : vector<16x1xi32> to vector<16xi32>
        %gather3A_872 = tpu.dynamic_gather %select_n3A_870[%gather3A_871] in [0] : vector<16xf32>, vector<16xi32> -> vector<16xf32>
        %select_n3A_873 = arith.select %eq3A_24, %select_n3A_824, %gather3A_872 : vector<16xi1>, vector<16xf32>
        %select_n3A_874 = arith.select %eq3A_24, %gather3A_872, %select_n3A_834 : vector<16xi1>, vector<16xf32>
        %select_n3A_875 = arith.select %eq3A_24, %select_n3A_848, %select_n3A_838 : vector<16xi1>, vector<16xf32>
        %gather3A_876 = vector.shape_cast %broadcast_in_dim3A_6 : vector<16x1xi32> to vector<16xi32>
        %gather3A_877 = tpu.dynamic_gather %select_n3A_875[%gather3A_876] in [0] : vector<16xf32>, vector<16xi32> -> vector<16xf32>
        %select_n3A_878 = arith.select %eq3A_24, %select_n3A_838, %gather3A_877 : vector<16xi1>, vector<16xf32>
        %select_n3A_879 = arith.select %eq3A_24, %gather3A_877, %select_n3A_848 : vector<16xi1>, vector<16xf32>
        %select_n3A_880 = arith.select %eq3A_24, %select_n3A_853, %select_n3A_843 : vector<16xi1>, vector<16xf32>
        %gather3A_881 = vector.shape_cast %broadcast_in_dim3A_6 : vector<16x1xi32> to vector<16xi32>
        %gather3A_882 = tpu.dynamic_gather %select_n3A_880[%gather3A_881] in [0] : vector<16xf32>, vector<16xi32> -> vector<16xf32>
        %select_n3A_883 = arith.select %eq3A_24, %select_n3A_843, %gather3A_882 : vector<16xi1>, vector<16xf32>
        %select_n3A_884 = arith.select %eq3A_24, %gather3A_882, %select_n3A_853 : vector<16xi1>, vector<16xf32>
        %select_n3A_885 = arith.select %eq3A_24, %select_n3A_849, %select_n3A_839 : vector<16xi1>, vector<16xf32>
        %gather3A_886 = vector.shape_cast %broadcast_in_dim3A_6 : vector<16x1xi32> to vector<16xi32>
        %gather3A_887 = tpu.dynamic_gather %select_n3A_885[%gather3A_886] in [0] : vector<16xf32>, vector<16xi32> -> vector<16xf32>
        %select_n3A_888 = arith.select %eq3A_24, %select_n3A_839, %gather3A_887 : vector<16xi1>, vector<16xf32>
        %select_n3A_889 = arith.select %eq3A_24, %gather3A_887, %select_n3A_849 : vector<16xi1>, vector<16xf32>
        %select_n3A_890 = arith.select %eq3A_24, %select_n3A_854, %select_n3A_844 : vector<16xi1>, vector<16xf32>
        %gather3A_891 = vector.shape_cast %broadcast_in_dim3A_6 : vector<16x1xi32> to vector<16xi32>
        %gather3A_892 = tpu.dynamic_gather %select_n3A_890[%gather3A_891] in [0] : vector<16xf32>, vector<16xi32> -> vector<16xf32>
        %select_n3A_893 = arith.select %eq3A_24, %select_n3A_844, %gather3A_892 : vector<16xi1>, vector<16xf32>
        %select_n3A_894 = arith.select %eq3A_24, %gather3A_892, %select_n3A_854 : vector<16xi1>, vector<16xf32>
        %select_n3A_895 = arith.select %eq3A_18, %select_n3A_863, %select_n3A_858 : vector<16xi1>, vector<16xf32>
        %gather3A_896 = vector.shape_cast %broadcast_in_dim3A : vector<16x1xi32> to vector<16xi32>
        %gather3A_897 = tpu.dynamic_gather %select_n3A_895[%gather3A_896] in [0] : vector<16xf32>, vector<16xi32> -> vector<16xf32>
        %select_n3A_898 = arith.select %eq3A_18, %select_n3A_858, %gather3A_897 : vector<16xi1>, vector<16xf32>
        %select_n3A_899 = arith.select %eq3A_18, %gather3A_897, %select_n3A_863 : vector<16xi1>, vector<16xf32>
        %select_n3A_900 = arith.select %eq3A_18, %select_n3A_864, %select_n3A_859 : vector<16xi1>, vector<16xf32>
        %gather3A_901 = vector.shape_cast %broadcast_in_dim3A : vector<16x1xi32> to vector<16xi32>
        %gather3A_902 = tpu.dynamic_gather %select_n3A_900[%gather3A_901] in [0] : vector<16xf32>, vector<16xi32> -> vector<16xf32>
        %select_n3A_903 = arith.select %eq3A_18, %select_n3A_859, %gather3A_902 : vector<16xi1>, vector<16xf32>
        %select_n3A_904 = arith.select %eq3A_18, %gather3A_902, %select_n3A_864 : vector<16xi1>, vector<16xf32>
        %select_n3A_905 = arith.select %eq3A_18, %select_n3A_873, %select_n3A_868 : vector<16xi1>, vector<16xf32>
        %gather3A_906 = vector.shape_cast %broadcast_in_dim3A : vector<16x1xi32> to vector<16xi32>
        %gather3A_907 = tpu.dynamic_gather %select_n3A_905[%gather3A_906] in [0] : vector<16xf32>, vector<16xi32> -> vector<16xf32>
        %select_n3A_908 = arith.select %eq3A_18, %select_n3A_868, %gather3A_907 : vector<16xi1>, vector<16xf32>
        %select_n3A_909 = arith.select %eq3A_18, %gather3A_907, %select_n3A_873 : vector<16xi1>, vector<16xf32>
        %select_n3A_910 = arith.select %eq3A_18, %select_n3A_874, %select_n3A_869 : vector<16xi1>, vector<16xf32>
        %gather3A_911 = vector.shape_cast %broadcast_in_dim3A : vector<16x1xi32> to vector<16xi32>
        %gather3A_912 = tpu.dynamic_gather %select_n3A_910[%gather3A_911] in [0] : vector<16xf32>, vector<16xi32> -> vector<16xf32>
        %select_n3A_913 = arith.select %eq3A_18, %select_n3A_869, %gather3A_912 : vector<16xi1>, vector<16xf32>
        %select_n3A_914 = arith.select %eq3A_18, %gather3A_912, %select_n3A_874 : vector<16xi1>, vector<16xf32>
        %select_n3A_915 = arith.select %eq3A_18, %select_n3A_883, %select_n3A_878 : vector<16xi1>, vector<16xf32>
        %gather3A_916 = vector.shape_cast %broadcast_in_dim3A : vector<16x1xi32> to vector<16xi32>
        %gather3A_917 = tpu.dynamic_gather %select_n3A_915[%gather3A_916] in [0] : vector<16xf32>, vector<16xi32> -> vector<16xf32>
        %select_n3A_918 = arith.select %eq3A_18, %select_n3A_878, %gather3A_917 : vector<16xi1>, vector<16xf32>
        %select_n3A_919 = arith.select %eq3A_18, %gather3A_917, %select_n3A_883 : vector<16xi1>, vector<16xf32>
        %select_n3A_920 = arith.select %eq3A_18, %select_n3A_884, %select_n3A_879 : vector<16xi1>, vector<16xf32>
        %gather3A_921 = vector.shape_cast %broadcast_in_dim3A : vector<16x1xi32> to vector<16xi32>
        %gather3A_922 = tpu.dynamic_gather %select_n3A_920[%gather3A_921] in [0] : vector<16xf32>, vector<16xi32> -> vector<16xf32>
        %select_n3A_923 = arith.select %eq3A_18, %select_n3A_879, %gather3A_922 : vector<16xi1>, vector<16xf32>
        %select_n3A_924 = arith.select %eq3A_18, %gather3A_922, %select_n3A_884 : vector<16xi1>, vector<16xf32>
        %select_n3A_925 = arith.select %eq3A_18, %select_n3A_893, %select_n3A_888 : vector<16xi1>, vector<16xf32>
        %gather3A_926 = vector.shape_cast %broadcast_in_dim3A : vector<16x1xi32> to vector<16xi32>
        %gather3A_927 = tpu.dynamic_gather %select_n3A_925[%gather3A_926] in [0] : vector<16xf32>, vector<16xi32> -> vector<16xf32>
        %select_n3A_928 = arith.select %eq3A_18, %select_n3A_888, %gather3A_927 : vector<16xi1>, vector<16xf32>
        %select_n3A_929 = arith.select %eq3A_18, %gather3A_927, %select_n3A_893 : vector<16xi1>, vector<16xf32>
        %select_n3A_930 = arith.select %eq3A_18, %select_n3A_894, %select_n3A_889 : vector<16xi1>, vector<16xf32>
        %gather3A_931 = vector.shape_cast %broadcast_in_dim3A : vector<16x1xi32> to vector<16xi32>
        %gather3A_932 = tpu.dynamic_gather %select_n3A_930[%gather3A_931] in [0] : vector<16xf32>, vector<16xi32> -> vector<16xf32>
        %select_n3A_933 = arith.select %eq3A_18, %select_n3A_889, %gather3A_932 : vector<16xi1>, vector<16xf32>
        %select_n3A_934 = arith.select %eq3A_18, %gather3A_932, %select_n3A_894 : vector<16xi1>, vector<16xf32>
        %swap3A_935 = arith.index_cast %rem3A_96 : i32 to index
        %swap3A_936 = arith.constant 512 : index
        %swap3A_937 = tpu.vector_load %arg5[%swap3A_935, %swap3A_936] {strides = array<i32>} : memref<2x2048xf32, #tpu.memory_space<vmem>>, vector<16xf32>,
        tpu.vector_store %arg5[%swap3A_935, %swap3A_936], %select_n3A_898 {strides = array<i32>} : memref<2x2048xf32, #tpu.memory_space<vmem>>, vector<16xf32>,
        %swap3A_938 = arith.index_cast %rem3A_96 : i32 to index
        %swap3A_939 = arith.constant 528 : index
        %swap3A_940 = tpu.vector_load %arg5[%swap3A_938, %swap3A_939] {strides = array<i32>} : memref<2x2048xf32, #tpu.memory_space<vmem>>, vector<16xf32>,
        tpu.vector_store %arg5[%swap3A_938, %swap3A_939], %select_n3A_899 {strides = array<i32>} : memref<2x2048xf32, #tpu.memory_space<vmem>>, vector<16xf32>,
        %swap3A_941 = arith.index_cast %rem3A_96 : i32 to index
        %swap3A_942 = arith.constant 544 : index
        %swap3A_943 = tpu.vector_load %arg5[%swap3A_941, %swap3A_942] {strides = array<i32>} : memref<2x2048xf32, #tpu.memory_space<vmem>>, vector<16xf32>,
        tpu.vector_store %arg5[%swap3A_941, %swap3A_942], %select_n3A_903 {strides = array<i32>} : memref<2x2048xf32, #tpu.memory_space<vmem>>, vector<16xf32>,
        %swap3A_944 = arith.index_cast %rem3A_96 : i32 to index
        %swap3A_945 = arith.constant 560 : index
        %swap3A_946 = tpu.vector_load %arg5[%swap3A_944, %swap3A_945] {strides = array<i32>} : memref<2x2048xf32, #tpu.memory_space<vmem>>, vector<16xf32>,
        tpu.vector_store %arg5[%swap3A_944, %swap3A_945], %select_n3A_904 {strides = array<i32>} : memref<2x2048xf32, #tpu.memory_space<vmem>>, vector<16xf32>,
        %swap3A_947 = arith.index_cast %rem3A_96 : i32 to index
        %swap3A_948 = arith.constant 576 : index
        %swap3A_949 = tpu.vector_load %arg5[%swap3A_947, %swap3A_948] {strides = array<i32>} : memref<2x2048xf32, #tpu.memory_space<vmem>>, vector<16xf32>,
        tpu.vector_store %arg5[%swap3A_947, %swap3A_948], %select_n3A_908 {strides = array<i32>} : memref<2x2048xf32, #tpu.memory_space<vmem>>, vector<16xf32>,
        %swap3A_950 = arith.index_cast %rem3A_96 : i32 to index
        %swap3A_951 = arith.constant 592 : index
        %swap3A_952 = tpu.vector_load %arg5[%swap3A_950, %swap3A_951] {strides = array<i32>} : memref<2x2048xf32, #tpu.memory_space<vmem>>, vector<16xf32>,
        tpu.vector_store %arg5[%swap3A_950, %swap3A_951], %select_n3A_909 {strides = array<i32>} : memref<2x2048xf32, #tpu.memory_space<vmem>>, vector<16xf32>,
        %swap3A_953 = arith.index_cast %rem3A_96 : i32 to index
        %swap3A_954 = arith.constant 608 : index
        %swap3A_955 = tpu.vector_load %arg5[%swap3A_953, %swap3A_954] {strides = array<i32>} : memref<2x2048xf32, #tpu.memory_space<vmem>>, vector<16xf32>,
        tpu.vector_store %arg5[%swap3A_953, %swap3A_954], %select_n3A_913 {strides = array<i32>} : memref<2x2048xf32, #tpu.memory_space<vmem>>, vector<16xf32>,
        %swap3A_956 = arith.index_cast %rem3A_96 : i32 to index
        %swap3A_957 = arith.constant 624 : index
        %swap3A_958 = tpu.vector_load %arg5[%swap3A_956, %swap3A_957] {strides = array<i32>} : memref<2x2048xf32, #tpu.memory_space<vmem>>, vector<16xf32>,
        tpu.vector_store %arg5[%swap3A_956, %swap3A_957], %select_n3A_914 {strides = array<i32>} : memref<2x2048xf32, #tpu.memory_space<vmem>>, vector<16xf32>,
        %swap3A_959 = arith.index_cast %rem3A_96 : i32 to index
        %swap3A_960 = arith.constant 640 : index
        %swap3A_961 = tpu.vector_load %arg5[%swap3A_959, %swap3A_960] {strides = array<i32>} : memref<2x2048xf32, #tpu.memory_space<vmem>>, vector<16xf32>,
        tpu.vector_store %arg5[%swap3A_959, %swap3A_960], %select_n3A_918 {strides = array<i32>} : memref<2x2048xf32, #tpu.memory_space<vmem>>, vector<16xf32>,
        %swap3A_962 = arith.index_cast %rem3A_96 : i32 to index
        %swap3A_963 = arith.constant 656 : index
        %swap3A_964 = tpu.vector_load %arg5[%swap3A_962, %swap3A_963] {strides = array<i32>} : memref<2x2048xf32, #tpu.memory_space<vmem>>, vector<16xf32>,
        tpu.vector_store %arg5[%swap3A_962, %swap3A_963], %select_n3A_919 {strides = array<i32>} : memref<2x2048xf32, #tpu.memory_space<vmem>>, vector<16xf32>,
        %swap3A_965 = arith.index_cast %rem3A_96 : i32 to index
        %swap3A_966 = arith.constant 672 : index
        %swap3A_967 = tpu.vector_load %arg5[%swap3A_965, %swap3A_966] {strides = array<i32>} : memref<2x2048xf32, #tpu.memory_space<vmem>>, vector<16xf32>,
        tpu.vector_store %arg5[%swap3A_965, %swap3A_966], %select_n3A_923 {strides = array<i32>} : memref<2x2048xf32, #tpu.memory_space<vmem>>, vector<16xf32>,
        %swap3A_968 = arith.index_cast %rem3A_96 : i32 to index
        %swap3A_969 = arith.constant 688 : index
        %swap3A_970 = tpu.vector_load %arg5[%swap3A_968, %swap3A_969] {strides = array<i32>} : memref<2x2048xf32, #tpu.memory_space<vmem>>, vector<16xf32>,
        tpu.vector_store %arg5[%swap3A_968, %swap3A_969], %select_n3A_924 {strides = array<i32>} : memref<2x2048xf32, #tpu.memory_space<vmem>>, vector<16xf32>,
        %swap3A_971 = arith.index_cast %rem3A_96 : i32 to index
        %swap3A_972 = arith.constant 704 : index
        %swap3A_973 = tpu.vector_load %arg5[%swap3A_971, %swap3A_972] {strides = array<i32>} : memref<2x2048xf32, #tpu.memory_space<vmem>>, vector<16xf32>,
        tpu.vector_store %arg5[%swap3A_971, %swap3A_972], %select_n3A_928 {strides = array<i32>} : memref<2x2048xf32, #tpu.memory_space<vmem>>, vector<16xf32>,
        %swap3A_974 = arith.index_cast %rem3A_96 : i32 to index
        %swap3A_975 = arith.constant 720 : index
        %swap3A_976 = tpu.vector_load %arg5[%swap3A_974, %swap3A_975] {strides = array<i32>} : memref<2x2048xf32, #tpu.memory_space<vmem>>, vector<16xf32>,
        tpu.vector_store %arg5[%swap3A_974, %swap3A_975], %select_n3A_929 {strides = array<i32>} : memref<2x2048xf32, #tpu.memory_space<vmem>>, vector<16xf32>,
        %swap3A_977 = arith.index_cast %rem3A_96 : i32 to index
        %swap3A_978 = arith.constant 736 : index
        %swap3A_979 = tpu.vector_load %arg5[%swap3A_977, %swap3A_978] {strides = array<i32>} : memref<2x2048xf32, #tpu.memory_space<vmem>>, vector<16xf32>,
        tpu.vector_store %arg5[%swap3A_977, %swap3A_978], %select_n3A_933 {strides = array<i32>} : memref<2x2048xf32, #tpu.memory_space<vmem>>, vector<16xf32>,
        %swap3A_980 = arith.index_cast %rem3A_96 : i32 to index
        %swap3A_981 = arith.constant 752 : index
        %swap3A_982 = tpu.vector_load %arg5[%swap3A_980, %swap3A_981] {strides = array<i32>} : memref<2x2048xf32, #tpu.memory_space<vmem>>, vector<16xf32>,
        tpu.vector_store %arg5[%swap3A_980, %swap3A_981], %select_n3A_934 {strides = array<i32>} : memref<2x2048xf32, #tpu.memory_space<vmem>>, vector<16xf32>,
        %get3A_983 = arith.constant 0 : i32
        %get3A_984 = arith.index_cast %rem3A_94 : i32 to index
        %get3A_985 = arith.index_cast %get3A_983 : i32 to index
        %get3A_986 = arith.constant 48 : index
        %get3A_987 = tpu.vector_load %arg4[%get3A_984, %get3A_985, %get3A_986] {strides = array<i32>} : memref<4x16x128xf32, #tpu.memory_space<vmem>>, vector<16xf32>,
        %get3A_988 = arith.constant 1 : i32
        %get3A_989 = arith.index_cast %rem3A_94 : i32 to index
        %get3A_990 = arith.index_cast %get3A_988 : i32 to index
        %get3A_991 = arith.constant 48 : index
        %get3A_992 = tpu.vector_load %arg4[%get3A_989, %get3A_990, %get3A_991] {strides = array<i32>} : memref<4x16x128xf32, #tpu.memory_space<vmem>>, vector<16xf32>,
        %get3A_993 = arith.constant 2 : i32
        %get3A_994 = arith.index_cast %rem3A_94 : i32 to index
        %get3A_995 = arith.index_cast %get3A_993 : i32 to index
        %get3A_996 = arith.constant 48 : index
        %get3A_997 = tpu.vector_load %arg4[%get3A_994, %get3A_995, %get3A_996] {strides = array<i32>} : memref<4x16x128xf32, #tpu.memory_space<vmem>>, vector<16xf32>,
        %get3A_998 = arith.constant 3 : i32
        %get3A_999 = arith.index_cast %rem3A_94 : i32 to index
        %get3A_1000 = arith.index_cast %get3A_998 : i32 to index
        %get3A_1001 = arith.constant 48 : index
        %get3A_1002 = tpu.vector_load %arg4[%get3A_999, %get3A_1000, %get3A_1001] {strides = array<i32>} : memref<4x16x128xf32, #tpu.memory_space<vmem>>, vector<16xf32>,
        %get3A_1003 = arith.constant 4 : i32
        %get3A_1004 = arith.index_cast %rem3A_94 : i32 to index
        %get3A_1005 = arith.index_cast %get3A_1003 : i32 to index
        %get3A_1006 = arith.constant 48 : index
        %get3A_1007 = tpu.vector_load %arg4[%get3A_1004, %get3A_1005, %get3A_1006] {strides = array<i32>} : memref<4x16x128xf32, #tpu.memory_space<vmem>>, vector<16xf32>,
        %get3A_1008 = arith.constant 5 : i32
        %get3A_1009 = arith.index_cast %rem3A_94 : i32 to index
        %get3A_1010 = arith.index_cast %get3A_1008 : i32 to index
        %get3A_1011 = arith.constant 48 : index
        %get3A_1012 = tpu.vector_load %arg4[%get3A_1009, %get3A_1010, %get3A_1011] {strides = array<i32>} : memref<4x16x128xf32, #tpu.memory_space<vmem>>, vector<16xf32>,
        %get3A_1013 = arith.constant 6 : i32
        %get3A_1014 = arith.index_cast %rem3A_94 : i32 to index
        %get3A_1015 = arith.index_cast %get3A_1013 : i32 to index
        %get3A_1016 = arith.constant 48 : index
        %get3A_1017 = tpu.vector_load %arg4[%get3A_1014, %get3A_1015, %get3A_1016] {strides = array<i32>} : memref<4x16x128xf32, #tpu.memory_space<vmem>>, vector<16xf32>,
        %get3A_1018 = arith.constant 7 : i32
        %get3A_1019 = arith.index_cast %rem3A_94 : i32 to index
        %get3A_1020 = arith.index_cast %get3A_1018 : i32 to index
        %get3A_1021 = arith.constant 48 : index
        %get3A_1022 = tpu.vector_load %arg4[%get3A_1019, %get3A_1020, %get3A_1021] {strides = array<i32>} : memref<4x16x128xf32, #tpu.memory_space<vmem>>, vector<16xf32>,
        %get3A_1023 = arith.constant 8 : i32
        %get3A_1024 = arith.index_cast %rem3A_94 : i32 to index
        %get3A_1025 = arith.index_cast %get3A_1023 : i32 to index
        %get3A_1026 = arith.constant 48 : index
        %get3A_1027 = tpu.vector_load %arg4[%get3A_1024, %get3A_1025, %get3A_1026] {strides = array<i32>} : memref<4x16x128xf32, #tpu.memory_space<vmem>>, vector<16xf32>,
        %get3A_1028 = arith.constant 9 : i32
        %get3A_1029 = arith.index_cast %rem3A_94 : i32 to index
        %get3A_1030 = arith.index_cast %get3A_1028 : i32 to index
        %get3A_1031 = arith.constant 48 : index
        %get3A_1032 = tpu.vector_load %arg4[%get3A_1029, %get3A_1030, %get3A_1031] {strides = array<i32>} : memref<4x16x128xf32, #tpu.memory_space<vmem>>, vector<16xf32>,
        %get3A_1033 = arith.constant 10 : i32
        %get3A_1034 = arith.index_cast %rem3A_94 : i32 to index
        %get3A_1035 = arith.index_cast %get3A_1033 : i32 to index
        %get3A_1036 = arith.constant 48 : index
        %get3A_1037 = tpu.vector_load %arg4[%get3A_1034, %get3A_1035, %get3A_1036] {strides = array<i32>} : memref<4x16x128xf32, #tpu.memory_space<vmem>>, vector<16xf32>,
        %get3A_1038 = arith.constant 11 : i32
        %get3A_1039 = arith.index_cast %rem3A_94 : i32 to index
        %get3A_1040 = arith.index_cast %get3A_1038 : i32 to index
        %get3A_1041 = arith.constant 48 : index
        %get3A_1042 = tpu.vector_load %arg4[%get3A_1039, %get3A_1040, %get3A_1041] {strides = array<i32>} : memref<4x16x128xf32, #tpu.memory_space<vmem>>, vector<16xf32>,
        %get3A_1043 = arith.constant 12 : i32
        %get3A_1044 = arith.index_cast %rem3A_94 : i32 to index
        %get3A_1045 = arith.index_cast %get3A_1043 : i32 to index
        %get3A_1046 = arith.constant 48 : index
        %get3A_1047 = tpu.vector_load %arg4[%get3A_1044, %get3A_1045, %get3A_1046] {strides = array<i32>} : memref<4x16x128xf32, #tpu.memory_space<vmem>>, vector<16xf32>,
        %get3A_1048 = arith.constant 13 : i32
        %get3A_1049 = arith.index_cast %rem3A_94 : i32 to index
        %get3A_1050 = arith.index_cast %get3A_1048 : i32 to index
        %get3A_1051 = arith.constant 48 : index
        %get3A_1052 = tpu.vector_load %arg4[%get3A_1049, %get3A_1050, %get3A_1051] {strides = array<i32>} : memref<4x16x128xf32, #tpu.memory_space<vmem>>, vector<16xf32>,
        %get3A_1053 = arith.constant 14 : i32
        %get3A_1054 = arith.index_cast %rem3A_94 : i32 to index
        %get3A_1055 = arith.index_cast %get3A_1053 : i32 to index
        %get3A_1056 = arith.constant 48 : index
        %get3A_1057 = tpu.vector_load %arg4[%get3A_1054, %get3A_1055, %get3A_1056] {strides = array<i32>} : memref<4x16x128xf32, #tpu.memory_space<vmem>>, vector<16xf32>,
        %get3A_1058 = arith.constant 15 : i32
        %get3A_1059 = arith.index_cast %rem3A_94 : i32 to index
        %get3A_1060 = arith.index_cast %get3A_1058 : i32 to index
        %get3A_1061 = arith.constant 48 : index
        %get3A_1062 = tpu.vector_load %arg4[%get3A_1059, %get3A_1060, %get3A_1061] {strides = array<i32>} : memref<4x16x128xf32, #tpu.memory_space<vmem>>, vector<16xf32>,
        %select_n3A_1063 = arith.select %eq3A_36, %get3A_1027, %get3A_987 : vector<16xi1>, vector<16xf32>
        %gather3A_1064 = vector.shape_cast %broadcast_in_dim3A_14 : vector<16x1xi32> to vector<16xi32>
        %gather3A_1065 = tpu.dynamic_gather %select_n3A_1063[%gather3A_1064] in [0] : vector<16xf32>, vector<16xi32> -> vector<16xf32>
        %select_n3A_1066 = arith.select %eq3A_36, %get3A_987, %gather3A_1065 : vector<16xi1>, vector<16xf32>
        %select_n3A_1067 = arith.select %eq3A_36, %gather3A_1065, %get3A_1027 : vector<16xi1>, vector<16xf32>
        %select_n3A_1068 = arith.select %eq3A_36, %get3A_1032, %get3A_992 : vector<16xi1>, vector<16xf32>
        %gather3A_1069 = vector.shape_cast %broadcast_in_dim3A_14 : vector<16x1xi32> to vector<16xi32>
        %gather3A_1070 = tpu.dynamic_gather %select_n3A_1068[%gather3A_1069] in [0] : vector<16xf32>, vector<16xi32> -> vector<16xf32>
        %select_n3A_1071 = arith.select %eq3A_36, %get3A_992, %gather3A_1070 : vector<16xi1>, vector<16xf32>
        %select_n3A_1072 = arith.select %eq3A_36, %gather3A_1070, %get3A_1032 : vector<16xi1>, vector<16xf32>
        %select_n3A_1073 = arith.select %eq3A_36, %get3A_1037, %get3A_997 : vector<16xi1>, vector<16xf32>
        %gather3A_1074 = vector.shape_cast %broadcast_in_dim3A_14 : vector<16x1xi32> to vector<16xi32>
        %gather3A_1075 = tpu.dynamic_gather %select_n3A_1073[%gather3A_1074] in [0] : vector<16xf32>, vector<16xi32> -> vector<16xf32>
        %select_n3A_1076 = arith.select %eq3A_36, %get3A_997, %gather3A_1075 : vector<16xi1>, vector<16xf32>
        %select_n3A_1077 = arith.select %eq3A_36, %gather3A_1075, %get3A_1037 : vector<16xi1>, vector<16xf32>
        %select_n3A_1078 = arith.select %eq3A_36, %get3A_1042, %get3A_1002 : vector<16xi1>, vector<16xf32>
        %gather3A_1079 = vector.shape_cast %broadcast_in_dim3A_14 : vector<16x1xi32> to vector<16xi32>
        %gather3A_1080 = tpu.dynamic_gather %select_n3A_1078[%gather3A_1079] in [0] : vector<16xf32>, vector<16xi32> -> vector<16xf32>
        %select_n3A_1081 = arith.select %eq3A_36, %get3A_1002, %gather3A_1080 : vector<16xi1>, vector<16xf32>
        %select_n3A_1082 = arith.select %eq3A_36, %gather3A_1080, %get3A_1042 : vector<16xi1>, vector<16xf32>
        %select_n3A_1083 = arith.select %eq3A_36, %get3A_1047, %get3A_1007 : vector<16xi1>, vector<16xf32>
        %gather3A_1084 = vector.shape_cast %broadcast_in_dim3A_14 : vector<16x1xi32> to vector<16xi32>
        %gather3A_1085 = tpu.dynamic_gather %select_n3A_1083[%gather3A_1084] in [0] : vector<16xf32>, vector<16xi32> -> vector<16xf32>
        %select_n3A_1086 = arith.select %eq3A_36, %get3A_1007, %gather3A_1085 : vector<16xi1>, vector<16xf32>
        %select_n3A_1087 = arith.select %eq3A_36, %gather3A_1085, %get3A_1047 : vector<16xi1>, vector<16xf32>
        %select_n3A_1088 = arith.select %eq3A_36, %get3A_1052, %get3A_1012 : vector<16xi1>, vector<16xf32>
        %gather3A_1089 = vector.shape_cast %broadcast_in_dim3A_14 : vector<16x1xi32> to vector<16xi32>
        %gather3A_1090 = tpu.dynamic_gather %select_n3A_1088[%gather3A_1089] in [0] : vector<16xf32>, vector<16xi32> -> vector<16xf32>
        %select_n3A_1091 = arith.select %eq3A_36, %get3A_1012, %gather3A_1090 : vector<16xi1>, vector<16xf32>
        %select_n3A_1092 = arith.select %eq3A_36, %gather3A_1090, %get3A_1052 : vector<16xi1>, vector<16xf32>
        %select_n3A_1093 = arith.select %eq3A_36, %get3A_1057, %get3A_1017 : vector<16xi1>, vector<16xf32>
        %gather3A_1094 = vector.shape_cast %broadcast_in_dim3A_14 : vector<16x1xi32> to vector<16xi32>
        %gather3A_1095 = tpu.dynamic_gather %select_n3A_1093[%gather3A_1094] in [0] : vector<16xf32>, vector<16xi32> -> vector<16xf32>
        %select_n3A_1096 = arith.select %eq3A_36, %get3A_1017, %gather3A_1095 : vector<16xi1>, vector<16xf32>
        %select_n3A_1097 = arith.select %eq3A_36, %gather3A_1095, %get3A_1057 : vector<16xi1>, vector<16xf32>
        %select_n3A_1098 = arith.select %eq3A_36, %get3A_1062, %get3A_1022 : vector<16xi1>, vector<16xf32>
        %gather3A_1099 = vector.shape_cast %broadcast_in_dim3A_14 : vector<16x1xi32> to vector<16xi32>
        %gather3A_1100 = tpu.dynamic_gather %select_n3A_1098[%gather3A_1099] in [0] : vector<16xf32>, vector<16xi32> -> vector<16xf32>
        %select_n3A_1101 = arith.select %eq3A_36, %get3A_1022, %gather3A_1100 : vector<16xi1>, vector<16xf32>
        %select_n3A_1102 = arith.select %eq3A_36, %gather3A_1100, %get3A_1062 : vector<16xi1>, vector<16xf32>
        %select_n3A_1103 = arith.select %eq3A_30, %select_n3A_1086, %select_n3A_1066 : vector<16xi1>, vector<16xf32>
        %gather3A_1104 = vector.shape_cast %broadcast_in_dim3A_10 : vector<16x1xi32> to vector<16xi32>
        %gather3A_1105 = tpu.dynamic_gather %select_n3A_1103[%gather3A_1104] in [0] : vector<16xf32>, vector<16xi32> -> vector<16xf32>
        %select_n3A_1106 = arith.select %eq3A_30, %select_n3A_1066, %gather3A_1105 : vector<16xi1>, vector<16xf32>
        %select_n3A_1107 = arith.select %eq3A_30, %gather3A_1105, %select_n3A_1086 : vector<16xi1>, vector<16xf32>
        %select_n3A_1108 = arith.select %eq3A_30, %select_n3A_1091, %select_n3A_1071 : vector<16xi1>, vector<16xf32>
        %gather3A_1109 = vector.shape_cast %broadcast_in_dim3A_10 : vector<16x1xi32> to vector<16xi32>
        %gather3A_1110 = tpu.dynamic_gather %select_n3A_1108[%gather3A_1109] in [0] : vector<16xf32>, vector<16xi32> -> vector<16xf32>
        %select_n3A_1111 = arith.select %eq3A_30, %select_n3A_1071, %gather3A_1110 : vector<16xi1>, vector<16xf32>
        %select_n3A_1112 = arith.select %eq3A_30, %gather3A_1110, %select_n3A_1091 : vector<16xi1>, vector<16xf32>
        %select_n3A_1113 = arith.select %eq3A_30, %select_n3A_1096, %select_n3A_1076 : vector<16xi1>, vector<16xf32>
        %gather3A_1114 = vector.shape_cast %broadcast_in_dim3A_10 : vector<16x1xi32> to vector<16xi32>
        %gather3A_1115 = tpu.dynamic_gather %select_n3A_1113[%gather3A_1114] in [0] : vector<16xf32>, vector<16xi32> -> vector<16xf32>
        %select_n3A_1116 = arith.select %eq3A_30, %select_n3A_1076, %gather3A_1115 : vector<16xi1>, vector<16xf32>
        %select_n3A_1117 = arith.select %eq3A_30, %gather3A_1115, %select_n3A_1096 : vector<16xi1>, vector<16xf32>
        %select_n3A_1118 = arith.select %eq3A_30, %select_n3A_1101, %select_n3A_1081 : vector<16xi1>, vector<16xf32>
        %gather3A_1119 = vector.shape_cast %broadcast_in_dim3A_10 : vector<16x1xi32> to vector<16xi32>
        %gather3A_1120 = tpu.dynamic_gather %select_n3A_1118[%gather3A_1119] in [0] : vector<16xf32>, vector<16xi32> -> vector<16xf32>
        %select_n3A_1121 = arith.select %eq3A_30, %select_n3A_1081, %gather3A_1120 : vector<16xi1>, vector<16xf32>
        %select_n3A_1122 = arith.select %eq3A_30, %gather3A_1120, %select_n3A_1101 : vector<16xi1>, vector<16xf32>
        %select_n3A_1123 = arith.select %eq3A_30, %select_n3A_1087, %select_n3A_1067 : vector<16xi1>, vector<16xf32>
        %gather3A_1124 = vector.shape_cast %broadcast_in_dim3A_10 : vector<16x1xi32> to vector<16xi32>
        %gather3A_1125 = tpu.dynamic_gather %select_n3A_1123[%gather3A_1124] in [0] : vector<16xf32>, vector<16xi32> -> vector<16xf32>
        %select_n3A_1126 = arith.select %eq3A_30, %select_n3A_1067, %gather3A_1125 : vector<16xi1>, vector<16xf32>
        %select_n3A_1127 = arith.select %eq3A_30, %gather3A_1125, %select_n3A_1087 : vector<16xi1>, vector<16xf32>
        %select_n3A_1128 = arith.select %eq3A_30, %select_n3A_1092, %select_n3A_1072 : vector<16xi1>, vector<16xf32>
        %gather3A_1129 = vector.shape_cast %broadcast_in_dim3A_10 : vector<16x1xi32> to vector<16xi32>
        %gather3A_1130 = tpu.dynamic_gather %select_n3A_1128[%gather3A_1129] in [0] : vector<16xf32>, vector<16xi32> -> vector<16xf32>
        %select_n3A_1131 = arith.select %eq3A_30, %select_n3A_1072, %gather3A_1130 : vector<16xi1>, vector<16xf32>
        %select_n3A_1132 = arith.select %eq3A_30, %gather3A_1130, %select_n3A_1092 : vector<16xi1>, vector<16xf32>
        %select_n3A_1133 = arith.select %eq3A_30, %select_n3A_1097, %select_n3A_1077 : vector<16xi1>, vector<16xf32>
        %gather3A_1134 = vector.shape_cast %broadcast_in_dim3A_10 : vector<16x1xi32> to vector<16xi32>
        %gather3A_1135 = tpu.dynamic_gather %select_n3A_1133[%gather3A_1134] in [0] : vector<16xf32>, vector<16xi32> -> vector<16xf32>
        %select_n3A_1136 = arith.select %eq3A_30, %select_n3A_1077, %gather3A_1135 : vector<16xi1>, vector<16xf32>
        %select_n3A_1137 = arith.select %eq3A_30, %gather3A_1135, %select_n3A_1097 : vector<16xi1>, vector<16xf32>
        %select_n3A_1138 = arith.select %eq3A_30, %select_n3A_1102, %select_n3A_1082 : vector<16xi1>, vector<16xf32>
        %gather3A_1139 = vector.shape_cast %broadcast_in_dim3A_10 : vector<16x1xi32> to vector<16xi32>
        %gather3A_1140 = tpu.dynamic_gather %select_n3A_1138[%gather3A_1139] in [0] : vector<16xf32>, vector<16xi32> -> vector<16xf32>
        %select_n3A_1141 = arith.select %eq3A_30, %select_n3A_1082, %gather3A_1140 : vector<16xi1>, vector<16xf32>
        %select_n3A_1142 = arith.select %eq3A_30, %gather3A_1140, %select_n3A_1102 : vector<16xi1>, vector<16xf32>
        %select_n3A_1143 = arith.select %eq3A_24, %select_n3A_1116, %select_n3A_1106 : vector<16xi1>, vector<16xf32>
        %gather3A_1144 = vector.shape_cast %broadcast_in_dim3A_6 : vector<16x1xi32> to vector<16xi32>
        %gather3A_1145 = tpu.dynamic_gather %select_n3A_1143[%gather3A_1144] in [0] : vector<16xf32>, vector<16xi32> -> vector<16xf32>
        %select_n3A_1146 = arith.select %eq3A_24, %select_n3A_1106, %gather3A_1145 : vector<16xi1>, vector<16xf32>
        %select_n3A_1147 = arith.select %eq3A_24, %gather3A_1145, %select_n3A_1116 : vector<16xi1>, vector<16xf32>
        %select_n3A_1148 = arith.select %eq3A_24, %select_n3A_1121, %select_n3A_1111 : vector<16xi1>, vector<16xf32>
        %gather3A_1149 = vector.shape_cast %broadcast_in_dim3A_6 : vector<16x1xi32> to vector<16xi32>
        %gather3A_1150 = tpu.dynamic_gather %select_n3A_1148[%gather3A_1149] in [0] : vector<16xf32>, vector<16xi32> -> vector<16xf32>
        %select_n3A_1151 = arith.select %eq3A_24, %select_n3A_1111, %gather3A_1150 : vector<16xi1>, vector<16xf32>
        %select_n3A_1152 = arith.select %eq3A_24, %gather3A_1150, %select_n3A_1121 : vector<16xi1>, vector<16xf32>
        %select_n3A_1153 = arith.select %eq3A_24, %select_n3A_1117, %select_n3A_1107 : vector<16xi1>, vector<16xf32>
        %gather3A_1154 = vector.shape_cast %broadcast_in_dim3A_6 : vector<16x1xi32> to vector<16xi32>
        %gather3A_1155 = tpu.dynamic_gather %select_n3A_1153[%gather3A_1154] in [0] : vector<16xf32>, vector<16xi32> -> vector<16xf32>
        %select_n3A_1156 = arith.select %eq3A_24, %select_n3A_1107, %gather3A_1155 : vector<16xi1>, vector<16xf32>
        %select_n3A_1157 = arith.select %eq3A_24, %gather3A_1155, %select_n3A_1117 : vector<16xi1>, vector<16xf32>
        %select_n3A_1158 = arith.select %eq3A_24, %select_n3A_1122, %select_n3A_1112 : vector<16xi1>, vector<16xf32>
        %gather3A_1159 = vector.shape_cast %broadcast_in_dim3A_6 : vector<16x1xi32> to vector<16xi32>
        %gather3A_1160 = tpu.dynamic_gather %select_n3A_1158[%gather3A_1159] in [0] : vector<16xf32>, vector<16xi32> -> vector<16xf32>
        %select_n3A_1161 = arith.select %eq3A_24, %select_n3A_1112, %gather3A_1160 : vector<16xi1>, vector<16xf32>
        %select_n3A_1162 = arith.select %eq3A_24, %gather3A_1160, %select_n3A_1122 : vector<16xi1>, vector<16xf32>
        %select_n3A_1163 = arith.select %eq3A_24, %select_n3A_1136, %select_n3A_1126 : vector<16xi1>, vector<16xf32>
        %gather3A_1164 = vector.shape_cast %broadcast_in_dim3A_6 : vector<16x1xi32> to vector<16xi32>
        %gather3A_1165 = tpu.dynamic_gather %select_n3A_1163[%gather3A_1164] in [0] : vector<16xf32>, vector<16xi32> -> vector<16xf32>
        %select_n3A_1166 = arith.select %eq3A_24, %select_n3A_1126, %gather3A_1165 : vector<16xi1>, vector<16xf32>
        %select_n3A_1167 = arith.select %eq3A_24, %gather3A_1165, %select_n3A_1136 : vector<16xi1>, vector<16xf32>
        %select_n3A_1168 = arith.select %eq3A_24, %select_n3A_1141, %select_n3A_1131 : vector<16xi1>, vector<16xf32>
        %gather3A_1169 = vector.shape_cast %broadcast_in_dim3A_6 : vector<16x1xi32> to vector<16xi32>
        %gather3A_1170 = tpu.dynamic_gather %select_n3A_1168[%gather3A_1169] in [0] : vector<16xf32>, vector<16xi32> -> vector<16xf32>
        %select_n3A_1171 = arith.select %eq3A_24, %select_n3A_1131, %gather3A_1170 : vector<16xi1>, vector<16xf32>
        %select_n3A_1172 = arith.select %eq3A_24, %gather3A_1170, %select_n3A_1141 : vector<16xi1>, vector<16xf32>
        %select_n3A_1173 = arith.select %eq3A_24, %select_n3A_1137, %select_n3A_1127 : vector<16xi1>, vector<16xf32>
        %gather3A_1174 = vector.shape_cast %broadcast_in_dim3A_6 : vector<16x1xi32> to vector<16xi32>
        %gather3A_1175 = tpu.dynamic_gather %select_n3A_1173[%gather3A_1174] in [0] : vector<16xf32>, vector<16xi32> -> vector<16xf32>
        %select_n3A_1176 = arith.select %eq3A_24, %select_n3A_1127, %gather3A_1175 : vector<16xi1>, vector<16xf32>
        %select_n3A_1177 = arith.select %eq3A_24, %gather3A_1175, %select_n3A_1137 : vector<16xi1>, vector<16xf32>
        %select_n3A_1178 = arith.select %eq3A_24, %select_n3A_1142, %select_n3A_1132 : vector<16xi1>, vector<16xf32>
        %gather3A_1179 = vector.shape_cast %broadcast_in_dim3A_6 : vector<16x1xi32> to vector<16xi32>
        %gather3A_1180 = tpu.dynamic_gather %select_n3A_1178[%gather3A_1179] in [0] : vector<16xf32>, vector<16xi32> -> vector<16xf32>
        %select_n3A_1181 = arith.select %eq3A_24, %select_n3A_1132, %gather3A_1180 : vector<16xi1>, vector<16xf32>
        %select_n3A_1182 = arith.select %eq3A_24, %gather3A_1180, %select_n3A_1142 : vector<16xi1>, vector<16xf32>
        %select_n3A_1183 = arith.select %eq3A_18, %select_n3A_1151, %select_n3A_1146 : vector<16xi1>, vector<16xf32>
        %gather3A_1184 = vector.shape_cast %broadcast_in_dim3A : vector<16x1xi32> to vector<16xi32>
        %gather3A_1185 = tpu.dynamic_gather %select_n3A_1183[%gather3A_1184] in [0] : vector<16xf32>, vector<16xi32> -> vector<16xf32>
        %select_n3A_1186 = arith.select %eq3A_18, %select_n3A_1146, %gather3A_1185 : vector<16xi1>, vector<16xf32>
        %select_n3A_1187 = arith.select %eq3A_18, %gather3A_1185, %select_n3A_1151 : vector<16xi1>, vector<16xf32>
        %select_n3A_1188 = arith.select %eq3A_18, %select_n3A_1152, %select_n3A_1147 : vector<16xi1>, vector<16xf32>
        %gather3A_1189 = vector.shape_cast %broadcast_in_dim3A : vector<16x1xi32> to vector<16xi32>
        %gather3A_1190 = tpu.dynamic_gather %select_n3A_1188[%gather3A_1189] in [0] : vector<16xf32>, vector<16xi32> -> vector<16xf32>
        %select_n3A_1191 = arith.select %eq3A_18, %select_n3A_1147, %gather3A_1190 : vector<16xi1>, vector<16xf32>
        %select_n3A_1192 = arith.select %eq3A_18, %gather3A_1190, %select_n3A_1152 : vector<16xi1>, vector<16xf32>
        %select_n3A_1193 = arith.select %eq3A_18, %select_n3A_1161, %select_n3A_1156 : vector<16xi1>, vector<16xf32>
        %gather3A_1194 = vector.shape_cast %broadcast_in_dim3A : vector<16x1xi32> to vector<16xi32>
        %gather3A_1195 = tpu.dynamic_gather %select_n3A_1193[%gather3A_1194] in [0] : vector<16xf32>, vector<16xi32> -> vector<16xf32>
        %select_n3A_1196 = arith.select %eq3A_18, %select_n3A_1156, %gather3A_1195 : vector<16xi1>, vector<16xf32>
        %select_n3A_1197 = arith.select %eq3A_18, %gather3A_1195, %select_n3A_1161 : vector<16xi1>, vector<16xf32>
        %select_n3A_1198 = arith.select %eq3A_18, %select_n3A_1162, %select_n3A_1157 : vector<16xi1>, vector<16xf32>
        %gather3A_1199 = vector.shape_cast %broadcast_in_dim3A : vector<16x1xi32> to vector<16xi32>
        %gather3A_1200 = tpu.dynamic_gather %select_n3A_1198[%gather3A_1199] in [0] : vector<16xf32>, vector<16xi32> -> vector<16xf32>
        %select_n3A_1201 = arith.select %eq3A_18, %select_n3A_1157, %gather3A_1200 : vector<16xi1>, vector<16xf32>
        %select_n3A_1202 = arith.select %eq3A_18, %gather3A_1200, %select_n3A_1162 : vector<16xi1>, vector<16xf32>
        %select_n3A_1203 = arith.select %eq3A_18, %select_n3A_1171, %select_n3A_1166 : vector<16xi1>, vector<16xf32>
        %gather3A_1204 = vector.shape_cast %broadcast_in_dim3A : vector<16x1xi32> to vector<16xi32>
        %gather3A_1205 = tpu.dynamic_gather %select_n3A_1203[%gather3A_1204] in [0] : vector<16xf32>, vector<16xi32> -> vector<16xf32>
        %select_n3A_1206 = arith.select %eq3A_18, %select_n3A_1166, %gather3A_1205 : vector<16xi1>, vector<16xf32>
        %select_n3A_1207 = arith.select %eq3A_18, %gather3A_1205, %select_n3A_1171 : vector<16xi1>, vector<16xf32>
        %select_n3A_1208 = arith.select %eq3A_18, %select_n3A_1172, %select_n3A_1167 : vector<16xi1>, vector<16xf32>
        %gather3A_1209 = vector.shape_cast %broadcast_in_dim3A : vector<16x1xi32> to vector<16xi32>
        %gather3A_1210 = tpu.dynamic_gather %select_n3A_1208[%gather3A_1209] in [0] : vector<16xf32>, vector<16xi32> -> vector<16xf32>
        %select_n3A_1211 = arith.select %eq3A_18, %select_n3A_1167, %gather3A_1210 : vector<16xi1>, vector<16xf32>
        %select_n3A_1212 = arith.select %eq3A_18, %gather3A_1210, %select_n3A_1172 : vector<16xi1>, vector<16xf32>
        %select_n3A_1213 = arith.select %eq3A_18, %select_n3A_1181, %select_n3A_1176 : vector<16xi1>, vector<16xf32>
        %gather3A_1214 = vector.shape_cast %broadcast_in_dim3A : vector<16x1xi32> to vector<16xi32>
        %gather3A_1215 = tpu.dynamic_gather %select_n3A_1213[%gather3A_1214] in [0] : vector<16xf32>, vector<16xi32> -> vector<16xf32>
        %select_n3A_1216 = arith.select %eq3A_18, %select_n3A_1176, %gather3A_1215 : vector<16xi1>, vector<16xf32>
        %select_n3A_1217 = arith.select %eq3A_18, %gather3A_1215, %select_n3A_1181 : vector<16xi1>, vector<16xf32>
        %select_n3A_1218 = arith.select %eq3A_18, %select_n3A_1182, %select_n3A_1177 : vector<16xi1>, vector<16xf32>
        %gather3A_1219 = vector.shape_cast %broadcast_in_dim3A : vector<16x1xi32> to vector<16xi32>
        %gather3A_1220 = tpu.dynamic_gather %select_n3A_1218[%gather3A_1219] in [0] : vector<16xf32>, vector<16xi32> -> vector<16xf32>
        %select_n3A_1221 = arith.select %eq3A_18, %select_n3A_1177, %gather3A_1220 : vector<16xi1>, vector<16xf32>
        %select_n3A_1222 = arith.select %eq3A_18, %gather3A_1220, %select_n3A_1182 : vector<16xi1>, vector<16xf32>
        %swap3A_1223 = arith.index_cast %rem3A_96 : i32 to index
        %swap3A_1224 = arith.constant 768 : index
        %swap3A_1225 = tpu.vector_load %arg5[%swap3A_1223, %swap3A_1224] {strides = array<i32>} : memref<2x2048xf32, #tpu.memory_space<vmem>>, vector<16xf32>,
        tpu.vector_store %arg5[%swap3A_1223, %swap3A_1224], %select_n3A_1186 {strides = array<i32>} : memref<2x2048xf32, #tpu.memory_space<vmem>>, vector<16xf32>,
        %swap3A_1226 = arith.index_cast %rem3A_96 : i32 to index
        %swap3A_1227 = arith.constant 784 : index
        %swap3A_1228 = tpu.vector_load %arg5[%swap3A_1226, %swap3A_1227] {strides = array<i32>} : memref<2x2048xf32, #tpu.memory_space<vmem>>, vector<16xf32>,
        tpu.vector_store %arg5[%swap3A_1226, %swap3A_1227], %select_n3A_1187 {strides = array<i32>} : memref<2x2048xf32, #tpu.memory_space<vmem>>, vector<16xf32>,
        %swap3A_1229 = arith.index_cast %rem3A_96 : i32 to index
        %swap3A_1230 = arith.constant 800 : index
        %swap3A_1231 = tpu.vector_load %arg5[%swap3A_1229, %swap3A_1230] {strides = array<i32>} : memref<2x2048xf32, #tpu.memory_space<vmem>>, vector<16xf32>,
        tpu.vector_store %arg5[%swap3A_1229, %swap3A_1230], %select_n3A_1191 {strides = array<i32>} : memref<2x2048xf32, #tpu.memory_space<vmem>>, vector<16xf32>,
        %swap3A_1232 = arith.index_cast %rem3A_96 : i32 to index
        %swap3A_1233 = arith.constant 816 : index
        %swap3A_1234 = tpu.vector_load %arg5[%swap3A_1232, %swap3A_1233] {strides = array<i32>} : memref<2x2048xf32, #tpu.memory_space<vmem>>, vector<16xf32>,
        tpu.vector_store %arg5[%swap3A_1232, %swap3A_1233], %select_n3A_1192 {strides = array<i32>} : memref<2x2048xf32, #tpu.memory_space<vmem>>, vector<16xf32>,
        %swap3A_1235 = arith.index_cast %rem3A_96 : i32 to index
        %swap3A_1236 = arith.constant 832 : index
        %swap3A_1237 = tpu.vector_load %arg5[%swap3A_1235, %swap3A_1236] {strides = array<i32>} : memref<2x2048xf32, #tpu.memory_space<vmem>>, vector<16xf32>,
        tpu.vector_store %arg5[%swap3A_1235, %swap3A_1236], %select_n3A_1196 {strides = array<i32>} : memref<2x2048xf32, #tpu.memory_space<vmem>>, vector<16xf32>,
        %swap3A_1238 = arith.index_cast %rem3A_96 : i32 to index
        %swap3A_1239 = arith.constant 848 : index
        %swap3A_1240 = tpu.vector_load %arg5[%swap3A_1238, %swap3A_1239] {strides = array<i32>} : memref<2x2048xf32, #tpu.memory_space<vmem>>, vector<16xf32>,
        tpu.vector_store %arg5[%swap3A_1238, %swap3A_1239], %select_n3A_1197 {strides = array<i32>} : memref<2x2048xf32, #tpu.memory_space<vmem>>, vector<16xf32>,
        %swap3A_1241 = arith.index_cast %rem3A_96 : i32 to index
        %swap3A_1242 = arith.constant 864 : index
        %swap3A_1243 = tpu.vector_load %arg5[%swap3A_1241, %swap3A_1242] {strides = array<i32>} : memref<2x2048xf32, #tpu.memory_space<vmem>>, vector<16xf32>,
        tpu.vector_store %arg5[%swap3A_1241, %swap3A_1242], %select_n3A_1201 {strides = array<i32>} : memref<2x2048xf32, #tpu.memory_space<vmem>>, vector<16xf32>,
        %swap3A_1244 = arith.index_cast %rem3A_96 : i32 to index
        %swap3A_1245 = arith.constant 880 : index
        %swap3A_1246 = tpu.vector_load %arg5[%swap3A_1244, %swap3A_1245] {strides = array<i32>} : memref<2x2048xf32, #tpu.memory_space<vmem>>, vector<16xf32>,
        tpu.vector_store %arg5[%swap3A_1244, %swap3A_1245], %select_n3A_1202 {strides = array<i32>} : memref<2x2048xf32, #tpu.memory_space<vmem>>, vector<16xf32>,
        %swap3A_1247 = arith.index_cast %rem3A_96 : i32 to index
        %swap3A_1248 = arith.constant 896 : index
        %swap3A_1249 = tpu.vector_load %arg5[%swap3A_1247, %swap3A_1248] {strides = array<i32>} : memref<2x2048xf32, #tpu.memory_space<vmem>>, vector<16xf32>,
        tpu.vector_store %arg5[%swap3A_1247, %swap3A_1248], %select_n3A_1206 {strides = array<i32>} : memref<2x2048xf32, #tpu.memory_space<vmem>>, vector<16xf32>,
        %swap3A_1250 = arith.index_cast %rem3A_96 : i32 to index
        %swap3A_1251 = arith.constant 912 : index
        %swap3A_1252 = tpu.vector_load %arg5[%swap3A_1250, %swap3A_1251] {strides = array<i32>} : memref<2x2048xf32, #tpu.memory_space<vmem>>, vector<16xf32>,
        tpu.vector_store %arg5[%swap3A_1250, %swap3A_1251], %select_n3A_1207 {strides = array<i32>} : memref<2x2048xf32, #tpu.memory_space<vmem>>, vector<16xf32>,
        %swap3A_1253 = arith.index_cast %rem3A_96 : i32 to index
        %swap3A_1254 = arith.constant 928 : index
        %swap3A_1255 = tpu.vector_load %arg5[%swap3A_1253, %swap3A_1254] {strides = array<i32>} : memref<2x2048xf32, #tpu.memory_space<vmem>>, vector<16xf32>,
        tpu.vector_store %arg5[%swap3A_1253, %swap3A_1254], %select_n3A_1211 {strides = array<i32>} : memref<2x2048xf32, #tpu.memory_space<vmem>>, vector<16xf32>,
        %swap3A_1256 = arith.index_cast %rem3A_96 : i32 to index
        %swap3A_1257 = arith.constant 944 : index
        %swap3A_1258 = tpu.vector_load %arg5[%swap3A_1256, %swap3A_1257] {strides = array<i32>} : memref<2x2048xf32, #tpu.memory_space<vmem>>, vector<16xf32>,
        tpu.vector_store %arg5[%swap3A_1256, %swap3A_1257], %select_n3A_1212 {strides = array<i32>} : memref<2x2048xf32, #tpu.memory_space<vmem>>, vector<16xf32>,
        %swap3A_1259 = arith.index_cast %rem3A_96 : i32 to index
        %swap3A_1260 = arith.constant 960 : index
        %swap3A_1261 = tpu.vector_load %arg5[%swap3A_1259, %swap3A_1260] {strides = array<i32>} : memref<2x2048xf32, #tpu.memory_space<vmem>>, vector<16xf32>,
        tpu.vector_store %arg5[%swap3A_1259, %swap3A_1260], %select_n3A_1216 {strides = array<i32>} : memref<2x2048xf32, #tpu.memory_space<vmem>>, vector<16xf32>,
        %swap3A_1262 = arith.index_cast %rem3A_96 : i32 to index
        %swap3A_1263 = arith.constant 976 : index
        %swap3A_1264 = tpu.vector_load %arg5[%swap3A_1262, %swap3A_1263] {strides = array<i32>} : memref<2x2048xf32, #tpu.memory_space<vmem>>, vector<16xf32>,
        tpu.vector_store %arg5[%swap3A_1262, %swap3A_1263], %select_n3A_1217 {strides = array<i32>} : memref<2x2048xf32, #tpu.memory_space<vmem>>, vector<16xf32>,
        %swap3A_1265 = arith.index_cast %rem3A_96 : i32 to index
        %swap3A_1266 = arith.constant 992 : index
        %swap3A_1267 = tpu.vector_load %arg5[%swap3A_1265, %swap3A_1266] {strides = array<i32>} : memref<2x2048xf32, #tpu.memory_space<vmem>>, vector<16xf32>,
        tpu.vector_store %arg5[%swap3A_1265, %swap3A_1266], %select_n3A_1221 {strides = array<i32>} : memref<2x2048xf32, #tpu.memory_space<vmem>>, vector<16xf32>,
        %swap3A_1268 = arith.index_cast %rem3A_96 : i32 to index
        %swap3A_1269 = arith.constant 1008 : index
        %swap3A_1270 = tpu.vector_load %arg5[%swap3A_1268, %swap3A_1269] {strides = array<i32>} : memref<2x2048xf32, #tpu.memory_space<vmem>>, vector<16xf32>,
        tpu.vector_store %arg5[%swap3A_1268, %swap3A_1269], %select_n3A_1222 {strides = array<i32>} : memref<2x2048xf32, #tpu.memory_space<vmem>>, vector<16xf32>,
        %get3A_1271 = arith.constant 0 : i32
        %get3A_1272 = arith.index_cast %rem3A_94 : i32 to index
        %get3A_1273 = arith.index_cast %get3A_1271 : i32 to index
        %get3A_1274 = arith.constant 64 : index
        %get3A_1275 = tpu.vector_load %arg4[%get3A_1272, %get3A_1273, %get3A_1274] {strides = array<i32>} : memref<4x16x128xf32, #tpu.memory_space<vmem>>, vector<16xf32>,
        %get3A_1276 = arith.constant 1 : i32
        %get3A_1277 = arith.index_cast %rem3A_94 : i32 to index
        %get3A_1278 = arith.index_cast %get3A_1276 : i32 to index
        %get3A_1279 = arith.constant 64 : index
        %get3A_1280 = tpu.vector_load %arg4[%get3A_1277, %get3A_1278, %get3A_1279] {strides = array<i32>} : memref<4x16x128xf32, #tpu.memory_space<vmem>>, vector<16xf32>,
        %get3A_1281 = arith.constant 2 : i32
        %get3A_1282 = arith.index_cast %rem3A_94 : i32 to index
        %get3A_1283 = arith.index_cast %get3A_1281 : i32 to index
        %get3A_1284 = arith.constant 64 : index
        %get3A_1285 = tpu.vector_load %arg4[%get3A_1282, %get3A_1283, %get3A_1284] {strides = array<i32>} : memref<4x16x128xf32, #tpu.memory_space<vmem>>, vector<16xf32>,
        %get3A_1286 = arith.constant 3 : i32
        %get3A_1287 = arith.index_cast %rem3A_94 : i32 to index
        %get3A_1288 = arith.index_cast %get3A_1286 : i32 to index
        %get3A_1289 = arith.constant 64 : index
        %get3A_1290 = tpu.vector_load %arg4[%get3A_1287, %get3A_1288, %get3A_1289] {strides = array<i32>} : memref<4x16x128xf32, #tpu.memory_space<vmem>>, vector<16xf32>,
        %get3A_1291 = arith.constant 4 : i32
        %get3A_1292 = arith.index_cast %rem3A_94 : i32 to index
        %get3A_1293 = arith.index_cast %get3A_1291 : i32 to index
        %get3A_1294 = arith.constant 64 : index
        %get3A_1295 = tpu.vector_load %arg4[%get3A_1292, %get3A_1293, %get3A_1294] {strides = array<i32>} : memref<4x16x128xf32, #tpu.memory_space<vmem>>, vector<16xf32>,
        %get3A_1296 = arith.constant 5 : i32
        %get3A_1297 = arith.index_cast %rem3A_94 : i32 to index
        %get3A_1298 = arith.index_cast %get3A_1296 : i32 to index
        %get3A_1299 = arith.constant 64 : index
        %get3A_1300 = tpu.vector_load %arg4[%get3A_1297, %get3A_1298, %get3A_1299] {strides = array<i32>} : memref<4x16x128xf32, #tpu.memory_space<vmem>>, vector<16xf32>,
        %get3A_1301 = arith.constant 6 : i32
        %get3A_1302 = arith.index_cast %rem3A_94 : i32 to index
        %get3A_1303 = arith.index_cast %get3A_1301 : i32 to index
        %get3A_1304 = arith.constant 64 : index
        %get3A_1305 = tpu.vector_load %arg4[%get3A_1302, %get3A_1303, %get3A_1304] {strides = array<i32>} : memref<4x16x128xf32, #tpu.memory_space<vmem>>, vector<16xf32>,
        %get3A_1306 = arith.constant 7 : i32
        %get3A_1307 = arith.index_cast %rem3A_94 : i32 to index
        %get3A_1308 = arith.index_cast %get3A_1306 : i32 to index
        %get3A_1309 = arith.constant 64 : index
        %get3A_1310 = tpu.vector_load %arg4[%get3A_1307, %get3A_1308, %get3A_1309] {strides = array<i32>} : memref<4x16x128xf32, #tpu.memory_space<vmem>>, vector<16xf32>,
        %get3A_1311 = arith.constant 8 : i32
        %get3A_1312 = arith.index_cast %rem3A_94 : i32 to index
        %get3A_1313 = arith.index_cast %get3A_1311 : i32 to index
        %get3A_1314 = arith.constant 64 : index
        %get3A_1315 = tpu.vector_load %arg4[%get3A_1312, %get3A_1313, %get3A_1314] {strides = array<i32>} : memref<4x16x128xf32, #tpu.memory_space<vmem>>, vector<16xf32>,
        %get3A_1316 = arith.constant 9 : i32
        %get3A_1317 = arith.index_cast %rem3A_94 : i32 to index
        %get3A_1318 = arith.index_cast %get3A_1316 : i32 to index
        %get3A_1319 = arith.constant 64 : index
        %get3A_1320 = tpu.vector_load %arg4[%get3A_1317, %get3A_1318, %get3A_1319] {strides = array<i32>} : memref<4x16x128xf32, #tpu.memory_space<vmem>>, vector<16xf32>,
        %get3A_1321 = arith.constant 10 : i32
        %get3A_1322 = arith.index_cast %rem3A_94 : i32 to index
        %get3A_1323 = arith.index_cast %get3A_1321 : i32 to index
        %get3A_1324 = arith.constant 64 : index
        %get3A_1325 = tpu.vector_load %arg4[%get3A_1322, %get3A_1323, %get3A_1324] {strides = array<i32>} : memref<4x16x128xf32, #tpu.memory_space<vmem>>, vector<16xf32>,
        %get3A_1326 = arith.constant 11 : i32
        %get3A_1327 = arith.index_cast %rem3A_94 : i32 to index
        %get3A_1328 = arith.index_cast %get3A_1326 : i32 to index
        %get3A_1329 = arith.constant 64 : index
        %get3A_1330 = tpu.vector_load %arg4[%get3A_1327, %get3A_1328, %get3A_1329] {strides = array<i32>} : memref<4x16x128xf32, #tpu.memory_space<vmem>>, vector<16xf32>,
        %get3A_1331 = arith.constant 12 : i32
        %get3A_1332 = arith.index_cast %rem3A_94 : i32 to index
        %get3A_1333 = arith.index_cast %get3A_1331 : i32 to index
        %get3A_1334 = arith.constant 64 : index
        %get3A_1335 = tpu.vector_load %arg4[%get3A_1332, %get3A_1333, %get3A_1334] {strides = array<i32>} : memref<4x16x128xf32, #tpu.memory_space<vmem>>, vector<16xf32>,
        %get3A_1336 = arith.constant 13 : i32
        %get3A_1337 = arith.index_cast %rem3A_94 : i32 to index
        %get3A_1338 = arith.index_cast %get3A_1336 : i32 to index
        %get3A_1339 = arith.constant 64 : index
        %get3A_1340 = tpu.vector_load %arg4[%get3A_1337, %get3A_1338, %get3A_1339] {strides = array<i32>} : memref<4x16x128xf32, #tpu.memory_space<vmem>>, vector<16xf32>,
        %get3A_1341 = arith.constant 14 : i32
        %get3A_1342 = arith.index_cast %rem3A_94 : i32 to index
        %get3A_1343 = arith.index_cast %get3A_1341 : i32 to index
        %get3A_1344 = arith.constant 64 : index
        %get3A_1345 = tpu.vector_load %arg4[%get3A_1342, %get3A_1343, %get3A_1344] {strides = array<i32>} : memref<4x16x128xf32, #tpu.memory_space<vmem>>, vector<16xf32>,
        %get3A_1346 = arith.constant 15 : i32
        %get3A_1347 = arith.index_cast %rem3A_94 : i32 to index
        %get3A_1348 = arith.index_cast %get3A_1346 : i32 to index
        %get3A_1349 = arith.constant 64 : index
        %get3A_1350 = tpu.vector_load %arg4[%get3A_1347, %get3A_1348, %get3A_1349] {strides = array<i32>} : memref<4x16x128xf32, #tpu.memory_space<vmem>>, vector<16xf32>,
        %select_n3A_1351 = arith.select %eq3A_36, %get3A_1315, %get3A_1275 : vector<16xi1>, vector<16xf32>
        %gather3A_1352 = vector.shape_cast %broadcast_in_dim3A_14 : vector<16x1xi32> to vector<16xi32>
        %gather3A_1353 = tpu.dynamic_gather %select_n3A_1351[%gather3A_1352] in [0] : vector<16xf32>, vector<16xi32> -> vector<16xf32>
        %select_n3A_1354 = arith.select %eq3A_36, %get3A_1275, %gather3A_1353 : vector<16xi1>, vector<16xf32>
        %select_n3A_1355 = arith.select %eq3A_36, %gather3A_1353, %get3A_1315 : vector<16xi1>, vector<16xf32>
        %select_n3A_1356 = arith.select %eq3A_36, %get3A_1320, %get3A_1280 : vector<16xi1>, vector<16xf32>
        %gather3A_1357 = vector.shape_cast %broadcast_in_dim3A_14 : vector<16x1xi32> to vector<16xi32>
        %gather3A_1358 = tpu.dynamic_gather %select_n3A_1356[%gather3A_1357] in [0] : vector<16xf32>, vector<16xi32> -> vector<16xf32>
        %select_n3A_1359 = arith.select %eq3A_36, %get3A_1280, %gather3A_1358 : vector<16xi1>, vector<16xf32>
        %select_n3A_1360 = arith.select %eq3A_36, %gather3A_1358, %get3A_1320 : vector<16xi1>, vector<16xf32>
        %select_n3A_1361 = arith.select %eq3A_36, %get3A_1325, %get3A_1285 : vector<16xi1>, vector<16xf32>
        %gather3A_1362 = vector.shape_cast %broadcast_in_dim3A_14 : vector<16x1xi32> to vector<16xi32>
        %gather3A_1363 = tpu.dynamic_gather %select_n3A_1361[%gather3A_1362] in [0] : vector<16xf32>, vector<16xi32> -> vector<16xf32>
        %select_n3A_1364 = arith.select %eq3A_36, %get3A_1285, %gather3A_1363 : vector<16xi1>, vector<16xf32>
        %select_n3A_1365 = arith.select %eq3A_36, %gather3A_1363, %get3A_1325 : vector<16xi1>, vector<16xf32>
        %select_n3A_1366 = arith.select %eq3A_36, %get3A_1330, %get3A_1290 : vector<16xi1>, vector<16xf32>
        %gather3A_1367 = vector.shape_cast %broadcast_in_dim3A_14 : vector<16x1xi32> to vector<16xi32>
        %gather3A_1368 = tpu.dynamic_gather %select_n3A_1366[%gather3A_1367] in [0] : vector<16xf32>, vector<16xi32> -> vector<16xf32>
        %select_n3A_1369 = arith.select %eq3A_36, %get3A_1290, %gather3A_1368 : vector<16xi1>, vector<16xf32>
        %select_n3A_1370 = arith.select %eq3A_36, %gather3A_1368, %get3A_1330 : vector<16xi1>, vector<16xf32>
        %select_n3A_1371 = arith.select %eq3A_36, %get3A_1335, %get3A_1295 : vector<16xi1>, vector<16xf32>
        %gather3A_1372 = vector.shape_cast %broadcast_in_dim3A_14 : vector<16x1xi32> to vector<16xi32>
        %gather3A_1373 = tpu.dynamic_gather %select_n3A_1371[%gather3A_1372] in [0] : vector<16xf32>, vector<16xi32> -> vector<16xf32>
        %select_n3A_1374 = arith.select %eq3A_36, %get3A_1295, %gather3A_1373 : vector<16xi1>, vector<16xf32>
        %select_n3A_1375 = arith.select %eq3A_36, %gather3A_1373, %get3A_1335 : vector<16xi1>, vector<16xf32>
        %select_n3A_1376 = arith.select %eq3A_36, %get3A_1340, %get3A_1300 : vector<16xi1>, vector<16xf32>
        %gather3A_1377 = vector.shape_cast %broadcast_in_dim3A_14 : vector<16x1xi32> to vector<16xi32>
        %gather3A_1378 = tpu.dynamic_gather %select_n3A_1376[%gather3A_1377] in [0] : vector<16xf32>, vector<16xi32> -> vector<16xf32>
        %select_n3A_1379 = arith.select %eq3A_36, %get3A_1300, %gather3A_1378 : vector<16xi1>, vector<16xf32>
        %select_n3A_1380 = arith.select %eq3A_36, %gather3A_1378, %get3A_1340 : vector<16xi1>, vector<16xf32>
        %select_n3A_1381 = arith.select %eq3A_36, %get3A_1345, %get3A_1305 : vector<16xi1>, vector<16xf32>
        %gather3A_1382 = vector.shape_cast %broadcast_in_dim3A_14 : vector<16x1xi32> to vector<16xi32>
        %gather3A_1383 = tpu.dynamic_gather %select_n3A_1381[%gather3A_1382] in [0] : vector<16xf32>, vector<16xi32> -> vector<16xf32>
        %select_n3A_1384 = arith.select %eq3A_36, %get3A_1305, %gather3A_1383 : vector<16xi1>, vector<16xf32>
        %select_n3A_1385 = arith.select %eq3A_36, %gather3A_1383, %get3A_1345 : vector<16xi1>, vector<16xf32>
        %select_n3A_1386 = arith.select %eq3A_36, %get3A_1350, %get3A_1310 : vector<16xi1>, vector<16xf32>
        %gather3A_1387 = vector.shape_cast %broadcast_in_dim3A_14 : vector<16x1xi32> to vector<16xi32>
        %gather3A_1388 = tpu.dynamic_gather %select_n3A_1386[%gather3A_1387] in [0] : vector<16xf32>, vector<16xi32> -> vector<16xf32>
        %select_n3A_1389 = arith.select %eq3A_36, %get3A_1310, %gather3A_1388 : vector<16xi1>, vector<16xf32>
        %select_n3A_1390 = arith.select %eq3A_36, %gather3A_1388, %get3A_1350 : vector<16xi1>, vector<16xf32>
        %select_n3A_1391 = arith.select %eq3A_30, %select_n3A_1374, %select_n3A_1354 : vector<16xi1>, vector<16xf32>
        %gather3A_1392 = vector.shape_cast %broadcast_in_dim3A_10 : vector<16x1xi32> to vector<16xi32>
        %gather3A_1393 = tpu.dynamic_gather %select_n3A_1391[%gather3A_1392] in [0] : vector<16xf32>, vector<16xi32> -> vector<16xf32>
        %select_n3A_1394 = arith.select %eq3A_30, %select_n3A_1354, %gather3A_1393 : vector<16xi1>, vector<16xf32>
        %select_n3A_1395 = arith.select %eq3A_30, %gather3A_1393, %select_n3A_1374 : vector<16xi1>, vector<16xf32>
        %select_n3A_1396 = arith.select %eq3A_30, %select_n3A_1379, %select_n3A_1359 : vector<16xi1>, vector<16xf32>
        %gather3A_1397 = vector.shape_cast %broadcast_in_dim3A_10 : vector<16x1xi32> to vector<16xi32>
        %gather3A_1398 = tpu.dynamic_gather %select_n3A_1396[%gather3A_1397] in [0] : vector<16xf32>, vector<16xi32> -> vector<16xf32>
        %select_n3A_1399 = arith.select %eq3A_30, %select_n3A_1359, %gather3A_1398 : vector<16xi1>, vector<16xf32>
        %select_n3A_1400 = arith.select %eq3A_30, %gather3A_1398, %select_n3A_1379 : vector<16xi1>, vector<16xf32>
        %select_n3A_1401 = arith.select %eq3A_30, %select_n3A_1384, %select_n3A_1364 : vector<16xi1>, vector<16xf32>
        %gather3A_1402 = vector.shape_cast %broadcast_in_dim3A_10 : vector<16x1xi32> to vector<16xi32>
        %gather3A_1403 = tpu.dynamic_gather %select_n3A_1401[%gather3A_1402] in [0] : vector<16xf32>, vector<16xi32> -> vector<16xf32>
        %select_n3A_1404 = arith.select %eq3A_30, %select_n3A_1364, %gather3A_1403 : vector<16xi1>, vector<16xf32>
        %select_n3A_1405 = arith.select %eq3A_30, %gather3A_1403, %select_n3A_1384 : vector<16xi1>, vector<16xf32>
        %select_n3A_1406 = arith.select %eq3A_30, %select_n3A_1389, %select_n3A_1369 : vector<16xi1>, vector<16xf32>
        %gather3A_1407 = vector.shape_cast %broadcast_in_dim3A_10 : vector<16x1xi32> to vector<16xi32>
        %gather3A_1408 = tpu.dynamic_gather %select_n3A_1406[%gather3A_1407] in [0] : vector<16xf32>, vector<16xi32> -> vector<16xf32>
        %select_n3A_1409 = arith.select %eq3A_30, %select_n3A_1369, %gather3A_1408 : vector<16xi1>, vector<16xf32>
        %select_n3A_1410 = arith.select %eq3A_30, %gather3A_1408, %select_n3A_1389 : vector<16xi1>, vector<16xf32>
        %select_n3A_1411 = arith.select %eq3A_30, %select_n3A_1375, %select_n3A_1355 : vector<16xi1>, vector<16xf32>
        %gather3A_1412 = vector.shape_cast %broadcast_in_dim3A_10 : vector<16x1xi32> to vector<16xi32>
        %gather3A_1413 = tpu.dynamic_gather %select_n3A_1411[%gather3A_1412] in [0] : vector<16xf32>, vector<16xi32> -> vector<16xf32>
        %select_n3A_1414 = arith.select %eq3A_30, %select_n3A_1355, %gather3A_1413 : vector<16xi1>, vector<16xf32>
        %select_n3A_1415 = arith.select %eq3A_30, %gather3A_1413, %select_n3A_1375 : vector<16xi1>, vector<16xf32>
        %select_n3A_1416 = arith.select %eq3A_30, %select_n3A_1380, %select_n3A_1360 : vector<16xi1>, vector<16xf32>
        %gather3A_1417 = vector.shape_cast %broadcast_in_dim3A_10 : vector<16x1xi32> to vector<16xi32>
        %gather3A_1418 = tpu.dynamic_gather %select_n3A_1416[%gather3A_1417] in [0] : vector<16xf32>, vector<16xi32> -> vector<16xf32>
        %select_n3A_1419 = arith.select %eq3A_30, %select_n3A_1360, %gather3A_1418 : vector<16xi1>, vector<16xf32>
        %select_n3A_1420 = arith.select %eq3A_30, %gather3A_1418, %select_n3A_1380 : vector<16xi1>, vector<16xf32>
        %select_n3A_1421 = arith.select %eq3A_30, %select_n3A_1385, %select_n3A_1365 : vector<16xi1>, vector<16xf32>
        %gather3A_1422 = vector.shape_cast %broadcast_in_dim3A_10 : vector<16x1xi32> to vector<16xi32>
        %gather3A_1423 = tpu.dynamic_gather %select_n3A_1421[%gather3A_1422] in [0] : vector<16xf32>, vector<16xi32> -> vector<16xf32>
        %select_n3A_1424 = arith.select %eq3A_30, %select_n3A_1365, %gather3A_1423 : vector<16xi1>, vector<16xf32>
        %select_n3A_1425 = arith.select %eq3A_30, %gather3A_1423, %select_n3A_1385 : vector<16xi1>, vector<16xf32>
        %select_n3A_1426 = arith.select %eq3A_30, %select_n3A_1390, %select_n3A_1370 : vector<16xi1>, vector<16xf32>
        %gather3A_1427 = vector.shape_cast %broadcast_in_dim3A_10 : vector<16x1xi32> to vector<16xi32>
        %gather3A_1428 = tpu.dynamic_gather %select_n3A_1426[%gather3A_1427] in [0] : vector<16xf32>, vector<16xi32> -> vector<16xf32>
        %select_n3A_1429 = arith.select %eq3A_30, %select_n3A_1370, %gather3A_1428 : vector<16xi1>, vector<16xf32>
        %select_n3A_1430 = arith.select %eq3A_30, %gather3A_1428, %select_n3A_1390 : vector<16xi1>, vector<16xf32>
        %select_n3A_1431 = arith.select %eq3A_24, %select_n3A_1404, %select_n3A_1394 : vector<16xi1>, vector<16xf32>
        %gather3A_1432 = vector.shape_cast %broadcast_in_dim3A_6 : vector<16x1xi32> to vector<16xi32>
        %gather3A_1433 = tpu.dynamic_gather %select_n3A_1431[%gather3A_1432] in [0] : vector<16xf32>, vector<16xi32> -> vector<16xf32>
        %select_n3A_1434 = arith.select %eq3A_24, %select_n3A_1394, %gather3A_1433 : vector<16xi1>, vector<16xf32>
        %select_n3A_1435 = arith.select %eq3A_24, %gather3A_1433, %select_n3A_1404 : vector<16xi1>, vector<16xf32>
        %select_n3A_1436 = arith.select %eq3A_24, %select_n3A_1409, %select_n3A_1399 : vector<16xi1>, vector<16xf32>
        %gather3A_1437 = vector.shape_cast %broadcast_in_dim3A_6 : vector<16x1xi32> to vector<16xi32>
        %gather3A_1438 = tpu.dynamic_gather %select_n3A_1436[%gather3A_1437] in [0] : vector<16xf32>, vector<16xi32> -> vector<16xf32>
        %select_n3A_1439 = arith.select %eq3A_24, %select_n3A_1399, %gather3A_1438 : vector<16xi1>, vector<16xf32>
        %select_n3A_1440 = arith.select %eq3A_24, %gather3A_1438, %select_n3A_1409 : vector<16xi1>, vector<16xf32>
        %select_n3A_1441 = arith.select %eq3A_24, %select_n3A_1405, %select_n3A_1395 : vector<16xi1>, vector<16xf32>
        %gather3A_1442 = vector.shape_cast %broadcast_in_dim3A_6 : vector<16x1xi32> to vector<16xi32>
        %gather3A_1443 = tpu.dynamic_gather %select_n3A_1441[%gather3A_1442] in [0] : vector<16xf32>, vector<16xi32> -> vector<16xf32>
        %select_n3A_1444 = arith.select %eq3A_24, %select_n3A_1395, %gather3A_1443 : vector<16xi1>, vector<16xf32>
        %select_n3A_1445 = arith.select %eq3A_24, %gather3A_1443, %select_n3A_1405 : vector<16xi1>, vector<16xf32>
        %select_n3A_1446 = arith.select %eq3A_24, %select_n3A_1410, %select_n3A_1400 : vector<16xi1>, vector<16xf32>
        %gather3A_1447 = vector.shape_cast %broadcast_in_dim3A_6 : vector<16x1xi32> to vector<16xi32>
        %gather3A_1448 = tpu.dynamic_gather %select_n3A_1446[%gather3A_1447] in [0] : vector<16xf32>, vector<16xi32> -> vector<16xf32>
        %select_n3A_1449 = arith.select %eq3A_24, %select_n3A_1400, %gather3A_1448 : vector<16xi1>, vector<16xf32>
        %select_n3A_1450 = arith.select %eq3A_24, %gather3A_1448, %select_n3A_1410 : vector<16xi1>, vector<16xf32>
        %select_n3A_1451 = arith.select %eq3A_24, %select_n3A_1424, %select_n3A_1414 : vector<16xi1>, vector<16xf32>
        %gather3A_1452 = vector.shape_cast %broadcast_in_dim3A_6 : vector<16x1xi32> to vector<16xi32>
        %gather3A_1453 = tpu.dynamic_gather %select_n3A_1451[%gather3A_1452] in [0] : vector<16xf32>, vector<16xi32> -> vector<16xf32>
        %select_n3A_1454 = arith.select %eq3A_24, %select_n3A_1414, %gather3A_1453 : vector<16xi1>, vector<16xf32>
        %select_n3A_1455 = arith.select %eq3A_24, %gather3A_1453, %select_n3A_1424 : vector<16xi1>, vector<16xf32>
        %select_n3A_1456 = arith.select %eq3A_24, %select_n3A_1429, %select_n3A_1419 : vector<16xi1>, vector<16xf32>
        %gather3A_1457 = vector.shape_cast %broadcast_in_dim3A_6 : vector<16x1xi32> to vector<16xi32>
        %gather3A_1458 = tpu.dynamic_gather %select_n3A_1456[%gather3A_1457] in [0] : vector<16xf32>, vector<16xi32> -> vector<16xf32>
        %select_n3A_1459 = arith.select %eq3A_24, %select_n3A_1419, %gather3A_1458 : vector<16xi1>, vector<16xf32>
        %select_n3A_1460 = arith.select %eq3A_24, %gather3A_1458, %select_n3A_1429 : vector<16xi1>, vector<16xf32>
        %select_n3A_1461 = arith.select %eq3A_24, %select_n3A_1425, %select_n3A_1415 : vector<16xi1>, vector<16xf32>
        %gather3A_1462 = vector.shape_cast %broadcast_in_dim3A_6 : vector<16x1xi32> to vector<16xi32>
        %gather3A_1463 = tpu.dynamic_gather %select_n3A_1461[%gather3A_1462] in [0] : vector<16xf32>, vector<16xi32> -> vector<16xf32>
        %select_n3A_1464 = arith.select %eq3A_24, %select_n3A_1415, %gather3A_1463 : vector<16xi1>, vector<16xf32>
        %select_n3A_1465 = arith.select %eq3A_24, %gather3A_1463, %select_n3A_1425 : vector<16xi1>, vector<16xf32>
        %select_n3A_1466 = arith.select %eq3A_24, %select_n3A_1430, %select_n3A_1420 : vector<16xi1>, vector<16xf32>
        %gather3A_1467 = vector.shape_cast %broadcast_in_dim3A_6 : vector<16x1xi32> to vector<16xi32>
        %gather3A_1468 = tpu.dynamic_gather %select_n3A_1466[%gather3A_1467] in [0] : vector<16xf32>, vector<16xi32> -> vector<16xf32>
        %select_n3A_1469 = arith.select %eq3A_24, %select_n3A_1420, %gather3A_1468 : vector<16xi1>, vector<16xf32>
        %select_n3A_1470 = arith.select %eq3A_24, %gather3A_1468, %select_n3A_1430 : vector<16xi1>, vector<16xf32>
        %select_n3A_1471 = arith.select %eq3A_18, %select_n3A_1439, %select_n3A_1434 : vector<16xi1>, vector<16xf32>
        %gather3A_1472 = vector.shape_cast %broadcast_in_dim3A : vector<16x1xi32> to vector<16xi32>
        %gather3A_1473 = tpu.dynamic_gather %select_n3A_1471[%gather3A_1472] in [0] : vector<16xf32>, vector<16xi32> -> vector<16xf32>
        %select_n3A_1474 = arith.select %eq3A_18, %select_n3A_1434, %gather3A_1473 : vector<16xi1>, vector<16xf32>
        %select_n3A_1475 = arith.select %eq3A_18, %gather3A_1473, %select_n3A_1439 : vector<16xi1>, vector<16xf32>
        %select_n3A_1476 = arith.select %eq3A_18, %select_n3A_1440, %select_n3A_1435 : vector<16xi1>, vector<16xf32>
        %gather3A_1477 = vector.shape_cast %broadcast_in_dim3A : vector<16x1xi32> to vector<16xi32>
        %gather3A_1478 = tpu.dynamic_gather %select_n3A_1476[%gather3A_1477] in [0] : vector<16xf32>, vector<16xi32> -> vector<16xf32>
        %select_n3A_1479 = arith.select %eq3A_18, %select_n3A_1435, %gather3A_1478 : vector<16xi1>, vector<16xf32>
        %select_n3A_1480 = arith.select %eq3A_18, %gather3A_1478, %select_n3A_1440 : vector<16xi1>, vector<16xf32>
        %select_n3A_1481 = arith.select %eq3A_18, %select_n3A_1449, %select_n3A_1444 : vector<16xi1>, vector<16xf32>
        %gather3A_1482 = vector.shape_cast %broadcast_in_dim3A : vector<16x1xi32> to vector<16xi32>
        %gather3A_1483 = tpu.dynamic_gather %select_n3A_1481[%gather3A_1482] in [0] : vector<16xf32>, vector<16xi32> -> vector<16xf32>
        %select_n3A_1484 = arith.select %eq3A_18, %select_n3A_1444, %gather3A_1483 : vector<16xi1>, vector<16xf32>
        %select_n3A_1485 = arith.select %eq3A_18, %gather3A_1483, %select_n3A_1449 : vector<16xi1>, vector<16xf32>
        %select_n3A_1486 = arith.select %eq3A_18, %select_n3A_1450, %select_n3A_1445 : vector<16xi1>, vector<16xf32>
        %gather3A_1487 = vector.shape_cast %broadcast_in_dim3A : vector<16x1xi32> to vector<16xi32>
        %gather3A_1488 = tpu.dynamic_gather %select_n3A_1486[%gather3A_1487] in [0] : vector<16xf32>, vector<16xi32> -> vector<16xf32>
        %select_n3A_1489 = arith.select %eq3A_18, %select_n3A_1445, %gather3A_1488 : vector<16xi1>, vector<16xf32>
        %select_n3A_1490 = arith.select %eq3A_18, %gather3A_1488, %select_n3A_1450 : vector<16xi1>, vector<16xf32>
        %select_n3A_1491 = arith.select %eq3A_18, %select_n3A_1459, %select_n3A_1454 : vector<16xi1>, vector<16xf32>
        %gather3A_1492 = vector.shape_cast %broadcast_in_dim3A : vector<16x1xi32> to vector<16xi32>
        %gather3A_1493 = tpu.dynamic_gather %select_n3A_1491[%gather3A_1492] in [0] : vector<16xf32>, vector<16xi32> -> vector<16xf32>
        %select_n3A_1494 = arith.select %eq3A_18, %select_n3A_1454, %gather3A_1493 : vector<16xi1>, vector<16xf32>
        %select_n3A_1495 = arith.select %eq3A_18, %gather3A_1493, %select_n3A_1459 : vector<16xi1>, vector<16xf32>
        %select_n3A_1496 = arith.select %eq3A_18, %select_n3A_1460, %select_n3A_1455 : vector<16xi1>, vector<16xf32>
        %gather3A_1497 = vector.shape_cast %broadcast_in_dim3A : vector<16x1xi32> to vector<16xi32>
        %gather3A_1498 = tpu.dynamic_gather %select_n3A_1496[%gather3A_1497] in [0] : vector<16xf32>, vector<16xi32> -> vector<16xf32>
        %select_n3A_1499 = arith.select %eq3A_18, %select_n3A_1455, %gather3A_1498 : vector<16xi1>, vector<16xf32>
        %select_n3A_1500 = arith.select %eq3A_18, %gather3A_1498, %select_n3A_1460 : vector<16xi1>, vector<16xf32>
        %select_n3A_1501 = arith.select %eq3A_18, %select_n3A_1469, %select_n3A_1464 : vector<16xi1>, vector<16xf32>
        %gather3A_1502 = vector.shape_cast %broadcast_in_dim3A : vector<16x1xi32> to vector<16xi32>
        %gather3A_1503 = tpu.dynamic_gather %select_n3A_1501[%gather3A_1502] in [0] : vector<16xf32>, vector<16xi32> -> vector<16xf32>
        %select_n3A_1504 = arith.select %eq3A_18, %select_n3A_1464, %gather3A_1503 : vector<16xi1>, vector<16xf32>
        %select_n3A_1505 = arith.select %eq3A_18, %gather3A_1503, %select_n3A_1469 : vector<16xi1>, vector<16xf32>
        %select_n3A_1506 = arith.select %eq3A_18, %select_n3A_1470, %select_n3A_1465 : vector<16xi1>, vector<16xf32>
        %gather3A_1507 = vector.shape_cast %broadcast_in_dim3A : vector<16x1xi32> to vector<16xi32>
        %gather3A_1508 = tpu.dynamic_gather %select_n3A_1506[%gather3A_1507] in [0] : vector<16xf32>, vector<16xi32> -> vector<16xf32>
        %select_n3A_1509 = arith.select %eq3A_18, %select_n3A_1465, %gather3A_1508 : vector<16xi1>, vector<16xf32>
        %select_n3A_1510 = arith.select %eq3A_18, %gather3A_1508, %select_n3A_1470 : vector<16xi1>, vector<16xf32>
        %swap3A_1511 = arith.index_cast %rem3A_96 : i32 to index
        %swap3A_1512 = arith.constant 1024 : index
        %swap3A_1513 = tpu.vector_load %arg5[%swap3A_1511, %swap3A_1512] {strides = array<i32>} : memref<2x2048xf32, #tpu.memory_space<vmem>>, vector<16xf32>,
        tpu.vector_store %arg5[%swap3A_1511, %swap3A_1512], %select_n3A_1474 {strides = array<i32>} : memref<2x2048xf32, #tpu.memory_space<vmem>>, vector<16xf32>,
        %swap3A_1514 = arith.index_cast %rem3A_96 : i32 to index
        %swap3A_1515 = arith.constant 1040 : index
        %swap3A_1516 = tpu.vector_load %arg5[%swap3A_1514, %swap3A_1515] {strides = array<i32>} : memref<2x2048xf32, #tpu.memory_space<vmem>>, vector<16xf32>,
        tpu.vector_store %arg5[%swap3A_1514, %swap3A_1515], %select_n3A_1475 {strides = array<i32>} : memref<2x2048xf32, #tpu.memory_space<vmem>>, vector<16xf32>,
        %swap3A_1517 = arith.index_cast %rem3A_96 : i32 to index
        %swap3A_1518 = arith.constant 1056 : index
        %swap3A_1519 = tpu.vector_load %arg5[%swap3A_1517, %swap3A_1518] {strides = array<i32>} : memref<2x2048xf32, #tpu.memory_space<vmem>>, vector<16xf32>,
        tpu.vector_store %arg5[%swap3A_1517, %swap3A_1518], %select_n3A_1479 {strides = array<i32>} : memref<2x2048xf32, #tpu.memory_space<vmem>>, vector<16xf32>,
        %swap3A_1520 = arith.index_cast %rem3A_96 : i32 to index
        %swap3A_1521 = arith.constant 1072 : index
        %swap3A_1522 = tpu.vector_load %arg5[%swap3A_1520, %swap3A_1521] {strides = array<i32>} : memref<2x2048xf32, #tpu.memory_space<vmem>>, vector<16xf32>,
        tpu.vector_store %arg5[%swap3A_1520, %swap3A_1521], %select_n3A_1480 {strides = array<i32>} : memref<2x2048xf32, #tpu.memory_space<vmem>>, vector<16xf32>,
        %swap3A_1523 = arith.index_cast %rem3A_96 : i32 to index
        %swap3A_1524 = arith.constant 1088 : index
        %swap3A_1525 = tpu.vector_load %arg5[%swap3A_1523, %swap3A_1524] {strides = array<i32>} : memref<2x2048xf32, #tpu.memory_space<vmem>>, vector<16xf32>,
        tpu.vector_store %arg5[%swap3A_1523, %swap3A_1524], %select_n3A_1484 {strides = array<i32>} : memref<2x2048xf32, #tpu.memory_space<vmem>>, vector<16xf32>,
        %swap3A_1526 = arith.index_cast %rem3A_96 : i32 to index
        %swap3A_1527 = arith.constant 1104 : index
        %swap3A_1528 = tpu.vector_load %arg5[%swap3A_1526, %swap3A_1527] {strides = array<i32>} : memref<2x2048xf32, #tpu.memory_space<vmem>>, vector<16xf32>,
        tpu.vector_store %arg5[%swap3A_1526, %swap3A_1527], %select_n3A_1485 {strides = array<i32>} : memref<2x2048xf32, #tpu.memory_space<vmem>>, vector<16xf32>,
        %swap3A_1529 = arith.index_cast %rem3A_96 : i32 to index
        %swap3A_1530 = arith.constant 1120 : index
        %swap3A_1531 = tpu.vector_load %arg5[%swap3A_1529, %swap3A_1530] {strides = array<i32>} : memref<2x2048xf32, #tpu.memory_space<vmem>>, vector<16xf32>,
        tpu.vector_store %arg5[%swap3A_1529, %swap3A_1530], %select_n3A_1489 {strides = array<i32>} : memref<2x2048xf32, #tpu.memory_space<vmem>>, vector<16xf32>,
        %swap3A_1532 = arith.index_cast %rem3A_96 : i32 to index
        %swap3A_1533 = arith.constant 1136 : index
        %swap3A_1534 = tpu.vector_load %arg5[%swap3A_1532, %swap3A_1533] {strides = array<i32>} : memref<2x2048xf32, #tpu.memory_space<vmem>>, vector<16xf32>,
        tpu.vector_store %arg5[%swap3A_1532, %swap3A_1533], %select_n3A_1490 {strides = array<i32>} : memref<2x2048xf32, #tpu.memory_space<vmem>>, vector<16xf32>,
        %swap3A_1535 = arith.index_cast %rem3A_96 : i32 to index
        %swap3A_1536 = arith.constant 1152 : index
        %swap3A_1537 = tpu.vector_load %arg5[%swap3A_1535, %swap3A_1536] {strides = array<i32>} : memref<2x2048xf32, #tpu.memory_space<vmem>>, vector<16xf32>,
        tpu.vector_store %arg5[%swap3A_1535, %swap3A_1536], %select_n3A_1494 {strides = array<i32>} : memref<2x2048xf32, #tpu.memory_space<vmem>>, vector<16xf32>,
        %swap3A_1538 = arith.index_cast %rem3A_96 : i32 to index
        %swap3A_1539 = arith.constant 1168 : index
        %swap3A_1540 = tpu.vector_load %arg5[%swap3A_1538, %swap3A_1539] {strides = array<i32>} : memref<2x2048xf32, #tpu.memory_space<vmem>>, vector<16xf32>,
        tpu.vector_store %arg5[%swap3A_1538, %swap3A_1539], %select_n3A_1495 {strides = array<i32>} : memref<2x2048xf32, #tpu.memory_space<vmem>>, vector<16xf32>,
        %swap3A_1541 = arith.index_cast %rem3A_96 : i32 to index
        %swap3A_1542 = arith.constant 1184 : index
        %swap3A_1543 = tpu.vector_load %arg5[%swap3A_1541, %swap3A_1542] {strides = array<i32>} : memref<2x2048xf32, #tpu.memory_space<vmem>>, vector<16xf32>,
        tpu.vector_store %arg5[%swap3A_1541, %swap3A_1542], %select_n3A_1499 {strides = array<i32>} : memref<2x2048xf32, #tpu.memory_space<vmem>>, vector<16xf32>,
        %swap3A_1544 = arith.index_cast %rem3A_96 : i32 to index
        %swap3A_1545 = arith.constant 1200 : index
        %swap3A_1546 = tpu.vector_load %arg5[%swap3A_1544, %swap3A_1545] {strides = array<i32>} : memref<2x2048xf32, #tpu.memory_space<vmem>>, vector<16xf32>,
        tpu.vector_store %arg5[%swap3A_1544, %swap3A_1545], %select_n3A_1500 {strides = array<i32>} : memref<2x2048xf32, #tpu.memory_space<vmem>>, vector<16xf32>,
        %swap3A_1547 = arith.index_cast %rem3A_96 : i32 to index
        %swap3A_1548 = arith.constant 1216 : index
        %swap3A_1549 = tpu.vector_load %arg5[%swap3A_1547, %swap3A_1548] {strides = array<i32>} : memref<2x2048xf32, #tpu.memory_space<vmem>>, vector<16xf32>,
        tpu.vector_store %arg5[%swap3A_1547, %swap3A_1548], %select_n3A_1504 {strides = array<i32>} : memref<2x2048xf32, #tpu.memory_space<vmem>>, vector<16xf32>,
        %swap3A_1550 = arith.index_cast %rem3A_96 : i32 to index
        %swap3A_1551 = arith.constant 1232 : index
        %swap3A_1552 = tpu.vector_load %arg5[%swap3A_1550, %swap3A_1551] {strides = array<i32>} : memref<2x2048xf32, #tpu.memory_space<vmem>>, vector<16xf32>,
        tpu.vector_store %arg5[%swap3A_1550, %swap3A_1551], %select_n3A_1505 {strides = array<i32>} : memref<2x2048xf32, #tpu.memory_space<vmem>>, vector<16xf32>,
        %swap3A_1553 = arith.index_cast %rem3A_96 : i32 to index
        %swap3A_1554 = arith.constant 1248 : index
        %swap3A_1555 = tpu.vector_load %arg5[%swap3A_1553, %swap3A_1554] {strides = array<i32>} : memref<2x2048xf32, #tpu.memory_space<vmem>>, vector<16xf32>,
        tpu.vector_store %arg5[%swap3A_1553, %swap3A_1554], %select_n3A_1509 {strides = array<i32>} : memref<2x2048xf32, #tpu.memory_space<vmem>>, vector<16xf32>,
        %swap3A_1556 = arith.index_cast %rem3A_96 : i32 to index
        %swap3A_1557 = arith.constant 1264 : index
        %swap3A_1558 = tpu.vector_load %arg5[%swap3A_1556, %swap3A_1557] {strides = array<i32>} : memref<2x2048xf32, #tpu.memory_space<vmem>>, vector<16xf32>,
        tpu.vector_store %arg5[%swap3A_1556, %swap3A_1557], %select_n3A_1510 {strides = array<i32>} : memref<2x2048xf32, #tpu.memory_space<vmem>>, vector<16xf32>,
        %get3A_1559 = arith.constant 0 : i32
        %get3A_1560 = arith.index_cast %rem3A_94 : i32 to index
        %get3A_1561 = arith.index_cast %get3A_1559 : i32 to index
        %get3A_1562 = arith.constant 80 : index
        %get3A_1563 = tpu.vector_load %arg4[%get3A_1560, %get3A_1561, %get3A_1562] {strides = array<i32>} : memref<4x16x128xf32, #tpu.memory_space<vmem>>, vector<16xf32>,
        %get3A_1564 = arith.constant 1 : i32
        %get3A_1565 = arith.index_cast %rem3A_94 : i32 to index
        %get3A_1566 = arith.index_cast %get3A_1564 : i32 to index
        %get3A_1567 = arith.constant 80 : index
        %get3A_1568 = tpu.vector_load %arg4[%get3A_1565, %get3A_1566, %get3A_1567] {strides = array<i32>} : memref<4x16x128xf32, #tpu.memory_space<vmem>>, vector<16xf32>,
        %get3A_1569 = arith.constant 2 : i32
        %get3A_1570 = arith.index_cast %rem3A_94 : i32 to index
        %get3A_1571 = arith.index_cast %get3A_1569 : i32 to index
        %get3A_1572 = arith.constant 80 : index
        %get3A_1573 = tpu.vector_load %arg4[%get3A_1570, %get3A_1571, %get3A_1572] {strides = array<i32>} : memref<4x16x128xf32, #tpu.memory_space<vmem>>, vector<16xf32>,
        %get3A_1574 = arith.constant 3 : i32
        %get3A_1575 = arith.index_cast %rem3A_94 : i32 to index
        %get3A_1576 = arith.index_cast %get3A_1574 : i32 to index
        %get3A_1577 = arith.constant 80 : index
        %get3A_1578 = tpu.vector_load %arg4[%get3A_1575, %get3A_1576, %get3A_1577] {strides = array<i32>} : memref<4x16x128xf32, #tpu.memory_space<vmem>>, vector<16xf32>,
        %get3A_1579 = arith.constant 4 : i32
        %get3A_1580 = arith.index_cast %rem3A_94 : i32 to index
        %get3A_1581 = arith.index_cast %get3A_1579 : i32 to index
        %get3A_1582 = arith.constant 80 : index
        %get3A_1583 = tpu.vector_load %arg4[%get3A_1580, %get3A_1581, %get3A_1582] {strides = array<i32>} : memref<4x16x128xf32, #tpu.memory_space<vmem>>, vector<16xf32>,
        %get3A_1584 = arith.constant 5 : i32
        %get3A_1585 = arith.index_cast %rem3A_94 : i32 to index
        %get3A_1586 = arith.index_cast %get3A_1584 : i32 to index
        %get3A_1587 = arith.constant 80 : index
        %get3A_1588 = tpu.vector_load %arg4[%get3A_1585, %get3A_1586, %get3A_1587] {strides = array<i32>} : memref<4x16x128xf32, #tpu.memory_space<vmem>>, vector<16xf32>,
        %get3A_1589 = arith.constant 6 : i32
        %get3A_1590 = arith.index_cast %rem3A_94 : i32 to index
        %get3A_1591 = arith.index_cast %get3A_1589 : i32 to index
        %get3A_1592 = arith.constant 80 : index
        %get3A_1593 = tpu.vector_load %arg4[%get3A_1590, %get3A_1591, %get3A_1592] {strides = array<i32>} : memref<4x16x128xf32, #tpu.memory_space<vmem>>, vector<16xf32>,
        %get3A_1594 = arith.constant 7 : i32
        %get3A_1595 = arith.index_cast %rem3A_94 : i32 to index
        %get3A_1596 = arith.index_cast %get3A_1594 : i32 to index
        %get3A_1597 = arith.constant 80 : index
        %get3A_1598 = tpu.vector_load %arg4[%get3A_1595, %get3A_1596, %get3A_1597] {strides = array<i32>} : memref<4x16x128xf32, #tpu.memory_space<vmem>>, vector<16xf32>,
        %get3A_1599 = arith.constant 8 : i32
        %get3A_1600 = arith.index_cast %rem3A_94 : i32 to index
        %get3A_1601 = arith.index_cast %get3A_1599 : i32 to index
        %get3A_1602 = arith.constant 80 : index
        %get3A_1603 = tpu.vector_load %arg4[%get3A_1600, %get3A_1601, %get3A_1602] {strides = array<i32>} : memref<4x16x128xf32, #tpu.memory_space<vmem>>, vector<16xf32>,
        %get3A_1604 = arith.constant 9 : i32
        %get3A_1605 = arith.index_cast %rem3A_94 : i32 to index
        %get3A_1606 = arith.index_cast %get3A_1604 : i32 to index
        %get3A_1607 = arith.constant 80 : index
        %get3A_1608 = tpu.vector_load %arg4[%get3A_1605, %get3A_1606, %get3A_1607] {strides = array<i32>} : memref<4x16x128xf32, #tpu.memory_space<vmem>>, vector<16xf32>,
        %get3A_1609 = arith.constant 10 : i32
        %get3A_1610 = arith.index_cast %rem3A_94 : i32 to index
        %get3A_1611 = arith.index_cast %get3A_1609 : i32 to index
        %get3A_1612 = arith.constant 80 : index
        %get3A_1613 = tpu.vector_load %arg4[%get3A_1610, %get3A_1611, %get3A_1612] {strides = array<i32>} : memref<4x16x128xf32, #tpu.memory_space<vmem>>, vector<16xf32>,
        %get3A_1614 = arith.constant 11 : i32
        %get3A_1615 = arith.index_cast %rem3A_94 : i32 to index
        %get3A_1616 = arith.index_cast %get3A_1614 : i32 to index
        %get3A_1617 = arith.constant 80 : index
        %get3A_1618 = tpu.vector_load %arg4[%get3A_1615, %get3A_1616, %get3A_1617] {strides = array<i32>} : memref<4x16x128xf32, #tpu.memory_space<vmem>>, vector<16xf32>,
        %get3A_1619 = arith.constant 12 : i32
        %get3A_1620 = arith.index_cast %rem3A_94 : i32 to index
        %get3A_1621 = arith.index_cast %get3A_1619 : i32 to index
        %get3A_1622 = arith.constant 80 : index
        %get3A_1623 = tpu.vector_load %arg4[%get3A_1620, %get3A_1621, %get3A_1622] {strides = array<i32>} : memref<4x16x128xf32, #tpu.memory_space<vmem>>, vector<16xf32>,
        %get3A_1624 = arith.constant 13 : i32
        %get3A_1625 = arith.index_cast %rem3A_94 : i32 to index
        %get3A_1626 = arith.index_cast %get3A_1624 : i32 to index
        %get3A_1627 = arith.constant 80 : index
        %get3A_1628 = tpu.vector_load %arg4[%get3A_1625, %get3A_1626, %get3A_1627] {strides = array<i32>} : memref<4x16x128xf32, #tpu.memory_space<vmem>>, vector<16xf32>,
        %get3A_1629 = arith.constant 14 : i32
        %get3A_1630 = arith.index_cast %rem3A_94 : i32 to index
        %get3A_1631 = arith.index_cast %get3A_1629 : i32 to index
        %get3A_1632 = arith.constant 80 : index
        %get3A_1633 = tpu.vector_load %arg4[%get3A_1630, %get3A_1631, %get3A_1632] {strides = array<i32>} : memref<4x16x128xf32, #tpu.memory_space<vmem>>, vector<16xf32>,
        %get3A_1634 = arith.constant 15 : i32
        %get3A_1635 = arith.index_cast %rem3A_94 : i32 to index
        %get3A_1636 = arith.index_cast %get3A_1634 : i32 to index
        %get3A_1637 = arith.constant 80 : index
        %get3A_1638 = tpu.vector_load %arg4[%get3A_1635, %get3A_1636, %get3A_1637] {strides = array<i32>} : memref<4x16x128xf32, #tpu.memory_space<vmem>>, vector<16xf32>,
        %select_n3A_1639 = arith.select %eq3A_36, %get3A_1603, %get3A_1563 : vector<16xi1>, vector<16xf32>
        %gather3A_1640 = vector.shape_cast %broadcast_in_dim3A_14 : vector<16x1xi32> to vector<16xi32>
        %gather3A_1641 = tpu.dynamic_gather %select_n3A_1639[%gather3A_1640] in [0] : vector<16xf32>, vector<16xi32> -> vector<16xf32>
        %select_n3A_1642 = arith.select %eq3A_36, %get3A_1563, %gather3A_1641 : vector<16xi1>, vector<16xf32>
        %select_n3A_1643 = arith.select %eq3A_36, %gather3A_1641, %get3A_1603 : vector<16xi1>, vector<16xf32>
        %select_n3A_1644 = arith.select %eq3A_36, %get3A_1608, %get3A_1568 : vector<16xi1>, vector<16xf32>
        %gather3A_1645 = vector.shape_cast %broadcast_in_dim3A_14 : vector<16x1xi32> to vector<16xi32>
        %gather3A_1646 = tpu.dynamic_gather %select_n3A_1644[%gather3A_1645] in [0] : vector<16xf32>, vector<16xi32> -> vector<16xf32>
        %select_n3A_1647 = arith.select %eq3A_36, %get3A_1568, %gather3A_1646 : vector<16xi1>, vector<16xf32>
        %select_n3A_1648 = arith.select %eq3A_36, %gather3A_1646, %get3A_1608 : vector<16xi1>, vector<16xf32>
        %select_n3A_1649 = arith.select %eq3A_36, %get3A_1613, %get3A_1573 : vector<16xi1>, vector<16xf32>
        %gather3A_1650 = vector.shape_cast %broadcast_in_dim3A_14 : vector<16x1xi32> to vector<16xi32>
        %gather3A_1651 = tpu.dynamic_gather %select_n3A_1649[%gather3A_1650] in [0] : vector<16xf32>, vector<16xi32> -> vector<16xf32>
        %select_n3A_1652 = arith.select %eq3A_36, %get3A_1573, %gather3A_1651 : vector<16xi1>, vector<16xf32>
        %select_n3A_1653 = arith.select %eq3A_36, %gather3A_1651, %get3A_1613 : vector<16xi1>, vector<16xf32>
        %select_n3A_1654 = arith.select %eq3A_36, %get3A_1618, %get3A_1578 : vector<16xi1>, vector<16xf32>
        %gather3A_1655 = vector.shape_cast %broadcast_in_dim3A_14 : vector<16x1xi32> to vector<16xi32>
        %gather3A_1656 = tpu.dynamic_gather %select_n3A_1654[%gather3A_1655] in [0] : vector<16xf32>, vector<16xi32> -> vector<16xf32>
        %select_n3A_1657 = arith.select %eq3A_36, %get3A_1578, %gather3A_1656 : vector<16xi1>, vector<16xf32>
        %select_n3A_1658 = arith.select %eq3A_36, %gather3A_1656, %get3A_1618 : vector<16xi1>, vector<16xf32>
        %select_n3A_1659 = arith.select %eq3A_36, %get3A_1623, %get3A_1583 : vector<16xi1>, vector<16xf32>
        %gather3A_1660 = vector.shape_cast %broadcast_in_dim3A_14 : vector<16x1xi32> to vector<16xi32>
        %gather3A_1661 = tpu.dynamic_gather %select_n3A_1659[%gather3A_1660] in [0] : vector<16xf32>, vector<16xi32> -> vector<16xf32>
        %select_n3A_1662 = arith.select %eq3A_36, %get3A_1583, %gather3A_1661 : vector<16xi1>, vector<16xf32>
        %select_n3A_1663 = arith.select %eq3A_36, %gather3A_1661, %get3A_1623 : vector<16xi1>, vector<16xf32>
        %select_n3A_1664 = arith.select %eq3A_36, %get3A_1628, %get3A_1588 : vector<16xi1>, vector<16xf32>
        %gather3A_1665 = vector.shape_cast %broadcast_in_dim3A_14 : vector<16x1xi32> to vector<16xi32>
        %gather3A_1666 = tpu.dynamic_gather %select_n3A_1664[%gather3A_1665] in [0] : vector<16xf32>, vector<16xi32> -> vector<16xf32>
        %select_n3A_1667 = arith.select %eq3A_36, %get3A_1588, %gather3A_1666 : vector<16xi1>, vector<16xf32>
        %select_n3A_1668 = arith.select %eq3A_36, %gather3A_1666, %get3A_1628 : vector<16xi1>, vector<16xf32>
        %select_n3A_1669 = arith.select %eq3A_36, %get3A_1633, %get3A_1593 : vector<16xi1>, vector<16xf32>
        %gather3A_1670 = vector.shape_cast %broadcast_in_dim3A_14 : vector<16x1xi32> to vector<16xi32>
        %gather3A_1671 = tpu.dynamic_gather %select_n3A_1669[%gather3A_1670] in [0] : vector<16xf32>, vector<16xi32> -> vector<16xf32>
        %select_n3A_1672 = arith.select %eq3A_36, %get3A_1593, %gather3A_1671 : vector<16xi1>, vector<16xf32>
        %select_n3A_1673 = arith.select %eq3A_36, %gather3A_1671, %get3A_1633 : vector<16xi1>, vector<16xf32>
        %select_n3A_1674 = arith.select %eq3A_36, %get3A_1638, %get3A_1598 : vector<16xi1>, vector<16xf32>
        %gather3A_1675 = vector.shape_cast %broadcast_in_dim3A_14 : vector<16x1xi32> to vector<16xi32>
        %gather3A_1676 = tpu.dynamic_gather %select_n3A_1674[%gather3A_1675] in [0] : vector<16xf32>, vector<16xi32> -> vector<16xf32>
        %select_n3A_1677 = arith.select %eq3A_36, %get3A_1598, %gather3A_1676 : vector<16xi1>, vector<16xf32>
        %select_n3A_1678 = arith.select %eq3A_36, %gather3A_1676, %get3A_1638 : vector<16xi1>, vector<16xf32>
        %select_n3A_1679 = arith.select %eq3A_30, %select_n3A_1662, %select_n3A_1642 : vector<16xi1>, vector<16xf32>
        %gather3A_1680 = vector.shape_cast %broadcast_in_dim3A_10 : vector<16x1xi32> to vector<16xi32>
        %gather3A_1681 = tpu.dynamic_gather %select_n3A_1679[%gather3A_1680] in [0] : vector<16xf32>, vector<16xi32> -> vector<16xf32>
        %select_n3A_1682 = arith.select %eq3A_30, %select_n3A_1642, %gather3A_1681 : vector<16xi1>, vector<16xf32>
        %select_n3A_1683 = arith.select %eq3A_30, %gather3A_1681, %select_n3A_1662 : vector<16xi1>, vector<16xf32>
        %select_n3A_1684 = arith.select %eq3A_30, %select_n3A_1667, %select_n3A_1647 : vector<16xi1>, vector<16xf32>
        %gather3A_1685 = vector.shape_cast %broadcast_in_dim3A_10 : vector<16x1xi32> to vector<16xi32>
        %gather3A_1686 = tpu.dynamic_gather %select_n3A_1684[%gather3A_1685] in [0] : vector<16xf32>, vector<16xi32> -> vector<16xf32>
        %select_n3A_1687 = arith.select %eq3A_30, %select_n3A_1647, %gather3A_1686 : vector<16xi1>, vector<16xf32>
        %select_n3A_1688 = arith.select %eq3A_30, %gather3A_1686, %select_n3A_1667 : vector<16xi1>, vector<16xf32>
        %select_n3A_1689 = arith.select %eq3A_30, %select_n3A_1672, %select_n3A_1652 : vector<16xi1>, vector<16xf32>
        %gather3A_1690 = vector.shape_cast %broadcast_in_dim3A_10 : vector<16x1xi32> to vector<16xi32>
        %gather3A_1691 = tpu.dynamic_gather %select_n3A_1689[%gather3A_1690] in [0] : vector<16xf32>, vector<16xi32> -> vector<16xf32>
        %select_n3A_1692 = arith.select %eq3A_30, %select_n3A_1652, %gather3A_1691 : vector<16xi1>, vector<16xf32>
        %select_n3A_1693 = arith.select %eq3A_30, %gather3A_1691, %select_n3A_1672 : vector<16xi1>, vector<16xf32>
        %select_n3A_1694 = arith.select %eq3A_30, %select_n3A_1677, %select_n3A_1657 : vector<16xi1>, vector<16xf32>
        %gather3A_1695 = vector.shape_cast %broadcast_in_dim3A_10 : vector<16x1xi32> to vector<16xi32>
        %gather3A_1696 = tpu.dynamic_gather %select_n3A_1694[%gather3A_1695] in [0] : vector<16xf32>, vector<16xi32> -> vector<16xf32>
        %select_n3A_1697 = arith.select %eq3A_30, %select_n3A_1657, %gather3A_1696 : vector<16xi1>, vector<16xf32>
        %select_n3A_1698 = arith.select %eq3A_30, %gather3A_1696, %select_n3A_1677 : vector<16xi1>, vector<16xf32>
        %select_n3A_1699 = arith.select %eq3A_30, %select_n3A_1663, %select_n3A_1643 : vector<16xi1>, vector<16xf32>
        %gather3A_1700 = vector.shape_cast %broadcast_in_dim3A_10 : vector<16x1xi32> to vector<16xi32>
        %gather3A_1701 = tpu.dynamic_gather %select_n3A_1699[%gather3A_1700] in [0] : vector<16xf32>, vector<16xi32> -> vector<16xf32>
        %select_n3A_1702 = arith.select %eq3A_30, %select_n3A_1643, %gather3A_1701 : vector<16xi1>, vector<16xf32>
        %select_n3A_1703 = arith.select %eq3A_30, %gather3A_1701, %select_n3A_1663 : vector<16xi1>, vector<16xf32>
        %select_n3A_1704 = arith.select %eq3A_30, %select_n3A_1668, %select_n3A_1648 : vector<16xi1>, vector<16xf32>
        %gather3A_1705 = vector.shape_cast %broadcast_in_dim3A_10 : vector<16x1xi32> to vector<16xi32>
        %gather3A_1706 = tpu.dynamic_gather %select_n3A_1704[%gather3A_1705] in [0] : vector<16xf32>, vector<16xi32> -> vector<16xf32>
        %select_n3A_1707 = arith.select %eq3A_30, %select_n3A_1648, %gather3A_1706 : vector<16xi1>, vector<16xf32>
        %select_n3A_1708 = arith.select %eq3A_30, %gather3A_1706, %select_n3A_1668 : vector<16xi1>, vector<16xf32>
        %select_n3A_1709 = arith.select %eq3A_30, %select_n3A_1673, %select_n3A_1653 : vector<16xi1>, vector<16xf32>
        %gather3A_1710 = vector.shape_cast %broadcast_in_dim3A_10 : vector<16x1xi32> to vector<16xi32>
        %gather3A_1711 = tpu.dynamic_gather %select_n3A_1709[%gather3A_1710] in [0] : vector<16xf32>, vector<16xi32> -> vector<16xf32>
        %select_n3A_1712 = arith.select %eq3A_30, %select_n3A_1653, %gather3A_1711 : vector<16xi1>, vector<16xf32>
        %select_n3A_1713 = arith.select %eq3A_30, %gather3A_1711, %select_n3A_1673 : vector<16xi1>, vector<16xf32>
        %select_n3A_1714 = arith.select %eq3A_30, %select_n3A_1678, %select_n3A_1658 : vector<16xi1>, vector<16xf32>
        %gather3A_1715 = vector.shape_cast %broadcast_in_dim3A_10 : vector<16x1xi32> to vector<16xi32>
        %gather3A_1716 = tpu.dynamic_gather %select_n3A_1714[%gather3A_1715] in [0] : vector<16xf32>, vector<16xi32> -> vector<16xf32>
        %select_n3A_1717 = arith.select %eq3A_30, %select_n3A_1658, %gather3A_1716 : vector<16xi1>, vector<16xf32>
        %select_n3A_1718 = arith.select %eq3A_30, %gather3A_1716, %select_n3A_1678 : vector<16xi1>, vector<16xf32>
        %select_n3A_1719 = arith.select %eq3A_24, %select_n3A_1692, %select_n3A_1682 : vector<16xi1>, vector<16xf32>
        %gather3A_1720 = vector.shape_cast %broadcast_in_dim3A_6 : vector<16x1xi32> to vector<16xi32>
        %gather3A_1721 = tpu.dynamic_gather %select_n3A_1719[%gather3A_1720] in [0] : vector<16xf32>, vector<16xi32> -> vector<16xf32>
        %select_n3A_1722 = arith.select %eq3A_24, %select_n3A_1682, %gather3A_1721 : vector<16xi1>, vector<16xf32>
        %select_n3A_1723 = arith.select %eq3A_24, %gather3A_1721, %select_n3A_1692 : vector<16xi1>, vector<16xf32>
        %select_n3A_1724 = arith.select %eq3A_24, %select_n3A_1697, %select_n3A_1687 : vector<16xi1>, vector<16xf32>
        %gather3A_1725 = vector.shape_cast %broadcast_in_dim3A_6 : vector<16x1xi32> to vector<16xi32>
        %gather3A_1726 = tpu.dynamic_gather %select_n3A_1724[%gather3A_1725] in [0] : vector<16xf32>, vector<16xi32> -> vector<16xf32>
        %select_n3A_1727 = arith.select %eq3A_24, %select_n3A_1687, %gather3A_1726 : vector<16xi1>, vector<16xf32>
        %select_n3A_1728 = arith.select %eq3A_24, %gather3A_1726, %select_n3A_1697 : vector<16xi1>, vector<16xf32>
        %select_n3A_1729 = arith.select %eq3A_24, %select_n3A_1693, %select_n3A_1683 : vector<16xi1>, vector<16xf32>
        %gather3A_1730 = vector.shape_cast %broadcast_in_dim3A_6 : vector<16x1xi32> to vector<16xi32>
        %gather3A_1731 = tpu.dynamic_gather %select_n3A_1729[%gather3A_1730] in [0] : vector<16xf32>, vector<16xi32> -> vector<16xf32>
        %select_n3A_1732 = arith.select %eq3A_24, %select_n3A_1683, %gather3A_1731 : vector<16xi1>, vector<16xf32>
        %select_n3A_1733 = arith.select %eq3A_24, %gather3A_1731, %select_n3A_1693 : vector<16xi1>, vector<16xf32>
        %select_n3A_1734 = arith.select %eq3A_24, %select_n3A_1698, %select_n3A_1688 : vector<16xi1>, vector<16xf32>
        %gather3A_1735 = vector.shape_cast %broadcast_in_dim3A_6 : vector<16x1xi32> to vector<16xi32>
        %gather3A_1736 = tpu.dynamic_gather %select_n3A_1734[%gather3A_1735] in [0] : vector<16xf32>, vector<16xi32> -> vector<16xf32>
        %select_n3A_1737 = arith.select %eq3A_24, %select_n3A_1688, %gather3A_1736 : vector<16xi1>, vector<16xf32>
        %select_n3A_1738 = arith.select %eq3A_24, %gather3A_1736, %select_n3A_1698 : vector<16xi1>, vector<16xf32>
        %select_n3A_1739 = arith.select %eq3A_24, %select_n3A_1712, %select_n3A_1702 : vector<16xi1>, vector<16xf32>
        %gather3A_1740 = vector.shape_cast %broadcast_in_dim3A_6 : vector<16x1xi32> to vector<16xi32>
        %gather3A_1741 = tpu.dynamic_gather %select_n3A_1739[%gather3A_1740] in [0] : vector<16xf32>, vector<16xi32> -> vector<16xf32>
        %select_n3A_1742 = arith.select %eq3A_24, %select_n3A_1702, %gather3A_1741 : vector<16xi1>, vector<16xf32>
        %select_n3A_1743 = arith.select %eq3A_24, %gather3A_1741, %select_n3A_1712 : vector<16xi1>, vector<16xf32>
        %select_n3A_1744 = arith.select %eq3A_24, %select_n3A_1717, %select_n3A_1707 : vector<16xi1>, vector<16xf32>
        %gather3A_1745 = vector.shape_cast %broadcast_in_dim3A_6 : vector<16x1xi32> to vector<16xi32>
        %gather3A_1746 = tpu.dynamic_gather %select_n3A_1744[%gather3A_1745] in [0] : vector<16xf32>, vector<16xi32> -> vector<16xf32>
        %select_n3A_1747 = arith.select %eq3A_24, %select_n3A_1707, %gather3A_1746 : vector<16xi1>, vector<16xf32>
        %select_n3A_1748 = arith.select %eq3A_24, %gather3A_1746, %select_n3A_1717 : vector<16xi1>, vector<16xf32>
        %select_n3A_1749 = arith.select %eq3A_24, %select_n3A_1713, %select_n3A_1703 : vector<16xi1>, vector<16xf32>
        %gather3A_1750 = vector.shape_cast %broadcast_in_dim3A_6 : vector<16x1xi32> to vector<16xi32>
        %gather3A_1751 = tpu.dynamic_gather %select_n3A_1749[%gather3A_1750] in [0] : vector<16xf32>, vector<16xi32> -> vector<16xf32>
        %select_n3A_1752 = arith.select %eq3A_24, %select_n3A_1703, %gather3A_1751 : vector<16xi1>, vector<16xf32>
        %select_n3A_1753 = arith.select %eq3A_24, %gather3A_1751, %select_n3A_1713 : vector<16xi1>, vector<16xf32>
        %select_n3A_1754 = arith.select %eq3A_24, %select_n3A_1718, %select_n3A_1708 : vector<16xi1>, vector<16xf32>
        %gather3A_1755 = vector.shape_cast %broadcast_in_dim3A_6 : vector<16x1xi32> to vector<16xi32>
        %gather3A_1756 = tpu.dynamic_gather %select_n3A_1754[%gather3A_1755] in [0] : vector<16xf32>, vector<16xi32> -> vector<16xf32>
        %select_n3A_1757 = arith.select %eq3A_24, %select_n3A_1708, %gather3A_1756 : vector<16xi1>, vector<16xf32>
        %select_n3A_1758 = arith.select %eq3A_24, %gather3A_1756, %select_n3A_1718 : vector<16xi1>, vector<16xf32>
        %select_n3A_1759 = arith.select %eq3A_18, %select_n3A_1727, %select_n3A_1722 : vector<16xi1>, vector<16xf32>
        %gather3A_1760 = vector.shape_cast %broadcast_in_dim3A : vector<16x1xi32> to vector<16xi32>
        %gather3A_1761 = tpu.dynamic_gather %select_n3A_1759[%gather3A_1760] in [0] : vector<16xf32>, vector<16xi32> -> vector<16xf32>
        %select_n3A_1762 = arith.select %eq3A_18, %select_n3A_1722, %gather3A_1761 : vector<16xi1>, vector<16xf32>
        %select_n3A_1763 = arith.select %eq3A_18, %gather3A_1761, %select_n3A_1727 : vector<16xi1>, vector<16xf32>
        %select_n3A_1764 = arith.select %eq3A_18, %select_n3A_1728, %select_n3A_1723 : vector<16xi1>, vector<16xf32>
        %gather3A_1765 = vector.shape_cast %broadcast_in_dim3A : vector<16x1xi32> to vector<16xi32>
        %gather3A_1766 = tpu.dynamic_gather %select_n3A_1764[%gather3A_1765] in [0] : vector<16xf32>, vector<16xi32> -> vector<16xf32>
        %select_n3A_1767 = arith.select %eq3A_18, %select_n3A_1723, %gather3A_1766 : vector<16xi1>, vector<16xf32>
        %select_n3A_1768 = arith.select %eq3A_18, %gather3A_1766, %select_n3A_1728 : vector<16xi1>, vector<16xf32>
        %select_n3A_1769 = arith.select %eq3A_18, %select_n3A_1737, %select_n3A_1732 : vector<16xi1>, vector<16xf32>
        %gather3A_1770 = vector.shape_cast %broadcast_in_dim3A : vector<16x1xi32> to vector<16xi32>
        %gather3A_1771 = tpu.dynamic_gather %select_n3A_1769[%gather3A_1770] in [0] : vector<16xf32>, vector<16xi32> -> vector<16xf32>
        %select_n3A_1772 = arith.select %eq3A_18, %select_n3A_1732, %gather3A_1771 : vector<16xi1>, vector<16xf32>
        %select_n3A_1773 = arith.select %eq3A_18, %gather3A_1771, %select_n3A_1737 : vector<16xi1>, vector<16xf32>
        %select_n3A_1774 = arith.select %eq3A_18, %select_n3A_1738, %select_n3A_1733 : vector<16xi1>, vector<16xf32>
        %gather3A_1775 = vector.shape_cast %broadcast_in_dim3A : vector<16x1xi32> to vector<16xi32>
        %gather3A_1776 = tpu.dynamic_gather %select_n3A_1774[%gather3A_1775] in [0] : vector<16xf32>, vector<16xi32> -> vector<16xf32>
        %select_n3A_1777 = arith.select %eq3A_18, %select_n3A_1733, %gather3A_1776 : vector<16xi1>, vector<16xf32>
        %select_n3A_1778 = arith.select %eq3A_18, %gather3A_1776, %select_n3A_1738 : vector<16xi1>, vector<16xf32>
        %select_n3A_1779 = arith.select %eq3A_18, %select_n3A_1747, %select_n3A_1742 : vector<16xi1>, vector<16xf32>
        %gather3A_1780 = vector.shape_cast %broadcast_in_dim3A : vector<16x1xi32> to vector<16xi32>
        %gather3A_1781 = tpu.dynamic_gather %select_n3A_1779[%gather3A_1780] in [0] : vector<16xf32>, vector<16xi32> -> vector<16xf32>
        %select_n3A_1782 = arith.select %eq3A_18, %select_n3A_1742, %gather3A_1781 : vector<16xi1>, vector<16xf32>
        %select_n3A_1783 = arith.select %eq3A_18, %gather3A_1781, %select_n3A_1747 : vector<16xi1>, vector<16xf32>
        %select_n3A_1784 = arith.select %eq3A_18, %select_n3A_1748, %select_n3A_1743 : vector<16xi1>, vector<16xf32>
        %gather3A_1785 = vector.shape_cast %broadcast_in_dim3A : vector<16x1xi32> to vector<16xi32>
        %gather3A_1786 = tpu.dynamic_gather %select_n3A_1784[%gather3A_1785] in [0] : vector<16xf32>, vector<16xi32> -> vector<16xf32>
        %select_n3A_1787 = arith.select %eq3A_18, %select_n3A_1743, %gather3A_1786 : vector<16xi1>, vector<16xf32>
        %select_n3A_1788 = arith.select %eq3A_18, %gather3A_1786, %select_n3A_1748 : vector<16xi1>, vector<16xf32>
        %select_n3A_1789 = arith.select %eq3A_18, %select_n3A_1757, %select_n3A_1752 : vector<16xi1>, vector<16xf32>
        %gather3A_1790 = vector.shape_cast %broadcast_in_dim3A : vector<16x1xi32> to vector<16xi32>
        %gather3A_1791 = tpu.dynamic_gather %select_n3A_1789[%gather3A_1790] in [0] : vector<16xf32>, vector<16xi32> -> vector<16xf32>
        %select_n3A_1792 = arith.select %eq3A_18, %select_n3A_1752, %gather3A_1791 : vector<16xi1>, vector<16xf32>
        %select_n3A_1793 = arith.select %eq3A_18, %gather3A_1791, %select_n3A_1757 : vector<16xi1>, vector<16xf32>
        %select_n3A_1794 = arith.select %eq3A_18, %select_n3A_1758, %select_n3A_1753 : vector<16xi1>, vector<16xf32>
        %gather3A_1795 = vector.shape_cast %broadcast_in_dim3A : vector<16x1xi32> to vector<16xi32>
        %gather3A_1796 = tpu.dynamic_gather %select_n3A_1794[%gather3A_1795] in [0] : vector<16xf32>, vector<16xi32> -> vector<16xf32>
        %select_n3A_1797 = arith.select %eq3A_18, %select_n3A_1753, %gather3A_1796 : vector<16xi1>, vector<16xf32>
        %select_n3A_1798 = arith.select %eq3A_18, %gather3A_1796, %select_n3A_1758 : vector<16xi1>, vector<16xf32>
        %swap3A_1799 = arith.index_cast %rem3A_96 : i32 to index
        %swap3A_1800 = arith.constant 1280 : index
        %swap3A_1801 = tpu.vector_load %arg5[%swap3A_1799, %swap3A_1800] {strides = array<i32>} : memref<2x2048xf32, #tpu.memory_space<vmem>>, vector<16xf32>,
        tpu.vector_store %arg5[%swap3A_1799, %swap3A_1800], %select_n3A_1762 {strides = array<i32>} : memref<2x2048xf32, #tpu.memory_space<vmem>>, vector<16xf32>,
        %swap3A_1802 = arith.index_cast %rem3A_96 : i32 to index
        %swap3A_1803 = arith.constant 1296 : index
        %swap3A_1804 = tpu.vector_load %arg5[%swap3A_1802, %swap3A_1803] {strides = array<i32>} : memref<2x2048xf32, #tpu.memory_space<vmem>>, vector<16xf32>,
        tpu.vector_store %arg5[%swap3A_1802, %swap3A_1803], %select_n3A_1763 {strides = array<i32>} : memref<2x2048xf32, #tpu.memory_space<vmem>>, vector<16xf32>,
        %swap3A_1805 = arith.index_cast %rem3A_96 : i32 to index
        %swap3A_1806 = arith.constant 1312 : index
        %swap3A_1807 = tpu.vector_load %arg5[%swap3A_1805, %swap3A_1806] {strides = array<i32>} : memref<2x2048xf32, #tpu.memory_space<vmem>>, vector<16xf32>,
        tpu.vector_store %arg5[%swap3A_1805, %swap3A_1806], %select_n3A_1767 {strides = array<i32>} : memref<2x2048xf32, #tpu.memory_space<vmem>>, vector<16xf32>,
        %swap3A_1808 = arith.index_cast %rem3A_96 : i32 to index
        %swap3A_1809 = arith.constant 1328 : index
        %swap3A_1810 = tpu.vector_load %arg5[%swap3A_1808, %swap3A_1809] {strides = array<i32>} : memref<2x2048xf32, #tpu.memory_space<vmem>>, vector<16xf32>,
        tpu.vector_store %arg5[%swap3A_1808, %swap3A_1809], %select_n3A_1768 {strides = array<i32>} : memref<2x2048xf32, #tpu.memory_space<vmem>>, vector<16xf32>,
        %swap3A_1811 = arith.index_cast %rem3A_96 : i32 to index
        %swap3A_1812 = arith.constant 1344 : index
        %swap3A_1813 = tpu.vector_load %arg5[%swap3A_1811, %swap3A_1812] {strides = array<i32>} : memref<2x2048xf32, #tpu.memory_space<vmem>>, vector<16xf32>,
        tpu.vector_store %arg5[%swap3A_1811, %swap3A_1812], %select_n3A_1772 {strides = array<i32>} : memref<2x2048xf32, #tpu.memory_space<vmem>>, vector<16xf32>,
        %swap3A_1814 = arith.index_cast %rem3A_96 : i32 to index
        %swap3A_1815 = arith.constant 1360 : index
        %swap3A_1816 = tpu.vector_load %arg5[%swap3A_1814, %swap3A_1815] {strides = array<i32>} : memref<2x2048xf32, #tpu.memory_space<vmem>>, vector<16xf32>,
        tpu.vector_store %arg5[%swap3A_1814, %swap3A_1815], %select_n3A_1773 {strides = array<i32>} : memref<2x2048xf32, #tpu.memory_space<vmem>>, vector<16xf32>,
        %swap3A_1817 = arith.index_cast %rem3A_96 : i32 to index
        %swap3A_1818 = arith.constant 1376 : index
        %swap3A_1819 = tpu.vector_load %arg5[%swap3A_1817, %swap3A_1818] {strides = array<i32>} : memref<2x2048xf32, #tpu.memory_space<vmem>>, vector<16xf32>,
        tpu.vector_store %arg5[%swap3A_1817, %swap3A_1818], %select_n3A_1777 {strides = array<i32>} : memref<2x2048xf32, #tpu.memory_space<vmem>>, vector<16xf32>,
        %swap3A_1820 = arith.index_cast %rem3A_96 : i32 to index
        %swap3A_1821 = arith.constant 1392 : index
        %swap3A_1822 = tpu.vector_load %arg5[%swap3A_1820, %swap3A_1821] {strides = array<i32>} : memref<2x2048xf32, #tpu.memory_space<vmem>>, vector<16xf32>,
        tpu.vector_store %arg5[%swap3A_1820, %swap3A_1821], %select_n3A_1778 {strides = array<i32>} : memref<2x2048xf32, #tpu.memory_space<vmem>>, vector<16xf32>,
        %swap3A_1823 = arith.index_cast %rem3A_96 : i32 to index
        %swap3A_1824 = arith.constant 1408 : index
        %swap3A_1825 = tpu.vector_load %arg5[%swap3A_1823, %swap3A_1824] {strides = array<i32>} : memref<2x2048xf32, #tpu.memory_space<vmem>>, vector<16xf32>,
        tpu.vector_store %arg5[%swap3A_1823, %swap3A_1824], %select_n3A_1782 {strides = array<i32>} : memref<2x2048xf32, #tpu.memory_space<vmem>>, vector<16xf32>,
        %swap3A_1826 = arith.index_cast %rem3A_96 : i32 to index
        %swap3A_1827 = arith.constant 1424 : index
        %swap3A_1828 = tpu.vector_load %arg5[%swap3A_1826, %swap3A_1827] {strides = array<i32>} : memref<2x2048xf32, #tpu.memory_space<vmem>>, vector<16xf32>,
        tpu.vector_store %arg5[%swap3A_1826, %swap3A_1827], %select_n3A_1783 {strides = array<i32>} : memref<2x2048xf32, #tpu.memory_space<vmem>>, vector<16xf32>,
        %swap3A_1829 = arith.index_cast %rem3A_96 : i32 to index
        %swap3A_1830 = arith.constant 1440 : index
        %swap3A_1831 = tpu.vector_load %arg5[%swap3A_1829, %swap3A_1830] {strides = array<i32>} : memref<2x2048xf32, #tpu.memory_space<vmem>>, vector<16xf32>,
        tpu.vector_store %arg5[%swap3A_1829, %swap3A_1830], %select_n3A_1787 {strides = array<i32>} : memref<2x2048xf32, #tpu.memory_space<vmem>>, vector<16xf32>,
        %swap3A_1832 = arith.index_cast %rem3A_96 : i32 to index
        %swap3A_1833 = arith.constant 1456 : index
        %swap3A_1834 = tpu.vector_load %arg5[%swap3A_1832, %swap3A_1833] {strides = array<i32>} : memref<2x2048xf32, #tpu.memory_space<vmem>>, vector<16xf32>,
        tpu.vector_store %arg5[%swap3A_1832, %swap3A_1833], %select_n3A_1788 {strides = array<i32>} : memref<2x2048xf32, #tpu.memory_space<vmem>>, vector<16xf32>,
        %swap3A_1835 = arith.index_cast %rem3A_96 : i32 to index
        %swap3A_1836 = arith.constant 1472 : index
        %swap3A_1837 = tpu.vector_load %arg5[%swap3A_1835, %swap3A_1836] {strides = array<i32>} : memref<2x2048xf32, #tpu.memory_space<vmem>>, vector<16xf32>,
        tpu.vector_store %arg5[%swap3A_1835, %swap3A_1836], %select_n3A_1792 {strides = array<i32>} : memref<2x2048xf32, #tpu.memory_space<vmem>>, vector<16xf32>,
        %swap3A_1838 = arith.index_cast %rem3A_96 : i32 to index
        %swap3A_1839 = arith.constant 1488 : index
        %swap3A_1840 = tpu.vector_load %arg5[%swap3A_1838, %swap3A_1839] {strides = array<i32>} : memref<2x2048xf32, #tpu.memory_space<vmem>>, vector<16xf32>,
        tpu.vector_store %arg5[%swap3A_1838, %swap3A_1839], %select_n3A_1793 {strides = array<i32>} : memref<2x2048xf32, #tpu.memory_space<vmem>>, vector<16xf32>,
        %swap3A_1841 = arith.index_cast %rem3A_96 : i32 to index
        %swap3A_1842 = arith.constant 1504 : index
        %swap3A_1843 = tpu.vector_load %arg5[%swap3A_1841, %swap3A_1842] {strides = array<i32>} : memref<2x2048xf32, #tpu.memory_space<vmem>>, vector<16xf32>,
        tpu.vector_store %arg5[%swap3A_1841, %swap3A_1842], %select_n3A_1797 {strides = array<i32>} : memref<2x2048xf32, #tpu.memory_space<vmem>>, vector<16xf32>,
        %swap3A_1844 = arith.index_cast %rem3A_96 : i32 to index
        %swap3A_1845 = arith.constant 1520 : index
        %swap3A_1846 = tpu.vector_load %arg5[%swap3A_1844, %swap3A_1845] {strides = array<i32>} : memref<2x2048xf32, #tpu.memory_space<vmem>>, vector<16xf32>,
        tpu.vector_store %arg5[%swap3A_1844, %swap3A_1845], %select_n3A_1798 {strides = array<i32>} : memref<2x2048xf32, #tpu.memory_space<vmem>>, vector<16xf32>,
        %get3A_1847 = arith.constant 0 : i32
        %get3A_1848 = arith.index_cast %rem3A_94 : i32 to index
        %get3A_1849 = arith.index_cast %get3A_1847 : i32 to index
        %get3A_1850 = arith.constant 96 : index
        %get3A_1851 = tpu.vector_load %arg4[%get3A_1848, %get3A_1849, %get3A_1850] {strides = array<i32>} : memref<4x16x128xf32, #tpu.memory_space<vmem>>, vector<16xf32>,
        %get3A_1852 = arith.constant 1 : i32
        %get3A_1853 = arith.index_cast %rem3A_94 : i32 to index
        %get3A_1854 = arith.index_cast %get3A_1852 : i32 to index
        %get3A_1855 = arith.constant 96 : index
        %get3A_1856 = tpu.vector_load %arg4[%get3A_1853, %get3A_1854, %get3A_1855] {strides = array<i32>} : memref<4x16x128xf32, #tpu.memory_space<vmem>>, vector<16xf32>,
        %get3A_1857 = arith.constant 2 : i32
        %get3A_1858 = arith.index_cast %rem3A_94 : i32 to index
        %get3A_1859 = arith.index_cast %get3A_1857 : i32 to index
        %get3A_1860 = arith.constant 96 : index
        %get3A_1861 = tpu.vector_load %arg4[%get3A_1858, %get3A_1859, %get3A_1860] {strides = array<i32>} : memref<4x16x128xf32, #tpu.memory_space<vmem>>, vector<16xf32>,
        %get3A_1862 = arith.constant 3 : i32
        %get3A_1863 = arith.index_cast %rem3A_94 : i32 to index
        %get3A_1864 = arith.index_cast %get3A_1862 : i32 to index
        %get3A_1865 = arith.constant 96 : index
        %get3A_1866 = tpu.vector_load %arg4[%get3A_1863, %get3A_1864, %get3A_1865] {strides = array<i32>} : memref<4x16x128xf32, #tpu.memory_space<vmem>>, vector<16xf32>,
        %get3A_1867 = arith.constant 4 : i32
        %get3A_1868 = arith.index_cast %rem3A_94 : i32 to index
        %get3A_1869 = arith.index_cast %get3A_1867 : i32 to index
        %get3A_1870 = arith.constant 96 : index
        %get3A_1871 = tpu.vector_load %arg4[%get3A_1868, %get3A_1869, %get3A_1870] {strides = array<i32>} : memref<4x16x128xf32, #tpu.memory_space<vmem>>, vector<16xf32>,
        %get3A_1872 = arith.constant 5 : i32
        %get3A_1873 = arith.index_cast %rem3A_94 : i32 to index
        %get3A_1874 = arith.index_cast %get3A_1872 : i32 to index
        %get3A_1875 = arith.constant 96 : index
        %get3A_1876 = tpu.vector_load %arg4[%get3A_1873, %get3A_1874, %get3A_1875] {strides = array<i32>} : memref<4x16x128xf32, #tpu.memory_space<vmem>>, vector<16xf32>,
        %get3A_1877 = arith.constant 6 : i32
        %get3A_1878 = arith.index_cast %rem3A_94 : i32 to index
        %get3A_1879 = arith.index_cast %get3A_1877 : i32 to index
        %get3A_1880 = arith.constant 96 : index
        %get3A_1881 = tpu.vector_load %arg4[%get3A_1878, %get3A_1879, %get3A_1880] {strides = array<i32>} : memref<4x16x128xf32, #tpu.memory_space<vmem>>, vector<16xf32>,
        %get3A_1882 = arith.constant 7 : i32
        %get3A_1883 = arith.index_cast %rem3A_94 : i32 to index
        %get3A_1884 = arith.index_cast %get3A_1882 : i32 to index
        %get3A_1885 = arith.constant 96 : index
        %get3A_1886 = tpu.vector_load %arg4[%get3A_1883, %get3A_1884, %get3A_1885] {strides = array<i32>} : memref<4x16x128xf32, #tpu.memory_space<vmem>>, vector<16xf32>,
        %get3A_1887 = arith.constant 8 : i32
        %get3A_1888 = arith.index_cast %rem3A_94 : i32 to index
        %get3A_1889 = arith.index_cast %get3A_1887 : i32 to index
        %get3A_1890 = arith.constant 96 : index
        %get3A_1891 = tpu.vector_load %arg4[%get3A_1888, %get3A_1889, %get3A_1890] {strides = array<i32>} : memref<4x16x128xf32, #tpu.memory_space<vmem>>, vector<16xf32>,
        %get3A_1892 = arith.constant 9 : i32
        %get3A_1893 = arith.index_cast %rem3A_94 : i32 to index
        %get3A_1894 = arith.index_cast %get3A_1892 : i32 to index
        %get3A_1895 = arith.constant 96 : index
        %get3A_1896 = tpu.vector_load %arg4[%get3A_1893, %get3A_1894, %get3A_1895] {strides = array<i32>} : memref<4x16x128xf32, #tpu.memory_space<vmem>>, vector<16xf32>,
        %get3A_1897 = arith.constant 10 : i32
        %get3A_1898 = arith.index_cast %rem3A_94 : i32 to index
        %get3A_1899 = arith.index_cast %get3A_1897 : i32 to index
        %get3A_1900 = arith.constant 96 : index
        %get3A_1901 = tpu.vector_load %arg4[%get3A_1898, %get3A_1899, %get3A_1900] {strides = array<i32>} : memref<4x16x128xf32, #tpu.memory_space<vmem>>, vector<16xf32>,
        %get3A_1902 = arith.constant 11 : i32
        %get3A_1903 = arith.index_cast %rem3A_94 : i32 to index
        %get3A_1904 = arith.index_cast %get3A_1902 : i32 to index
        %get3A_1905 = arith.constant 96 : index
        %get3A_1906 = tpu.vector_load %arg4[%get3A_1903, %get3A_1904, %get3A_1905] {strides = array<i32>} : memref<4x16x128xf32, #tpu.memory_space<vmem>>, vector<16xf32>,
        %get3A_1907 = arith.constant 12 : i32
        %get3A_1908 = arith.index_cast %rem3A_94 : i32 to index
        %get3A_1909 = arith.index_cast %get3A_1907 : i32 to index
        %get3A_1910 = arith.constant 96 : index
        %get3A_1911 = tpu.vector_load %arg4[%get3A_1908, %get3A_1909, %get3A_1910] {strides = array<i32>} : memref<4x16x128xf32, #tpu.memory_space<vmem>>, vector<16xf32>,
        %get3A_1912 = arith.constant 13 : i32
        %get3A_1913 = arith.index_cast %rem3A_94 : i32 to index
        %get3A_1914 = arith.index_cast %get3A_1912 : i32 to index
        %get3A_1915 = arith.constant 96 : index
        %get3A_1916 = tpu.vector_load %arg4[%get3A_1913, %get3A_1914, %get3A_1915] {strides = array<i32>} : memref<4x16x128xf32, #tpu.memory_space<vmem>>, vector<16xf32>,
        %get3A_1917 = arith.constant 14 : i32
        %get3A_1918 = arith.index_cast %rem3A_94 : i32 to index
        %get3A_1919 = arith.index_cast %get3A_1917 : i32 to index
        %get3A_1920 = arith.constant 96 : index
        %get3A_1921 = tpu.vector_load %arg4[%get3A_1918, %get3A_1919, %get3A_1920] {strides = array<i32>} : memref<4x16x128xf32, #tpu.memory_space<vmem>>, vector<16xf32>,
        %get3A_1922 = arith.constant 15 : i32
        %get3A_1923 = arith.index_cast %rem3A_94 : i32 to index
        %get3A_1924 = arith.index_cast %get3A_1922 : i32 to index
        %get3A_1925 = arith.constant 96 : index
        %get3A_1926 = tpu.vector_load %arg4[%get3A_1923, %get3A_1924, %get3A_1925] {strides = array<i32>} : memref<4x16x128xf32, #tpu.memory_space<vmem>>, vector<16xf32>,
        %select_n3A_1927 = arith.select %eq3A_36, %get3A_1891, %get3A_1851 : vector<16xi1>, vector<16xf32>
        %gather3A_1928 = vector.shape_cast %broadcast_in_dim3A_14 : vector<16x1xi32> to vector<16xi32>
        %gather3A_1929 = tpu.dynamic_gather %select_n3A_1927[%gather3A_1928] in [0] : vector<16xf32>, vector<16xi32> -> vector<16xf32>
        %select_n3A_1930 = arith.select %eq3A_36, %get3A_1851, %gather3A_1929 : vector<16xi1>, vector<16xf32>
        %select_n3A_1931 = arith.select %eq3A_36, %gather3A_1929, %get3A_1891 : vector<16xi1>, vector<16xf32>
        %select_n3A_1932 = arith.select %eq3A_36, %get3A_1896, %get3A_1856 : vector<16xi1>, vector<16xf32>
        %gather3A_1933 = vector.shape_cast %broadcast_in_dim3A_14 : vector<16x1xi32> to vector<16xi32>
        %gather3A_1934 = tpu.dynamic_gather %select_n3A_1932[%gather3A_1933] in [0] : vector<16xf32>, vector<16xi32> -> vector<16xf32>
        %select_n3A_1935 = arith.select %eq3A_36, %get3A_1856, %gather3A_1934 : vector<16xi1>, vector<16xf32>
        %select_n3A_1936 = arith.select %eq3A_36, %gather3A_1934, %get3A_1896 : vector<16xi1>, vector<16xf32>
        %select_n3A_1937 = arith.select %eq3A_36, %get3A_1901, %get3A_1861 : vector<16xi1>, vector<16xf32>
        %gather3A_1938 = vector.shape_cast %broadcast_in_dim3A_14 : vector<16x1xi32> to vector<16xi32>
        %gather3A_1939 = tpu.dynamic_gather %select_n3A_1937[%gather3A_1938] in [0] : vector<16xf32>, vector<16xi32> -> vector<16xf32>
        %select_n3A_1940 = arith.select %eq3A_36, %get3A_1861, %gather3A_1939 : vector<16xi1>, vector<16xf32>
        %select_n3A_1941 = arith.select %eq3A_36, %gather3A_1939, %get3A_1901 : vector<16xi1>, vector<16xf32>
        %select_n3A_1942 = arith.select %eq3A_36, %get3A_1906, %get3A_1866 : vector<16xi1>, vector<16xf32>
        %gather3A_1943 = vector.shape_cast %broadcast_in_dim3A_14 : vector<16x1xi32> to vector<16xi32>
        %gather3A_1944 = tpu.dynamic_gather %select_n3A_1942[%gather3A_1943] in [0] : vector<16xf32>, vector<16xi32> -> vector<16xf32>
        %select_n3A_1945 = arith.select %eq3A_36, %get3A_1866, %gather3A_1944 : vector<16xi1>, vector<16xf32>
        %select_n3A_1946 = arith.select %eq3A_36, %gather3A_1944, %get3A_1906 : vector<16xi1>, vector<16xf32>
        %select_n3A_1947 = arith.select %eq3A_36, %get3A_1911, %get3A_1871 : vector<16xi1>, vector<16xf32>
        %gather3A_1948 = vector.shape_cast %broadcast_in_dim3A_14 : vector<16x1xi32> to vector<16xi32>
        %gather3A_1949 = tpu.dynamic_gather %select_n3A_1947[%gather3A_1948] in [0] : vector<16xf32>, vector<16xi32> -> vector<16xf32>
        %select_n3A_1950 = arith.select %eq3A_36, %get3A_1871, %gather3A_1949 : vector<16xi1>, vector<16xf32>
        %select_n3A_1951 = arith.select %eq3A_36, %gather3A_1949, %get3A_1911 : vector<16xi1>, vector<16xf32>
        %select_n3A_1952 = arith.select %eq3A_36, %get3A_1916, %get3A_1876 : vector<16xi1>, vector<16xf32>
        %gather3A_1953 = vector.shape_cast %broadcast_in_dim3A_14 : vector<16x1xi32> to vector<16xi32>
        %gather3A_1954 = tpu.dynamic_gather %select_n3A_1952[%gather3A_1953] in [0] : vector<16xf32>, vector<16xi32> -> vector<16xf32>
        %select_n3A_1955 = arith.select %eq3A_36, %get3A_1876, %gather3A_1954 : vector<16xi1>, vector<16xf32>
        %select_n3A_1956 = arith.select %eq3A_36, %gather3A_1954, %get3A_1916 : vector<16xi1>, vector<16xf32>
        %select_n3A_1957 = arith.select %eq3A_36, %get3A_1921, %get3A_1881 : vector<16xi1>, vector<16xf32>
        %gather3A_1958 = vector.shape_cast %broadcast_in_dim3A_14 : vector<16x1xi32> to vector<16xi32>
        %gather3A_1959 = tpu.dynamic_gather %select_n3A_1957[%gather3A_1958] in [0] : vector<16xf32>, vector<16xi32> -> vector<16xf32>
        %select_n3A_1960 = arith.select %eq3A_36, %get3A_1881, %gather3A_1959 : vector<16xi1>, vector<16xf32>
        %select_n3A_1961 = arith.select %eq3A_36, %gather3A_1959, %get3A_1921 : vector<16xi1>, vector<16xf32>
        %select_n3A_1962 = arith.select %eq3A_36, %get3A_1926, %get3A_1886 : vector<16xi1>, vector<16xf32>
        %gather3A_1963 = vector.shape_cast %broadcast_in_dim3A_14 : vector<16x1xi32> to vector<16xi32>
        %gather3A_1964 = tpu.dynamic_gather %select_n3A_1962[%gather3A_1963] in [0] : vector<16xf32>, vector<16xi32> -> vector<16xf32>
        %select_n3A_1965 = arith.select %eq3A_36, %get3A_1886, %gather3A_1964 : vector<16xi1>, vector<16xf32>
        %select_n3A_1966 = arith.select %eq3A_36, %gather3A_1964, %get3A_1926 : vector<16xi1>, vector<16xf32>
        %select_n3A_1967 = arith.select %eq3A_30, %select_n3A_1950, %select_n3A_1930 : vector<16xi1>, vector<16xf32>
        %gather3A_1968 = vector.shape_cast %broadcast_in_dim3A_10 : vector<16x1xi32> to vector<16xi32>
        %gather3A_1969 = tpu.dynamic_gather %select_n3A_1967[%gather3A_1968] in [0] : vector<16xf32>, vector<16xi32> -> vector<16xf32>
        %select_n3A_1970 = arith.select %eq3A_30, %select_n3A_1930, %gather3A_1969 : vector<16xi1>, vector<16xf32>
        %select_n3A_1971 = arith.select %eq3A_30, %gather3A_1969, %select_n3A_1950 : vector<16xi1>, vector<16xf32>
        %select_n3A_1972 = arith.select %eq3A_30, %select_n3A_1955, %select_n3A_1935 : vector<16xi1>, vector<16xf32>
        %gather3A_1973 = vector.shape_cast %broadcast_in_dim3A_10 : vector<16x1xi32> to vector<16xi32>
        %gather3A_1974 = tpu.dynamic_gather %select_n3A_1972[%gather3A_1973] in [0] : vector<16xf32>, vector<16xi32> -> vector<16xf32>
        %select_n3A_1975 = arith.select %eq3A_30, %select_n3A_1935, %gather3A_1974 : vector<16xi1>, vector<16xf32>
        %select_n3A_1976 = arith.select %eq3A_30, %gather3A_1974, %select_n3A_1955 : vector<16xi1>, vector<16xf32>
        %select_n3A_1977 = arith.select %eq3A_30, %select_n3A_1960, %select_n3A_1940 : vector<16xi1>, vector<16xf32>
        %gather3A_1978 = vector.shape_cast %broadcast_in_dim3A_10 : vector<16x1xi32> to vector<16xi32>
        %gather3A_1979 = tpu.dynamic_gather %select_n3A_1977[%gather3A_1978] in [0] : vector<16xf32>, vector<16xi32> -> vector<16xf32>
        %select_n3A_1980 = arith.select %eq3A_30, %select_n3A_1940, %gather3A_1979 : vector<16xi1>, vector<16xf32>
        %select_n3A_1981 = arith.select %eq3A_30, %gather3A_1979, %select_n3A_1960 : vector<16xi1>, vector<16xf32>
        %select_n3A_1982 = arith.select %eq3A_30, %select_n3A_1965, %select_n3A_1945 : vector<16xi1>, vector<16xf32>
        %gather3A_1983 = vector.shape_cast %broadcast_in_dim3A_10 : vector<16x1xi32> to vector<16xi32>
        %gather3A_1984 = tpu.dynamic_gather %select_n3A_1982[%gather3A_1983] in [0] : vector<16xf32>, vector<16xi32> -> vector<16xf32>
        %select_n3A_1985 = arith.select %eq3A_30, %select_n3A_1945, %gather3A_1984 : vector<16xi1>, vector<16xf32>
        %select_n3A_1986 = arith.select %eq3A_30, %gather3A_1984, %select_n3A_1965 : vector<16xi1>, vector<16xf32>
        %select_n3A_1987 = arith.select %eq3A_30, %select_n3A_1951, %select_n3A_1931 : vector<16xi1>, vector<16xf32>
        %gather3A_1988 = vector.shape_cast %broadcast_in_dim3A_10 : vector<16x1xi32> to vector<16xi32>
        %gather3A_1989 = tpu.dynamic_gather %select_n3A_1987[%gather3A_1988] in [0] : vector<16xf32>, vector<16xi32> -> vector<16xf32>
        %select_n3A_1990 = arith.select %eq3A_30, %select_n3A_1931, %gather3A_1989 : vector<16xi1>, vector<16xf32>
        %select_n3A_1991 = arith.select %eq3A_30, %gather3A_1989, %select_n3A_1951 : vector<16xi1>, vector<16xf32>
        %select_n3A_1992 = arith.select %eq3A_30, %select_n3A_1956, %select_n3A_1936 : vector<16xi1>, vector<16xf32>
        %gather3A_1993 = vector.shape_cast %broadcast_in_dim3A_10 : vector<16x1xi32> to vector<16xi32>
        %gather3A_1994 = tpu.dynamic_gather %select_n3A_1992[%gather3A_1993] in [0] : vector<16xf32>, vector<16xi32> -> vector<16xf32>
        %select_n3A_1995 = arith.select %eq3A_30, %select_n3A_1936, %gather3A_1994 : vector<16xi1>, vector<16xf32>
        %select_n3A_1996 = arith.select %eq3A_30, %gather3A_1994, %select_n3A_1956 : vector<16xi1>, vector<16xf32>
        %select_n3A_1997 = arith.select %eq3A_30, %select_n3A_1961, %select_n3A_1941 : vector<16xi1>, vector<16xf32>
        %gather3A_1998 = vector.shape_cast %broadcast_in_dim3A_10 : vector<16x1xi32> to vector<16xi32>
        %gather3A_1999 = tpu.dynamic_gather %select_n3A_1997[%gather3A_1998] in [0] : vector<16xf32>, vector<16xi32> -> vector<16xf32>
        %select_n3A_2000 = arith.select %eq3A_30, %select_n3A_1941, %gather3A_1999 : vector<16xi1>, vector<16xf32>
        %select_n3A_2001 = arith.select %eq3A_30, %gather3A_1999, %select_n3A_1961 : vector<16xi1>, vector<16xf32>
        %select_n3A_2002 = arith.select %eq3A_30, %select_n3A_1966, %select_n3A_1946 : vector<16xi1>, vector<16xf32>
        %gather3A_2003 = vector.shape_cast %broadcast_in_dim3A_10 : vector<16x1xi32> to vector<16xi32>
        %gather3A_2004 = tpu.dynamic_gather %select_n3A_2002[%gather3A_2003] in [0] : vector<16xf32>, vector<16xi32> -> vector<16xf32>
        %select_n3A_2005 = arith.select %eq3A_30, %select_n3A_1946, %gather3A_2004 : vector<16xi1>, vector<16xf32>
        %select_n3A_2006 = arith.select %eq3A_30, %gather3A_2004, %select_n3A_1966 : vector<16xi1>, vector<16xf32>
        %select_n3A_2007 = arith.select %eq3A_24, %select_n3A_1980, %select_n3A_1970 : vector<16xi1>, vector<16xf32>
        %gather3A_2008 = vector.shape_cast %broadcast_in_dim3A_6 : vector<16x1xi32> to vector<16xi32>
        %gather3A_2009 = tpu.dynamic_gather %select_n3A_2007[%gather3A_2008] in [0] : vector<16xf32>, vector<16xi32> -> vector<16xf32>
        %select_n3A_2010 = arith.select %eq3A_24, %select_n3A_1970, %gather3A_2009 : vector<16xi1>, vector<16xf32>
        %select_n3A_2011 = arith.select %eq3A_24, %gather3A_2009, %select_n3A_1980 : vector<16xi1>, vector<16xf32>
        %select_n3A_2012 = arith.select %eq3A_24, %select_n3A_1985, %select_n3A_1975 : vector<16xi1>, vector<16xf32>
        %gather3A_2013 = vector.shape_cast %broadcast_in_dim3A_6 : vector<16x1xi32> to vector<16xi32>
        %gather3A_2014 = tpu.dynamic_gather %select_n3A_2012[%gather3A_2013] in [0] : vector<16xf32>, vector<16xi32> -> vector<16xf32>
        %select_n3A_2015 = arith.select %eq3A_24, %select_n3A_1975, %gather3A_2014 : vector<16xi1>, vector<16xf32>
        %select_n3A_2016 = arith.select %eq3A_24, %gather3A_2014, %select_n3A_1985 : vector<16xi1>, vector<16xf32>
        %select_n3A_2017 = arith.select %eq3A_24, %select_n3A_1981, %select_n3A_1971 : vector<16xi1>, vector<16xf32>
        %gather3A_2018 = vector.shape_cast %broadcast_in_dim3A_6 : vector<16x1xi32> to vector<16xi32>
        %gather3A_2019 = tpu.dynamic_gather %select_n3A_2017[%gather3A_2018] in [0] : vector<16xf32>, vector<16xi32> -> vector<16xf32>
        %select_n3A_2020 = arith.select %eq3A_24, %select_n3A_1971, %gather3A_2019 : vector<16xi1>, vector<16xf32>
        %select_n3A_2021 = arith.select %eq3A_24, %gather3A_2019, %select_n3A_1981 : vector<16xi1>, vector<16xf32>
        %select_n3A_2022 = arith.select %eq3A_24, %select_n3A_1986, %select_n3A_1976 : vector<16xi1>, vector<16xf32>
        %gather3A_2023 = vector.shape_cast %broadcast_in_dim3A_6 : vector<16x1xi32> to vector<16xi32>
        %gather3A_2024 = tpu.dynamic_gather %select_n3A_2022[%gather3A_2023] in [0] : vector<16xf32>, vector<16xi32> -> vector<16xf32>
        %select_n3A_2025 = arith.select %eq3A_24, %select_n3A_1976, %gather3A_2024 : vector<16xi1>, vector<16xf32>
        %select_n3A_2026 = arith.select %eq3A_24, %gather3A_2024, %select_n3A_1986 : vector<16xi1>, vector<16xf32>
        %select_n3A_2027 = arith.select %eq3A_24, %select_n3A_2000, %select_n3A_1990 : vector<16xi1>, vector<16xf32>
        %gather3A_2028 = vector.shape_cast %broadcast_in_dim3A_6 : vector<16x1xi32> to vector<16xi32>
        %gather3A_2029 = tpu.dynamic_gather %select_n3A_2027[%gather3A_2028] in [0] : vector<16xf32>, vector<16xi32> -> vector<16xf32>
        %select_n3A_2030 = arith.select %eq3A_24, %select_n3A_1990, %gather3A_2029 : vector<16xi1>, vector<16xf32>
        %select_n3A_2031 = arith.select %eq3A_24, %gather3A_2029, %select_n3A_2000 : vector<16xi1>, vector<16xf32>
        %select_n3A_2032 = arith.select %eq3A_24, %select_n3A_2005, %select_n3A_1995 : vector<16xi1>, vector<16xf32>
        %gather3A_2033 = vector.shape_cast %broadcast_in_dim3A_6 : vector<16x1xi32> to vector<16xi32>
        %gather3A_2034 = tpu.dynamic_gather %select_n3A_2032[%gather3A_2033] in [0] : vector<16xf32>, vector<16xi32> -> vector<16xf32>
        %select_n3A_2035 = arith.select %eq3A_24, %select_n3A_1995, %gather3A_2034 : vector<16xi1>, vector<16xf32>
        %select_n3A_2036 = arith.select %eq3A_24, %gather3A_2034, %select_n3A_2005 : vector<16xi1>, vector<16xf32>
        %select_n3A_2037 = arith.select %eq3A_24, %select_n3A_2001, %select_n3A_1991 : vector<16xi1>, vector<16xf32>
        %gather3A_2038 = vector.shape_cast %broadcast_in_dim3A_6 : vector<16x1xi32> to vector<16xi32>
        %gather3A_2039 = tpu.dynamic_gather %select_n3A_2037[%gather3A_2038] in [0] : vector<16xf32>, vector<16xi32> -> vector<16xf32>
        %select_n3A_2040 = arith.select %eq3A_24, %select_n3A_1991, %gather3A_2039 : vector<16xi1>, vector<16xf32>
        %select_n3A_2041 = arith.select %eq3A_24, %gather3A_2039, %select_n3A_2001 : vector<16xi1>, vector<16xf32>
        %select_n3A_2042 = arith.select %eq3A_24, %select_n3A_2006, %select_n3A_1996 : vector<16xi1>, vector<16xf32>
        %gather3A_2043 = vector.shape_cast %broadcast_in_dim3A_6 : vector<16x1xi32> to vector<16xi32>
        %gather3A_2044 = tpu.dynamic_gather %select_n3A_2042[%gather3A_2043] in [0] : vector<16xf32>, vector<16xi32> -> vector<16xf32>
        %select_n3A_2045 = arith.select %eq3A_24, %select_n3A_1996, %gather3A_2044 : vector<16xi1>, vector<16xf32>
        %select_n3A_2046 = arith.select %eq3A_24, %gather3A_2044, %select_n3A_2006 : vector<16xi1>, vector<16xf32>
        %select_n3A_2047 = arith.select %eq3A_18, %select_n3A_2015, %select_n3A_2010 : vector<16xi1>, vector<16xf32>
        %gather3A_2048 = vector.shape_cast %broadcast_in_dim3A : vector<16x1xi32> to vector<16xi32>
        %gather3A_2049 = tpu.dynamic_gather %select_n3A_2047[%gather3A_2048] in [0] : vector<16xf32>, vector<16xi32> -> vector<16xf32>
        %select_n3A_2050 = arith.select %eq3A_18, %select_n3A_2010, %gather3A_2049 : vector<16xi1>, vector<16xf32>
        %select_n3A_2051 = arith.select %eq3A_18, %gather3A_2049, %select_n3A_2015 : vector<16xi1>, vector<16xf32>
        %select_n3A_2052 = arith.select %eq3A_18, %select_n3A_2016, %select_n3A_2011 : vector<16xi1>, vector<16xf32>
        %gather3A_2053 = vector.shape_cast %broadcast_in_dim3A : vector<16x1xi32> to vector<16xi32>
        %gather3A_2054 = tpu.dynamic_gather %select_n3A_2052[%gather3A_2053] in [0] : vector<16xf32>, vector<16xi32> -> vector<16xf32>
        %select_n3A_2055 = arith.select %eq3A_18, %select_n3A_2011, %gather3A_2054 : vector<16xi1>, vector<16xf32>
        %select_n3A_2056 = arith.select %eq3A_18, %gather3A_2054, %select_n3A_2016 : vector<16xi1>, vector<16xf32>
        %select_n3A_2057 = arith.select %eq3A_18, %select_n3A_2025, %select_n3A_2020 : vector<16xi1>, vector<16xf32>
        %gather3A_2058 = vector.shape_cast %broadcast_in_dim3A : vector<16x1xi32> to vector<16xi32>
        %gather3A_2059 = tpu.dynamic_gather %select_n3A_2057[%gather3A_2058] in [0] : vector<16xf32>, vector<16xi32> -> vector<16xf32>
        %select_n3A_2060 = arith.select %eq3A_18, %select_n3A_2020, %gather3A_2059 : vector<16xi1>, vector<16xf32>
        %select_n3A_2061 = arith.select %eq3A_18, %gather3A_2059, %select_n3A_2025 : vector<16xi1>, vector<16xf32>
        %select_n3A_2062 = arith.select %eq3A_18, %select_n3A_2026, %select_n3A_2021 : vector<16xi1>, vector<16xf32>
        %gather3A_2063 = vector.shape_cast %broadcast_in_dim3A : vector<16x1xi32> to vector<16xi32>
        %gather3A_2064 = tpu.dynamic_gather %select_n3A_2062[%gather3A_2063] in [0] : vector<16xf32>, vector<16xi32> -> vector<16xf32>
        %select_n3A_2065 = arith.select %eq3A_18, %select_n3A_2021, %gather3A_2064 : vector<16xi1>, vector<16xf32>
        %select_n3A_2066 = arith.select %eq3A_18, %gather3A_2064, %select_n3A_2026 : vector<16xi1>, vector<16xf32>
        %select_n3A_2067 = arith.select %eq3A_18, %select_n3A_2035, %select_n3A_2030 : vector<16xi1>, vector<16xf32>
        %gather3A_2068 = vector.shape_cast %broadcast_in_dim3A : vector<16x1xi32> to vector<16xi32>
        %gather3A_2069 = tpu.dynamic_gather %select_n3A_2067[%gather3A_2068] in [0] : vector<16xf32>, vector<16xi32> -> vector<16xf32>
        %select_n3A_2070 = arith.select %eq3A_18, %select_n3A_2030, %gather3A_2069 : vector<16xi1>, vector<16xf32>
        %select_n3A_2071 = arith.select %eq3A_18, %gather3A_2069, %select_n3A_2035 : vector<16xi1>, vector<16xf32>
        %select_n3A_2072 = arith.select %eq3A_18, %select_n3A_2036, %select_n3A_2031 : vector<16xi1>, vector<16xf32>
        %gather3A_2073 = vector.shape_cast %broadcast_in_dim3A : vector<16x1xi32> to vector<16xi32>
        %gather3A_2074 = tpu.dynamic_gather %select_n3A_2072[%gather3A_2073] in [0] : vector<16xf32>, vector<16xi32> -> vector<16xf32>
        %select_n3A_2075 = arith.select %eq3A_18, %select_n3A_2031, %gather3A_2074 : vector<16xi1>, vector<16xf32>
        %select_n3A_2076 = arith.select %eq3A_18, %gather3A_2074, %select_n3A_2036 : vector<16xi1>, vector<16xf32>
        %select_n3A_2077 = arith.select %eq3A_18, %select_n3A_2045, %select_n3A_2040 : vector<16xi1>, vector<16xf32>
        %gather3A_2078 = vector.shape_cast %broadcast_in_dim3A : vector<16x1xi32> to vector<16xi32>
        %gather3A_2079 = tpu.dynamic_gather %select_n3A_2077[%gather3A_2078] in [0] : vector<16xf32>, vector<16xi32> -> vector<16xf32>
        %select_n3A_2080 = arith.select %eq3A_18, %select_n3A_2040, %gather3A_2079 : vector<16xi1>, vector<16xf32>
        %select_n3A_2081 = arith.select %eq3A_18, %gather3A_2079, %select_n3A_2045 : vector<16xi1>, vector<16xf32>
        %select_n3A_2082 = arith.select %eq3A_18, %select_n3A_2046, %select_n3A_2041 : vector<16xi1>, vector<16xf32>
        %gather3A_2083 = vector.shape_cast %broadcast_in_dim3A : vector<16x1xi32> to vector<16xi32>
        %gather3A_2084 = tpu.dynamic_gather %select_n3A_2082[%gather3A_2083] in [0] : vector<16xf32>, vector<16xi32> -> vector<16xf32>
        %select_n3A_2085 = arith.select %eq3A_18, %select_n3A_2041, %gather3A_2084 : vector<16xi1>, vector<16xf32>
        %select_n3A_2086 = arith.select %eq3A_18, %gather3A_2084, %select_n3A_2046 : vector<16xi1>, vector<16xf32>
        %swap3A_2087 = arith.index_cast %rem3A_96 : i32 to index
        %swap3A_2088 = arith.constant 1536 : index
        %swap3A_2089 = tpu.vector_load %arg5[%swap3A_2087, %swap3A_2088] {strides = array<i32>} : memref<2x2048xf32, #tpu.memory_space<vmem>>, vector<16xf32>,
        tpu.vector_store %arg5[%swap3A_2087, %swap3A_2088], %select_n3A_2050 {strides = array<i32>} : memref<2x2048xf32, #tpu.memory_space<vmem>>, vector<16xf32>,
        %swap3A_2090 = arith.index_cast %rem3A_96 : i32 to index
        %swap3A_2091 = arith.constant 1552 : index
        %swap3A_2092 = tpu.vector_load %arg5[%swap3A_2090, %swap3A_2091] {strides = array<i32>} : memref<2x2048xf32, #tpu.memory_space<vmem>>, vector<16xf32>,
        tpu.vector_store %arg5[%swap3A_2090, %swap3A_2091], %select_n3A_2051 {strides = array<i32>} : memref<2x2048xf32, #tpu.memory_space<vmem>>, vector<16xf32>,
        %swap3A_2093 = arith.index_cast %rem3A_96 : i32 to index
        %swap3A_2094 = arith.constant 1568 : index
        %swap3A_2095 = tpu.vector_load %arg5[%swap3A_2093, %swap3A_2094] {strides = array<i32>} : memref<2x2048xf32, #tpu.memory_space<vmem>>, vector<16xf32>,
        tpu.vector_store %arg5[%swap3A_2093, %swap3A_2094], %select_n3A_2055 {strides = array<i32>} : memref<2x2048xf32, #tpu.memory_space<vmem>>, vector<16xf32>,
        %swap3A_2096 = arith.index_cast %rem3A_96 : i32 to index
        %swap3A_2097 = arith.constant 1584 : index
        %swap3A_2098 = tpu.vector_load %arg5[%swap3A_2096, %swap3A_2097] {strides = array<i32>} : memref<2x2048xf32, #tpu.memory_space<vmem>>, vector<16xf32>,
        tpu.vector_store %arg5[%swap3A_2096, %swap3A_2097], %select_n3A_2056 {strides = array<i32>} : memref<2x2048xf32, #tpu.memory_space<vmem>>, vector<16xf32>,
        %swap3A_2099 = arith.index_cast %rem3A_96 : i32 to index
        %swap3A_2100 = arith.constant 1600 : index
        %swap3A_2101 = tpu.vector_load %arg5[%swap3A_2099, %swap3A_2100] {strides = array<i32>} : memref<2x2048xf32, #tpu.memory_space<vmem>>, vector<16xf32>,
        tpu.vector_store %arg5[%swap3A_2099, %swap3A_2100], %select_n3A_2060 {strides = array<i32>} : memref<2x2048xf32, #tpu.memory_space<vmem>>, vector<16xf32>,
        %swap3A_2102 = arith.index_cast %rem3A_96 : i32 to index
        %swap3A_2103 = arith.constant 1616 : index
        %swap3A_2104 = tpu.vector_load %arg5[%swap3A_2102, %swap3A_2103] {strides = array<i32>} : memref<2x2048xf32, #tpu.memory_space<vmem>>, vector<16xf32>,
        tpu.vector_store %arg5[%swap3A_2102, %swap3A_2103], %select_n3A_2061 {strides = array<i32>} : memref<2x2048xf32, #tpu.memory_space<vmem>>, vector<16xf32>,
        %swap3A_2105 = arith.index_cast %rem3A_96 : i32 to index
        %swap3A_2106 = arith.constant 1632 : index
        %swap3A_2107 = tpu.vector_load %arg5[%swap3A_2105, %swap3A_2106] {strides = array<i32>} : memref<2x2048xf32, #tpu.memory_space<vmem>>, vector<16xf32>,
        tpu.vector_store %arg5[%swap3A_2105, %swap3A_2106], %select_n3A_2065 {strides = array<i32>} : memref<2x2048xf32, #tpu.memory_space<vmem>>, vector<16xf32>,
        %swap3A_2108 = arith.index_cast %rem3A_96 : i32 to index
        %swap3A_2109 = arith.constant 1648 : index
        %swap3A_2110 = tpu.vector_load %arg5[%swap3A_2108, %swap3A_2109] {strides = array<i32>} : memref<2x2048xf32, #tpu.memory_space<vmem>>, vector<16xf32>,
        tpu.vector_store %arg5[%swap3A_2108, %swap3A_2109], %select_n3A_2066 {strides = array<i32>} : memref<2x2048xf32, #tpu.memory_space<vmem>>, vector<16xf32>,
        %swap3A_2111 = arith.index_cast %rem3A_96 : i32 to index
        %swap3A_2112 = arith.constant 1664 : index
        %swap3A_2113 = tpu.vector_load %arg5[%swap3A_2111, %swap3A_2112] {strides = array<i32>} : memref<2x2048xf32, #tpu.memory_space<vmem>>, vector<16xf32>,
        tpu.vector_store %arg5[%swap3A_2111, %swap3A_2112], %select_n3A_2070 {strides = array<i32>} : memref<2x2048xf32, #tpu.memory_space<vmem>>, vector<16xf32>,
        %swap3A_2114 = arith.index_cast %rem3A_96 : i32 to index
        %swap3A_2115 = arith.constant 1680 : index
        %swap3A_2116 = tpu.vector_load %arg5[%swap3A_2114, %swap3A_2115] {strides = array<i32>} : memref<2x2048xf32, #tpu.memory_space<vmem>>, vector<16xf32>,
        tpu.vector_store %arg5[%swap3A_2114, %swap3A_2115], %select_n3A_2071 {strides = array<i32>} : memref<2x2048xf32, #tpu.memory_space<vmem>>, vector<16xf32>,
        %swap3A_2117 = arith.index_cast %rem3A_96 : i32 to index
        %swap3A_2118 = arith.constant 1696 : index
        %swap3A_2119 = tpu.vector_load %arg5[%swap3A_2117, %swap3A_2118] {strides = array<i32>} : memref<2x2048xf32, #tpu.memory_space<vmem>>, vector<16xf32>,
        tpu.vector_store %arg5[%swap3A_2117, %swap3A_2118], %select_n3A_2075 {strides = array<i32>} : memref<2x2048xf32, #tpu.memory_space<vmem>>, vector<16xf32>,
        %swap3A_2120 = arith.index_cast %rem3A_96 : i32 to index
        %swap3A_2121 = arith.constant 1712 : index
        %swap3A_2122 = tpu.vector_load %arg5[%swap3A_2120, %swap3A_2121] {strides = array<i32>} : memref<2x2048xf32, #tpu.memory_space<vmem>>, vector<16xf32>,
        tpu.vector_store %arg5[%swap3A_2120, %swap3A_2121], %select_n3A_2076 {strides = array<i32>} : memref<2x2048xf32, #tpu.memory_space<vmem>>, vector<16xf32>,
        %swap3A_2123 = arith.index_cast %rem3A_96 : i32 to index
        %swap3A_2124 = arith.constant 1728 : index
        %swap3A_2125 = tpu.vector_load %arg5[%swap3A_2123, %swap3A_2124] {strides = array<i32>} : memref<2x2048xf32, #tpu.memory_space<vmem>>, vector<16xf32>,
        tpu.vector_store %arg5[%swap3A_2123, %swap3A_2124], %select_n3A_2080 {strides = array<i32>} : memref<2x2048xf32, #tpu.memory_space<vmem>>, vector<16xf32>,
        %swap3A_2126 = arith.index_cast %rem3A_96 : i32 to index
        %swap3A_2127 = arith.constant 1744 : index
        %swap3A_2128 = tpu.vector_load %arg5[%swap3A_2126, %swap3A_2127] {strides = array<i32>} : memref<2x2048xf32, #tpu.memory_space<vmem>>, vector<16xf32>,
        tpu.vector_store %arg5[%swap3A_2126, %swap3A_2127], %select_n3A_2081 {strides = array<i32>} : memref<2x2048xf32, #tpu.memory_space<vmem>>, vector<16xf32>,
        %swap3A_2129 = arith.index_cast %rem3A_96 : i32 to index
        %swap3A_2130 = arith.constant 1760 : index
        %swap3A_2131 = tpu.vector_load %arg5[%swap3A_2129, %swap3A_2130] {strides = array<i32>} : memref<2x2048xf32, #tpu.memory_space<vmem>>, vector<16xf32>,
        tpu.vector_store %arg5[%swap3A_2129, %swap3A_2130], %select_n3A_2085 {strides = array<i32>} : memref<2x2048xf32, #tpu.memory_space<vmem>>, vector<16xf32>,
        %swap3A_2132 = arith.index_cast %rem3A_96 : i32 to index
        %swap3A_2133 = arith.constant 1776 : index
        %swap3A_2134 = tpu.vector_load %arg5[%swap3A_2132, %swap3A_2133] {strides = array<i32>} : memref<2x2048xf32, #tpu.memory_space<vmem>>, vector<16xf32>,
        tpu.vector_store %arg5[%swap3A_2132, %swap3A_2133], %select_n3A_2086 {strides = array<i32>} : memref<2x2048xf32, #tpu.memory_space<vmem>>, vector<16xf32>,
        %get3A_2135 = arith.constant 0 : i32
        %get3A_2136 = arith.index_cast %rem3A_94 : i32 to index
        %get3A_2137 = arith.index_cast %get3A_2135 : i32 to index
        %get3A_2138 = arith.constant 112 : index
        %get3A_2139 = tpu.vector_load %arg4[%get3A_2136, %get3A_2137, %get3A_2138] {strides = array<i32>} : memref<4x16x128xf32, #tpu.memory_space<vmem>>, vector<16xf32>,
        %get3A_2140 = arith.constant 1 : i32
        %get3A_2141 = arith.index_cast %rem3A_94 : i32 to index
        %get3A_2142 = arith.index_cast %get3A_2140 : i32 to index
        %get3A_2143 = arith.constant 112 : index
        %get3A_2144 = tpu.vector_load %arg4[%get3A_2141, %get3A_2142, %get3A_2143] {strides = array<i32>} : memref<4x16x128xf32, #tpu.memory_space<vmem>>, vector<16xf32>,
        %get3A_2145 = arith.constant 2 : i32
        %get3A_2146 = arith.index_cast %rem3A_94 : i32 to index
        %get3A_2147 = arith.index_cast %get3A_2145 : i32 to index
        %get3A_2148 = arith.constant 112 : index
        %get3A_2149 = tpu.vector_load %arg4[%get3A_2146, %get3A_2147, %get3A_2148] {strides = array<i32>} : memref<4x16x128xf32, #tpu.memory_space<vmem>>, vector<16xf32>,
        %get3A_2150 = arith.constant 3 : i32
        %get3A_2151 = arith.index_cast %rem3A_94 : i32 to index
        %get3A_2152 = arith.index_cast %get3A_2150 : i32 to index
        %get3A_2153 = arith.constant 112 : index
        %get3A_2154 = tpu.vector_load %arg4[%get3A_2151, %get3A_2152, %get3A_2153] {strides = array<i32>} : memref<4x16x128xf32, #tpu.memory_space<vmem>>, vector<16xf32>,
        %get3A_2155 = arith.constant 4 : i32
        %get3A_2156 = arith.index_cast %rem3A_94 : i32 to index
        %get3A_2157 = arith.index_cast %get3A_2155 : i32 to index
        %get3A_2158 = arith.constant 112 : index
        %get3A_2159 = tpu.vector_load %arg4[%get3A_2156, %get3A_2157, %get3A_2158] {strides = array<i32>} : memref<4x16x128xf32, #tpu.memory_space<vmem>>, vector<16xf32>,
        %get3A_2160 = arith.constant 5 : i32
        %get3A_2161 = arith.index_cast %rem3A_94 : i32 to index
        %get3A_2162 = arith.index_cast %get3A_2160 : i32 to index
        %get3A_2163 = arith.constant 112 : index
        %get3A_2164 = tpu.vector_load %arg4[%get3A_2161, %get3A_2162, %get3A_2163] {strides = array<i32>} : memref<4x16x128xf32, #tpu.memory_space<vmem>>, vector<16xf32>,
        %get3A_2165 = arith.constant 6 : i32
        %get3A_2166 = arith.index_cast %rem3A_94 : i32 to index
        %get3A_2167 = arith.index_cast %get3A_2165 : i32 to index
        %get3A_2168 = arith.constant 112 : index
        %get3A_2169 = tpu.vector_load %arg4[%get3A_2166, %get3A_2167, %get3A_2168] {strides = array<i32>} : memref<4x16x128xf32, #tpu.memory_space<vmem>>, vector<16xf32>,
        %get3A_2170 = arith.constant 7 : i32
        %get3A_2171 = arith.index_cast %rem3A_94 : i32 to index
        %get3A_2172 = arith.index_cast %get3A_2170 : i32 to index
        %get3A_2173 = arith.constant 112 : index
        %get3A_2174 = tpu.vector_load %arg4[%get3A_2171, %get3A_2172, %get3A_2173] {strides = array<i32>} : memref<4x16x128xf32, #tpu.memory_space<vmem>>, vector<16xf32>,
        %get3A_2175 = arith.constant 8 : i32
        %get3A_2176 = arith.index_cast %rem3A_94 : i32 to index
        %get3A_2177 = arith.index_cast %get3A_2175 : i32 to index
        %get3A_2178 = arith.constant 112 : index
        %get3A_2179 = tpu.vector_load %arg4[%get3A_2176, %get3A_2177, %get3A_2178] {strides = array<i32>} : memref<4x16x128xf32, #tpu.memory_space<vmem>>, vector<16xf32>,
        %get3A_2180 = arith.constant 9 : i32
        %get3A_2181 = arith.index_cast %rem3A_94 : i32 to index
        %get3A_2182 = arith.index_cast %get3A_2180 : i32 to index
        %get3A_2183 = arith.constant 112 : index
        %get3A_2184 = tpu.vector_load %arg4[%get3A_2181, %get3A_2182, %get3A_2183] {strides = array<i32>} : memref<4x16x128xf32, #tpu.memory_space<vmem>>, vector<16xf32>,
        %get3A_2185 = arith.constant 10 : i32
        %get3A_2186 = arith.index_cast %rem3A_94 : i32 to index
        %get3A_2187 = arith.index_cast %get3A_2185 : i32 to index
        %get3A_2188 = arith.constant 112 : index
        %get3A_2189 = tpu.vector_load %arg4[%get3A_2186, %get3A_2187, %get3A_2188] {strides = array<i32>} : memref<4x16x128xf32, #tpu.memory_space<vmem>>, vector<16xf32>,
        %get3A_2190 = arith.constant 11 : i32
        %get3A_2191 = arith.index_cast %rem3A_94 : i32 to index
        %get3A_2192 = arith.index_cast %get3A_2190 : i32 to index
        %get3A_2193 = arith.constant 112 : index
        %get3A_2194 = tpu.vector_load %arg4[%get3A_2191, %get3A_2192, %get3A_2193] {strides = array<i32>} : memref<4x16x128xf32, #tpu.memory_space<vmem>>, vector<16xf32>,
        %get3A_2195 = arith.constant 12 : i32
        %get3A_2196 = arith.index_cast %rem3A_94 : i32 to index
        %get3A_2197 = arith.index_cast %get3A_2195 : i32 to index
        %get3A_2198 = arith.constant 112 : index
        %get3A_2199 = tpu.vector_load %arg4[%get3A_2196, %get3A_2197, %get3A_2198] {strides = array<i32>} : memref<4x16x128xf32, #tpu.memory_space<vmem>>, vector<16xf32>,
        %get3A_2200 = arith.constant 13 : i32
        %get3A_2201 = arith.index_cast %rem3A_94 : i32 to index
        %get3A_2202 = arith.index_cast %get3A_2200 : i32 to index
        %get3A_2203 = arith.constant 112 : index
        %get3A_2204 = tpu.vector_load %arg4[%get3A_2201, %get3A_2202, %get3A_2203] {strides = array<i32>} : memref<4x16x128xf32, #tpu.memory_space<vmem>>, vector<16xf32>,
        %get3A_2205 = arith.constant 14 : i32
        %get3A_2206 = arith.index_cast %rem3A_94 : i32 to index
        %get3A_2207 = arith.index_cast %get3A_2205 : i32 to index
        %get3A_2208 = arith.constant 112 : index
        %get3A_2209 = tpu.vector_load %arg4[%get3A_2206, %get3A_2207, %get3A_2208] {strides = array<i32>} : memref<4x16x128xf32, #tpu.memory_space<vmem>>, vector<16xf32>,
        %get3A_2210 = arith.constant 15 : i32
        %get3A_2211 = arith.index_cast %rem3A_94 : i32 to index
        %get3A_2212 = arith.index_cast %get3A_2210 : i32 to index
        %get3A_2213 = arith.constant 112 : index
        %get3A_2214 = tpu.vector_load %arg4[%get3A_2211, %get3A_2212, %get3A_2213] {strides = array<i32>} : memref<4x16x128xf32, #tpu.memory_space<vmem>>, vector<16xf32>,
        %select_n3A_2215 = arith.select %eq3A_36, %get3A_2179, %get3A_2139 : vector<16xi1>, vector<16xf32>
        %gather3A_2216 = vector.shape_cast %broadcast_in_dim3A_14 : vector<16x1xi32> to vector<16xi32>
        %gather3A_2217 = tpu.dynamic_gather %select_n3A_2215[%gather3A_2216] in [0] : vector<16xf32>, vector<16xi32> -> vector<16xf32>
        %select_n3A_2218 = arith.select %eq3A_36, %get3A_2139, %gather3A_2217 : vector<16xi1>, vector<16xf32>
        %select_n3A_2219 = arith.select %eq3A_36, %gather3A_2217, %get3A_2179 : vector<16xi1>, vector<16xf32>
        %select_n3A_2220 = arith.select %eq3A_36, %get3A_2184, %get3A_2144 : vector<16xi1>, vector<16xf32>
        %gather3A_2221 = vector.shape_cast %broadcast_in_dim3A_14 : vector<16x1xi32> to vector<16xi32>
        %gather3A_2222 = tpu.dynamic_gather %select_n3A_2220[%gather3A_2221] in [0] : vector<16xf32>, vector<16xi32> -> vector<16xf32>
        %select_n3A_2223 = arith.select %eq3A_36, %get3A_2144, %gather3A_2222 : vector<16xi1>, vector<16xf32>
        %select_n3A_2224 = arith.select %eq3A_36, %gather3A_2222, %get3A_2184 : vector<16xi1>, vector<16xf32>
        %select_n3A_2225 = arith.select %eq3A_36, %get3A_2189, %get3A_2149 : vector<16xi1>, vector<16xf32>
        %gather3A_2226 = vector.shape_cast %broadcast_in_dim3A_14 : vector<16x1xi32> to vector<16xi32>
        %gather3A_2227 = tpu.dynamic_gather %select_n3A_2225[%gather3A_2226] in [0] : vector<16xf32>, vector<16xi32> -> vector<16xf32>
        %select_n3A_2228 = arith.select %eq3A_36, %get3A_2149, %gather3A_2227 : vector<16xi1>, vector<16xf32>
        %select_n3A_2229 = arith.select %eq3A_36, %gather3A_2227, %get3A_2189 : vector<16xi1>, vector<16xf32>
        %select_n3A_2230 = arith.select %eq3A_36, %get3A_2194, %get3A_2154 : vector<16xi1>, vector<16xf32>
        %gather3A_2231 = vector.shape_cast %broadcast_in_dim3A_14 : vector<16x1xi32> to vector<16xi32>
        %gather3A_2232 = tpu.dynamic_gather %select_n3A_2230[%gather3A_2231] in [0] : vector<16xf32>, vector<16xi32> -> vector<16xf32>
        %select_n3A_2233 = arith.select %eq3A_36, %get3A_2154, %gather3A_2232 : vector<16xi1>, vector<16xf32>
        %select_n3A_2234 = arith.select %eq3A_36, %gather3A_2232, %get3A_2194 : vector<16xi1>, vector<16xf32>
        %select_n3A_2235 = arith.select %eq3A_36, %get3A_2199, %get3A_2159 : vector<16xi1>, vector<16xf32>
        %gather3A_2236 = vector.shape_cast %broadcast_in_dim3A_14 : vector<16x1xi32> to vector<16xi32>
        %gather3A_2237 = tpu.dynamic_gather %select_n3A_2235[%gather3A_2236] in [0] : vector<16xf32>, vector<16xi32> -> vector<16xf32>
        %select_n3A_2238 = arith.select %eq3A_36, %get3A_2159, %gather3A_2237 : vector<16xi1>, vector<16xf32>
        %select_n3A_2239 = arith.select %eq3A_36, %gather3A_2237, %get3A_2199 : vector<16xi1>, vector<16xf32>
        %select_n3A_2240 = arith.select %eq3A_36, %get3A_2204, %get3A_2164 : vector<16xi1>, vector<16xf32>
        %gather3A_2241 = vector.shape_cast %broadcast_in_dim3A_14 : vector<16x1xi32> to vector<16xi32>
        %gather3A_2242 = tpu.dynamic_gather %select_n3A_2240[%gather3A_2241] in [0] : vector<16xf32>, vector<16xi32> -> vector<16xf32>
        %select_n3A_2243 = arith.select %eq3A_36, %get3A_2164, %gather3A_2242 : vector<16xi1>, vector<16xf32>
        %select_n3A_2244 = arith.select %eq3A_36, %gather3A_2242, %get3A_2204 : vector<16xi1>, vector<16xf32>
        %select_n3A_2245 = arith.select %eq3A_36, %get3A_2209, %get3A_2169 : vector<16xi1>, vector<16xf32>
        %gather3A_2246 = vector.shape_cast %broadcast_in_dim3A_14 : vector<16x1xi32> to vector<16xi32>
        %gather3A_2247 = tpu.dynamic_gather %select_n3A_2245[%gather3A_2246] in [0] : vector<16xf32>, vector<16xi32> -> vector<16xf32>
        %select_n3A_2248 = arith.select %eq3A_36, %get3A_2169, %gather3A_2247 : vector<16xi1>, vector<16xf32>
        %select_n3A_2249 = arith.select %eq3A_36, %gather3A_2247, %get3A_2209 : vector<16xi1>, vector<16xf32>
        %select_n3A_2250 = arith.select %eq3A_36, %get3A_2214, %get3A_2174 : vector<16xi1>, vector<16xf32>
        %gather3A_2251 = vector.shape_cast %broadcast_in_dim3A_14 : vector<16x1xi32> to vector<16xi32>
        %gather3A_2252 = tpu.dynamic_gather %select_n3A_2250[%gather3A_2251] in [0] : vector<16xf32>, vector<16xi32> -> vector<16xf32>
        %select_n3A_2253 = arith.select %eq3A_36, %get3A_2174, %gather3A_2252 : vector<16xi1>, vector<16xf32>
        %select_n3A_2254 = arith.select %eq3A_36, %gather3A_2252, %get3A_2214 : vector<16xi1>, vector<16xf32>
        %select_n3A_2255 = arith.select %eq3A_30, %select_n3A_2238, %select_n3A_2218 : vector<16xi1>, vector<16xf32>
        %gather3A_2256 = vector.shape_cast %broadcast_in_dim3A_10 : vector<16x1xi32> to vector<16xi32>
        %gather3A_2257 = tpu.dynamic_gather %select_n3A_2255[%gather3A_2256] in [0] : vector<16xf32>, vector<16xi32> -> vector<16xf32>
        %select_n3A_2258 = arith.select %eq3A_30, %select_n3A_2218, %gather3A_2257 : vector<16xi1>, vector<16xf32>
        %select_n3A_2259 = arith.select %eq3A_30, %gather3A_2257, %select_n3A_2238 : vector<16xi1>, vector<16xf32>
        %select_n3A_2260 = arith.select %eq3A_30, %select_n3A_2243, %select_n3A_2223 : vector<16xi1>, vector<16xf32>
        %gather3A_2261 = vector.shape_cast %broadcast_in_dim3A_10 : vector<16x1xi32> to vector<16xi32>
        %gather3A_2262 = tpu.dynamic_gather %select_n3A_2260[%gather3A_2261] in [0] : vector<16xf32>, vector<16xi32> -> vector<16xf32>
        %select_n3A_2263 = arith.select %eq3A_30, %select_n3A_2223, %gather3A_2262 : vector<16xi1>, vector<16xf32>
        %select_n3A_2264 = arith.select %eq3A_30, %gather3A_2262, %select_n3A_2243 : vector<16xi1>, vector<16xf32>
        %select_n3A_2265 = arith.select %eq3A_30, %select_n3A_2248, %select_n3A_2228 : vector<16xi1>, vector<16xf32>
        %gather3A_2266 = vector.shape_cast %broadcast_in_dim3A_10 : vector<16x1xi32> to vector<16xi32>
        %gather3A_2267 = tpu.dynamic_gather %select_n3A_2265[%gather3A_2266] in [0] : vector<16xf32>, vector<16xi32> -> vector<16xf32>
        %select_n3A_2268 = arith.select %eq3A_30, %select_n3A_2228, %gather3A_2267 : vector<16xi1>, vector<16xf32>
        %select_n3A_2269 = arith.select %eq3A_30, %gather3A_2267, %select_n3A_2248 : vector<16xi1>, vector<16xf32>
        %select_n3A_2270 = arith.select %eq3A_30, %select_n3A_2253, %select_n3A_2233 : vector<16xi1>, vector<16xf32>
        %gather3A_2271 = vector.shape_cast %broadcast_in_dim3A_10 : vector<16x1xi32> to vector<16xi32>
        %gather3A_2272 = tpu.dynamic_gather %select_n3A_2270[%gather3A_2271] in [0] : vector<16xf32>, vector<16xi32> -> vector<16xf32>
        %select_n3A_2273 = arith.select %eq3A_30, %select_n3A_2233, %gather3A_2272 : vector<16xi1>, vector<16xf32>
        %select_n3A_2274 = arith.select %eq3A_30, %gather3A_2272, %select_n3A_2253 : vector<16xi1>, vector<16xf32>
        %select_n3A_2275 = arith.select %eq3A_30, %select_n3A_2239, %select_n3A_2219 : vector<16xi1>, vector<16xf32>
        %gather3A_2276 = vector.shape_cast %broadcast_in_dim3A_10 : vector<16x1xi32> to vector<16xi32>
        %gather3A_2277 = tpu.dynamic_gather %select_n3A_2275[%gather3A_2276] in [0] : vector<16xf32>, vector<16xi32> -> vector<16xf32>
        %select_n3A_2278 = arith.select %eq3A_30, %select_n3A_2219, %gather3A_2277 : vector<16xi1>, vector<16xf32>
        %select_n3A_2279 = arith.select %eq3A_30, %gather3A_2277, %select_n3A_2239 : vector<16xi1>, vector<16xf32>
        %select_n3A_2280 = arith.select %eq3A_30, %select_n3A_2244, %select_n3A_2224 : vector<16xi1>, vector<16xf32>
        %gather3A_2281 = vector.shape_cast %broadcast_in_dim3A_10 : vector<16x1xi32> to vector<16xi32>
        %gather3A_2282 = tpu.dynamic_gather %select_n3A_2280[%gather3A_2281] in [0] : vector<16xf32>, vector<16xi32> -> vector<16xf32>
        %select_n3A_2283 = arith.select %eq3A_30, %select_n3A_2224, %gather3A_2282 : vector<16xi1>, vector<16xf32>
        %select_n3A_2284 = arith.select %eq3A_30, %gather3A_2282, %select_n3A_2244 : vector<16xi1>, vector<16xf32>
        %select_n3A_2285 = arith.select %eq3A_30, %select_n3A_2249, %select_n3A_2229 : vector<16xi1>, vector<16xf32>
        %gather3A_2286 = vector.shape_cast %broadcast_in_dim3A_10 : vector<16x1xi32> to vector<16xi32>
        %gather3A_2287 = tpu.dynamic_gather %select_n3A_2285[%gather3A_2286] in [0] : vector<16xf32>, vector<16xi32> -> vector<16xf32>
        %select_n3A_2288 = arith.select %eq3A_30, %select_n3A_2229, %gather3A_2287 : vector<16xi1>, vector<16xf32>
        %select_n3A_2289 = arith.select %eq3A_30, %gather3A_2287, %select_n3A_2249 : vector<16xi1>, vector<16xf32>
        %select_n3A_2290 = arith.select %eq3A_30, %select_n3A_2254, %select_n3A_2234 : vector<16xi1>, vector<16xf32>
        %gather3A_2291 = vector.shape_cast %broadcast_in_dim3A_10 : vector<16x1xi32> to vector<16xi32>
        %gather3A_2292 = tpu.dynamic_gather %select_n3A_2290[%gather3A_2291] in [0] : vector<16xf32>, vector<16xi32> -> vector<16xf32>
        %select_n3A_2293 = arith.select %eq3A_30, %select_n3A_2234, %gather3A_2292 : vector<16xi1>, vector<16xf32>
        %select_n3A_2294 = arith.select %eq3A_30, %gather3A_2292, %select_n3A_2254 : vector<16xi1>, vector<16xf32>
        %select_n3A_2295 = arith.select %eq3A_24, %select_n3A_2268, %select_n3A_2258 : vector<16xi1>, vector<16xf32>
        %gather3A_2296 = vector.shape_cast %broadcast_in_dim3A_6 : vector<16x1xi32> to vector<16xi32>
        %gather3A_2297 = tpu.dynamic_gather %select_n3A_2295[%gather3A_2296] in [0] : vector<16xf32>, vector<16xi32> -> vector<16xf32>
        %select_n3A_2298 = arith.select %eq3A_24, %select_n3A_2258, %gather3A_2297 : vector<16xi1>, vector<16xf32>
        %select_n3A_2299 = arith.select %eq3A_24, %gather3A_2297, %select_n3A_2268 : vector<16xi1>, vector<16xf32>
        %select_n3A_2300 = arith.select %eq3A_24, %select_n3A_2273, %select_n3A_2263 : vector<16xi1>, vector<16xf32>
        %gather3A_2301 = vector.shape_cast %broadcast_in_dim3A_6 : vector<16x1xi32> to vector<16xi32>
        %gather3A_2302 = tpu.dynamic_gather %select_n3A_2300[%gather3A_2301] in [0] : vector<16xf32>, vector<16xi32> -> vector<16xf32>
        %select_n3A_2303 = arith.select %eq3A_24, %select_n3A_2263, %gather3A_2302 : vector<16xi1>, vector<16xf32>
        %select_n3A_2304 = arith.select %eq3A_24, %gather3A_2302, %select_n3A_2273 : vector<16xi1>, vector<16xf32>
        %select_n3A_2305 = arith.select %eq3A_24, %select_n3A_2269, %select_n3A_2259 : vector<16xi1>, vector<16xf32>
        %gather3A_2306 = vector.shape_cast %broadcast_in_dim3A_6 : vector<16x1xi32> to vector<16xi32>
        %gather3A_2307 = tpu.dynamic_gather %select_n3A_2305[%gather3A_2306] in [0] : vector<16xf32>, vector<16xi32> -> vector<16xf32>
        %select_n3A_2308 = arith.select %eq3A_24, %select_n3A_2259, %gather3A_2307 : vector<16xi1>, vector<16xf32>
        %select_n3A_2309 = arith.select %eq3A_24, %gather3A_2307, %select_n3A_2269 : vector<16xi1>, vector<16xf32>
        %select_n3A_2310 = arith.select %eq3A_24, %select_n3A_2274, %select_n3A_2264 : vector<16xi1>, vector<16xf32>
        %gather3A_2311 = vector.shape_cast %broadcast_in_dim3A_6 : vector<16x1xi32> to vector<16xi32>
        %gather3A_2312 = tpu.dynamic_gather %select_n3A_2310[%gather3A_2311] in [0] : vector<16xf32>, vector<16xi32> -> vector<16xf32>
        %select_n3A_2313 = arith.select %eq3A_24, %select_n3A_2264, %gather3A_2312 : vector<16xi1>, vector<16xf32>
        %select_n3A_2314 = arith.select %eq3A_24, %gather3A_2312, %select_n3A_2274 : vector<16xi1>, vector<16xf32>
        %select_n3A_2315 = arith.select %eq3A_24, %select_n3A_2288, %select_n3A_2278 : vector<16xi1>, vector<16xf32>
        %gather3A_2316 = vector.shape_cast %broadcast_in_dim3A_6 : vector<16x1xi32> to vector<16xi32>
        %gather3A_2317 = tpu.dynamic_gather %select_n3A_2315[%gather3A_2316] in [0] : vector<16xf32>, vector<16xi32> -> vector<16xf32>
        %select_n3A_2318 = arith.select %eq3A_24, %select_n3A_2278, %gather3A_2317 : vector<16xi1>, vector<16xf32>
        %select_n3A_2319 = arith.select %eq3A_24, %gather3A_2317, %select_n3A_2288 : vector<16xi1>, vector<16xf32>
        %select_n3A_2320 = arith.select %eq3A_24, %select_n3A_2293, %select_n3A_2283 : vector<16xi1>, vector<16xf32>
        %gather3A_2321 = vector.shape_cast %broadcast_in_dim3A_6 : vector<16x1xi32> to vector<16xi32>
        %gather3A_2322 = tpu.dynamic_gather %select_n3A_2320[%gather3A_2321] in [0] : vector<16xf32>, vector<16xi32> -> vector<16xf32>
        %select_n3A_2323 = arith.select %eq3A_24, %select_n3A_2283, %gather3A_2322 : vector<16xi1>, vector<16xf32>
        %select_n3A_2324 = arith.select %eq3A_24, %gather3A_2322, %select_n3A_2293 : vector<16xi1>, vector<16xf32>
        %select_n3A_2325 = arith.select %eq3A_24, %select_n3A_2289, %select_n3A_2279 : vector<16xi1>, vector<16xf32>
        %gather3A_2326 = vector.shape_cast %broadcast_in_dim3A_6 : vector<16x1xi32> to vector<16xi32>
        %gather3A_2327 = tpu.dynamic_gather %select_n3A_2325[%gather3A_2326] in [0] : vector<16xf32>, vector<16xi32> -> vector<16xf32>
        %select_n3A_2328 = arith.select %eq3A_24, %select_n3A_2279, %gather3A_2327 : vector<16xi1>, vector<16xf32>
        %select_n3A_2329 = arith.select %eq3A_24, %gather3A_2327, %select_n3A_2289 : vector<16xi1>, vector<16xf32>
        %select_n3A_2330 = arith.select %eq3A_24, %select_n3A_2294, %select_n3A_2284 : vector<16xi1>, vector<16xf32>
        %gather3A_2331 = vector.shape_cast %broadcast_in_dim3A_6 : vector<16x1xi32> to vector<16xi32>
        %gather3A_2332 = tpu.dynamic_gather %select_n3A_2330[%gather3A_2331] in [0] : vector<16xf32>, vector<16xi32> -> vector<16xf32>
        %select_n3A_2333 = arith.select %eq3A_24, %select_n3A_2284, %gather3A_2332 : vector<16xi1>, vector<16xf32>
        %select_n3A_2334 = arith.select %eq3A_24, %gather3A_2332, %select_n3A_2294 : vector<16xi1>, vector<16xf32>
        %select_n3A_2335 = arith.select %eq3A_18, %select_n3A_2303, %select_n3A_2298 : vector<16xi1>, vector<16xf32>
        %gather3A_2336 = vector.shape_cast %broadcast_in_dim3A : vector<16x1xi32> to vector<16xi32>
        %gather3A_2337 = tpu.dynamic_gather %select_n3A_2335[%gather3A_2336] in [0] : vector<16xf32>, vector<16xi32> -> vector<16xf32>
        %select_n3A_2338 = arith.select %eq3A_18, %select_n3A_2298, %gather3A_2337 : vector<16xi1>, vector<16xf32>
        %select_n3A_2339 = arith.select %eq3A_18, %gather3A_2337, %select_n3A_2303 : vector<16xi1>, vector<16xf32>
        %select_n3A_2340 = arith.select %eq3A_18, %select_n3A_2304, %select_n3A_2299 : vector<16xi1>, vector<16xf32>
        %gather3A_2341 = vector.shape_cast %broadcast_in_dim3A : vector<16x1xi32> to vector<16xi32>
        %gather3A_2342 = tpu.dynamic_gather %select_n3A_2340[%gather3A_2341] in [0] : vector<16xf32>, vector<16xi32> -> vector<16xf32>
        %select_n3A_2343 = arith.select %eq3A_18, %select_n3A_2299, %gather3A_2342 : vector<16xi1>, vector<16xf32>
        %select_n3A_2344 = arith.select %eq3A_18, %gather3A_2342, %select_n3A_2304 : vector<16xi1>, vector<16xf32>
        %select_n3A_2345 = arith.select %eq3A_18, %select_n3A_2313, %select_n3A_2308 : vector<16xi1>, vector<16xf32>
        %gather3A_2346 = vector.shape_cast %broadcast_in_dim3A : vector<16x1xi32> to vector<16xi32>
        %gather3A_2347 = tpu.dynamic_gather %select_n3A_2345[%gather3A_2346] in [0] : vector<16xf32>, vector<16xi32> -> vector<16xf32>
        %select_n3A_2348 = arith.select %eq3A_18, %select_n3A_2308, %gather3A_2347 : vector<16xi1>, vector<16xf32>
        %select_n3A_2349 = arith.select %eq3A_18, %gather3A_2347, %select_n3A_2313 : vector<16xi1>, vector<16xf32>
        %select_n3A_2350 = arith.select %eq3A_18, %select_n3A_2314, %select_n3A_2309 : vector<16xi1>, vector<16xf32>
        %gather3A_2351 = vector.shape_cast %broadcast_in_dim3A : vector<16x1xi32> to vector<16xi32>
        %gather3A_2352 = tpu.dynamic_gather %select_n3A_2350[%gather3A_2351] in [0] : vector<16xf32>, vector<16xi32> -> vector<16xf32>
        %select_n3A_2353 = arith.select %eq3A_18, %select_n3A_2309, %gather3A_2352 : vector<16xi1>, vector<16xf32>
        %select_n3A_2354 = arith.select %eq3A_18, %gather3A_2352, %select_n3A_2314 : vector<16xi1>, vector<16xf32>
        %select_n3A_2355 = arith.select %eq3A_18, %select_n3A_2323, %select_n3A_2318 : vector<16xi1>, vector<16xf32>
        %gather3A_2356 = vector.shape_cast %broadcast_in_dim3A : vector<16x1xi32> to vector<16xi32>
        %gather3A_2357 = tpu.dynamic_gather %select_n3A_2355[%gather3A_2356] in [0] : vector<16xf32>, vector<16xi32> -> vector<16xf32>
        %select_n3A_2358 = arith.select %eq3A_18, %select_n3A_2318, %gather3A_2357 : vector<16xi1>, vector<16xf32>
        %select_n3A_2359 = arith.select %eq3A_18, %gather3A_2357, %select_n3A_2323 : vector<16xi1>, vector<16xf32>
        %select_n3A_2360 = arith.select %eq3A_18, %select_n3A_2324, %select_n3A_2319 : vector<16xi1>, vector<16xf32>
        %gather3A_2361 = vector.shape_cast %broadcast_in_dim3A : vector<16x1xi32> to vector<16xi32>
        %gather3A_2362 = tpu.dynamic_gather %select_n3A_2360[%gather3A_2361] in [0] : vector<16xf32>, vector<16xi32> -> vector<16xf32>
        %select_n3A_2363 = arith.select %eq3A_18, %select_n3A_2319, %gather3A_2362 : vector<16xi1>, vector<16xf32>
        %select_n3A_2364 = arith.select %eq3A_18, %gather3A_2362, %select_n3A_2324 : vector<16xi1>, vector<16xf32>
        %select_n3A_2365 = arith.select %eq3A_18, %select_n3A_2333, %select_n3A_2328 : vector<16xi1>, vector<16xf32>
        %gather3A_2366 = vector.shape_cast %broadcast_in_dim3A : vector<16x1xi32> to vector<16xi32>
        %gather3A_2367 = tpu.dynamic_gather %select_n3A_2365[%gather3A_2366] in [0] : vector<16xf32>, vector<16xi32> -> vector<16xf32>
        %select_n3A_2368 = arith.select %eq3A_18, %select_n3A_2328, %gather3A_2367 : vector<16xi1>, vector<16xf32>
        %select_n3A_2369 = arith.select %eq3A_18, %gather3A_2367, %select_n3A_2333 : vector<16xi1>, vector<16xf32>
        %select_n3A_2370 = arith.select %eq3A_18, %select_n3A_2334, %select_n3A_2329 : vector<16xi1>, vector<16xf32>
        %gather3A_2371 = vector.shape_cast %broadcast_in_dim3A : vector<16x1xi32> to vector<16xi32>
        %gather3A_2372 = tpu.dynamic_gather %select_n3A_2370[%gather3A_2371] in [0] : vector<16xf32>, vector<16xi32> -> vector<16xf32>
        %select_n3A_2373 = arith.select %eq3A_18, %select_n3A_2329, %gather3A_2372 : vector<16xi1>, vector<16xf32>
        %select_n3A_2374 = arith.select %eq3A_18, %gather3A_2372, %select_n3A_2334 : vector<16xi1>, vector<16xf32>
        %swap3A_2375 = arith.index_cast %rem3A_96 : i32 to index
        %swap3A_2376 = arith.constant 1792 : index
        %swap3A_2377 = tpu.vector_load %arg5[%swap3A_2375, %swap3A_2376] {strides = array<i32>} : memref<2x2048xf32, #tpu.memory_space<vmem>>, vector<16xf32>,
        tpu.vector_store %arg5[%swap3A_2375, %swap3A_2376], %select_n3A_2338 {strides = array<i32>} : memref<2x2048xf32, #tpu.memory_space<vmem>>, vector<16xf32>,
        %swap3A_2378 = arith.index_cast %rem3A_96 : i32 to index
        %swap3A_2379 = arith.constant 1808 : index
        %swap3A_2380 = tpu.vector_load %arg5[%swap3A_2378, %swap3A_2379] {strides = array<i32>} : memref<2x2048xf32, #tpu.memory_space<vmem>>, vector<16xf32>,
        tpu.vector_store %arg5[%swap3A_2378, %swap3A_2379], %select_n3A_2339 {strides = array<i32>} : memref<2x2048xf32, #tpu.memory_space<vmem>>, vector<16xf32>,
        %swap3A_2381 = arith.index_cast %rem3A_96 : i32 to index
        %swap3A_2382 = arith.constant 1824 : index
        %swap3A_2383 = tpu.vector_load %arg5[%swap3A_2381, %swap3A_2382] {strides = array<i32>} : memref<2x2048xf32, #tpu.memory_space<vmem>>, vector<16xf32>,
        tpu.vector_store %arg5[%swap3A_2381, %swap3A_2382], %select_n3A_2343 {strides = array<i32>} : memref<2x2048xf32, #tpu.memory_space<vmem>>, vector<16xf32>,
        %swap3A_2384 = arith.index_cast %rem3A_96 : i32 to index
        %swap3A_2385 = arith.constant 1840 : index
        %swap3A_2386 = tpu.vector_load %arg5[%swap3A_2384, %swap3A_2385] {strides = array<i32>} : memref<2x2048xf32, #tpu.memory_space<vmem>>, vector<16xf32>,
        tpu.vector_store %arg5[%swap3A_2384, %swap3A_2385], %select_n3A_2344 {strides = array<i32>} : memref<2x2048xf32, #tpu.memory_space<vmem>>, vector<16xf32>,
        %swap3A_2387 = arith.index_cast %rem3A_96 : i32 to index
        %swap3A_2388 = arith.constant 1856 : index
        %swap3A_2389 = tpu.vector_load %arg5[%swap3A_2387, %swap3A_2388] {strides = array<i32>} : memref<2x2048xf32, #tpu.memory_space<vmem>>, vector<16xf32>,
        tpu.vector_store %arg5[%swap3A_2387, %swap3A_2388], %select_n3A_2348 {strides = array<i32>} : memref<2x2048xf32, #tpu.memory_space<vmem>>, vector<16xf32>,
        %swap3A_2390 = arith.index_cast %rem3A_96 : i32 to index
        %swap3A_2391 = arith.constant 1872 : index
        %swap3A_2392 = tpu.vector_load %arg5[%swap3A_2390, %swap3A_2391] {strides = array<i32>} : memref<2x2048xf32, #tpu.memory_space<vmem>>, vector<16xf32>,
        tpu.vector_store %arg5[%swap3A_2390, %swap3A_2391], %select_n3A_2349 {strides = array<i32>} : memref<2x2048xf32, #tpu.memory_space<vmem>>, vector<16xf32>,
        %swap3A_2393 = arith.index_cast %rem3A_96 : i32 to index
        %swap3A_2394 = arith.constant 1888 : index
        %swap3A_2395 = tpu.vector_load %arg5[%swap3A_2393, %swap3A_2394] {strides = array<i32>} : memref<2x2048xf32, #tpu.memory_space<vmem>>, vector<16xf32>,
        tpu.vector_store %arg5[%swap3A_2393, %swap3A_2394], %select_n3A_2353 {strides = array<i32>} : memref<2x2048xf32, #tpu.memory_space<vmem>>, vector<16xf32>,
        %swap3A_2396 = arith.index_cast %rem3A_96 : i32 to index
        %swap3A_2397 = arith.constant 1904 : index
        %swap3A_2398 = tpu.vector_load %arg5[%swap3A_2396, %swap3A_2397] {strides = array<i32>} : memref<2x2048xf32, #tpu.memory_space<vmem>>, vector<16xf32>,
        tpu.vector_store %arg5[%swap3A_2396, %swap3A_2397], %select_n3A_2354 {strides = array<i32>} : memref<2x2048xf32, #tpu.memory_space<vmem>>, vector<16xf32>,
        %swap3A_2399 = arith.index_cast %rem3A_96 : i32 to index
        %swap3A_2400 = arith.constant 1920 : index
        %swap3A_2401 = tpu.vector_load %arg5[%swap3A_2399, %swap3A_2400] {strides = array<i32>} : memref<2x2048xf32, #tpu.memory_space<vmem>>, vector<16xf32>,
        tpu.vector_store %arg5[%swap3A_2399, %swap3A_2400], %select_n3A_2358 {strides = array<i32>} : memref<2x2048xf32, #tpu.memory_space<vmem>>, vector<16xf32>,
        %swap3A_2402 = arith.index_cast %rem3A_96 : i32 to index
        %swap3A_2403 = arith.constant 1936 : index
        %swap3A_2404 = tpu.vector_load %arg5[%swap3A_2402, %swap3A_2403] {strides = array<i32>} : memref<2x2048xf32, #tpu.memory_space<vmem>>, vector<16xf32>,
        tpu.vector_store %arg5[%swap3A_2402, %swap3A_2403], %select_n3A_2359 {strides = array<i32>} : memref<2x2048xf32, #tpu.memory_space<vmem>>, vector<16xf32>,
        %swap3A_2405 = arith.index_cast %rem3A_96 : i32 to index
        %swap3A_2406 = arith.constant 1952 : index
        %swap3A_2407 = tpu.vector_load %arg5[%swap3A_2405, %swap3A_2406] {strides = array<i32>} : memref<2x2048xf32, #tpu.memory_space<vmem>>, vector<16xf32>,
        tpu.vector_store %arg5[%swap3A_2405, %swap3A_2406], %select_n3A_2363 {strides = array<i32>} : memref<2x2048xf32, #tpu.memory_space<vmem>>, vector<16xf32>,
        %swap3A_2408 = arith.index_cast %rem3A_96 : i32 to index
        %swap3A_2409 = arith.constant 1968 : index
        %swap3A_2410 = tpu.vector_load %arg5[%swap3A_2408, %swap3A_2409] {strides = array<i32>} : memref<2x2048xf32, #tpu.memory_space<vmem>>, vector<16xf32>,
        tpu.vector_store %arg5[%swap3A_2408, %swap3A_2409], %select_n3A_2364 {strides = array<i32>} : memref<2x2048xf32, #tpu.memory_space<vmem>>, vector<16xf32>,
        %swap3A_2411 = arith.index_cast %rem3A_96 : i32 to index
        %swap3A_2412 = arith.constant 1984 : index
        %swap3A_2413 = tpu.vector_load %arg5[%swap3A_2411, %swap3A_2412] {strides = array<i32>} : memref<2x2048xf32, #tpu.memory_space<vmem>>, vector<16xf32>,
        tpu.vector_store %arg5[%swap3A_2411, %swap3A_2412], %select_n3A_2368 {strides = array<i32>} : memref<2x2048xf32, #tpu.memory_space<vmem>>, vector<16xf32>,
        %swap3A_2414 = arith.index_cast %rem3A_96 : i32 to index
        %swap3A_2415 = arith.constant 2000 : index
        %swap3A_2416 = tpu.vector_load %arg5[%swap3A_2414, %swap3A_2415] {strides = array<i32>} : memref<2x2048xf32, #tpu.memory_space<vmem>>, vector<16xf32>,
        tpu.vector_store %arg5[%swap3A_2414, %swap3A_2415], %select_n3A_2369 {strides = array<i32>} : memref<2x2048xf32, #tpu.memory_space<vmem>>, vector<16xf32>,
        %swap3A_2417 = arith.index_cast %rem3A_96 : i32 to index
        %swap3A_2418 = arith.constant 2016 : index
        %swap3A_2419 = tpu.vector_load %arg5[%swap3A_2417, %swap3A_2418] {strides = array<i32>} : memref<2x2048xf32, #tpu.memory_space<vmem>>, vector<16xf32>,
        tpu.vector_store %arg5[%swap3A_2417, %swap3A_2418], %select_n3A_2373 {strides = array<i32>} : memref<2x2048xf32, #tpu.memory_space<vmem>>, vector<16xf32>,
        %swap3A_2420 = arith.index_cast %rem3A_96 : i32 to index
        %swap3A_2421 = arith.constant 2032 : index
        %swap3A_2422 = tpu.vector_load %arg5[%swap3A_2420, %swap3A_2421] {strides = array<i32>} : memref<2x2048xf32, #tpu.memory_space<vmem>>, vector<16xf32>,
        tpu.vector_store %arg5[%swap3A_2420, %swap3A_2421], %select_n3A_2374 {strides = array<i32>} : memref<2x2048xf32, #tpu.memory_space<vmem>>, vector<16xf32>,
        %mul3A_2423 = arith.constant 2048 : i32
        %mul3A_2424 = arith.muli %add3A_93, %mul3A_2423 : i32
        %dma_start3A = arith.constant 0 : i32
        %dma_start3A_2425 = tpu.memref_slice %arg5[%rem3A_96, %dma_start3A] : memref<2x2048xf32, #tpu.memory_space<vmem>> -> memref<1x2048xf32, #tpu.memory_space<vmem>>
        %dma_start3A_2426 = tpu.memref_squeeze %dma_start3A_2425 : memref<1x2048xf32, #tpu.memory_space<vmem>> -> memref<2048xf32, #tpu.memory_space<vmem>>
        %dma_start3A_2427 = tpu.memref_slice %arg3[%mul3A_2424] : memref<16000000xf32, #tpu.memory_space<hbm>> -> memref<2048xf32, #tpu.memory_space<hbm>>
        %dma_start3A_2428 = tpu.memref_slice %arg3[%mul3A_2424] : memref<16000000xf32, #tpu.memory_space<hbm>> -> memref<2048xf32, #tpu.memory_space<hbm>>
        %dma_start3A_2429 = arith.constant 0 : i32
        %dma_start3A_2430 = tpu.memref_slice %arg5[%rem3A_96, %dma_start3A_2429] : memref<2x2048xf32, #tpu.memory_space<vmem>> -> memref<1x2048xf32, #tpu.memory_space<vmem>>
        %dma_start3A_2431 = tpu.memref_squeeze %dma_start3A_2430 : memref<1x2048xf32, #tpu.memory_space<vmem>> -> memref<2048xf32, #tpu.memory_space<vmem>>
        tpu.enqueue_dma source(%dma_start3A_2431 : memref<2048xf32, #tpu.memory_space<vmem>>) target(%dma_start3A_2428 : memref<2048xf32, #tpu.memory_space<hbm>>) target_semaphore(%arg7 : memref<!tpu.dma_semaphore, #tpu.memory_space<semaphore_mem>>)
        %add3A_2432 = arith.constant 4 : i32
        %add3A_2433 = arith.addi %scan3A_90, %add3A_2432 : i32
        %lt3A_2434 = arith.constant 245 : i32
        %lt3A_2435 = arith.cmpi slt, %add3A_2433, %lt3A_2434 : i32
        %convert_element_type3A_2436 = arith.extui %lt3A_2435 : i1 to i32
        %cond3A_2437 = arith.constant 0 : i32
        %cond3A_2438 = arith.cmpi ne, %convert_element_type3A_2436, %cond3A_2437 : i32
        scf.if %cond3A_2438 {
          %add3A_2439 = arith.constant 128 : i32
          %add3A_2440 = arith.addi %add3A_93, %add3A_2439 : i32
          %lt3A_2441 = arith.constant 7812 : i32
          %lt3A_2442 = arith.cmpi slt, %add3A_2440, %lt3A_2441 : i32
          %convert_element_type3A_2443 = arith.extui %lt3A_2442 : i1 to i32
          %cond3A_2444 = arith.constant 0 : i32
          %cond3A_2445 = arith.cmpi ne, %convert_element_type3A_2443, %cond3A_2444 : i32
          scf.if %cond3A_2445 {
            %add3A_2446 = arith.constant 4 : i32
            %add3A_2447 = arith.addi %scan3A_90, %add3A_2446 : i32
            %mul3A_2448 = arith.constant 32 : i32
            %mul3A_2449 = arith.muli %add3A_2447, %mul3A_2448 : i32
            %add3A_2450 = arith.addi %add3A, %mul3A_2449 : i32
            %mul3A_2451 = arith.constant 128 : i32
            %mul3A_2452 = arith.muli %add3A_2450, %mul3A_2451 : i32
            %dma_start3A_2453 = arith.constant 0 : i32
            %dma_start3A_2454 = arith.constant 0 : i32
            %dma_start3A_2455 = tpu.memref_slice %arg4[%rem3A_94, %dma_start3A_2453, %dma_start3A_2454] : memref<4x16x128xf32, #tpu.memory_space<vmem>> -> memref<1x16x128xf32, #tpu.memory_space<vmem>>
            %dma_start3A_2456 = tpu.memref_squeeze %dma_start3A_2455 : memref<1x16x128xf32, #tpu.memory_space<vmem>> -> memref<16x128xf32, #tpu.memory_space<vmem>>
            %dma_start3A_2457 = arith.constant 0 : i32
            %dma_start3A_2458 = tpu.memref_slice %arg2[%dma_start3A_2457, %mul3A_2452] : memref<16x1000000xf32, #tpu.memory_space<hbm>> -> memref<16x128xf32, #tpu.memory_space<hbm>>
            %dma_start3A_2459 = arith.constant 0 : i32
            %dma_start3A_2460 = arith.constant 0 : i32
            %dma_start3A_2461 = tpu.memref_slice %arg4[%rem3A_94, %dma_start3A_2459, %dma_start3A_2460] : memref<4x16x128xf32, #tpu.memory_space<vmem>> -> memref<1x16x128xf32, #tpu.memory_space<vmem>>
            %dma_start3A_2462 = tpu.memref_squeeze %dma_start3A_2461 : memref<1x16x128xf32, #tpu.memory_space<vmem>> -> memref<16x128xf32, #tpu.memory_space<vmem>>
            %dma_start3A_2463 = arith.constant 0 : i32
            %dma_start3A_2464 = tpu.memref_slice %arg2[%dma_start3A_2463, %mul3A_2452] : memref<16x1000000xf32, #tpu.memory_space<hbm>> -> memref<16x128xf32, #tpu.memory_space<hbm>>
            tpu.enqueue_dma source(%dma_start3A_2464 : memref<16x128xf32, #tpu.memory_space<hbm>>) target(%dma_start3A_2462 : memref<16x128xf32, #tpu.memory_space<vmem>>) target_semaphore(%arg6 : memref<!tpu.dma_semaphore, #tpu.memory_space<semaphore_mem>>)
          } else {
          }
        } else {
        }
      } else {
      }
    }
    %scan3A_66 = arith.constant 245 : i32
    %sub3A = arith.constant 7812 : i32
    %sub3A_67 = arith.subi %sub3A, %add3A : i32
    %add3A_68 = arith.constant 32 : i32
    %add3A_69 = arith.addi %sub3A_67, %add3A_68 : i32
    %sub3A_70 = arith.constant 1 : i32
    %sub3A_71 = arith.subi %add3A_69, %sub3A_70 : i32
    %div3A = arith.constant 32 : i32
    %div3A_72 = arith.divsi %sub3A_71, %div3A : i32
    %sub3A_73 = arith.constant 2 : i32
    %sub3A_74 = arith.subi %div3A_72, %sub3A_73 : i32
    %add3A_75 = arith.constant 0 : i32
    %add3A_76 = arith.addi %sub3A_74, %add3A_75 : i32
    %ge3A = arith.constant 0 : i32
    %ge3A_77 = arith.cmpi sge, %add3A_76, %ge3A : i32
    %convert_element_type3A_78 = arith.extui %ge3A_77 : i1 to i32
    %cond3A_79 = arith.constant 0 : i32
    %cond3A_80 = arith.cmpi ne, %convert_element_type3A_78, %cond3A_79 : i32
    scf.if %cond3A_80 {
      %rem3A = arith.constant 2 : i32
      %rem3A_90 = arith.remsi %add3A_76, %rem3A : i32
      %dma_wait3A = arith.constant 0 : i32
      %dma_wait3A_91 = tpu.memref_slice %arg5[%rem3A_90, %dma_wait3A] : memref<2x2048xf32, #tpu.memory_space<vmem>> -> memref<1x2048xf32, #tpu.memory_space<vmem>>
      %dma_wait3A_92 = tpu.memref_squeeze %dma_wait3A_91 : memref<1x2048xf32, #tpu.memory_space<vmem>> -> memref<2048xf32, #tpu.memory_space<vmem>>
      %dma_wait3A_93 = arith.constant 0 : i32
      %dma_wait3A_94 = tpu.memref_slice %arg3[%dma_wait3A_93] : memref<16000000xf32, #tpu.memory_space<hbm>> -> memref<2048xf32, #tpu.memory_space<hbm>>
      %dma_wait3A_95 = arith.constant 0 : i32
      %dma_wait3A_96 = tpu.memref_slice %arg3[%dma_wait3A_95] : memref<16000000xf32, #tpu.memory_space<hbm>> -> memref<2048xf32, #tpu.memory_space<hbm>>
      %dma_wait3A_97 = arith.constant 0 : i32
      %dma_wait3A_98 = tpu.memref_slice %arg5[%rem3A_90, %dma_wait3A_97] : memref<2x2048xf32, #tpu.memory_space<vmem>> -> memref<1x2048xf32, #tpu.memory_space<vmem>>
      %dma_wait3A_99 = tpu.memref_squeeze %dma_wait3A_98 : memref<1x2048xf32, #tpu.memory_space<vmem>> -> memref<2048xf32, #tpu.memory_space<vmem>>
      tpu.wait_dma2 semaphore(%arg7 : memref<!tpu.dma_semaphore, #tpu.memory_space<semaphore_mem>>) src(%dma_wait3A_99 : memref<2048xf32, #tpu.memory_space<vmem>>) dst(%dma_wait3A_96 : memref<2048xf32, #tpu.memory_space<hbm>>)
    } else {
    }
    %sub3A_81 = arith.constant 2 : i32
    %sub3A_82 = arith.subi %div3A_72, %sub3A_81 : i32
    %add3A_83 = arith.constant 1 : i32
    %add3A_84 = arith.addi %sub3A_82, %add3A_83 : i32
    %ge3A_85 = arith.constant 0 : i32
    %ge3A_86 = arith.cmpi sge, %add3A_84, %ge3A_85 : i32
    %convert_element_type3A_87 = arith.extui %ge3A_86 : i1 to i32
    %cond3A_88 = arith.constant 0 : i32
    %cond3A_89 = arith.cmpi ne, %convert_element_type3A_87, %cond3A_88 : i32
    scf.if %cond3A_89 {
      %rem3A = arith.constant 2 : i32
      %rem3A_90 = arith.remsi %add3A_84, %rem3A : i32
      %dma_wait3A = arith.constant 0 : i32
      %dma_wait3A_91 = tpu.memref_slice %arg5[%rem3A_90, %dma_wait3A] : memref<2x2048xf32, #tpu.memory_space<vmem>> -> memref<1x2048xf32, #tpu.memory_space<vmem>>
      %dma_wait3A_92 = tpu.memref_squeeze %dma_wait3A_91 : memref<1x2048xf32, #tpu.memory_space<vmem>> -> memref<2048xf32, #tpu.memory_space<vmem>>
      %dma_wait3A_93 = arith.constant 0 : i32
      %dma_wait3A_94 = tpu.memref_slice %arg3[%dma_wait3A_93] : memref<16000000xf32, #tpu.memory_space<hbm>> -> memref<2048xf32, #tpu.memory_space<hbm>>
      %dma_wait3A_95 = arith.constant 0 : i32
      %dma_wait3A_96 = tpu.memref_slice %arg3[%dma_wait3A_95] : memref<16000000xf32, #tpu.memory_space<hbm>> -> memref<2048xf32, #tpu.memory_space<hbm>>
      %dma_wait3A_97 = arith.constant 0 : i32
      %dma_wait3A_98 = tpu.memref_slice %arg5[%rem3A_90, %dma_wait3A_97] : memref<2x2048xf32, #tpu.memory_space<vmem>> -> memref<1x2048xf32, #tpu.memory_space<vmem>>
      %dma_wait3A_99 = tpu.memref_squeeze %dma_wait3A_98 : memref<1x2048xf32, #tpu.memory_space<vmem>> -> memref<2048xf32, #tpu.memory_space<vmem>>
      tpu.wait_dma2 semaphore(%arg7 : memref<!tpu.dma_semaphore, #tpu.memory_space<semaphore_mem>>) src(%dma_wait3A_99 : memref<2048xf32, #tpu.memory_space<vmem>>) dst(%dma_wait3A_96 : memref<2048xf32, #tpu.memory_space<hbm>>)
    } else {
    }
    return
  }
}

#map = affine_map<(d0, d1) -> (0)>
#map1 = affine_map<(d0, d1) -> (0, 0)>
module attributes {stable_mosaic.version = 14 : i64} {
  func.func @_fm_sc(%arg0: i32, %arg1: i32, %arg2: memref<425984xi32, #tpu.memory_space<hbm>>, %arg3: memref<1000000x16xf32, #tpu.memory_space<hbm>>, %arg4: memref<1000000xf32, #tpu.memory_space<hbm>>, %arg5: memref<16384xf32, #tpu.memory_space<hbm>>, %arg6: memref<2x1664xi32, #tpu.memory_space<vmem>>, %arg7: memref<2x1664x16xf32, #tpu.memory_space<vmem>>, %arg8: memref<2x1696xf32, #tpu.memory_space<vmem>>, %arg9: memref<512xf32, #tpu.memory_space<vmem>>, %arg10: memref<256xf32, #tpu.memory_space<vmem>>, %arg11: memref<!tpu.dma_semaphore, #tpu.memory_space<semaphore_mem>>, %arg12: memref<!tpu.dma_semaphore, #tpu.memory_space<semaphore_mem>>) attributes {dimension_semantics = [#tpu.dimension_semantics<core_parallel>, #tpu.dimension_semantics<subcore_parallel>], iteration_bounds = array<i64: 2, 16>, scalar_prefetch = 0 : i64, scratch_operands = 7 : i64, tpu.core_type = #tpu.core_type<sc_vector_subcore>, window_params = [{transform_indices = #map}, {transform_indices = #map1}, {transform_indices = #map}, {transform_indices = #map}]} {
    %mul3A = arith.constant 2 : i32
    %mul3A_0 = arith.muli %arg1, %mul3A : i32
    %add3A = arith.addi %mul3A_0, %arg0 : i32
    %mul3A_1 = arith.constant 512 : i32
    %mul3A_2 = arith.muli %add3A, %mul3A_1 : i32
    %iota3A = tpu.iota {dimensions = array<i32: 0>} : vector<16xi32>
    %lt3A = arith.constant 10 : i32
    %lt3A_3 = vector.broadcast %lt3A : i32 to vector<16xi32>
    %lt3A_4 = arith.cmpi slt, %iota3A, %lt3A_3 : vector<16xi32>
    %add3A_5 = arith.constant 0 : i32
    %add3A_6 = arith.addi %mul3A_2, %add3A_5 : i32
    %mul3A_7 = arith.constant 26 : i32
    %mul3A_8 = arith.muli %add3A_6, %mul3A_7 : i32
    %run_scoped3A = arith.constant 0 : i32
    "tpu.region"() ({
      %run_scoped3A_304 = tpu.sem_alloc : memref<!tpu.dma_semaphore, #tpu.memory_space<semaphore_mem>>
      %dma_start3A_305 = arith.constant 0 : i32
      %dma_start3A_306 = tpu.memref_slice %arg6[%run_scoped3A, %dma_start3A_305] : memref<2x1664xi32, #tpu.memory_space<vmem>> -> memref<1x1664xi32, #tpu.memory_space<vmem>>
      %dma_start3A_307 = tpu.memref_squeeze %dma_start3A_306 : memref<1x1664xi32, #tpu.memory_space<vmem>> -> memref<1664xi32, #tpu.memory_space<vmem>>
      %dma_start3A_308 = tpu.memref_slice %arg2[%mul3A_8] : memref<425984xi32, #tpu.memory_space<hbm>> -> memref<1664xi32, #tpu.memory_space<hbm>>
      %dma_start3A_309 = arith.constant 0 : i32
      %dma_start3A_310 = tpu.memref_slice %arg6[%run_scoped3A, %dma_start3A_309] : memref<2x1664xi32, #tpu.memory_space<vmem>> -> memref<1x1664xi32, #tpu.memory_space<vmem>>
      %dma_start3A_311 = tpu.memref_squeeze %dma_start3A_310 : memref<1x1664xi32, #tpu.memory_space<vmem>> -> memref<1664xi32, #tpu.memory_space<vmem>>
      %dma_start3A_312 = tpu.memref_slice %arg2[%mul3A_8] : memref<425984xi32, #tpu.memory_space<hbm>> -> memref<1664xi32, #tpu.memory_space<hbm>>
      tpu.enqueue_dma source(%dma_start3A_312 : memref<1664xi32, #tpu.memory_space<hbm>>) target(%dma_start3A_311 : memref<1664xi32, #tpu.memory_space<vmem>>) target_semaphore(%run_scoped3A_304 : memref<!tpu.dma_semaphore, #tpu.memory_space<semaphore_mem>>)
      %dma_wait3A = arith.constant 0 : i32
      %dma_wait3A_313 = tpu.memref_slice %arg6[%run_scoped3A, %dma_wait3A] : memref<2x1664xi32, #tpu.memory_space<vmem>> -> memref<1x1664xi32, #tpu.memory_space<vmem>>
      %dma_wait3A_314 = tpu.memref_squeeze %dma_wait3A_313 : memref<1x1664xi32, #tpu.memory_space<vmem>> -> memref<1664xi32, #tpu.memory_space<vmem>>
      %dma_wait3A_315 = tpu.memref_slice %arg2[%mul3A_8] : memref<425984xi32, #tpu.memory_space<hbm>> -> memref<1664xi32, #tpu.memory_space<hbm>>
      %dma_wait3A_316 = arith.constant 0 : i32
      %dma_wait3A_317 = tpu.memref_slice %arg6[%run_scoped3A, %dma_wait3A_316] : memref<2x1664xi32, #tpu.memory_space<vmem>> -> memref<1x1664xi32, #tpu.memory_space<vmem>>
      %dma_wait3A_318 = tpu.memref_squeeze %dma_wait3A_317 : memref<1x1664xi32, #tpu.memory_space<vmem>> -> memref<1664xi32, #tpu.memory_space<vmem>>
      %dma_wait3A_319 = tpu.memref_slice %arg2[%mul3A_8] : memref<425984xi32, #tpu.memory_space<hbm>> -> memref<1664xi32, #tpu.memory_space<hbm>>
      tpu.wait_dma2 semaphore(%run_scoped3A_304 : memref<!tpu.dma_semaphore, #tpu.memory_space<semaphore_mem>>) src(%dma_wait3A_319 : memref<1664xi32, #tpu.memory_space<hbm>>) dst(%dma_wait3A_318 : memref<1664xi32, #tpu.memory_space<vmem>>)
      tpu.yield
    }) : () -> ()
    %dma_start3A = arith.constant 0 : i32
    %dma_start3A_9 = arith.constant 0 : i32
    %dma_start3A_10 = arith.constant 0 : i32
    %dma_start3A_11 = arith.constant 0 : i32
    %dma_start3A_12 = tpu.memref_slice %arg7[%dma_start3A_9, %dma_start3A_10, %dma_start3A_11] : memref<2x1664x16xf32, #tpu.memory_space<vmem>> -> memref<1x128x16xf32, #tpu.memory_space<vmem>>
    %dma_start3A_13 = tpu.memref_squeeze %dma_start3A_12 : memref<1x128x16xf32, #tpu.memory_space<vmem>> -> memref<128x16xf32, #tpu.memory_space<vmem>>
    %dma_start3A_14 = arith.constant 0 : i32
    %dma_start3A_15 = tpu.memref_slice %arg6[%dma_start3A, %dma_start3A_14] : memref<2x1664xi32, #tpu.memory_space<vmem>> -> memref<1x128xi32, #tpu.memory_space<vmem>>
    %dma_start3A_16 = tpu.memref_squeeze %dma_start3A_15 : memref<1x128xi32, #tpu.memory_space<vmem>> -> memref<128xi32, #tpu.memory_space<vmem>>
    %dma_start3A_17 = arith.constant 0 : i32
    %dma_start3A_18 = arith.constant 0 : i32
    %dma_start3A_19 = tpu.memref_slice %arg3[%dma_start3A_17, %dma_start3A_18] : memref<1000000x16xf32, #tpu.memory_space<hbm>> -> memref<1000000x16xf32, #tpu.memory_space<hbm>>
    tpu.enqueue_indirect_dma source(%dma_start3A_19 : memref<1000000x16xf32, #tpu.memory_space<hbm>>) target(%dma_start3A_13 : memref<128x16xf32, #tpu.memory_space<vmem>>) offsets(%dma_start3A_16 : memref<128xi32, #tpu.memory_space<vmem>>) semaphore(%arg11 : memref<!tpu.dma_semaphore, #tpu.memory_space<semaphore_mem>>)
    %dma_start3A_20 = arith.constant 0 : i32
    %dma_start3A_21 = arith.constant 0 : i32
    %dma_start3A_22 = arith.constant 0 : i32
    %dma_start3A_23 = tpu.memref_slice %arg8[%dma_start3A_21, %dma_start3A_22] : memref<2x1696xf32, #tpu.memory_space<vmem>> -> memref<1x128xf32, #tpu.memory_space<vmem>>
    %dma_start3A_24 = tpu.memref_squeeze %dma_start3A_23 : memref<1x128xf32, #tpu.memory_space<vmem>> -> memref<128xf32, #tpu.memory_space<vmem>>
    %dma_start3A_25 = arith.constant 0 : i32
    %dma_start3A_26 = tpu.memref_slice %arg6[%dma_start3A_20, %dma_start3A_25] : memref<2x1664xi32, #tpu.memory_space<vmem>> -> memref<1x128xi32, #tpu.memory_space<vmem>>
    %dma_start3A_27 = tpu.memref_squeeze %dma_start3A_26 : memref<1x128xi32, #tpu.memory_space<vmem>> -> memref<128xi32, #tpu.memory_space<vmem>>
    %dma_start3A_28 = arith.constant 0 : i32
    %dma_start3A_29 = tpu.memref_slice %arg4[%dma_start3A_28] : memref<1000000xf32, #tpu.memory_space<hbm>> -> memref<1000000xf32, #tpu.memory_space<hbm>>
    tpu.enqueue_indirect_dma source(%dma_start3A_29 : memref<1000000xf32, #tpu.memory_space<hbm>>) target(%dma_start3A_24 : memref<128xf32, #tpu.memory_space<vmem>>) offsets(%dma_start3A_27 : memref<128xi32, #tpu.memory_space<vmem>>) semaphore(%arg12 : memref<!tpu.dma_semaphore, #tpu.memory_space<semaphore_mem>>)
    %dma_start3A_30 = arith.constant 0 : i32
    %dma_start3A_31 = arith.constant 0 : i32
    %dma_start3A_32 = arith.constant 128 : i32
    %dma_start3A_33 = arith.constant 0 : i32
    %dma_start3A_34 = tpu.memref_slice %arg7[%dma_start3A_31, %dma_start3A_32, %dma_start3A_33] : memref<2x1664x16xf32, #tpu.memory_space<vmem>> -> memref<1x128x16xf32, #tpu.memory_space<vmem>>
    %dma_start3A_35 = tpu.memref_squeeze %dma_start3A_34 : memref<1x128x16xf32, #tpu.memory_space<vmem>> -> memref<128x16xf32, #tpu.memory_space<vmem>>
    %dma_start3A_36 = arith.constant 128 : i32
    %dma_start3A_37 = tpu.memref_slice %arg6[%dma_start3A_30, %dma_start3A_36] : memref<2x1664xi32, #tpu.memory_space<vmem>> -> memref<1x128xi32, #tpu.memory_space<vmem>>
    %dma_start3A_38 = tpu.memref_squeeze %dma_start3A_37 : memref<1x128xi32, #tpu.memory_space<vmem>> -> memref<128xi32, #tpu.memory_space<vmem>>
    %dma_start3A_39 = arith.constant 0 : i32
    %dma_start3A_40 = arith.constant 0 : i32
    %dma_start3A_41 = tpu.memref_slice %arg3[%dma_start3A_39, %dma_start3A_40] : memref<1000000x16xf32, #tpu.memory_space<hbm>> -> memref<1000000x16xf32, #tpu.memory_space<hbm>>
    tpu.enqueue_indirect_dma source(%dma_start3A_41 : memref<1000000x16xf32, #tpu.memory_space<hbm>>) target(%dma_start3A_35 : memref<128x16xf32, #tpu.memory_space<vmem>>) offsets(%dma_start3A_38 : memref<128xi32, #tpu.memory_space<vmem>>) semaphore(%arg11 : memref<!tpu.dma_semaphore, #tpu.memory_space<semaphore_mem>>)
    %dma_start3A_42 = arith.constant 0 : i32
    %dma_start3A_43 = arith.constant 0 : i32
    %dma_start3A_44 = arith.constant 128 : i32
    %dma_start3A_45 = tpu.memref_slice %arg8[%dma_start3A_43, %dma_start3A_44] : memref<2x1696xf32, #tpu.memory_space<vmem>> -> memref<1x128xf32, #tpu.memory_space<vmem>>
    %dma_start3A_46 = tpu.memref_squeeze %dma_start3A_45 : memref<1x128xf32, #tpu.memory_space<vmem>> -> memref<128xf32, #tpu.memory_space<vmem>>
    %dma_start3A_47 = arith.constant 128 : i32
    %dma_start3A_48 = tpu.memref_slice %arg6[%dma_start3A_42, %dma_start3A_47] : memref<2x1664xi32, #tpu.memory_space<vmem>> -> memref<1x128xi32, #tpu.memory_space<vmem>>
    %dma_start3A_49 = tpu.memref_squeeze %dma_start3A_48 : memref<1x128xi32, #tpu.memory_space<vmem>> -> memref<128xi32, #tpu.memory_space<vmem>>
    %dma_start3A_50 = arith.constant 0 : i32
    %dma_start3A_51 = tpu.memref_slice %arg4[%dma_start3A_50] : memref<1000000xf32, #tpu.memory_space<hbm>> -> memref<1000000xf32, #tpu.memory_space<hbm>>
    tpu.enqueue_indirect_dma source(%dma_start3A_51 : memref<1000000xf32, #tpu.memory_space<hbm>>) target(%dma_start3A_46 : memref<128xf32, #tpu.memory_space<vmem>>) offsets(%dma_start3A_49 : memref<128xi32, #tpu.memory_space<vmem>>) semaphore(%arg12 : memref<!tpu.dma_semaphore, #tpu.memory_space<semaphore_mem>>)
    %dma_start3A_52 = arith.constant 0 : i32
    %dma_start3A_53 = arith.constant 0 : i32
    %dma_start3A_54 = arith.constant 256 : i32
    %dma_start3A_55 = arith.constant 0 : i32
    %dma_start3A_56 = tpu.memref_slice %arg7[%dma_start3A_53, %dma_start3A_54, %dma_start3A_55] : memref<2x1664x16xf32, #tpu.memory_space<vmem>> -> memref<1x128x16xf32, #tpu.memory_space<vmem>>
    %dma_start3A_57 = tpu.memref_squeeze %dma_start3A_56 : memref<1x128x16xf32, #tpu.memory_space<vmem>> -> memref<128x16xf32, #tpu.memory_space<vmem>>
    %dma_start3A_58 = arith.constant 256 : i32
    %dma_start3A_59 = tpu.memref_slice %arg6[%dma_start3A_52, %dma_start3A_58] : memref<2x1664xi32, #tpu.memory_space<vmem>> -> memref<1x128xi32, #tpu.memory_space<vmem>>
    %dma_start3A_60 = tpu.memref_squeeze %dma_start3A_59 : memref<1x128xi32, #tpu.memory_space<vmem>> -> memref<128xi32, #tpu.memory_space<vmem>>
    %dma_start3A_61 = arith.constant 0 : i32
    %dma_start3A_62 = arith.constant 0 : i32
    %dma_start3A_63 = tpu.memref_slice %arg3[%dma_start3A_61, %dma_start3A_62] : memref<1000000x16xf32, #tpu.memory_space<hbm>> -> memref<1000000x16xf32, #tpu.memory_space<hbm>>
    tpu.enqueue_indirect_dma source(%dma_start3A_63 : memref<1000000x16xf32, #tpu.memory_space<hbm>>) target(%dma_start3A_57 : memref<128x16xf32, #tpu.memory_space<vmem>>) offsets(%dma_start3A_60 : memref<128xi32, #tpu.memory_space<vmem>>) semaphore(%arg11 : memref<!tpu.dma_semaphore, #tpu.memory_space<semaphore_mem>>)
    %dma_start3A_64 = arith.constant 0 : i32
    %dma_start3A_65 = arith.constant 0 : i32
    %dma_start3A_66 = arith.constant 256 : i32
    %dma_start3A_67 = tpu.memref_slice %arg8[%dma_start3A_65, %dma_start3A_66] : memref<2x1696xf32, #tpu.memory_space<vmem>> -> memref<1x128xf32, #tpu.memory_space<vmem>>
    %dma_start3A_68 = tpu.memref_squeeze %dma_start3A_67 : memref<1x128xf32, #tpu.memory_space<vmem>> -> memref<128xf32, #tpu.memory_space<vmem>>
    %dma_start3A_69 = arith.constant 256 : i32
    %dma_start3A_70 = tpu.memref_slice %arg6[%dma_start3A_64, %dma_start3A_69] : memref<2x1664xi32, #tpu.memory_space<vmem>> -> memref<1x128xi32, #tpu.memory_space<vmem>>
    %dma_start3A_71 = tpu.memref_squeeze %dma_start3A_70 : memref<1x128xi32, #tpu.memory_space<vmem>> -> memref<128xi32, #tpu.memory_space<vmem>>
    %dma_start3A_72 = arith.constant 0 : i32
    %dma_start3A_73 = tpu.memref_slice %arg4[%dma_start3A_72] : memref<1000000xf32, #tpu.memory_space<hbm>> -> memref<1000000xf32, #tpu.memory_space<hbm>>
    tpu.enqueue_indirect_dma source(%dma_start3A_73 : memref<1000000xf32, #tpu.memory_space<hbm>>) target(%dma_start3A_68 : memref<128xf32, #tpu.memory_space<vmem>>) offsets(%dma_start3A_71 : memref<128xi32, #tpu.memory_space<vmem>>) semaphore(%arg12 : memref<!tpu.dma_semaphore, #tpu.memory_space<semaphore_mem>>)
    %dma_start3A_74 = arith.constant 0 : i32
    %dma_start3A_75 = arith.constant 0 : i32
    %dma_start3A_76 = arith.constant 384 : i32
    %dma_start3A_77 = arith.constant 0 : i32
    %dma_start3A_78 = tpu.memref_slice %arg7[%dma_start3A_75, %dma_start3A_76, %dma_start3A_77] : memref<2x1664x16xf32, #tpu.memory_space<vmem>> -> memref<1x128x16xf32, #tpu.memory_space<vmem>>
    %dma_start3A_79 = tpu.memref_squeeze %dma_start3A_78 : memref<1x128x16xf32, #tpu.memory_space<vmem>> -> memref<128x16xf32, #tpu.memory_space<vmem>>
    %dma_start3A_80 = arith.constant 384 : i32
    %dma_start3A_81 = tpu.memref_slice %arg6[%dma_start3A_74, %dma_start3A_80] : memref<2x1664xi32, #tpu.memory_space<vmem>> -> memref<1x128xi32, #tpu.memory_space<vmem>>
    %dma_start3A_82 = tpu.memref_squeeze %dma_start3A_81 : memref<1x128xi32, #tpu.memory_space<vmem>> -> memref<128xi32, #tpu.memory_space<vmem>>
    %dma_start3A_83 = arith.constant 0 : i32
    %dma_start3A_84 = arith.constant 0 : i32
    %dma_start3A_85 = tpu.memref_slice %arg3[%dma_start3A_83, %dma_start3A_84] : memref<1000000x16xf32, #tpu.memory_space<hbm>> -> memref<1000000x16xf32, #tpu.memory_space<hbm>>
    tpu.enqueue_indirect_dma source(%dma_start3A_85 : memref<1000000x16xf32, #tpu.memory_space<hbm>>) target(%dma_start3A_79 : memref<128x16xf32, #tpu.memory_space<vmem>>) offsets(%dma_start3A_82 : memref<128xi32, #tpu.memory_space<vmem>>) semaphore(%arg11 : memref<!tpu.dma_semaphore, #tpu.memory_space<semaphore_mem>>)
    %dma_start3A_86 = arith.constant 0 : i32
    %dma_start3A_87 = arith.constant 0 : i32
    %dma_start3A_88 = arith.constant 384 : i32
    %dma_start3A_89 = tpu.memref_slice %arg8[%dma_start3A_87, %dma_start3A_88] : memref<2x1696xf32, #tpu.memory_space<vmem>> -> memref<1x128xf32, #tpu.memory_space<vmem>>
    %dma_start3A_90 = tpu.memref_squeeze %dma_start3A_89 : memref<1x128xf32, #tpu.memory_space<vmem>> -> memref<128xf32, #tpu.memory_space<vmem>>
    %dma_start3A_91 = arith.constant 384 : i32
    %dma_start3A_92 = tpu.memref_slice %arg6[%dma_start3A_86, %dma_start3A_91] : memref<2x1664xi32, #tpu.memory_space<vmem>> -> memref<1x128xi32, #tpu.memory_space<vmem>>
    %dma_start3A_93 = tpu.memref_squeeze %dma_start3A_92 : memref<1x128xi32, #tpu.memory_space<vmem>> -> memref<128xi32, #tpu.memory_space<vmem>>
    %dma_start3A_94 = arith.constant 0 : i32
    %dma_start3A_95 = tpu.memref_slice %arg4[%dma_start3A_94] : memref<1000000xf32, #tpu.memory_space<hbm>> -> memref<1000000xf32, #tpu.memory_space<hbm>>
    tpu.enqueue_indirect_dma source(%dma_start3A_95 : memref<1000000xf32, #tpu.memory_space<hbm>>) target(%dma_start3A_90 : memref<128xf32, #tpu.memory_space<vmem>>) offsets(%dma_start3A_93 : memref<128xi32, #tpu.memory_space<vmem>>) semaphore(%arg12 : memref<!tpu.dma_semaphore, #tpu.memory_space<semaphore_mem>>)
    %dma_start3A_96 = arith.constant 0 : i32
    %dma_start3A_97 = arith.constant 0 : i32
    %dma_start3A_98 = arith.constant 512 : i32
    %dma_start3A_99 = arith.constant 0 : i32
    %dma_start3A_100 = tpu.memref_slice %arg7[%dma_start3A_97, %dma_start3A_98, %dma_start3A_99] : memref<2x1664x16xf32, #tpu.memory_space<vmem>> -> memref<1x128x16xf32, #tpu.memory_space<vmem>>
    %dma_start3A_101 = tpu.memref_squeeze %dma_start3A_100 : memref<1x128x16xf32, #tpu.memory_space<vmem>> -> memref<128x16xf32, #tpu.memory_space<vmem>>
    %dma_start3A_102 = arith.constant 512 : i32
    %dma_start3A_103 = tpu.memref_slice %arg6[%dma_start3A_96, %dma_start3A_102] : memref<2x1664xi32, #tpu.memory_space<vmem>> -> memref<1x128xi32, #tpu.memory_space<vmem>>
    %dma_start3A_104 = tpu.memref_squeeze %dma_start3A_103 : memref<1x128xi32, #tpu.memory_space<vmem>> -> memref<128xi32, #tpu.memory_space<vmem>>
    %dma_start3A_105 = arith.constant 0 : i32
    %dma_start3A_106 = arith.constant 0 : i32
    %dma_start3A_107 = tpu.memref_slice %arg3[%dma_start3A_105, %dma_start3A_106] : memref<1000000x16xf32, #tpu.memory_space<hbm>> -> memref<1000000x16xf32, #tpu.memory_space<hbm>>
    tpu.enqueue_indirect_dma source(%dma_start3A_107 : memref<1000000x16xf32, #tpu.memory_space<hbm>>) target(%dma_start3A_101 : memref<128x16xf32, #tpu.memory_space<vmem>>) offsets(%dma_start3A_104 : memref<128xi32, #tpu.memory_space<vmem>>) semaphore(%arg11 : memref<!tpu.dma_semaphore, #tpu.memory_space<semaphore_mem>>)
    %dma_start3A_108 = arith.constant 0 : i32
    %dma_start3A_109 = arith.constant 0 : i32
    %dma_start3A_110 = arith.constant 512 : i32
    %dma_start3A_111 = tpu.memref_slice %arg8[%dma_start3A_109, %dma_start3A_110] : memref<2x1696xf32, #tpu.memory_space<vmem>> -> memref<1x128xf32, #tpu.memory_space<vmem>>
    %dma_start3A_112 = tpu.memref_squeeze %dma_start3A_111 : memref<1x128xf32, #tpu.memory_space<vmem>> -> memref<128xf32, #tpu.memory_space<vmem>>
    %dma_start3A_113 = arith.constant 512 : i32
    %dma_start3A_114 = tpu.memref_slice %arg6[%dma_start3A_108, %dma_start3A_113] : memref<2x1664xi32, #tpu.memory_space<vmem>> -> memref<1x128xi32, #tpu.memory_space<vmem>>
    %dma_start3A_115 = tpu.memref_squeeze %dma_start3A_114 : memref<1x128xi32, #tpu.memory_space<vmem>> -> memref<128xi32, #tpu.memory_space<vmem>>
    %dma_start3A_116 = arith.constant 0 : i32
    %dma_start3A_117 = tpu.memref_slice %arg4[%dma_start3A_116] : memref<1000000xf32, #tpu.memory_space<hbm>> -> memref<1000000xf32, #tpu.memory_space<hbm>>
    tpu.enqueue_indirect_dma source(%dma_start3A_117 : memref<1000000xf32, #tpu.memory_space<hbm>>) target(%dma_start3A_112 : memref<128xf32, #tpu.memory_space<vmem>>) offsets(%dma_start3A_115 : memref<128xi32, #tpu.memory_space<vmem>>) semaphore(%arg12 : memref<!tpu.dma_semaphore, #tpu.memory_space<semaphore_mem>>)
    %dma_start3A_118 = arith.constant 0 : i32
    %dma_start3A_119 = arith.constant 0 : i32
    %dma_start3A_120 = arith.constant 640 : i32
    %dma_start3A_121 = arith.constant 0 : i32
    %dma_start3A_122 = tpu.memref_slice %arg7[%dma_start3A_119, %dma_start3A_120, %dma_start3A_121] : memref<2x1664x16xf32, #tpu.memory_space<vmem>> -> memref<1x128x16xf32, #tpu.memory_space<vmem>>
    %dma_start3A_123 = tpu.memref_squeeze %dma_start3A_122 : memref<1x128x16xf32, #tpu.memory_space<vmem>> -> memref<128x16xf32, #tpu.memory_space<vmem>>
    %dma_start3A_124 = arith.constant 640 : i32
    %dma_start3A_125 = tpu.memref_slice %arg6[%dma_start3A_118, %dma_start3A_124] : memref<2x1664xi32, #tpu.memory_space<vmem>> -> memref<1x128xi32, #tpu.memory_space<vmem>>
    %dma_start3A_126 = tpu.memref_squeeze %dma_start3A_125 : memref<1x128xi32, #tpu.memory_space<vmem>> -> memref<128xi32, #tpu.memory_space<vmem>>
    %dma_start3A_127 = arith.constant 0 : i32
    %dma_start3A_128 = arith.constant 0 : i32
    %dma_start3A_129 = tpu.memref_slice %arg3[%dma_start3A_127, %dma_start3A_128] : memref<1000000x16xf32, #tpu.memory_space<hbm>> -> memref<1000000x16xf32, #tpu.memory_space<hbm>>
    tpu.enqueue_indirect_dma source(%dma_start3A_129 : memref<1000000x16xf32, #tpu.memory_space<hbm>>) target(%dma_start3A_123 : memref<128x16xf32, #tpu.memory_space<vmem>>) offsets(%dma_start3A_126 : memref<128xi32, #tpu.memory_space<vmem>>) semaphore(%arg11 : memref<!tpu.dma_semaphore, #tpu.memory_space<semaphore_mem>>)
    %dma_start3A_130 = arith.constant 0 : i32
    %dma_start3A_131 = arith.constant 0 : i32
    %dma_start3A_132 = arith.constant 640 : i32
    %dma_start3A_133 = tpu.memref_slice %arg8[%dma_start3A_131, %dma_start3A_132] : memref<2x1696xf32, #tpu.memory_space<vmem>> -> memref<1x128xf32, #tpu.memory_space<vmem>>
    %dma_start3A_134 = tpu.memref_squeeze %dma_start3A_133 : memref<1x128xf32, #tpu.memory_space<vmem>> -> memref<128xf32, #tpu.memory_space<vmem>>
    %dma_start3A_135 = arith.constant 640 : i32
    %dma_start3A_136 = tpu.memref_slice %arg6[%dma_start3A_130, %dma_start3A_135] : memref<2x1664xi32, #tpu.memory_space<vmem>> -> memref<1x128xi32, #tpu.memory_space<vmem>>
    %dma_start3A_137 = tpu.memref_squeeze %dma_start3A_136 : memref<1x128xi32, #tpu.memory_space<vmem>> -> memref<128xi32, #tpu.memory_space<vmem>>
    %dma_start3A_138 = arith.constant 0 : i32
    %dma_start3A_139 = tpu.memref_slice %arg4[%dma_start3A_138] : memref<1000000xf32, #tpu.memory_space<hbm>> -> memref<1000000xf32, #tpu.memory_space<hbm>>
    tpu.enqueue_indirect_dma source(%dma_start3A_139 : memref<1000000xf32, #tpu.memory_space<hbm>>) target(%dma_start3A_134 : memref<128xf32, #tpu.memory_space<vmem>>) offsets(%dma_start3A_137 : memref<128xi32, #tpu.memory_space<vmem>>) semaphore(%arg12 : memref<!tpu.dma_semaphore, #tpu.memory_space<semaphore_mem>>)
    %dma_start3A_140 = arith.constant 0 : i32
    %dma_start3A_141 = arith.constant 0 : i32
    %dma_start3A_142 = arith.constant 768 : i32
    %dma_start3A_143 = arith.constant 0 : i32
    %dma_start3A_144 = tpu.memref_slice %arg7[%dma_start3A_141, %dma_start3A_142, %dma_start3A_143] : memref<2x1664x16xf32, #tpu.memory_space<vmem>> -> memref<1x128x16xf32, #tpu.memory_space<vmem>>
    %dma_start3A_145 = tpu.memref_squeeze %dma_start3A_144 : memref<1x128x16xf32, #tpu.memory_space<vmem>> -> memref<128x16xf32, #tpu.memory_space<vmem>>
    %dma_start3A_146 = arith.constant 768 : i32
    %dma_start3A_147 = tpu.memref_slice %arg6[%dma_start3A_140, %dma_start3A_146] : memref<2x1664xi32, #tpu.memory_space<vmem>> -> memref<1x128xi32, #tpu.memory_space<vmem>>
    %dma_start3A_148 = tpu.memref_squeeze %dma_start3A_147 : memref<1x128xi32, #tpu.memory_space<vmem>> -> memref<128xi32, #tpu.memory_space<vmem>>
    %dma_start3A_149 = arith.constant 0 : i32
    %dma_start3A_150 = arith.constant 0 : i32
    %dma_start3A_151 = tpu.memref_slice %arg3[%dma_start3A_149, %dma_start3A_150] : memref<1000000x16xf32, #tpu.memory_space<hbm>> -> memref<1000000x16xf32, #tpu.memory_space<hbm>>
    tpu.enqueue_indirect_dma source(%dma_start3A_151 : memref<1000000x16xf32, #tpu.memory_space<hbm>>) target(%dma_start3A_145 : memref<128x16xf32, #tpu.memory_space<vmem>>) offsets(%dma_start3A_148 : memref<128xi32, #tpu.memory_space<vmem>>) semaphore(%arg11 : memref<!tpu.dma_semaphore, #tpu.memory_space<semaphore_mem>>)
    %dma_start3A_152 = arith.constant 0 : i32
    %dma_start3A_153 = arith.constant 0 : i32
    %dma_start3A_154 = arith.constant 768 : i32
    %dma_start3A_155 = tpu.memref_slice %arg8[%dma_start3A_153, %dma_start3A_154] : memref<2x1696xf32, #tpu.memory_space<vmem>> -> memref<1x128xf32, #tpu.memory_space<vmem>>
    %dma_start3A_156 = tpu.memref_squeeze %dma_start3A_155 : memref<1x128xf32, #tpu.memory_space<vmem>> -> memref<128xf32, #tpu.memory_space<vmem>>
    %dma_start3A_157 = arith.constant 768 : i32
    %dma_start3A_158 = tpu.memref_slice %arg6[%dma_start3A_152, %dma_start3A_157] : memref<2x1664xi32, #tpu.memory_space<vmem>> -> memref<1x128xi32, #tpu.memory_space<vmem>>
    %dma_start3A_159 = tpu.memref_squeeze %dma_start3A_158 : memref<1x128xi32, #tpu.memory_space<vmem>> -> memref<128xi32, #tpu.memory_space<vmem>>
    %dma_start3A_160 = arith.constant 0 : i32
    %dma_start3A_161 = tpu.memref_slice %arg4[%dma_start3A_160] : memref<1000000xf32, #tpu.memory_space<hbm>> -> memref<1000000xf32, #tpu.memory_space<hbm>>
    tpu.enqueue_indirect_dma source(%dma_start3A_161 : memref<1000000xf32, #tpu.memory_space<hbm>>) target(%dma_start3A_156 : memref<128xf32, #tpu.memory_space<vmem>>) offsets(%dma_start3A_159 : memref<128xi32, #tpu.memory_space<vmem>>) semaphore(%arg12 : memref<!tpu.dma_semaphore, #tpu.memory_space<semaphore_mem>>)
    %dma_start3A_162 = arith.constant 0 : i32
    %dma_start3A_163 = arith.constant 0 : i32
    %dma_start3A_164 = arith.constant 896 : i32
    %dma_start3A_165 = arith.constant 0 : i32
    %dma_start3A_166 = tpu.memref_slice %arg7[%dma_start3A_163, %dma_start3A_164, %dma_start3A_165] : memref<2x1664x16xf32, #tpu.memory_space<vmem>> -> memref<1x128x16xf32, #tpu.memory_space<vmem>>
    %dma_start3A_167 = tpu.memref_squeeze %dma_start3A_166 : memref<1x128x16xf32, #tpu.memory_space<vmem>> -> memref<128x16xf32, #tpu.memory_space<vmem>>
    %dma_start3A_168 = arith.constant 896 : i32
    %dma_start3A_169 = tpu.memref_slice %arg6[%dma_start3A_162, %dma_start3A_168] : memref<2x1664xi32, #tpu.memory_space<vmem>> -> memref<1x128xi32, #tpu.memory_space<vmem>>
    %dma_start3A_170 = tpu.memref_squeeze %dma_start3A_169 : memref<1x128xi32, #tpu.memory_space<vmem>> -> memref<128xi32, #tpu.memory_space<vmem>>
    %dma_start3A_171 = arith.constant 0 : i32
    %dma_start3A_172 = arith.constant 0 : i32
    %dma_start3A_173 = tpu.memref_slice %arg3[%dma_start3A_171, %dma_start3A_172] : memref<1000000x16xf32, #tpu.memory_space<hbm>> -> memref<1000000x16xf32, #tpu.memory_space<hbm>>
    tpu.enqueue_indirect_dma source(%dma_start3A_173 : memref<1000000x16xf32, #tpu.memory_space<hbm>>) target(%dma_start3A_167 : memref<128x16xf32, #tpu.memory_space<vmem>>) offsets(%dma_start3A_170 : memref<128xi32, #tpu.memory_space<vmem>>) semaphore(%arg11 : memref<!tpu.dma_semaphore, #tpu.memory_space<semaphore_mem>>)
    %dma_start3A_174 = arith.constant 0 : i32
    %dma_start3A_175 = arith.constant 0 : i32
    %dma_start3A_176 = arith.constant 896 : i32
    %dma_start3A_177 = tpu.memref_slice %arg8[%dma_start3A_175, %dma_start3A_176] : memref<2x1696xf32, #tpu.memory_space<vmem>> -> memref<1x128xf32, #tpu.memory_space<vmem>>
    %dma_start3A_178 = tpu.memref_squeeze %dma_start3A_177 : memref<1x128xf32, #tpu.memory_space<vmem>> -> memref<128xf32, #tpu.memory_space<vmem>>
    %dma_start3A_179 = arith.constant 896 : i32
    %dma_start3A_180 = tpu.memref_slice %arg6[%dma_start3A_174, %dma_start3A_179] : memref<2x1664xi32, #tpu.memory_space<vmem>> -> memref<1x128xi32, #tpu.memory_space<vmem>>
    %dma_start3A_181 = tpu.memref_squeeze %dma_start3A_180 : memref<1x128xi32, #tpu.memory_space<vmem>> -> memref<128xi32, #tpu.memory_space<vmem>>
    %dma_start3A_182 = arith.constant 0 : i32
    %dma_start3A_183 = tpu.memref_slice %arg4[%dma_start3A_182] : memref<1000000xf32, #tpu.memory_space<hbm>> -> memref<1000000xf32, #tpu.memory_space<hbm>>
    tpu.enqueue_indirect_dma source(%dma_start3A_183 : memref<1000000xf32, #tpu.memory_space<hbm>>) target(%dma_start3A_178 : memref<128xf32, #tpu.memory_space<vmem>>) offsets(%dma_start3A_181 : memref<128xi32, #tpu.memory_space<vmem>>) semaphore(%arg12 : memref<!tpu.dma_semaphore, #tpu.memory_space<semaphore_mem>>)
    %dma_start3A_184 = arith.constant 0 : i32
    %dma_start3A_185 = arith.constant 0 : i32
    %dma_start3A_186 = arith.constant 1024 : i32
    %dma_start3A_187 = arith.constant 0 : i32
    %dma_start3A_188 = tpu.memref_slice %arg7[%dma_start3A_185, %dma_start3A_186, %dma_start3A_187] : memref<2x1664x16xf32, #tpu.memory_space<vmem>> -> memref<1x128x16xf32, #tpu.memory_space<vmem>>
    %dma_start3A_189 = tpu.memref_squeeze %dma_start3A_188 : memref<1x128x16xf32, #tpu.memory_space<vmem>> -> memref<128x16xf32, #tpu.memory_space<vmem>>
    %dma_start3A_190 = arith.constant 1024 : i32
    %dma_start3A_191 = tpu.memref_slice %arg6[%dma_start3A_184, %dma_start3A_190] : memref<2x1664xi32, #tpu.memory_space<vmem>> -> memref<1x128xi32, #tpu.memory_space<vmem>>
    %dma_start3A_192 = tpu.memref_squeeze %dma_start3A_191 : memref<1x128xi32, #tpu.memory_space<vmem>> -> memref<128xi32, #tpu.memory_space<vmem>>
    %dma_start3A_193 = arith.constant 0 : i32
    %dma_start3A_194 = arith.constant 0 : i32
    %dma_start3A_195 = tpu.memref_slice %arg3[%dma_start3A_193, %dma_start3A_194] : memref<1000000x16xf32, #tpu.memory_space<hbm>> -> memref<1000000x16xf32, #tpu.memory_space<hbm>>
    tpu.enqueue_indirect_dma source(%dma_start3A_195 : memref<1000000x16xf32, #tpu.memory_space<hbm>>) target(%dma_start3A_189 : memref<128x16xf32, #tpu.memory_space<vmem>>) offsets(%dma_start3A_192 : memref<128xi32, #tpu.memory_space<vmem>>) semaphore(%arg11 : memref<!tpu.dma_semaphore, #tpu.memory_space<semaphore_mem>>)
    %dma_start3A_196 = arith.constant 0 : i32
    %dma_start3A_197 = arith.constant 0 : i32
    %dma_start3A_198 = arith.constant 1024 : i32
    %dma_start3A_199 = tpu.memref_slice %arg8[%dma_start3A_197, %dma_start3A_198] : memref<2x1696xf32, #tpu.memory_space<vmem>> -> memref<1x128xf32, #tpu.memory_space<vmem>>
    %dma_start3A_200 = tpu.memref_squeeze %dma_start3A_199 : memref<1x128xf32, #tpu.memory_space<vmem>> -> memref<128xf32, #tpu.memory_space<vmem>>
    %dma_start3A_201 = arith.constant 1024 : i32
    %dma_start3A_202 = tpu.memref_slice %arg6[%dma_start3A_196, %dma_start3A_201] : memref<2x1664xi32, #tpu.memory_space<vmem>> -> memref<1x128xi32, #tpu.memory_space<vmem>>
    %dma_start3A_203 = tpu.memref_squeeze %dma_start3A_202 : memref<1x128xi32, #tpu.memory_space<vmem>> -> memref<128xi32, #tpu.memory_space<vmem>>
    %dma_start3A_204 = arith.constant 0 : i32
    %dma_start3A_205 = tpu.memref_slice %arg4[%dma_start3A_204] : memref<1000000xf32, #tpu.memory_space<hbm>> -> memref<1000000xf32, #tpu.memory_space<hbm>>
    tpu.enqueue_indirect_dma source(%dma_start3A_205 : memref<1000000xf32, #tpu.memory_space<hbm>>) target(%dma_start3A_200 : memref<128xf32, #tpu.memory_space<vmem>>) offsets(%dma_start3A_203 : memref<128xi32, #tpu.memory_space<vmem>>) semaphore(%arg12 : memref<!tpu.dma_semaphore, #tpu.memory_space<semaphore_mem>>)
    %dma_start3A_206 = arith.constant 0 : i32
    %dma_start3A_207 = arith.constant 0 : i32
    %dma_start3A_208 = arith.constant 1152 : i32
    %dma_start3A_209 = arith.constant 0 : i32
    %dma_start3A_210 = tpu.memref_slice %arg7[%dma_start3A_207, %dma_start3A_208, %dma_start3A_209] : memref<2x1664x16xf32, #tpu.memory_space<vmem>> -> memref<1x128x16xf32, #tpu.memory_space<vmem>>
    %dma_start3A_211 = tpu.memref_squeeze %dma_start3A_210 : memref<1x128x16xf32, #tpu.memory_space<vmem>> -> memref<128x16xf32, #tpu.memory_space<vmem>>
    %dma_start3A_212 = arith.constant 1152 : i32
    %dma_start3A_213 = tpu.memref_slice %arg6[%dma_start3A_206, %dma_start3A_212] : memref<2x1664xi32, #tpu.memory_space<vmem>> -> memref<1x128xi32, #tpu.memory_space<vmem>>
    %dma_start3A_214 = tpu.memref_squeeze %dma_start3A_213 : memref<1x128xi32, #tpu.memory_space<vmem>> -> memref<128xi32, #tpu.memory_space<vmem>>
    %dma_start3A_215 = arith.constant 0 : i32
    %dma_start3A_216 = arith.constant 0 : i32
    %dma_start3A_217 = tpu.memref_slice %arg3[%dma_start3A_215, %dma_start3A_216] : memref<1000000x16xf32, #tpu.memory_space<hbm>> -> memref<1000000x16xf32, #tpu.memory_space<hbm>>
    tpu.enqueue_indirect_dma source(%dma_start3A_217 : memref<1000000x16xf32, #tpu.memory_space<hbm>>) target(%dma_start3A_211 : memref<128x16xf32, #tpu.memory_space<vmem>>) offsets(%dma_start3A_214 : memref<128xi32, #tpu.memory_space<vmem>>) semaphore(%arg11 : memref<!tpu.dma_semaphore, #tpu.memory_space<semaphore_mem>>)
    %dma_start3A_218 = arith.constant 0 : i32
    %dma_start3A_219 = arith.constant 0 : i32
    %dma_start3A_220 = arith.constant 1152 : i32
    %dma_start3A_221 = tpu.memref_slice %arg8[%dma_start3A_219, %dma_start3A_220] : memref<2x1696xf32, #tpu.memory_space<vmem>> -> memref<1x128xf32, #tpu.memory_space<vmem>>
    %dma_start3A_222 = tpu.memref_squeeze %dma_start3A_221 : memref<1x128xf32, #tpu.memory_space<vmem>> -> memref<128xf32, #tpu.memory_space<vmem>>
    %dma_start3A_223 = arith.constant 1152 : i32
    %dma_start3A_224 = tpu.memref_slice %arg6[%dma_start3A_218, %dma_start3A_223] : memref<2x1664xi32, #tpu.memory_space<vmem>> -> memref<1x128xi32, #tpu.memory_space<vmem>>
    %dma_start3A_225 = tpu.memref_squeeze %dma_start3A_224 : memref<1x128xi32, #tpu.memory_space<vmem>> -> memref<128xi32, #tpu.memory_space<vmem>>
    %dma_start3A_226 = arith.constant 0 : i32
    %dma_start3A_227 = tpu.memref_slice %arg4[%dma_start3A_226] : memref<1000000xf32, #tpu.memory_space<hbm>> -> memref<1000000xf32, #tpu.memory_space<hbm>>
    tpu.enqueue_indirect_dma source(%dma_start3A_227 : memref<1000000xf32, #tpu.memory_space<hbm>>) target(%dma_start3A_222 : memref<128xf32, #tpu.memory_space<vmem>>) offsets(%dma_start3A_225 : memref<128xi32, #tpu.memory_space<vmem>>) semaphore(%arg12 : memref<!tpu.dma_semaphore, #tpu.memory_space<semaphore_mem>>)
    %dma_start3A_228 = arith.constant 0 : i32
    %dma_start3A_229 = arith.constant 0 : i32
    %dma_start3A_230 = arith.constant 1280 : i32
    %dma_start3A_231 = arith.constant 0 : i32
    %dma_start3A_232 = tpu.memref_slice %arg7[%dma_start3A_229, %dma_start3A_230, %dma_start3A_231] : memref<2x1664x16xf32, #tpu.memory_space<vmem>> -> memref<1x128x16xf32, #tpu.memory_space<vmem>>
    %dma_start3A_233 = tpu.memref_squeeze %dma_start3A_232 : memref<1x128x16xf32, #tpu.memory_space<vmem>> -> memref<128x16xf32, #tpu.memory_space<vmem>>
    %dma_start3A_234 = arith.constant 1280 : i32
    %dma_start3A_235 = tpu.memref_slice %arg6[%dma_start3A_228, %dma_start3A_234] : memref<2x1664xi32, #tpu.memory_space<vmem>> -> memref<1x128xi32, #tpu.memory_space<vmem>>
    %dma_start3A_236 = tpu.memref_squeeze %dma_start3A_235 : memref<1x128xi32, #tpu.memory_space<vmem>> -> memref<128xi32, #tpu.memory_space<vmem>>
    %dma_start3A_237 = arith.constant 0 : i32
    %dma_start3A_238 = arith.constant 0 : i32
    %dma_start3A_239 = tpu.memref_slice %arg3[%dma_start3A_237, %dma_start3A_238] : memref<1000000x16xf32, #tpu.memory_space<hbm>> -> memref<1000000x16xf32, #tpu.memory_space<hbm>>
    tpu.enqueue_indirect_dma source(%dma_start3A_239 : memref<1000000x16xf32, #tpu.memory_space<hbm>>) target(%dma_start3A_233 : memref<128x16xf32, #tpu.memory_space<vmem>>) offsets(%dma_start3A_236 : memref<128xi32, #tpu.memory_space<vmem>>) semaphore(%arg11 : memref<!tpu.dma_semaphore, #tpu.memory_space<semaphore_mem>>)
    %dma_start3A_240 = arith.constant 0 : i32
    %dma_start3A_241 = arith.constant 0 : i32
    %dma_start3A_242 = arith.constant 1280 : i32
    %dma_start3A_243 = tpu.memref_slice %arg8[%dma_start3A_241, %dma_start3A_242] : memref<2x1696xf32, #tpu.memory_space<vmem>> -> memref<1x128xf32, #tpu.memory_space<vmem>>
    %dma_start3A_244 = tpu.memref_squeeze %dma_start3A_243 : memref<1x128xf32, #tpu.memory_space<vmem>> -> memref<128xf32, #tpu.memory_space<vmem>>
    %dma_start3A_245 = arith.constant 1280 : i32
    %dma_start3A_246 = tpu.memref_slice %arg6[%dma_start3A_240, %dma_start3A_245] : memref<2x1664xi32, #tpu.memory_space<vmem>> -> memref<1x128xi32, #tpu.memory_space<vmem>>
    %dma_start3A_247 = tpu.memref_squeeze %dma_start3A_246 : memref<1x128xi32, #tpu.memory_space<vmem>> -> memref<128xi32, #tpu.memory_space<vmem>>
    %dma_start3A_248 = arith.constant 0 : i32
    %dma_start3A_249 = tpu.memref_slice %arg4[%dma_start3A_248] : memref<1000000xf32, #tpu.memory_space<hbm>> -> memref<1000000xf32, #tpu.memory_space<hbm>>
    tpu.enqueue_indirect_dma source(%dma_start3A_249 : memref<1000000xf32, #tpu.memory_space<hbm>>) target(%dma_start3A_244 : memref<128xf32, #tpu.memory_space<vmem>>) offsets(%dma_start3A_247 : memref<128xi32, #tpu.memory_space<vmem>>) semaphore(%arg12 : memref<!tpu.dma_semaphore, #tpu.memory_space<semaphore_mem>>)
    %dma_start3A_250 = arith.constant 0 : i32
    %dma_start3A_251 = arith.constant 0 : i32
    %dma_start3A_252 = arith.constant 1408 : i32
    %dma_start3A_253 = arith.constant 0 : i32
    %dma_start3A_254 = tpu.memref_slice %arg7[%dma_start3A_251, %dma_start3A_252, %dma_start3A_253] : memref<2x1664x16xf32, #tpu.memory_space<vmem>> -> memref<1x128x16xf32, #tpu.memory_space<vmem>>
    %dma_start3A_255 = tpu.memref_squeeze %dma_start3A_254 : memref<1x128x16xf32, #tpu.memory_space<vmem>> -> memref<128x16xf32, #tpu.memory_space<vmem>>
    %dma_start3A_256 = arith.constant 1408 : i32
    %dma_start3A_257 = tpu.memref_slice %arg6[%dma_start3A_250, %dma_start3A_256] : memref<2x1664xi32, #tpu.memory_space<vmem>> -> memref<1x128xi32, #tpu.memory_space<vmem>>
    %dma_start3A_258 = tpu.memref_squeeze %dma_start3A_257 : memref<1x128xi32, #tpu.memory_space<vmem>> -> memref<128xi32, #tpu.memory_space<vmem>>
    %dma_start3A_259 = arith.constant 0 : i32
    %dma_start3A_260 = arith.constant 0 : i32
    %dma_start3A_261 = tpu.memref_slice %arg3[%dma_start3A_259, %dma_start3A_260] : memref<1000000x16xf32, #tpu.memory_space<hbm>> -> memref<1000000x16xf32, #tpu.memory_space<hbm>>
    tpu.enqueue_indirect_dma source(%dma_start3A_261 : memref<1000000x16xf32, #tpu.memory_space<hbm>>) target(%dma_start3A_255 : memref<128x16xf32, #tpu.memory_space<vmem>>) offsets(%dma_start3A_258 : memref<128xi32, #tpu.memory_space<vmem>>) semaphore(%arg11 : memref<!tpu.dma_semaphore, #tpu.memory_space<semaphore_mem>>)
    %dma_start3A_262 = arith.constant 0 : i32
    %dma_start3A_263 = arith.constant 0 : i32
    %dma_start3A_264 = arith.constant 1408 : i32
    %dma_start3A_265 = tpu.memref_slice %arg8[%dma_start3A_263, %dma_start3A_264] : memref<2x1696xf32, #tpu.memory_space<vmem>> -> memref<1x128xf32, #tpu.memory_space<vmem>>
    %dma_start3A_266 = tpu.memref_squeeze %dma_start3A_265 : memref<1x128xf32, #tpu.memory_space<vmem>> -> memref<128xf32, #tpu.memory_space<vmem>>
    %dma_start3A_267 = arith.constant 1408 : i32
    %dma_start3A_268 = tpu.memref_slice %arg6[%dma_start3A_262, %dma_start3A_267] : memref<2x1664xi32, #tpu.memory_space<vmem>> -> memref<1x128xi32, #tpu.memory_space<vmem>>
    %dma_start3A_269 = tpu.memref_squeeze %dma_start3A_268 : memref<1x128xi32, #tpu.memory_space<vmem>> -> memref<128xi32, #tpu.memory_space<vmem>>
    %dma_start3A_270 = arith.constant 0 : i32
    %dma_start3A_271 = tpu.memref_slice %arg4[%dma_start3A_270] : memref<1000000xf32, #tpu.memory_space<hbm>> -> memref<1000000xf32, #tpu.memory_space<hbm>>
    tpu.enqueue_indirect_dma source(%dma_start3A_271 : memref<1000000xf32, #tpu.memory_space<hbm>>) target(%dma_start3A_266 : memref<128xf32, #tpu.memory_space<vmem>>) offsets(%dma_start3A_269 : memref<128xi32, #tpu.memory_space<vmem>>) semaphore(%arg12 : memref<!tpu.dma_semaphore, #tpu.memory_space<semaphore_mem>>)
    %dma_start3A_272 = arith.constant 0 : i32
    %dma_start3A_273 = arith.constant 0 : i32
    %dma_start3A_274 = arith.constant 1536 : i32
    %dma_start3A_275 = arith.constant 0 : i32
    %dma_start3A_276 = tpu.memref_slice %arg7[%dma_start3A_273, %dma_start3A_274, %dma_start3A_275] : memref<2x1664x16xf32, #tpu.memory_space<vmem>> -> memref<1x128x16xf32, #tpu.memory_space<vmem>>
    %dma_start3A_277 = tpu.memref_squeeze %dma_start3A_276 : memref<1x128x16xf32, #tpu.memory_space<vmem>> -> memref<128x16xf32, #tpu.memory_space<vmem>>
    %dma_start3A_278 = arith.constant 1536 : i32
    %dma_start3A_279 = tpu.memref_slice %arg6[%dma_start3A_272, %dma_start3A_278] : memref<2x1664xi32, #tpu.memory_space<vmem>> -> memref<1x128xi32, #tpu.memory_space<vmem>>
    %dma_start3A_280 = tpu.memref_squeeze %dma_start3A_279 : memref<1x128xi32, #tpu.memory_space<vmem>> -> memref<128xi32, #tpu.memory_space<vmem>>
    %dma_start3A_281 = arith.constant 0 : i32
    %dma_start3A_282 = arith.constant 0 : i32
    %dma_start3A_283 = tpu.memref_slice %arg3[%dma_start3A_281, %dma_start3A_282] : memref<1000000x16xf32, #tpu.memory_space<hbm>> -> memref<1000000x16xf32, #tpu.memory_space<hbm>>
    tpu.enqueue_indirect_dma source(%dma_start3A_283 : memref<1000000x16xf32, #tpu.memory_space<hbm>>) target(%dma_start3A_277 : memref<128x16xf32, #tpu.memory_space<vmem>>) offsets(%dma_start3A_280 : memref<128xi32, #tpu.memory_space<vmem>>) semaphore(%arg11 : memref<!tpu.dma_semaphore, #tpu.memory_space<semaphore_mem>>)
    %dma_start3A_284 = arith.constant 0 : i32
    %dma_start3A_285 = arith.constant 0 : i32
    %dma_start3A_286 = arith.constant 1536 : i32
    %dma_start3A_287 = tpu.memref_slice %arg8[%dma_start3A_285, %dma_start3A_286] : memref<2x1696xf32, #tpu.memory_space<vmem>> -> memref<1x128xf32, #tpu.memory_space<vmem>>
    %dma_start3A_288 = tpu.memref_squeeze %dma_start3A_287 : memref<1x128xf32, #tpu.memory_space<vmem>> -> memref<128xf32, #tpu.memory_space<vmem>>
    %dma_start3A_289 = arith.constant 1536 : i32
    %dma_start3A_290 = tpu.memref_slice %arg6[%dma_start3A_284, %dma_start3A_289] : memref<2x1664xi32, #tpu.memory_space<vmem>> -> memref<1x128xi32, #tpu.memory_space<vmem>>
    %dma_start3A_291 = tpu.memref_squeeze %dma_start3A_290 : memref<1x128xi32, #tpu.memory_space<vmem>> -> memref<128xi32, #tpu.memory_space<vmem>>
    %dma_start3A_292 = arith.constant 0 : i32
    %dma_start3A_293 = tpu.memref_slice %arg4[%dma_start3A_292] : memref<1000000xf32, #tpu.memory_space<hbm>> -> memref<1000000xf32, #tpu.memory_space<hbm>>
    tpu.enqueue_indirect_dma source(%dma_start3A_293 : memref<1000000xf32, #tpu.memory_space<hbm>>) target(%dma_start3A_288 : memref<128xf32, #tpu.memory_space<vmem>>) offsets(%dma_start3A_291 : memref<128xi32, #tpu.memory_space<vmem>>) semaphore(%arg12 : memref<!tpu.dma_semaphore, #tpu.memory_space<semaphore_mem>>)
    %add3A_294 = arith.constant 64 : i32
    %add3A_295 = arith.addi %mul3A_2, %add3A_294 : i32
    %mul3A_296 = arith.constant 26 : i32
    %mul3A_297 = arith.muli %add3A_295, %mul3A_296 : i32
    %run_scoped3A_298 = arith.constant 1 : i32
    "tpu.region"() ({
      %run_scoped3A_304 = tpu.sem_alloc : memref<!tpu.dma_semaphore, #tpu.memory_space<semaphore_mem>>
      %dma_start3A_305 = arith.constant 0 : i32
      %dma_start3A_306 = tpu.memref_slice %arg6[%run_scoped3A_298, %dma_start3A_305] : memref<2x1664xi32, #tpu.memory_space<vmem>> -> memref<1x1664xi32, #tpu.memory_space<vmem>>
      %dma_start3A_307 = tpu.memref_squeeze %dma_start3A_306 : memref<1x1664xi32, #tpu.memory_space<vmem>> -> memref<1664xi32, #tpu.memory_space<vmem>>
      %dma_start3A_308 = tpu.memref_slice %arg2[%mul3A_297] : memref<425984xi32, #tpu.memory_space<hbm>> -> memref<1664xi32, #tpu.memory_space<hbm>>
      %dma_start3A_309 = arith.constant 0 : i32
      %dma_start3A_310 = tpu.memref_slice %arg6[%run_scoped3A_298, %dma_start3A_309] : memref<2x1664xi32, #tpu.memory_space<vmem>> -> memref<1x1664xi32, #tpu.memory_space<vmem>>
      %dma_start3A_311 = tpu.memref_squeeze %dma_start3A_310 : memref<1x1664xi32, #tpu.memory_space<vmem>> -> memref<1664xi32, #tpu.memory_space<vmem>>
      %dma_start3A_312 = tpu.memref_slice %arg2[%mul3A_297] : memref<425984xi32, #tpu.memory_space<hbm>> -> memref<1664xi32, #tpu.memory_space<hbm>>
      tpu.enqueue_dma source(%dma_start3A_312 : memref<1664xi32, #tpu.memory_space<hbm>>) target(%dma_start3A_311 : memref<1664xi32, #tpu.memory_space<vmem>>) target_semaphore(%run_scoped3A_304 : memref<!tpu.dma_semaphore, #tpu.memory_space<semaphore_mem>>)
      %dma_wait3A = arith.constant 0 : i32
      %dma_wait3A_313 = tpu.memref_slice %arg6[%run_scoped3A_298, %dma_wait3A] : memref<2x1664xi32, #tpu.memory_space<vmem>> -> memref<1x1664xi32, #tpu.memory_space<vmem>>
      %dma_wait3A_314 = tpu.memref_squeeze %dma_wait3A_313 : memref<1x1664xi32, #tpu.memory_space<vmem>> -> memref<1664xi32, #tpu.memory_space<vmem>>
      %dma_wait3A_315 = tpu.memref_slice %arg2[%mul3A_297] : memref<425984xi32, #tpu.memory_space<hbm>> -> memref<1664xi32, #tpu.memory_space<hbm>>
      %dma_wait3A_316 = arith.constant 0 : i32
      %dma_wait3A_317 = tpu.memref_slice %arg6[%run_scoped3A_298, %dma_wait3A_316] : memref<2x1664xi32, #tpu.memory_space<vmem>> -> memref<1x1664xi32, #tpu.memory_space<vmem>>
      %dma_wait3A_318 = tpu.memref_squeeze %dma_wait3A_317 : memref<1x1664xi32, #tpu.memory_space<vmem>> -> memref<1664xi32, #tpu.memory_space<vmem>>
      %dma_wait3A_319 = tpu.memref_slice %arg2[%mul3A_297] : memref<425984xi32, #tpu.memory_space<hbm>> -> memref<1664xi32, #tpu.memory_space<hbm>>
      tpu.wait_dma2 semaphore(%run_scoped3A_304 : memref<!tpu.dma_semaphore, #tpu.memory_space<semaphore_mem>>) src(%dma_wait3A_319 : memref<1664xi32, #tpu.memory_space<hbm>>) dst(%dma_wait3A_318 : memref<1664xi32, #tpu.memory_space<vmem>>)
      tpu.yield
    }) : () -> ()
    %scan3A = arith.constant 0 : i32
    %scan3A_299 = arith.constant 0 : i32
    %scan3A_300 = arith.constant 8 : i32
    %scan3A_301 = arith.addi %scan3A_299, %scan3A_300 : i32
    %scan3A_302 = arith.constant 1 : i32
    scf.for %scan3A_304 = %scan3A_299 to %scan3A_301 step %scan3A_302  : i32 {
      %rem3A = arith.constant 2 : i32
      %rem3A_305 = arith.remsi %scan3A_304, %rem3A : i32
      %add3A_306 = arith.constant 1 : i32
      %add3A_307 = arith.addi %scan3A_304, %add3A_306 : i32
      %rem3A_308 = arith.constant 2 : i32
      %rem3A_309 = arith.remsi %add3A_307, %rem3A_308 : i32
      %add3A_310 = arith.constant 1 : i32
      %add3A_311 = arith.addi %scan3A_304, %add3A_310 : i32
      %lt3A_312 = arith.constant 8 : i32
      %lt3A_313 = arith.cmpi slt, %add3A_311, %lt3A_312 : i32
      %convert_element_type3A = arith.extui %lt3A_313 : i1 to i32
      %cond3A = arith.constant 0 : i32
      %cond3A_314 = arith.cmpi ne, %convert_element_type3A, %cond3A : i32
      scf.if %cond3A_314 {
        %dma_start3A_350 = arith.constant 0 : i32
        %dma_start3A_351 = arith.constant 0 : i32
        %dma_start3A_352 = tpu.memref_slice %arg7[%rem3A_309, %dma_start3A_350, %dma_start3A_351] : memref<2x1664x16xf32, #tpu.memory_space<vmem>> -> memref<1x128x16xf32, #tpu.memory_space<vmem>>
        %dma_start3A_353 = tpu.memref_squeeze %dma_start3A_352 : memref<1x128x16xf32, #tpu.memory_space<vmem>> -> memref<128x16xf32, #tpu.memory_space<vmem>>
        %dma_start3A_354 = arith.constant 0 : i32
        %dma_start3A_355 = tpu.memref_slice %arg6[%rem3A_309, %dma_start3A_354] : memref<2x1664xi32, #tpu.memory_space<vmem>> -> memref<1x128xi32, #tpu.memory_space<vmem>>
        %dma_start3A_356 = tpu.memref_squeeze %dma_start3A_355 : memref<1x128xi32, #tpu.memory_space<vmem>> -> memref<128xi32, #tpu.memory_space<vmem>>
        %dma_start3A_357 = arith.constant 0 : i32
        %dma_start3A_358 = arith.constant 0 : i32
        %dma_start3A_359 = tpu.memref_slice %arg3[%dma_start3A_357, %dma_start3A_358] : memref<1000000x16xf32, #tpu.memory_space<hbm>> -> memref<1000000x16xf32, #tpu.memory_space<hbm>>
        tpu.enqueue_indirect_dma source(%dma_start3A_359 : memref<1000000x16xf32, #tpu.memory_space<hbm>>) target(%dma_start3A_353 : memref<128x16xf32, #tpu.memory_space<vmem>>) offsets(%dma_start3A_356 : memref<128xi32, #tpu.memory_space<vmem>>) semaphore(%arg11 : memref<!tpu.dma_semaphore, #tpu.memory_space<semaphore_mem>>)
        %dma_start3A_360 = arith.constant 0 : i32
        %dma_start3A_361 = tpu.memref_slice %arg8[%rem3A_309, %dma_start3A_360] : memref<2x1696xf32, #tpu.memory_space<vmem>> -> memref<1x128xf32, #tpu.memory_space<vmem>>
        %dma_start3A_362 = tpu.memref_squeeze %dma_start3A_361 : memref<1x128xf32, #tpu.memory_space<vmem>> -> memref<128xf32, #tpu.memory_space<vmem>>
        %dma_start3A_363 = arith.constant 0 : i32
        %dma_start3A_364 = tpu.memref_slice %arg6[%rem3A_309, %dma_start3A_363] : memref<2x1664xi32, #tpu.memory_space<vmem>> -> memref<1x128xi32, #tpu.memory_space<vmem>>
        %dma_start3A_365 = tpu.memref_squeeze %dma_start3A_364 : memref<1x128xi32, #tpu.memory_space<vmem>> -> memref<128xi32, #tpu.memory_space<vmem>>
        %dma_start3A_366 = arith.constant 0 : i32
        %dma_start3A_367 = tpu.memref_slice %arg4[%dma_start3A_366] : memref<1000000xf32, #tpu.memory_space<hbm>> -> memref<1000000xf32, #tpu.memory_space<hbm>>
        tpu.enqueue_indirect_dma source(%dma_start3A_367 : memref<1000000xf32, #tpu.memory_space<hbm>>) target(%dma_start3A_362 : memref<128xf32, #tpu.memory_space<vmem>>) offsets(%dma_start3A_365 : memref<128xi32, #tpu.memory_space<vmem>>) semaphore(%arg12 : memref<!tpu.dma_semaphore, #tpu.memory_space<semaphore_mem>>)
        %dma_start3A_368 = arith.constant 128 : i32
        %dma_start3A_369 = arith.constant 0 : i32
        %dma_start3A_370 = tpu.memref_slice %arg7[%rem3A_309, %dma_start3A_368, %dma_start3A_369] : memref<2x1664x16xf32, #tpu.memory_space<vmem>> -> memref<1x128x16xf32, #tpu.memory_space<vmem>>
        %dma_start3A_371 = tpu.memref_squeeze %dma_start3A_370 : memref<1x128x16xf32, #tpu.memory_space<vmem>> -> memref<128x16xf32, #tpu.memory_space<vmem>>
        %dma_start3A_372 = arith.constant 128 : i32
        %dma_start3A_373 = tpu.memref_slice %arg6[%rem3A_309, %dma_start3A_372] : memref<2x1664xi32, #tpu.memory_space<vmem>> -> memref<1x128xi32, #tpu.memory_space<vmem>>
        %dma_start3A_374 = tpu.memref_squeeze %dma_start3A_373 : memref<1x128xi32, #tpu.memory_space<vmem>> -> memref<128xi32, #tpu.memory_space<vmem>>
        %dma_start3A_375 = arith.constant 0 : i32
        %dma_start3A_376 = arith.constant 0 : i32
        %dma_start3A_377 = tpu.memref_slice %arg3[%dma_start3A_375, %dma_start3A_376] : memref<1000000x16xf32, #tpu.memory_space<hbm>> -> memref<1000000x16xf32, #tpu.memory_space<hbm>>
        tpu.enqueue_indirect_dma source(%dma_start3A_377 : memref<1000000x16xf32, #tpu.memory_space<hbm>>) target(%dma_start3A_371 : memref<128x16xf32, #tpu.memory_space<vmem>>) offsets(%dma_start3A_374 : memref<128xi32, #tpu.memory_space<vmem>>) semaphore(%arg11 : memref<!tpu.dma_semaphore, #tpu.memory_space<semaphore_mem>>)
        %dma_start3A_378 = arith.constant 128 : i32
        %dma_start3A_379 = tpu.memref_slice %arg8[%rem3A_309, %dma_start3A_378] : memref<2x1696xf32, #tpu.memory_space<vmem>> -> memref<1x128xf32, #tpu.memory_space<vmem>>
        %dma_start3A_380 = tpu.memref_squeeze %dma_start3A_379 : memref<1x128xf32, #tpu.memory_space<vmem>> -> memref<128xf32, #tpu.memory_space<vmem>>
        %dma_start3A_381 = arith.constant 128 : i32
        %dma_start3A_382 = tpu.memref_slice %arg6[%rem3A_309, %dma_start3A_381] : memref<2x1664xi32, #tpu.memory_space<vmem>> -> memref<1x128xi32, #tpu.memory_space<vmem>>
        %dma_start3A_383 = tpu.memref_squeeze %dma_start3A_382 : memref<1x128xi32, #tpu.memory_space<vmem>> -> memref<128xi32, #tpu.memory_space<vmem>>
        %dma_start3A_384 = arith.constant 0 : i32
        %dma_start3A_385 = tpu.memref_slice %arg4[%dma_start3A_384] : memref<1000000xf32, #tpu.memory_space<hbm>> -> memref<1000000xf32, #tpu.memory_space<hbm>>
        tpu.enqueue_indirect_dma source(%dma_start3A_385 : memref<1000000xf32, #tpu.memory_space<hbm>>) target(%dma_start3A_380 : memref<128xf32, #tpu.memory_space<vmem>>) offsets(%dma_start3A_383 : memref<128xi32, #tpu.memory_space<vmem>>) semaphore(%arg12 : memref<!tpu.dma_semaphore, #tpu.memory_space<semaphore_mem>>)
        %dma_start3A_386 = arith.constant 256 : i32
        %dma_start3A_387 = arith.constant 0 : i32
        %dma_start3A_388 = tpu.memref_slice %arg7[%rem3A_309, %dma_start3A_386, %dma_start3A_387] : memref<2x1664x16xf32, #tpu.memory_space<vmem>> -> memref<1x128x16xf32, #tpu.memory_space<vmem>>
        %dma_start3A_389 = tpu.memref_squeeze %dma_start3A_388 : memref<1x128x16xf32, #tpu.memory_space<vmem>> -> memref<128x16xf32, #tpu.memory_space<vmem>>
        %dma_start3A_390 = arith.constant 256 : i32
        %dma_start3A_391 = tpu.memref_slice %arg6[%rem3A_309, %dma_start3A_390] : memref<2x1664xi32, #tpu.memory_space<vmem>> -> memref<1x128xi32, #tpu.memory_space<vmem>>
        %dma_start3A_392 = tpu.memref_squeeze %dma_start3A_391 : memref<1x128xi32, #tpu.memory_space<vmem>> -> memref<128xi32, #tpu.memory_space<vmem>>
        %dma_start3A_393 = arith.constant 0 : i32
        %dma_start3A_394 = arith.constant 0 : i32
        %dma_start3A_395 = tpu.memref_slice %arg3[%dma_start3A_393, %dma_start3A_394] : memref<1000000x16xf32, #tpu.memory_space<hbm>> -> memref<1000000x16xf32, #tpu.memory_space<hbm>>
        tpu.enqueue_indirect_dma source(%dma_start3A_395 : memref<1000000x16xf32, #tpu.memory_space<hbm>>) target(%dma_start3A_389 : memref<128x16xf32, #tpu.memory_space<vmem>>) offsets(%dma_start3A_392 : memref<128xi32, #tpu.memory_space<vmem>>) semaphore(%arg11 : memref<!tpu.dma_semaphore, #tpu.memory_space<semaphore_mem>>)
        %dma_start3A_396 = arith.constant 256 : i32
        %dma_start3A_397 = tpu.memref_slice %arg8[%rem3A_309, %dma_start3A_396] : memref<2x1696xf32, #tpu.memory_space<vmem>> -> memref<1x128xf32, #tpu.memory_space<vmem>>
        %dma_start3A_398 = tpu.memref_squeeze %dma_start3A_397 : memref<1x128xf32, #tpu.memory_space<vmem>> -> memref<128xf32, #tpu.memory_space<vmem>>
        %dma_start3A_399 = arith.constant 256 : i32
        %dma_start3A_400 = tpu.memref_slice %arg6[%rem3A_309, %dma_start3A_399] : memref<2x1664xi32, #tpu.memory_space<vmem>> -> memref<1x128xi32, #tpu.memory_space<vmem>>
        %dma_start3A_401 = tpu.memref_squeeze %dma_start3A_400 : memref<1x128xi32, #tpu.memory_space<vmem>> -> memref<128xi32, #tpu.memory_space<vmem>>
        %dma_start3A_402 = arith.constant 0 : i32
        %dma_start3A_403 = tpu.memref_slice %arg4[%dma_start3A_402] : memref<1000000xf32, #tpu.memory_space<hbm>> -> memref<1000000xf32, #tpu.memory_space<hbm>>
        tpu.enqueue_indirect_dma source(%dma_start3A_403 : memref<1000000xf32, #tpu.memory_space<hbm>>) target(%dma_start3A_398 : memref<128xf32, #tpu.memory_space<vmem>>) offsets(%dma_start3A_401 : memref<128xi32, #tpu.memory_space<vmem>>) semaphore(%arg12 : memref<!tpu.dma_semaphore, #tpu.memory_space<semaphore_mem>>)
        %dma_start3A_404 = arith.constant 384 : i32
        %dma_start3A_405 = arith.constant 0 : i32
        %dma_start3A_406 = tpu.memref_slice %arg7[%rem3A_309, %dma_start3A_404, %dma_start3A_405] : memref<2x1664x16xf32, #tpu.memory_space<vmem>> -> memref<1x128x16xf32, #tpu.memory_space<vmem>>
        %dma_start3A_407 = tpu.memref_squeeze %dma_start3A_406 : memref<1x128x16xf32, #tpu.memory_space<vmem>> -> memref<128x16xf32, #tpu.memory_space<vmem>>
        %dma_start3A_408 = arith.constant 384 : i32
        %dma_start3A_409 = tpu.memref_slice %arg6[%rem3A_309, %dma_start3A_408] : memref<2x1664xi32, #tpu.memory_space<vmem>> -> memref<1x128xi32, #tpu.memory_space<vmem>>
        %dma_start3A_410 = tpu.memref_squeeze %dma_start3A_409 : memref<1x128xi32, #tpu.memory_space<vmem>> -> memref<128xi32, #tpu.memory_space<vmem>>
        %dma_start3A_411 = arith.constant 0 : i32
        %dma_start3A_412 = arith.constant 0 : i32
        %dma_start3A_413 = tpu.memref_slice %arg3[%dma_start3A_411, %dma_start3A_412] : memref<1000000x16xf32, #tpu.memory_space<hbm>> -> memref<1000000x16xf32, #tpu.memory_space<hbm>>
        tpu.enqueue_indirect_dma source(%dma_start3A_413 : memref<1000000x16xf32, #tpu.memory_space<hbm>>) target(%dma_start3A_407 : memref<128x16xf32, #tpu.memory_space<vmem>>) offsets(%dma_start3A_410 : memref<128xi32, #tpu.memory_space<vmem>>) semaphore(%arg11 : memref<!tpu.dma_semaphore, #tpu.memory_space<semaphore_mem>>)
        %dma_start3A_414 = arith.constant 384 : i32
        %dma_start3A_415 = tpu.memref_slice %arg8[%rem3A_309, %dma_start3A_414] : memref<2x1696xf32, #tpu.memory_space<vmem>> -> memref<1x128xf32, #tpu.memory_space<vmem>>
        %dma_start3A_416 = tpu.memref_squeeze %dma_start3A_415 : memref<1x128xf32, #tpu.memory_space<vmem>> -> memref<128xf32, #tpu.memory_space<vmem>>
        %dma_start3A_417 = arith.constant 384 : i32
        %dma_start3A_418 = tpu.memref_slice %arg6[%rem3A_309, %dma_start3A_417] : memref<2x1664xi32, #tpu.memory_space<vmem>> -> memref<1x128xi32, #tpu.memory_space<vmem>>
        %dma_start3A_419 = tpu.memref_squeeze %dma_start3A_418 : memref<1x128xi32, #tpu.memory_space<vmem>> -> memref<128xi32, #tpu.memory_space<vmem>>
        %dma_start3A_420 = arith.constant 0 : i32
        %dma_start3A_421 = tpu.memref_slice %arg4[%dma_start3A_420] : memref<1000000xf32, #tpu.memory_space<hbm>> -> memref<1000000xf32, #tpu.memory_space<hbm>>
        tpu.enqueue_indirect_dma source(%dma_start3A_421 : memref<1000000xf32, #tpu.memory_space<hbm>>) target(%dma_start3A_416 : memref<128xf32, #tpu.memory_space<vmem>>) offsets(%dma_start3A_419 : memref<128xi32, #tpu.memory_space<vmem>>) semaphore(%arg12 : memref<!tpu.dma_semaphore, #tpu.memory_space<semaphore_mem>>)
        %dma_start3A_422 = arith.constant 512 : i32
        %dma_start3A_423 = arith.constant 0 : i32
        %dma_start3A_424 = tpu.memref_slice %arg7[%rem3A_309, %dma_start3A_422, %dma_start3A_423] : memref<2x1664x16xf32, #tpu.memory_space<vmem>> -> memref<1x128x16xf32, #tpu.memory_space<vmem>>
        %dma_start3A_425 = tpu.memref_squeeze %dma_start3A_424 : memref<1x128x16xf32, #tpu.memory_space<vmem>> -> memref<128x16xf32, #tpu.memory_space<vmem>>
        %dma_start3A_426 = arith.constant 512 : i32
        %dma_start3A_427 = tpu.memref_slice %arg6[%rem3A_309, %dma_start3A_426] : memref<2x1664xi32, #tpu.memory_space<vmem>> -> memref<1x128xi32, #tpu.memory_space<vmem>>
        %dma_start3A_428 = tpu.memref_squeeze %dma_start3A_427 : memref<1x128xi32, #tpu.memory_space<vmem>> -> memref<128xi32, #tpu.memory_space<vmem>>
        %dma_start3A_429 = arith.constant 0 : i32
        %dma_start3A_430 = arith.constant 0 : i32
        %dma_start3A_431 = tpu.memref_slice %arg3[%dma_start3A_429, %dma_start3A_430] : memref<1000000x16xf32, #tpu.memory_space<hbm>> -> memref<1000000x16xf32, #tpu.memory_space<hbm>>
        tpu.enqueue_indirect_dma source(%dma_start3A_431 : memref<1000000x16xf32, #tpu.memory_space<hbm>>) target(%dma_start3A_425 : memref<128x16xf32, #tpu.memory_space<vmem>>) offsets(%dma_start3A_428 : memref<128xi32, #tpu.memory_space<vmem>>) semaphore(%arg11 : memref<!tpu.dma_semaphore, #tpu.memory_space<semaphore_mem>>)
        %dma_start3A_432 = arith.constant 512 : i32
        %dma_start3A_433 = tpu.memref_slice %arg8[%rem3A_309, %dma_start3A_432] : memref<2x1696xf32, #tpu.memory_space<vmem>> -> memref<1x128xf32, #tpu.memory_space<vmem>>
        %dma_start3A_434 = tpu.memref_squeeze %dma_start3A_433 : memref<1x128xf32, #tpu.memory_space<vmem>> -> memref<128xf32, #tpu.memory_space<vmem>>
        %dma_start3A_435 = arith.constant 512 : i32
        %dma_start3A_436 = tpu.memref_slice %arg6[%rem3A_309, %dma_start3A_435] : memref<2x1664xi32, #tpu.memory_space<vmem>> -> memref<1x128xi32, #tpu.memory_space<vmem>>
        %dma_start3A_437 = tpu.memref_squeeze %dma_start3A_436 : memref<1x128xi32, #tpu.memory_space<vmem>> -> memref<128xi32, #tpu.memory_space<vmem>>
        %dma_start3A_438 = arith.constant 0 : i32
        %dma_start3A_439 = tpu.memref_slice %arg4[%dma_start3A_438] : memref<1000000xf32, #tpu.memory_space<hbm>> -> memref<1000000xf32, #tpu.memory_space<hbm>>
        tpu.enqueue_indirect_dma source(%dma_start3A_439 : memref<1000000xf32, #tpu.memory_space<hbm>>) target(%dma_start3A_434 : memref<128xf32, #tpu.memory_space<vmem>>) offsets(%dma_start3A_437 : memref<128xi32, #tpu.memory_space<vmem>>) semaphore(%arg12 : memref<!tpu.dma_semaphore, #tpu.memory_space<semaphore_mem>>)
        %dma_start3A_440 = arith.constant 640 : i32
        %dma_start3A_441 = arith.constant 0 : i32
        %dma_start3A_442 = tpu.memref_slice %arg7[%rem3A_309, %dma_start3A_440, %dma_start3A_441] : memref<2x1664x16xf32, #tpu.memory_space<vmem>> -> memref<1x128x16xf32, #tpu.memory_space<vmem>>
        %dma_start3A_443 = tpu.memref_squeeze %dma_start3A_442 : memref<1x128x16xf32, #tpu.memory_space<vmem>> -> memref<128x16xf32, #tpu.memory_space<vmem>>
        %dma_start3A_444 = arith.constant 640 : i32
        %dma_start3A_445 = tpu.memref_slice %arg6[%rem3A_309, %dma_start3A_444] : memref<2x1664xi32, #tpu.memory_space<vmem>> -> memref<1x128xi32, #tpu.memory_space<vmem>>
        %dma_start3A_446 = tpu.memref_squeeze %dma_start3A_445 : memref<1x128xi32, #tpu.memory_space<vmem>> -> memref<128xi32, #tpu.memory_space<vmem>>
        %dma_start3A_447 = arith.constant 0 : i32
        %dma_start3A_448 = arith.constant 0 : i32
        %dma_start3A_449 = tpu.memref_slice %arg3[%dma_start3A_447, %dma_start3A_448] : memref<1000000x16xf32, #tpu.memory_space<hbm>> -> memref<1000000x16xf32, #tpu.memory_space<hbm>>
        tpu.enqueue_indirect_dma source(%dma_start3A_449 : memref<1000000x16xf32, #tpu.memory_space<hbm>>) target(%dma_start3A_443 : memref<128x16xf32, #tpu.memory_space<vmem>>) offsets(%dma_start3A_446 : memref<128xi32, #tpu.memory_space<vmem>>) semaphore(%arg11 : memref<!tpu.dma_semaphore, #tpu.memory_space<semaphore_mem>>)
        %dma_start3A_450 = arith.constant 640 : i32
        %dma_start3A_451 = tpu.memref_slice %arg8[%rem3A_309, %dma_start3A_450] : memref<2x1696xf32, #tpu.memory_space<vmem>> -> memref<1x128xf32, #tpu.memory_space<vmem>>
        %dma_start3A_452 = tpu.memref_squeeze %dma_start3A_451 : memref<1x128xf32, #tpu.memory_space<vmem>> -> memref<128xf32, #tpu.memory_space<vmem>>
        %dma_start3A_453 = arith.constant 640 : i32
        %dma_start3A_454 = tpu.memref_slice %arg6[%rem3A_309, %dma_start3A_453] : memref<2x1664xi32, #tpu.memory_space<vmem>> -> memref<1x128xi32, #tpu.memory_space<vmem>>
        %dma_start3A_455 = tpu.memref_squeeze %dma_start3A_454 : memref<1x128xi32, #tpu.memory_space<vmem>> -> memref<128xi32, #tpu.memory_space<vmem>>
        %dma_start3A_456 = arith.constant 0 : i32
        %dma_start3A_457 = tpu.memref_slice %arg4[%dma_start3A_456] : memref<1000000xf32, #tpu.memory_space<hbm>> -> memref<1000000xf32, #tpu.memory_space<hbm>>
        tpu.enqueue_indirect_dma source(%dma_start3A_457 : memref<1000000xf32, #tpu.memory_space<hbm>>) target(%dma_start3A_452 : memref<128xf32, #tpu.memory_space<vmem>>) offsets(%dma_start3A_455 : memref<128xi32, #tpu.memory_space<vmem>>) semaphore(%arg12 : memref<!tpu.dma_semaphore, #tpu.memory_space<semaphore_mem>>)
        %dma_start3A_458 = arith.constant 768 : i32
        %dma_start3A_459 = arith.constant 0 : i32
        %dma_start3A_460 = tpu.memref_slice %arg7[%rem3A_309, %dma_start3A_458, %dma_start3A_459] : memref<2x1664x16xf32, #tpu.memory_space<vmem>> -> memref<1x128x16xf32, #tpu.memory_space<vmem>>
        %dma_start3A_461 = tpu.memref_squeeze %dma_start3A_460 : memref<1x128x16xf32, #tpu.memory_space<vmem>> -> memref<128x16xf32, #tpu.memory_space<vmem>>
        %dma_start3A_462 = arith.constant 768 : i32
        %dma_start3A_463 = tpu.memref_slice %arg6[%rem3A_309, %dma_start3A_462] : memref<2x1664xi32, #tpu.memory_space<vmem>> -> memref<1x128xi32, #tpu.memory_space<vmem>>
        %dma_start3A_464 = tpu.memref_squeeze %dma_start3A_463 : memref<1x128xi32, #tpu.memory_space<vmem>> -> memref<128xi32, #tpu.memory_space<vmem>>
        %dma_start3A_465 = arith.constant 0 : i32
        %dma_start3A_466 = arith.constant 0 : i32
        %dma_start3A_467 = tpu.memref_slice %arg3[%dma_start3A_465, %dma_start3A_466] : memref<1000000x16xf32, #tpu.memory_space<hbm>> -> memref<1000000x16xf32, #tpu.memory_space<hbm>>
        tpu.enqueue_indirect_dma source(%dma_start3A_467 : memref<1000000x16xf32, #tpu.memory_space<hbm>>) target(%dma_start3A_461 : memref<128x16xf32, #tpu.memory_space<vmem>>) offsets(%dma_start3A_464 : memref<128xi32, #tpu.memory_space<vmem>>) semaphore(%arg11 : memref<!tpu.dma_semaphore, #tpu.memory_space<semaphore_mem>>)
        %dma_start3A_468 = arith.constant 768 : i32
        %dma_start3A_469 = tpu.memref_slice %arg8[%rem3A_309, %dma_start3A_468] : memref<2x1696xf32, #tpu.memory_space<vmem>> -> memref<1x128xf32, #tpu.memory_space<vmem>>
        %dma_start3A_470 = tpu.memref_squeeze %dma_start3A_469 : memref<1x128xf32, #tpu.memory_space<vmem>> -> memref<128xf32, #tpu.memory_space<vmem>>
        %dma_start3A_471 = arith.constant 768 : i32
        %dma_start3A_472 = tpu.memref_slice %arg6[%rem3A_309, %dma_start3A_471] : memref<2x1664xi32, #tpu.memory_space<vmem>> -> memref<1x128xi32, #tpu.memory_space<vmem>>
        %dma_start3A_473 = tpu.memref_squeeze %dma_start3A_472 : memref<1x128xi32, #tpu.memory_space<vmem>> -> memref<128xi32, #tpu.memory_space<vmem>>
        %dma_start3A_474 = arith.constant 0 : i32
        %dma_start3A_475 = tpu.memref_slice %arg4[%dma_start3A_474] : memref<1000000xf32, #tpu.memory_space<hbm>> -> memref<1000000xf32, #tpu.memory_space<hbm>>
        tpu.enqueue_indirect_dma source(%dma_start3A_475 : memref<1000000xf32, #tpu.memory_space<hbm>>) target(%dma_start3A_470 : memref<128xf32, #tpu.memory_space<vmem>>) offsets(%dma_start3A_473 : memref<128xi32, #tpu.memory_space<vmem>>) semaphore(%arg12 : memref<!tpu.dma_semaphore, #tpu.memory_space<semaphore_mem>>)
        %dma_start3A_476 = arith.constant 896 : i32
        %dma_start3A_477 = arith.constant 0 : i32
        %dma_start3A_478 = tpu.memref_slice %arg7[%rem3A_309, %dma_start3A_476, %dma_start3A_477] : memref<2x1664x16xf32, #tpu.memory_space<vmem>> -> memref<1x128x16xf32, #tpu.memory_space<vmem>>
        %dma_start3A_479 = tpu.memref_squeeze %dma_start3A_478 : memref<1x128x16xf32, #tpu.memory_space<vmem>> -> memref<128x16xf32, #tpu.memory_space<vmem>>
        %dma_start3A_480 = arith.constant 896 : i32
        %dma_start3A_481 = tpu.memref_slice %arg6[%rem3A_309, %dma_start3A_480] : memref<2x1664xi32, #tpu.memory_space<vmem>> -> memref<1x128xi32, #tpu.memory_space<vmem>>
        %dma_start3A_482 = tpu.memref_squeeze %dma_start3A_481 : memref<1x128xi32, #tpu.memory_space<vmem>> -> memref<128xi32, #tpu.memory_space<vmem>>
        %dma_start3A_483 = arith.constant 0 : i32
        %dma_start3A_484 = arith.constant 0 : i32
        %dma_start3A_485 = tpu.memref_slice %arg3[%dma_start3A_483, %dma_start3A_484] : memref<1000000x16xf32, #tpu.memory_space<hbm>> -> memref<1000000x16xf32, #tpu.memory_space<hbm>>
        tpu.enqueue_indirect_dma source(%dma_start3A_485 : memref<1000000x16xf32, #tpu.memory_space<hbm>>) target(%dma_start3A_479 : memref<128x16xf32, #tpu.memory_space<vmem>>) offsets(%dma_start3A_482 : memref<128xi32, #tpu.memory_space<vmem>>) semaphore(%arg11 : memref<!tpu.dma_semaphore, #tpu.memory_space<semaphore_mem>>)
        %dma_start3A_486 = arith.constant 896 : i32
        %dma_start3A_487 = tpu.memref_slice %arg8[%rem3A_309, %dma_start3A_486] : memref<2x1696xf32, #tpu.memory_space<vmem>> -> memref<1x128xf32, #tpu.memory_space<vmem>>
        %dma_start3A_488 = tpu.memref_squeeze %dma_start3A_487 : memref<1x128xf32, #tpu.memory_space<vmem>> -> memref<128xf32, #tpu.memory_space<vmem>>
        %dma_start3A_489 = arith.constant 896 : i32
        %dma_start3A_490 = tpu.memref_slice %arg6[%rem3A_309, %dma_start3A_489] : memref<2x1664xi32, #tpu.memory_space<vmem>> -> memref<1x128xi32, #tpu.memory_space<vmem>>
        %dma_start3A_491 = tpu.memref_squeeze %dma_start3A_490 : memref<1x128xi32, #tpu.memory_space<vmem>> -> memref<128xi32, #tpu.memory_space<vmem>>
        %dma_start3A_492 = arith.constant 0 : i32
        %dma_start3A_493 = tpu.memref_slice %arg4[%dma_start3A_492] : memref<1000000xf32, #tpu.memory_space<hbm>> -> memref<1000000xf32, #tpu.memory_space<hbm>>
        tpu.enqueue_indirect_dma source(%dma_start3A_493 : memref<1000000xf32, #tpu.memory_space<hbm>>) target(%dma_start3A_488 : memref<128xf32, #tpu.memory_space<vmem>>) offsets(%dma_start3A_491 : memref<128xi32, #tpu.memory_space<vmem>>) semaphore(%arg12 : memref<!tpu.dma_semaphore, #tpu.memory_space<semaphore_mem>>)
        %dma_start3A_494 = arith.constant 1024 : i32
        %dma_start3A_495 = arith.constant 0 : i32
        %dma_start3A_496 = tpu.memref_slice %arg7[%rem3A_309, %dma_start3A_494, %dma_start3A_495] : memref<2x1664x16xf32, #tpu.memory_space<vmem>> -> memref<1x128x16xf32, #tpu.memory_space<vmem>>
        %dma_start3A_497 = tpu.memref_squeeze %dma_start3A_496 : memref<1x128x16xf32, #tpu.memory_space<vmem>> -> memref<128x16xf32, #tpu.memory_space<vmem>>
        %dma_start3A_498 = arith.constant 1024 : i32
        %dma_start3A_499 = tpu.memref_slice %arg6[%rem3A_309, %dma_start3A_498] : memref<2x1664xi32, #tpu.memory_space<vmem>> -> memref<1x128xi32, #tpu.memory_space<vmem>>
        %dma_start3A_500 = tpu.memref_squeeze %dma_start3A_499 : memref<1x128xi32, #tpu.memory_space<vmem>> -> memref<128xi32, #tpu.memory_space<vmem>>
        %dma_start3A_501 = arith.constant 0 : i32
        %dma_start3A_502 = arith.constant 0 : i32
        %dma_start3A_503 = tpu.memref_slice %arg3[%dma_start3A_501, %dma_start3A_502] : memref<1000000x16xf32, #tpu.memory_space<hbm>> -> memref<1000000x16xf32, #tpu.memory_space<hbm>>
        tpu.enqueue_indirect_dma source(%dma_start3A_503 : memref<1000000x16xf32, #tpu.memory_space<hbm>>) target(%dma_start3A_497 : memref<128x16xf32, #tpu.memory_space<vmem>>) offsets(%dma_start3A_500 : memref<128xi32, #tpu.memory_space<vmem>>) semaphore(%arg11 : memref<!tpu.dma_semaphore, #tpu.memory_space<semaphore_mem>>)
        %dma_start3A_504 = arith.constant 1024 : i32
        %dma_start3A_505 = tpu.memref_slice %arg8[%rem3A_309, %dma_start3A_504] : memref<2x1696xf32, #tpu.memory_space<vmem>> -> memref<1x128xf32, #tpu.memory_space<vmem>>
        %dma_start3A_506 = tpu.memref_squeeze %dma_start3A_505 : memref<1x128xf32, #tpu.memory_space<vmem>> -> memref<128xf32, #tpu.memory_space<vmem>>
        %dma_start3A_507 = arith.constant 1024 : i32
        %dma_start3A_508 = tpu.memref_slice %arg6[%rem3A_309, %dma_start3A_507] : memref<2x1664xi32, #tpu.memory_space<vmem>> -> memref<1x128xi32, #tpu.memory_space<vmem>>
        %dma_start3A_509 = tpu.memref_squeeze %dma_start3A_508 : memref<1x128xi32, #tpu.memory_space<vmem>> -> memref<128xi32, #tpu.memory_space<vmem>>
        %dma_start3A_510 = arith.constant 0 : i32
        %dma_start3A_511 = tpu.memref_slice %arg4[%dma_start3A_510] : memref<1000000xf32, #tpu.memory_space<hbm>> -> memref<1000000xf32, #tpu.memory_space<hbm>>
        tpu.enqueue_indirect_dma source(%dma_start3A_511 : memref<1000000xf32, #tpu.memory_space<hbm>>) target(%dma_start3A_506 : memref<128xf32, #tpu.memory_space<vmem>>) offsets(%dma_start3A_509 : memref<128xi32, #tpu.memory_space<vmem>>) semaphore(%arg12 : memref<!tpu.dma_semaphore, #tpu.memory_space<semaphore_mem>>)
        %dma_start3A_512 = arith.constant 1152 : i32
        %dma_start3A_513 = arith.constant 0 : i32
        %dma_start3A_514 = tpu.memref_slice %arg7[%rem3A_309, %dma_start3A_512, %dma_start3A_513] : memref<2x1664x16xf32, #tpu.memory_space<vmem>> -> memref<1x128x16xf32, #tpu.memory_space<vmem>>
        %dma_start3A_515 = tpu.memref_squeeze %dma_start3A_514 : memref<1x128x16xf32, #tpu.memory_space<vmem>> -> memref<128x16xf32, #tpu.memory_space<vmem>>
        %dma_start3A_516 = arith.constant 1152 : i32
        %dma_start3A_517 = tpu.memref_slice %arg6[%rem3A_309, %dma_start3A_516] : memref<2x1664xi32, #tpu.memory_space<vmem>> -> memref<1x128xi32, #tpu.memory_space<vmem>>
        %dma_start3A_518 = tpu.memref_squeeze %dma_start3A_517 : memref<1x128xi32, #tpu.memory_space<vmem>> -> memref<128xi32, #tpu.memory_space<vmem>>
        %dma_start3A_519 = arith.constant 0 : i32
        %dma_start3A_520 = arith.constant 0 : i32
        %dma_start3A_521 = tpu.memref_slice %arg3[%dma_start3A_519, %dma_start3A_520] : memref<1000000x16xf32, #tpu.memory_space<hbm>> -> memref<1000000x16xf32, #tpu.memory_space<hbm>>
        tpu.enqueue_indirect_dma source(%dma_start3A_521 : memref<1000000x16xf32, #tpu.memory_space<hbm>>) target(%dma_start3A_515 : memref<128x16xf32, #tpu.memory_space<vmem>>) offsets(%dma_start3A_518 : memref<128xi32, #tpu.memory_space<vmem>>) semaphore(%arg11 : memref<!tpu.dma_semaphore, #tpu.memory_space<semaphore_mem>>)
        %dma_start3A_522 = arith.constant 1152 : i32
        %dma_start3A_523 = tpu.memref_slice %arg8[%rem3A_309, %dma_start3A_522] : memref<2x1696xf32, #tpu.memory_space<vmem>> -> memref<1x128xf32, #tpu.memory_space<vmem>>
        %dma_start3A_524 = tpu.memref_squeeze %dma_start3A_523 : memref<1x128xf32, #tpu.memory_space<vmem>> -> memref<128xf32, #tpu.memory_space<vmem>>
        %dma_start3A_525 = arith.constant 1152 : i32
        %dma_start3A_526 = tpu.memref_slice %arg6[%rem3A_309, %dma_start3A_525] : memref<2x1664xi32, #tpu.memory_space<vmem>> -> memref<1x128xi32, #tpu.memory_space<vmem>>
        %dma_start3A_527 = tpu.memref_squeeze %dma_start3A_526 : memref<1x128xi32, #tpu.memory_space<vmem>> -> memref<128xi32, #tpu.memory_space<vmem>>
        %dma_start3A_528 = arith.constant 0 : i32
        %dma_start3A_529 = tpu.memref_slice %arg4[%dma_start3A_528] : memref<1000000xf32, #tpu.memory_space<hbm>> -> memref<1000000xf32, #tpu.memory_space<hbm>>
        tpu.enqueue_indirect_dma source(%dma_start3A_529 : memref<1000000xf32, #tpu.memory_space<hbm>>) target(%dma_start3A_524 : memref<128xf32, #tpu.memory_space<vmem>>) offsets(%dma_start3A_527 : memref<128xi32, #tpu.memory_space<vmem>>) semaphore(%arg12 : memref<!tpu.dma_semaphore, #tpu.memory_space<semaphore_mem>>)
        %dma_start3A_530 = arith.constant 1280 : i32
        %dma_start3A_531 = arith.constant 0 : i32
        %dma_start3A_532 = tpu.memref_slice %arg7[%rem3A_309, %dma_start3A_530, %dma_start3A_531] : memref<2x1664x16xf32, #tpu.memory_space<vmem>> -> memref<1x128x16xf32, #tpu.memory_space<vmem>>
        %dma_start3A_533 = tpu.memref_squeeze %dma_start3A_532 : memref<1x128x16xf32, #tpu.memory_space<vmem>> -> memref<128x16xf32, #tpu.memory_space<vmem>>
        %dma_start3A_534 = arith.constant 1280 : i32
        %dma_start3A_535 = tpu.memref_slice %arg6[%rem3A_309, %dma_start3A_534] : memref<2x1664xi32, #tpu.memory_space<vmem>> -> memref<1x128xi32, #tpu.memory_space<vmem>>
        %dma_start3A_536 = tpu.memref_squeeze %dma_start3A_535 : memref<1x128xi32, #tpu.memory_space<vmem>> -> memref<128xi32, #tpu.memory_space<vmem>>
        %dma_start3A_537 = arith.constant 0 : i32
        %dma_start3A_538 = arith.constant 0 : i32
        %dma_start3A_539 = tpu.memref_slice %arg3[%dma_start3A_537, %dma_start3A_538] : memref<1000000x16xf32, #tpu.memory_space<hbm>> -> memref<1000000x16xf32, #tpu.memory_space<hbm>>
        tpu.enqueue_indirect_dma source(%dma_start3A_539 : memref<1000000x16xf32, #tpu.memory_space<hbm>>) target(%dma_start3A_533 : memref<128x16xf32, #tpu.memory_space<vmem>>) offsets(%dma_start3A_536 : memref<128xi32, #tpu.memory_space<vmem>>) semaphore(%arg11 : memref<!tpu.dma_semaphore, #tpu.memory_space<semaphore_mem>>)
        %dma_start3A_540 = arith.constant 1280 : i32
        %dma_start3A_541 = tpu.memref_slice %arg8[%rem3A_309, %dma_start3A_540] : memref<2x1696xf32, #tpu.memory_space<vmem>> -> memref<1x128xf32, #tpu.memory_space<vmem>>
        %dma_start3A_542 = tpu.memref_squeeze %dma_start3A_541 : memref<1x128xf32, #tpu.memory_space<vmem>> -> memref<128xf32, #tpu.memory_space<vmem>>
        %dma_start3A_543 = arith.constant 1280 : i32
        %dma_start3A_544 = tpu.memref_slice %arg6[%rem3A_309, %dma_start3A_543] : memref<2x1664xi32, #tpu.memory_space<vmem>> -> memref<1x128xi32, #tpu.memory_space<vmem>>
        %dma_start3A_545 = tpu.memref_squeeze %dma_start3A_544 : memref<1x128xi32, #tpu.memory_space<vmem>> -> memref<128xi32, #tpu.memory_space<vmem>>
        %dma_start3A_546 = arith.constant 0 : i32
        %dma_start3A_547 = tpu.memref_slice %arg4[%dma_start3A_546] : memref<1000000xf32, #tpu.memory_space<hbm>> -> memref<1000000xf32, #tpu.memory_space<hbm>>
        tpu.enqueue_indirect_dma source(%dma_start3A_547 : memref<1000000xf32, #tpu.memory_space<hbm>>) target(%dma_start3A_542 : memref<128xf32, #tpu.memory_space<vmem>>) offsets(%dma_start3A_545 : memref<128xi32, #tpu.memory_space<vmem>>) semaphore(%arg12 : memref<!tpu.dma_semaphore, #tpu.memory_space<semaphore_mem>>)
        %dma_start3A_548 = arith.constant 1408 : i32
        %dma_start3A_549 = arith.constant 0 : i32
        %dma_start3A_550 = tpu.memref_slice %arg7[%rem3A_309, %dma_start3A_548, %dma_start3A_549] : memref<2x1664x16xf32, #tpu.memory_space<vmem>> -> memref<1x128x16xf32, #tpu.memory_space<vmem>>
        %dma_start3A_551 = tpu.memref_squeeze %dma_start3A_550 : memref<1x128x16xf32, #tpu.memory_space<vmem>> -> memref<128x16xf32, #tpu.memory_space<vmem>>
        %dma_start3A_552 = arith.constant 1408 : i32
        %dma_start3A_553 = tpu.memref_slice %arg6[%rem3A_309, %dma_start3A_552] : memref<2x1664xi32, #tpu.memory_space<vmem>> -> memref<1x128xi32, #tpu.memory_space<vmem>>
        %dma_start3A_554 = tpu.memref_squeeze %dma_start3A_553 : memref<1x128xi32, #tpu.memory_space<vmem>> -> memref<128xi32, #tpu.memory_space<vmem>>
        %dma_start3A_555 = arith.constant 0 : i32
        %dma_start3A_556 = arith.constant 0 : i32
        %dma_start3A_557 = tpu.memref_slice %arg3[%dma_start3A_555, %dma_start3A_556] : memref<1000000x16xf32, #tpu.memory_space<hbm>> -> memref<1000000x16xf32, #tpu.memory_space<hbm>>
        tpu.enqueue_indirect_dma source(%dma_start3A_557 : memref<1000000x16xf32, #tpu.memory_space<hbm>>) target(%dma_start3A_551 : memref<128x16xf32, #tpu.memory_space<vmem>>) offsets(%dma_start3A_554 : memref<128xi32, #tpu.memory_space<vmem>>) semaphore(%arg11 : memref<!tpu.dma_semaphore, #tpu.memory_space<semaphore_mem>>)
        %dma_start3A_558 = arith.constant 1408 : i32
        %dma_start3A_559 = tpu.memref_slice %arg8[%rem3A_309, %dma_start3A_558] : memref<2x1696xf32, #tpu.memory_space<vmem>> -> memref<1x128xf32, #tpu.memory_space<vmem>>
        %dma_start3A_560 = tpu.memref_squeeze %dma_start3A_559 : memref<1x128xf32, #tpu.memory_space<vmem>> -> memref<128xf32, #tpu.memory_space<vmem>>
        %dma_start3A_561 = arith.constant 1408 : i32
        %dma_start3A_562 = tpu.memref_slice %arg6[%rem3A_309, %dma_start3A_561] : memref<2x1664xi32, #tpu.memory_space<vmem>> -> memref<1x128xi32, #tpu.memory_space<vmem>>
        %dma_start3A_563 = tpu.memref_squeeze %dma_start3A_562 : memref<1x128xi32, #tpu.memory_space<vmem>> -> memref<128xi32, #tpu.memory_space<vmem>>
        %dma_start3A_564 = arith.constant 0 : i32
        %dma_start3A_565 = tpu.memref_slice %arg4[%dma_start3A_564] : memref<1000000xf32, #tpu.memory_space<hbm>> -> memref<1000000xf32, #tpu.memory_space<hbm>>
        tpu.enqueue_indirect_dma source(%dma_start3A_565 : memref<1000000xf32, #tpu.memory_space<hbm>>) target(%dma_start3A_560 : memref<128xf32, #tpu.memory_space<vmem>>) offsets(%dma_start3A_563 : memref<128xi32, #tpu.memory_space<vmem>>) semaphore(%arg12 : memref<!tpu.dma_semaphore, #tpu.memory_space<semaphore_mem>>)
        %dma_start3A_566 = arith.constant 1536 : i32
        %dma_start3A_567 = arith.constant 0 : i32
        %dma_start3A_568 = tpu.memref_slice %arg7[%rem3A_309, %dma_start3A_566, %dma_start3A_567] : memref<2x1664x16xf32, #tpu.memory_space<vmem>> -> memref<1x128x16xf32, #tpu.memory_space<vmem>>
        %dma_start3A_569 = tpu.memref_squeeze %dma_start3A_568 : memref<1x128x16xf32, #tpu.memory_space<vmem>> -> memref<128x16xf32, #tpu.memory_space<vmem>>
        %dma_start3A_570 = arith.constant 1536 : i32
        %dma_start3A_571 = tpu.memref_slice %arg6[%rem3A_309, %dma_start3A_570] : memref<2x1664xi32, #tpu.memory_space<vmem>> -> memref<1x128xi32, #tpu.memory_space<vmem>>
        %dma_start3A_572 = tpu.memref_squeeze %dma_start3A_571 : memref<1x128xi32, #tpu.memory_space<vmem>> -> memref<128xi32, #tpu.memory_space<vmem>>
        %dma_start3A_573 = arith.constant 0 : i32
        %dma_start3A_574 = arith.constant 0 : i32
        %dma_start3A_575 = tpu.memref_slice %arg3[%dma_start3A_573, %dma_start3A_574] : memref<1000000x16xf32, #tpu.memory_space<hbm>> -> memref<1000000x16xf32, #tpu.memory_space<hbm>>
        tpu.enqueue_indirect_dma source(%dma_start3A_575 : memref<1000000x16xf32, #tpu.memory_space<hbm>>) target(%dma_start3A_569 : memref<128x16xf32, #tpu.memory_space<vmem>>) offsets(%dma_start3A_572 : memref<128xi32, #tpu.memory_space<vmem>>) semaphore(%arg11 : memref<!tpu.dma_semaphore, #tpu.memory_space<semaphore_mem>>)
        %dma_start3A_576 = arith.constant 1536 : i32
        %dma_start3A_577 = tpu.memref_slice %arg8[%rem3A_309, %dma_start3A_576] : memref<2x1696xf32, #tpu.memory_space<vmem>> -> memref<1x128xf32, #tpu.memory_space<vmem>>
        %dma_start3A_578 = tpu.memref_squeeze %dma_start3A_577 : memref<1x128xf32, #tpu.memory_space<vmem>> -> memref<128xf32, #tpu.memory_space<vmem>>
        %dma_start3A_579 = arith.constant 1536 : i32
        %dma_start3A_580 = tpu.memref_slice %arg6[%rem3A_309, %dma_start3A_579] : memref<2x1664xi32, #tpu.memory_space<vmem>> -> memref<1x128xi32, #tpu.memory_space<vmem>>
        %dma_start3A_581 = tpu.memref_squeeze %dma_start3A_580 : memref<1x128xi32, #tpu.memory_space<vmem>> -> memref<128xi32, #tpu.memory_space<vmem>>
        %dma_start3A_582 = arith.constant 0 : i32
        %dma_start3A_583 = tpu.memref_slice %arg4[%dma_start3A_582] : memref<1000000xf32, #tpu.memory_space<hbm>> -> memref<1000000xf32, #tpu.memory_space<hbm>>
        tpu.enqueue_indirect_dma source(%dma_start3A_583 : memref<1000000xf32, #tpu.memory_space<hbm>>) target(%dma_start3A_578 : memref<128xf32, #tpu.memory_space<vmem>>) offsets(%dma_start3A_581 : memref<128xi32, #tpu.memory_space<vmem>>) semaphore(%arg12 : memref<!tpu.dma_semaphore, #tpu.memory_space<semaphore_mem>>)
      } else {
      }
      %dma_wait3A = arith.constant 0 : i32
      %dma_wait3A_315 = arith.constant 0 : i32
      %dma_wait3A_316 = tpu.memref_slice %arg7[%rem3A_305, %dma_wait3A, %dma_wait3A_315] : memref<2x1664x16xf32, #tpu.memory_space<vmem>> -> memref<1x1664x16xf32, #tpu.memory_space<vmem>>
      %dma_wait3A_317 = tpu.memref_squeeze %dma_wait3A_316 : memref<1x1664x16xf32, #tpu.memory_space<vmem>> -> memref<1664x16xf32, #tpu.memory_space<vmem>>
      %dma_wait3A_318 = arith.constant 0 : i32
      %dma_wait3A_319 = arith.constant 0 : i32
      %dma_wait3A_320 = tpu.memref_slice %arg3[%dma_wait3A_318, %dma_wait3A_319] : memref<1000000x16xf32, #tpu.memory_space<hbm>> -> memref<1664x16xf32, #tpu.memory_space<hbm>>
      %dma_wait3A_321 = arith.constant 0 : i32
      %dma_wait3A_322 = arith.constant 0 : i32
      %dma_wait3A_323 = tpu.memref_slice %arg7[%rem3A_305, %dma_wait3A_321, %dma_wait3A_322] : memref<2x1664x16xf32, #tpu.memory_space<vmem>> -> memref<1x1664x16xf32, #tpu.memory_space<vmem>>
      %dma_wait3A_324 = tpu.memref_squeeze %dma_wait3A_323 : memref<1x1664x16xf32, #tpu.memory_space<vmem>> -> memref<1664x16xf32, #tpu.memory_space<vmem>>
      %dma_wait3A_325 = arith.constant 0 : i32
      %dma_wait3A_326 = arith.constant 0 : i32
      %dma_wait3A_327 = tpu.memref_slice %arg3[%dma_wait3A_325, %dma_wait3A_326] : memref<1000000x16xf32, #tpu.memory_space<hbm>> -> memref<1664x16xf32, #tpu.memory_space<hbm>>
      tpu.wait_dma2 semaphore(%arg11 : memref<!tpu.dma_semaphore, #tpu.memory_space<semaphore_mem>>) src(%dma_wait3A_327 : memref<1664x16xf32, #tpu.memory_space<hbm>>) dst(%dma_wait3A_324 : memref<1664x16xf32, #tpu.memory_space<vmem>>)
      %dma_wait3A_328 = arith.constant 0 : i32
      %dma_wait3A_329 = tpu.memref_slice %arg8[%rem3A_305, %dma_wait3A_328] : memref<2x1696xf32, #tpu.memory_space<vmem>> -> memref<1x1664xf32, #tpu.memory_space<vmem>>
      %dma_wait3A_330 = tpu.memref_squeeze %dma_wait3A_329 : memref<1x1664xf32, #tpu.memory_space<vmem>> -> memref<1664xf32, #tpu.memory_space<vmem>>
      %dma_wait3A_331 = arith.constant 0 : i32
      %dma_wait3A_332 = tpu.memref_slice %arg4[%dma_wait3A_331] : memref<1000000xf32, #tpu.memory_space<hbm>> -> memref<1664xf32, #tpu.memory_space<hbm>>
      %dma_wait3A_333 = arith.constant 0 : i32
      %dma_wait3A_334 = tpu.memref_slice %arg8[%rem3A_305, %dma_wait3A_333] : memref<2x1696xf32, #tpu.memory_space<vmem>> -> memref<1x1664xf32, #tpu.memory_space<vmem>>
      %dma_wait3A_335 = tpu.memref_squeeze %dma_wait3A_334 : memref<1x1664xf32, #tpu.memory_space<vmem>> -> memref<1664xf32, #tpu.memory_space<vmem>>
      %dma_wait3A_336 = arith.constant 0 : i32
      %dma_wait3A_337 = tpu.memref_slice %arg4[%dma_wait3A_336] : memref<1000000xf32, #tpu.memory_space<hbm>> -> memref<1664xf32, #tpu.memory_space<hbm>>
      tpu.wait_dma2 semaphore(%arg12 : memref<!tpu.dma_semaphore, #tpu.memory_space<semaphore_mem>>) src(%dma_wait3A_337 : memref<1664xf32, #tpu.memory_space<hbm>>) dst(%dma_wait3A_335 : memref<1664xf32, #tpu.memory_space<vmem>>)
      %add3A_338 = arith.constant 2 : i32
      %add3A_339 = arith.addi %scan3A_304, %add3A_338 : i32
      %lt3A_340 = arith.constant 8 : i32
      %lt3A_341 = arith.cmpi slt, %add3A_339, %lt3A_340 : i32
      %convert_element_type3A_342 = arith.extui %lt3A_341 : i1 to i32
      %cond3A_343 = arith.constant 0 : i32
      %cond3A_344 = arith.cmpi ne, %convert_element_type3A_342, %cond3A_343 : i32
      scf.if %cond3A_344 {
        %add3A_350 = arith.constant 2 : i32
        %add3A_351 = arith.addi %scan3A_304, %add3A_350 : i32
        %mul3A_352 = arith.constant 64 : i32
        %mul3A_353 = arith.muli %add3A_351, %mul3A_352 : i32
        %add3A_354 = arith.addi %mul3A_2, %mul3A_353 : i32
        %mul3A_355 = arith.constant 26 : i32
        %mul3A_356 = arith.muli %add3A_354, %mul3A_355 : i32
        "tpu.region"() ({
          %run_scoped3A_357 = tpu.sem_alloc : memref<!tpu.dma_semaphore, #tpu.memory_space<semaphore_mem>>
          %dma_start3A_358 = arith.constant 0 : i32
          %dma_start3A_359 = tpu.memref_slice %arg6[%rem3A_305, %dma_start3A_358] : memref<2x1664xi32, #tpu.memory_space<vmem>> -> memref<1x1664xi32, #tpu.memory_space<vmem>>
          %dma_start3A_360 = tpu.memref_squeeze %dma_start3A_359 : memref<1x1664xi32, #tpu.memory_space<vmem>> -> memref<1664xi32, #tpu.memory_space<vmem>>
          %dma_start3A_361 = tpu.memref_slice %arg2[%mul3A_356] : memref<425984xi32, #tpu.memory_space<hbm>> -> memref<1664xi32, #tpu.memory_space<hbm>>
          %dma_start3A_362 = arith.constant 0 : i32
          %dma_start3A_363 = tpu.memref_slice %arg6[%rem3A_305, %dma_start3A_362] : memref<2x1664xi32, #tpu.memory_space<vmem>> -> memref<1x1664xi32, #tpu.memory_space<vmem>>
          %dma_start3A_364 = tpu.memref_squeeze %dma_start3A_363 : memref<1x1664xi32, #tpu.memory_space<vmem>> -> memref<1664xi32, #tpu.memory_space<vmem>>
          %dma_start3A_365 = tpu.memref_slice %arg2[%mul3A_356] : memref<425984xi32, #tpu.memory_space<hbm>> -> memref<1664xi32, #tpu.memory_space<hbm>>
          tpu.enqueue_dma source(%dma_start3A_365 : memref<1664xi32, #tpu.memory_space<hbm>>) target(%dma_start3A_364 : memref<1664xi32, #tpu.memory_space<vmem>>) target_semaphore(%run_scoped3A_357 : memref<!tpu.dma_semaphore, #tpu.memory_space<semaphore_mem>>)
          %dma_wait3A_366 = arith.constant 0 : i32
          %dma_wait3A_367 = tpu.memref_slice %arg6[%rem3A_305, %dma_wait3A_366] : memref<2x1664xi32, #tpu.memory_space<vmem>> -> memref<1x1664xi32, #tpu.memory_space<vmem>>
          %dma_wait3A_368 = tpu.memref_squeeze %dma_wait3A_367 : memref<1x1664xi32, #tpu.memory_space<vmem>> -> memref<1664xi32, #tpu.memory_space<vmem>>
          %dma_wait3A_369 = tpu.memref_slice %arg2[%mul3A_356] : memref<425984xi32, #tpu.memory_space<hbm>> -> memref<1664xi32, #tpu.memory_space<hbm>>
          %dma_wait3A_370 = arith.constant 0 : i32
          %dma_wait3A_371 = tpu.memref_slice %arg6[%rem3A_305, %dma_wait3A_370] : memref<2x1664xi32, #tpu.memory_space<vmem>> -> memref<1x1664xi32, #tpu.memory_space<vmem>>
          %dma_wait3A_372 = tpu.memref_squeeze %dma_wait3A_371 : memref<1x1664xi32, #tpu.memory_space<vmem>> -> memref<1664xi32, #tpu.memory_space<vmem>>
          %dma_wait3A_373 = tpu.memref_slice %arg2[%mul3A_356] : memref<425984xi32, #tpu.memory_space<hbm>> -> memref<1664xi32, #tpu.memory_space<hbm>>
          tpu.wait_dma2 semaphore(%run_scoped3A_357 : memref<!tpu.dma_semaphore, #tpu.memory_space<semaphore_mem>>) src(%dma_wait3A_373 : memref<1664xi32, #tpu.memory_space<hbm>>) dst(%dma_wait3A_372 : memref<1664xi32, #tpu.memory_space<vmem>>)
          tpu.yield
        }) : () -> ()
      } else {
      }
      %scan3A_345 = arith.constant 0 : i32
      %scan3A_346 = arith.constant 4 : i32
      %scan3A_347 = arith.addi %scan3A_345, %scan3A_346 : i32
      %scan3A_348 = arith.constant 1 : i32
      scf.for %scan3A_350 = %scan3A_345 to %scan3A_347 step %scan3A_348  : i32 {
        %scan3A_351 = arith.constant 0 : i32
        %scan3A_352 = arith.constant 0 : i32
        %scan3A_353 = arith.constant 16 : i32
        %scan3A_354 = arith.addi %scan3A_352, %scan3A_353 : i32
        %scan3A_355 = arith.constant 1 : i32
        scf.for %scan3A_486 = %scan3A_352 to %scan3A_354 step %scan3A_355  : i32 {
          %mul3A_487 = arith.constant 16 : i32
          %mul3A_488 = arith.muli %scan3A_350, %mul3A_487 : i32
          %add3A_489 = arith.addi %mul3A_488, %scan3A_486 : i32
          %mul3A_490 = arith.constant 26 : i32
          %mul3A_491 = arith.muli %add3A_489, %mul3A_490 : i32
          %get3A = arith.index_cast %rem3A_305 : i32 to index
          %get3A_492 = arith.index_cast %mul3A_491 : i32 to index
          %get3A_493 = arith.constant 0 : index
          %get3A_494 = tpu.vector_load %arg7[%get3A, %get3A_492, %get3A_493] {strides = array<i32>} : memref<2x1664x16xf32, #tpu.memory_space<vmem>>, vector<16xf32>,
          %mul3A_495 = arith.mulf %get3A_494, %get3A_494 : vector<16xf32>
          %add3A_496 = arith.constant 1 : i32
          %add3A_497 = arith.addi %mul3A_491, %add3A_496 : i32
          %get3A_498 = arith.index_cast %rem3A_305 : i32 to index
          %get3A_499 = arith.index_cast %add3A_497 : i32 to index
          %get3A_500 = arith.constant 0 : index
          %get3A_501 = tpu.vector_load %arg7[%get3A_498, %get3A_499, %get3A_500] {strides = array<i32>} : memref<2x1664x16xf32, #tpu.memory_space<vmem>>, vector<16xf32>,
          %add3A_502 = arith.addf %get3A_494, %get3A_501 : vector<16xf32>
          %mul3A_503 = arith.mulf %get3A_501, %get3A_501 : vector<16xf32>
          %add3A_504 = arith.addf %mul3A_495, %mul3A_503 : vector<16xf32>
          %add3A_505 = arith.constant 2 : i32
          %add3A_506 = arith.addi %mul3A_491, %add3A_505 : i32
          %get3A_507 = arith.index_cast %rem3A_305 : i32 to index
          %get3A_508 = arith.index_cast %add3A_506 : i32 to index
          %get3A_509 = arith.constant 0 : index
          %get3A_510 = tpu.vector_load %arg7[%get3A_507, %get3A_508, %get3A_509] {strides = array<i32>} : memref<2x1664x16xf32, #tpu.memory_space<vmem>>, vector<16xf32>,
          %add3A_511 = arith.addf %add3A_502, %get3A_510 : vector<16xf32>
          %mul3A_512 = arith.mulf %get3A_510, %get3A_510 : vector<16xf32>
          %add3A_513 = arith.addf %add3A_504, %mul3A_512 : vector<16xf32>
          %add3A_514 = arith.constant 3 : i32
          %add3A_515 = arith.addi %mul3A_491, %add3A_514 : i32
          %get3A_516 = arith.index_cast %rem3A_305 : i32 to index
          %get3A_517 = arith.index_cast %add3A_515 : i32 to index
          %get3A_518 = arith.constant 0 : index
          %get3A_519 = tpu.vector_load %arg7[%get3A_516, %get3A_517, %get3A_518] {strides = array<i32>} : memref<2x1664x16xf32, #tpu.memory_space<vmem>>, vector<16xf32>,
          %add3A_520 = arith.addf %add3A_511, %get3A_519 : vector<16xf32>
          %mul3A_521 = arith.mulf %get3A_519, %get3A_519 : vector<16xf32>
          %add3A_522 = arith.addf %add3A_513, %mul3A_521 : vector<16xf32>
          %add3A_523 = arith.constant 4 : i32
          %add3A_524 = arith.addi %mul3A_491, %add3A_523 : i32
          %get3A_525 = arith.index_cast %rem3A_305 : i32 to index
          %get3A_526 = arith.index_cast %add3A_524 : i32 to index
          %get3A_527 = arith.constant 0 : index
          %get3A_528 = tpu.vector_load %arg7[%get3A_525, %get3A_526, %get3A_527] {strides = array<i32>} : memref<2x1664x16xf32, #tpu.memory_space<vmem>>, vector<16xf32>,
          %add3A_529 = arith.addf %add3A_520, %get3A_528 : vector<16xf32>
          %mul3A_530 = arith.mulf %get3A_528, %get3A_528 : vector<16xf32>
          %add3A_531 = arith.addf %add3A_522, %mul3A_530 : vector<16xf32>
          %add3A_532 = arith.constant 5 : i32
          %add3A_533 = arith.addi %mul3A_491, %add3A_532 : i32
          %get3A_534 = arith.index_cast %rem3A_305 : i32 to index
          %get3A_535 = arith.index_cast %add3A_533 : i32 to index
          %get3A_536 = arith.constant 0 : index
          %get3A_537 = tpu.vector_load %arg7[%get3A_534, %get3A_535, %get3A_536] {strides = array<i32>} : memref<2x1664x16xf32, #tpu.memory_space<vmem>>, vector<16xf32>,
          %add3A_538 = arith.addf %add3A_529, %get3A_537 : vector<16xf32>
          %mul3A_539 = arith.mulf %get3A_537, %get3A_537 : vector<16xf32>
          %add3A_540 = arith.addf %add3A_531, %mul3A_539 : vector<16xf32>
          %add3A_541 = arith.constant 6 : i32
          %add3A_542 = arith.addi %mul3A_491, %add3A_541 : i32
          %get3A_543 = arith.index_cast %rem3A_305 : i32 to index
          %get3A_544 = arith.index_cast %add3A_542 : i32 to index
          %get3A_545 = arith.constant 0 : index
          %get3A_546 = tpu.vector_load %arg7[%get3A_543, %get3A_544, %get3A_545] {strides = array<i32>} : memref<2x1664x16xf32, #tpu.memory_space<vmem>>, vector<16xf32>,
          %add3A_547 = arith.addf %add3A_538, %get3A_546 : vector<16xf32>
          %mul3A_548 = arith.mulf %get3A_546, %get3A_546 : vector<16xf32>
          %add3A_549 = arith.addf %add3A_540, %mul3A_548 : vector<16xf32>
          %add3A_550 = arith.constant 7 : i32
          %add3A_551 = arith.addi %mul3A_491, %add3A_550 : i32
          %get3A_552 = arith.index_cast %rem3A_305 : i32 to index
          %get3A_553 = arith.index_cast %add3A_551 : i32 to index
          %get3A_554 = arith.constant 0 : index
          %get3A_555 = tpu.vector_load %arg7[%get3A_552, %get3A_553, %get3A_554] {strides = array<i32>} : memref<2x1664x16xf32, #tpu.memory_space<vmem>>, vector<16xf32>,
          %add3A_556 = arith.addf %add3A_547, %get3A_555 : vector<16xf32>
          %mul3A_557 = arith.mulf %get3A_555, %get3A_555 : vector<16xf32>
          %add3A_558 = arith.addf %add3A_549, %mul3A_557 : vector<16xf32>
          %add3A_559 = arith.constant 8 : i32
          %add3A_560 = arith.addi %mul3A_491, %add3A_559 : i32
          %get3A_561 = arith.index_cast %rem3A_305 : i32 to index
          %get3A_562 = arith.index_cast %add3A_560 : i32 to index
          %get3A_563 = arith.constant 0 : index
          %get3A_564 = tpu.vector_load %arg7[%get3A_561, %get3A_562, %get3A_563] {strides = array<i32>} : memref<2x1664x16xf32, #tpu.memory_space<vmem>>, vector<16xf32>,
          %add3A_565 = arith.addf %add3A_556, %get3A_564 : vector<16xf32>
          %mul3A_566 = arith.mulf %get3A_564, %get3A_564 : vector<16xf32>
          %add3A_567 = arith.addf %add3A_558, %mul3A_566 : vector<16xf32>
          %add3A_568 = arith.constant 9 : i32
          %add3A_569 = arith.addi %mul3A_491, %add3A_568 : i32
          %get3A_570 = arith.index_cast %rem3A_305 : i32 to index
          %get3A_571 = arith.index_cast %add3A_569 : i32 to index
          %get3A_572 = arith.constant 0 : index
          %get3A_573 = tpu.vector_load %arg7[%get3A_570, %get3A_571, %get3A_572] {strides = array<i32>} : memref<2x1664x16xf32, #tpu.memory_space<vmem>>, vector<16xf32>,
          %add3A_574 = arith.addf %add3A_565, %get3A_573 : vector<16xf32>
          %mul3A_575 = arith.mulf %get3A_573, %get3A_573 : vector<16xf32>
          %add3A_576 = arith.addf %add3A_567, %mul3A_575 : vector<16xf32>
          %add3A_577 = arith.constant 10 : i32
          %add3A_578 = arith.addi %mul3A_491, %add3A_577 : i32
          %get3A_579 = arith.index_cast %rem3A_305 : i32 to index
          %get3A_580 = arith.index_cast %add3A_578 : i32 to index
          %get3A_581 = arith.constant 0 : index
          %get3A_582 = tpu.vector_load %arg7[%get3A_579, %get3A_580, %get3A_581] {strides = array<i32>} : memref<2x1664x16xf32, #tpu.memory_space<vmem>>, vector<16xf32>,
          %add3A_583 = arith.addf %add3A_574, %get3A_582 : vector<16xf32>
          %mul3A_584 = arith.mulf %get3A_582, %get3A_582 : vector<16xf32>
          %add3A_585 = arith.addf %add3A_576, %mul3A_584 : vector<16xf32>
          %add3A_586 = arith.constant 11 : i32
          %add3A_587 = arith.addi %mul3A_491, %add3A_586 : i32
          %get3A_588 = arith.index_cast %rem3A_305 : i32 to index
          %get3A_589 = arith.index_cast %add3A_587 : i32 to index
          %get3A_590 = arith.constant 0 : index
          %get3A_591 = tpu.vector_load %arg7[%get3A_588, %get3A_589, %get3A_590] {strides = array<i32>} : memref<2x1664x16xf32, #tpu.memory_space<vmem>>, vector<16xf32>,
          %add3A_592 = arith.addf %add3A_583, %get3A_591 : vector<16xf32>
          %mul3A_593 = arith.mulf %get3A_591, %get3A_591 : vector<16xf32>
          %add3A_594 = arith.addf %add3A_585, %mul3A_593 : vector<16xf32>
          %add3A_595 = arith.constant 12 : i32
          %add3A_596 = arith.addi %mul3A_491, %add3A_595 : i32
          %get3A_597 = arith.index_cast %rem3A_305 : i32 to index
          %get3A_598 = arith.index_cast %add3A_596 : i32 to index
          %get3A_599 = arith.constant 0 : index
          %get3A_600 = tpu.vector_load %arg7[%get3A_597, %get3A_598, %get3A_599] {strides = array<i32>} : memref<2x1664x16xf32, #tpu.memory_space<vmem>>, vector<16xf32>,
          %add3A_601 = arith.addf %add3A_592, %get3A_600 : vector<16xf32>
          %mul3A_602 = arith.mulf %get3A_600, %get3A_600 : vector<16xf32>
          %add3A_603 = arith.addf %add3A_594, %mul3A_602 : vector<16xf32>
          %add3A_604 = arith.constant 13 : i32
          %add3A_605 = arith.addi %mul3A_491, %add3A_604 : i32
          %get3A_606 = arith.index_cast %rem3A_305 : i32 to index
          %get3A_607 = arith.index_cast %add3A_605 : i32 to index
          %get3A_608 = arith.constant 0 : index
          %get3A_609 = tpu.vector_load %arg7[%get3A_606, %get3A_607, %get3A_608] {strides = array<i32>} : memref<2x1664x16xf32, #tpu.memory_space<vmem>>, vector<16xf32>,
          %add3A_610 = arith.addf %add3A_601, %get3A_609 : vector<16xf32>
          %mul3A_611 = arith.mulf %get3A_609, %get3A_609 : vector<16xf32>
          %add3A_612 = arith.addf %add3A_603, %mul3A_611 : vector<16xf32>
          %add3A_613 = arith.constant 14 : i32
          %add3A_614 = arith.addi %mul3A_491, %add3A_613 : i32
          %get3A_615 = arith.index_cast %rem3A_305 : i32 to index
          %get3A_616 = arith.index_cast %add3A_614 : i32 to index
          %get3A_617 = arith.constant 0 : index
          %get3A_618 = tpu.vector_load %arg7[%get3A_615, %get3A_616, %get3A_617] {strides = array<i32>} : memref<2x1664x16xf32, #tpu.memory_space<vmem>>, vector<16xf32>,
          %add3A_619 = arith.addf %add3A_610, %get3A_618 : vector<16xf32>
          %mul3A_620 = arith.mulf %get3A_618, %get3A_618 : vector<16xf32>
          %add3A_621 = arith.addf %add3A_612, %mul3A_620 : vector<16xf32>
          %add3A_622 = arith.constant 15 : i32
          %add3A_623 = arith.addi %mul3A_491, %add3A_622 : i32
          %get3A_624 = arith.index_cast %rem3A_305 : i32 to index
          %get3A_625 = arith.index_cast %add3A_623 : i32 to index
          %get3A_626 = arith.constant 0 : index
          %get3A_627 = tpu.vector_load %arg7[%get3A_624, %get3A_625, %get3A_626] {strides = array<i32>} : memref<2x1664x16xf32, #tpu.memory_space<vmem>>, vector<16xf32>,
          %add3A_628 = arith.addf %add3A_619, %get3A_627 : vector<16xf32>
          %mul3A_629 = arith.mulf %get3A_627, %get3A_627 : vector<16xf32>
          %add3A_630 = arith.addf %add3A_621, %mul3A_629 : vector<16xf32>
          %add3A_631 = arith.constant 16 : i32
          %add3A_632 = arith.addi %mul3A_491, %add3A_631 : i32
          %get3A_633 = arith.index_cast %rem3A_305 : i32 to index
          %get3A_634 = arith.index_cast %add3A_632 : i32 to index
          %get3A_635 = arith.constant 0 : index
          %get3A_636 = tpu.vector_load %arg7[%get3A_633, %get3A_634, %get3A_635] {strides = array<i32>} : memref<2x1664x16xf32, #tpu.memory_space<vmem>>, vector<16xf32>,
          %add3A_637 = arith.addf %add3A_628, %get3A_636 : vector<16xf32>
          %mul3A_638 = arith.mulf %get3A_636, %get3A_636 : vector<16xf32>
          %add3A_639 = arith.addf %add3A_630, %mul3A_638 : vector<16xf32>
          %add3A_640 = arith.constant 17 : i32
          %add3A_641 = arith.addi %mul3A_491, %add3A_640 : i32
          %get3A_642 = arith.index_cast %rem3A_305 : i32 to index
          %get3A_643 = arith.index_cast %add3A_641 : i32 to index
          %get3A_644 = arith.constant 0 : index
          %get3A_645 = tpu.vector_load %arg7[%get3A_642, %get3A_643, %get3A_644] {strides = array<i32>} : memref<2x1664x16xf32, #tpu.memory_space<vmem>>, vector<16xf32>,
          %add3A_646 = arith.addf %add3A_637, %get3A_645 : vector<16xf32>
          %mul3A_647 = arith.mulf %get3A_645, %get3A_645 : vector<16xf32>
          %add3A_648 = arith.addf %add3A_639, %mul3A_647 : vector<16xf32>
          %add3A_649 = arith.constant 18 : i32
          %add3A_650 = arith.addi %mul3A_491, %add3A_649 : i32
          %get3A_651 = arith.index_cast %rem3A_305 : i32 to index
          %get3A_652 = arith.index_cast %add3A_650 : i32 to index
          %get3A_653 = arith.constant 0 : index
          %get3A_654 = tpu.vector_load %arg7[%get3A_651, %get3A_652, %get3A_653] {strides = array<i32>} : memref<2x1664x16xf32, #tpu.memory_space<vmem>>, vector<16xf32>,
          %add3A_655 = arith.addf %add3A_646, %get3A_654 : vector<16xf32>
          %mul3A_656 = arith.mulf %get3A_654, %get3A_654 : vector<16xf32>
          %add3A_657 = arith.addf %add3A_648, %mul3A_656 : vector<16xf32>
          %add3A_658 = arith.constant 19 : i32
          %add3A_659 = arith.addi %mul3A_491, %add3A_658 : i32
          %get3A_660 = arith.index_cast %rem3A_305 : i32 to index
          %get3A_661 = arith.index_cast %add3A_659 : i32 to index
          %get3A_662 = arith.constant 0 : index
          %get3A_663 = tpu.vector_load %arg7[%get3A_660, %get3A_661, %get3A_662] {strides = array<i32>} : memref<2x1664x16xf32, #tpu.memory_space<vmem>>, vector<16xf32>,
          %add3A_664 = arith.addf %add3A_655, %get3A_663 : vector<16xf32>
          %mul3A_665 = arith.mulf %get3A_663, %get3A_663 : vector<16xf32>
          %add3A_666 = arith.addf %add3A_657, %mul3A_665 : vector<16xf32>
          %add3A_667 = arith.constant 20 : i32
          %add3A_668 = arith.addi %mul3A_491, %add3A_667 : i32
          %get3A_669 = arith.index_cast %rem3A_305 : i32 to index
          %get3A_670 = arith.index_cast %add3A_668 : i32 to index
          %get3A_671 = arith.constant 0 : index
          %get3A_672 = tpu.vector_load %arg7[%get3A_669, %get3A_670, %get3A_671] {strides = array<i32>} : memref<2x1664x16xf32, #tpu.memory_space<vmem>>, vector<16xf32>,
          %add3A_673 = arith.addf %add3A_664, %get3A_672 : vector<16xf32>
          %mul3A_674 = arith.mulf %get3A_672, %get3A_672 : vector<16xf32>
          %add3A_675 = arith.addf %add3A_666, %mul3A_674 : vector<16xf32>
          %add3A_676 = arith.constant 21 : i32
          %add3A_677 = arith.addi %mul3A_491, %add3A_676 : i32
          %get3A_678 = arith.index_cast %rem3A_305 : i32 to index
          %get3A_679 = arith.index_cast %add3A_677 : i32 to index
          %get3A_680 = arith.constant 0 : index
          %get3A_681 = tpu.vector_load %arg7[%get3A_678, %get3A_679, %get3A_680] {strides = array<i32>} : memref<2x1664x16xf32, #tpu.memory_space<vmem>>, vector<16xf32>,
          %add3A_682 = arith.addf %add3A_673, %get3A_681 : vector<16xf32>
          %mul3A_683 = arith.mulf %get3A_681, %get3A_681 : vector<16xf32>
          %add3A_684 = arith.addf %add3A_675, %mul3A_683 : vector<16xf32>
          %add3A_685 = arith.constant 22 : i32
          %add3A_686 = arith.addi %mul3A_491, %add3A_685 : i32
          %get3A_687 = arith.index_cast %rem3A_305 : i32 to index
          %get3A_688 = arith.index_cast %add3A_686 : i32 to index
          %get3A_689 = arith.constant 0 : index
          %get3A_690 = tpu.vector_load %arg7[%get3A_687, %get3A_688, %get3A_689] {strides = array<i32>} : memref<2x1664x16xf32, #tpu.memory_space<vmem>>, vector<16xf32>,
          %add3A_691 = arith.addf %add3A_682, %get3A_690 : vector<16xf32>
          %mul3A_692 = arith.mulf %get3A_690, %get3A_690 : vector<16xf32>
          %add3A_693 = arith.addf %add3A_684, %mul3A_692 : vector<16xf32>
          %add3A_694 = arith.constant 23 : i32
          %add3A_695 = arith.addi %mul3A_491, %add3A_694 : i32
          %get3A_696 = arith.index_cast %rem3A_305 : i32 to index
          %get3A_697 = arith.index_cast %add3A_695 : i32 to index
          %get3A_698 = arith.constant 0 : index
          %get3A_699 = tpu.vector_load %arg7[%get3A_696, %get3A_697, %get3A_698] {strides = array<i32>} : memref<2x1664x16xf32, #tpu.memory_space<vmem>>, vector<16xf32>,
          %add3A_700 = arith.addf %add3A_691, %get3A_699 : vector<16xf32>
          %mul3A_701 = arith.mulf %get3A_699, %get3A_699 : vector<16xf32>
          %add3A_702 = arith.addf %add3A_693, %mul3A_701 : vector<16xf32>
          %add3A_703 = arith.constant 24 : i32
          %add3A_704 = arith.addi %mul3A_491, %add3A_703 : i32
          %get3A_705 = arith.index_cast %rem3A_305 : i32 to index
          %get3A_706 = arith.index_cast %add3A_704 : i32 to index
          %get3A_707 = arith.constant 0 : index
          %get3A_708 = tpu.vector_load %arg7[%get3A_705, %get3A_706, %get3A_707] {strides = array<i32>} : memref<2x1664x16xf32, #tpu.memory_space<vmem>>, vector<16xf32>,
          %add3A_709 = arith.addf %add3A_700, %get3A_708 : vector<16xf32>
          %mul3A_710 = arith.mulf %get3A_708, %get3A_708 : vector<16xf32>
          %add3A_711 = arith.addf %add3A_702, %mul3A_710 : vector<16xf32>
          %add3A_712 = arith.constant 25 : i32
          %add3A_713 = arith.addi %mul3A_491, %add3A_712 : i32
          %get3A_714 = arith.index_cast %rem3A_305 : i32 to index
          %get3A_715 = arith.index_cast %add3A_713 : i32 to index
          %get3A_716 = arith.constant 0 : index
          %get3A_717 = tpu.vector_load %arg7[%get3A_714, %get3A_715, %get3A_716] {strides = array<i32>} : memref<2x1664x16xf32, #tpu.memory_space<vmem>>, vector<16xf32>,
          %add3A_718 = arith.addf %add3A_709, %get3A_717 : vector<16xf32>
          %mul3A_719 = arith.mulf %get3A_717, %get3A_717 : vector<16xf32>
          %add3A_720 = arith.addf %add3A_711, %mul3A_719 : vector<16xf32>
          %get3A_721 = arith.index_cast %rem3A_305 : i32 to index
          %get3A_722 = arith.index_cast %mul3A_491 : i32 to index
          %get3A_723 = tpu.vector_load %arg8[%get3A_721, %get3A_722] {strides = array<i32>} : memref<2x1696xf32, #tpu.memory_space<vmem>>, vector<16xf32>,
          %add3A_724 = arith.constant 16 : i32
          %add3A_725 = arith.addi %mul3A_491, %add3A_724 : i32
          %get3A_726 = arith.index_cast %rem3A_305 : i32 to index
          %get3A_727 = arith.index_cast %add3A_725 : i32 to index
          %get3A_728 = tpu.vector_load %arg8[%get3A_726, %get3A_727] {strides = array<i32>} : memref<2x1696xf32, #tpu.memory_space<vmem>>, vector<16xf32>,
          %jit3A = arith.constant 0.000000e+00 : f32
          %broadcast_in_dim3A = vector.broadcast %jit3A : f32 to vector<16xf32>
          %select_n3A = arith.select %lt3A_4, %get3A_728, %broadcast_in_dim3A : vector<16xi1>, vector<16xf32>
          %mul3A_729 = arith.mulf %add3A_718, %add3A_718 : vector<16xf32>
          %sub3A = arith.subf %mul3A_729, %add3A_720 : vector<16xf32>
          %mul3A_730 = arith.constant 5.000000e-01 : f32
          %mul3A_731 = vector.broadcast %mul3A_730 : f32 to vector<16xf32>
          %mul3A_732 = arith.mulf %mul3A_731, %sub3A : vector<16xf32>
          %add3A_733 = arith.addf %mul3A_732, %get3A_723 : vector<16xf32>
          %add3A_734 = arith.addf %add3A_733, %select_n3A : vector<16xf32>
          %mul3A_735 = arith.constant 16 : i32
          %mul3A_736 = arith.muli %scan3A_486, %mul3A_735 : i32
          %swap3A_737 = arith.index_cast %mul3A_736 : i32 to index
          %swap3A_738 = tpu.vector_load %arg10[%swap3A_737] {strides = array<i32>} : memref<256xf32, #tpu.memory_space<vmem>>, vector<16xf32>,
          tpu.vector_store %arg10[%swap3A_737], %add3A_734 {strides = array<i32>} : memref<256xf32, #tpu.memory_space<vmem>>, vector<16xf32>,
        }
        %scan3A_356 = arith.constant 16 : i32
        %mul3A_357 = arith.constant 16 : i32
        %mul3A_358 = vector.broadcast %mul3A_357 : i32 to vector<16xi32>
        %mul3A_359 = arith.muli %iota3A, %mul3A_358 : vector<16xi32>
        %gather3A = tpu.vector_load_idx %arg10[%mul3A_359] : memref<256xf32, #tpu.memory_space<vmem>>[vector<16xi32>], vector<16xf32>,
        %mul3A_360 = arith.constant 16 : i32
        %mul3A_361 = vector.broadcast %mul3A_360 : i32 to vector<16xi32>
        %mul3A_362 = arith.muli %iota3A, %mul3A_361 : vector<16xi32>
        %add3A_363 = arith.constant 1 : i32
        %add3A_364 = vector.broadcast %add3A_363 : i32 to vector<16xi32>
        %add3A_365 = arith.addi %mul3A_362, %add3A_364 : vector<16xi32>
        %gather3A_366 = tpu.vector_load_idx %arg10[%add3A_365] : memref<256xf32, #tpu.memory_space<vmem>>[vector<16xi32>], vector<16xf32>,
        %add3A_367 = arith.addf %gather3A, %gather3A_366 : vector<16xf32>
        %mul3A_368 = arith.constant 16 : i32
        %mul3A_369 = vector.broadcast %mul3A_368 : i32 to vector<16xi32>
        %mul3A_370 = arith.muli %iota3A, %mul3A_369 : vector<16xi32>
        %add3A_371 = arith.constant 2 : i32
        %add3A_372 = vector.broadcast %add3A_371 : i32 to vector<16xi32>
        %add3A_373 = arith.addi %mul3A_370, %add3A_372 : vector<16xi32>
        %gather3A_374 = tpu.vector_load_idx %arg10[%add3A_373] : memref<256xf32, #tpu.memory_space<vmem>>[vector<16xi32>], vector<16xf32>,
        %add3A_375 = arith.addf %add3A_367, %gather3A_374 : vector<16xf32>
        %mul3A_376 = arith.constant 16 : i32
        %mul3A_377 = vector.broadcast %mul3A_376 : i32 to vector<16xi32>
        %mul3A_378 = arith.muli %iota3A, %mul3A_377 : vector<16xi32>
        %add3A_379 = arith.constant 3 : i32
        %add3A_380 = vector.broadcast %add3A_379 : i32 to vector<16xi32>
        %add3A_381 = arith.addi %mul3A_378, %add3A_380 : vector<16xi32>
        %gather3A_382 = tpu.vector_load_idx %arg10[%add3A_381] : memref<256xf32, #tpu.memory_space<vmem>>[vector<16xi32>], vector<16xf32>,
        %add3A_383 = arith.addf %add3A_375, %gather3A_382 : vector<16xf32>
        %mul3A_384 = arith.constant 16 : i32
        %mul3A_385 = vector.broadcast %mul3A_384 : i32 to vector<16xi32>
        %mul3A_386 = arith.muli %iota3A, %mul3A_385 : vector<16xi32>
        %add3A_387 = arith.constant 4 : i32
        %add3A_388 = vector.broadcast %add3A_387 : i32 to vector<16xi32>
        %add3A_389 = arith.addi %mul3A_386, %add3A_388 : vector<16xi32>
        %gather3A_390 = tpu.vector_load_idx %arg10[%add3A_389] : memref<256xf32, #tpu.memory_space<vmem>>[vector<16xi32>], vector<16xf32>,
        %add3A_391 = arith.addf %add3A_383, %gather3A_390 : vector<16xf32>
        %mul3A_392 = arith.constant 16 : i32
        %mul3A_393 = vector.broadcast %mul3A_392 : i32 to vector<16xi32>
        %mul3A_394 = arith.muli %iota3A, %mul3A_393 : vector<16xi32>
        %add3A_395 = arith.constant 5 : i32
        %add3A_396 = vector.broadcast %add3A_395 : i32 to vector<16xi32>
        %add3A_397 = arith.addi %mul3A_394, %add3A_396 : vector<16xi32>
        %gather3A_398 = tpu.vector_load_idx %arg10[%add3A_397] : memref<256xf32, #tpu.memory_space<vmem>>[vector<16xi32>], vector<16xf32>,
        %add3A_399 = arith.addf %add3A_391, %gather3A_398 : vector<16xf32>
        %mul3A_400 = arith.constant 16 : i32
        %mul3A_401 = vector.broadcast %mul3A_400 : i32 to vector<16xi32>
        %mul3A_402 = arith.muli %iota3A, %mul3A_401 : vector<16xi32>
        %add3A_403 = arith.constant 6 : i32
        %add3A_404 = vector.broadcast %add3A_403 : i32 to vector<16xi32>
        %add3A_405 = arith.addi %mul3A_402, %add3A_404 : vector<16xi32>
        %gather3A_406 = tpu.vector_load_idx %arg10[%add3A_405] : memref<256xf32, #tpu.memory_space<vmem>>[vector<16xi32>], vector<16xf32>,
        %add3A_407 = arith.addf %add3A_399, %gather3A_406 : vector<16xf32>
        %mul3A_408 = arith.constant 16 : i32
        %mul3A_409 = vector.broadcast %mul3A_408 : i32 to vector<16xi32>
        %mul3A_410 = arith.muli %iota3A, %mul3A_409 : vector<16xi32>
        %add3A_411 = arith.constant 7 : i32
        %add3A_412 = vector.broadcast %add3A_411 : i32 to vector<16xi32>
        %add3A_413 = arith.addi %mul3A_410, %add3A_412 : vector<16xi32>
        %gather3A_414 = tpu.vector_load_idx %arg10[%add3A_413] : memref<256xf32, #tpu.memory_space<vmem>>[vector<16xi32>], vector<16xf32>,
        %add3A_415 = arith.addf %add3A_407, %gather3A_414 : vector<16xf32>
        %mul3A_416 = arith.constant 16 : i32
        %mul3A_417 = vector.broadcast %mul3A_416 : i32 to vector<16xi32>
        %mul3A_418 = arith.muli %iota3A, %mul3A_417 : vector<16xi32>
        %add3A_419 = arith.constant 8 : i32
        %add3A_420 = vector.broadcast %add3A_419 : i32 to vector<16xi32>
        %add3A_421 = arith.addi %mul3A_418, %add3A_420 : vector<16xi32>
        %gather3A_422 = tpu.vector_load_idx %arg10[%add3A_421] : memref<256xf32, #tpu.memory_space<vmem>>[vector<16xi32>], vector<16xf32>,
        %add3A_423 = arith.addf %add3A_415, %gather3A_422 : vector<16xf32>
        %mul3A_424 = arith.constant 16 : i32
        %mul3A_425 = vector.broadcast %mul3A_424 : i32 to vector<16xi32>
        %mul3A_426 = arith.muli %iota3A, %mul3A_425 : vector<16xi32>
        %add3A_427 = arith.constant 9 : i32
        %add3A_428 = vector.broadcast %add3A_427 : i32 to vector<16xi32>
        %add3A_429 = arith.addi %mul3A_426, %add3A_428 : vector<16xi32>
        %gather3A_430 = tpu.vector_load_idx %arg10[%add3A_429] : memref<256xf32, #tpu.memory_space<vmem>>[vector<16xi32>], vector<16xf32>,
        %add3A_431 = arith.addf %add3A_423, %gather3A_430 : vector<16xf32>
        %mul3A_432 = arith.constant 16 : i32
        %mul3A_433 = vector.broadcast %mul3A_432 : i32 to vector<16xi32>
        %mul3A_434 = arith.muli %iota3A, %mul3A_433 : vector<16xi32>
        %add3A_435 = arith.constant 10 : i32
        %add3A_436 = vector.broadcast %add3A_435 : i32 to vector<16xi32>
        %add3A_437 = arith.addi %mul3A_434, %add3A_436 : vector<16xi32>
        %gather3A_438 = tpu.vector_load_idx %arg10[%add3A_437] : memref<256xf32, #tpu.memory_space<vmem>>[vector<16xi32>], vector<16xf32>,
        %add3A_439 = arith.addf %add3A_431, %gather3A_438 : vector<16xf32>
        %mul3A_440 = arith.constant 16 : i32
        %mul3A_441 = vector.broadcast %mul3A_440 : i32 to vector<16xi32>
        %mul3A_442 = arith.muli %iota3A, %mul3A_441 : vector<16xi32>
        %add3A_443 = arith.constant 11 : i32
        %add3A_444 = vector.broadcast %add3A_443 : i32 to vector<16xi32>
        %add3A_445 = arith.addi %mul3A_442, %add3A_444 : vector<16xi32>
        %gather3A_446 = tpu.vector_load_idx %arg10[%add3A_445] : memref<256xf32, #tpu.memory_space<vmem>>[vector<16xi32>], vector<16xf32>,
        %add3A_447 = arith.addf %add3A_439, %gather3A_446 : vector<16xf32>
        %mul3A_448 = arith.constant 16 : i32
        %mul3A_449 = vector.broadcast %mul3A_448 : i32 to vector<16xi32>
        %mul3A_450 = arith.muli %iota3A, %mul3A_449 : vector<16xi32>
        %add3A_451 = arith.constant 12 : i32
        %add3A_452 = vector.broadcast %add3A_451 : i32 to vector<16xi32>
        %add3A_453 = arith.addi %mul3A_450, %add3A_452 : vector<16xi32>
        %gather3A_454 = tpu.vector_load_idx %arg10[%add3A_453] : memref<256xf32, #tpu.memory_space<vmem>>[vector<16xi32>], vector<16xf32>,
        %add3A_455 = arith.addf %add3A_447, %gather3A_454 : vector<16xf32>
        %mul3A_456 = arith.constant 16 : i32
        %mul3A_457 = vector.broadcast %mul3A_456 : i32 to vector<16xi32>
        %mul3A_458 = arith.muli %iota3A, %mul3A_457 : vector<16xi32>
        %add3A_459 = arith.constant 13 : i32
        %add3A_460 = vector.broadcast %add3A_459 : i32 to vector<16xi32>
        %add3A_461 = arith.addi %mul3A_458, %add3A_460 : vector<16xi32>
        %gather3A_462 = tpu.vector_load_idx %arg10[%add3A_461] : memref<256xf32, #tpu.memory_space<vmem>>[vector<16xi32>], vector<16xf32>,
        %add3A_463 = arith.addf %add3A_455, %gather3A_462 : vector<16xf32>
        %mul3A_464 = arith.constant 16 : i32
        %mul3A_465 = vector.broadcast %mul3A_464 : i32 to vector<16xi32>
        %mul3A_466 = arith.muli %iota3A, %mul3A_465 : vector<16xi32>
        %add3A_467 = arith.constant 14 : i32
        %add3A_468 = vector.broadcast %add3A_467 : i32 to vector<16xi32>
        %add3A_469 = arith.addi %mul3A_466, %add3A_468 : vector<16xi32>
        %gather3A_470 = tpu.vector_load_idx %arg10[%add3A_469] : memref<256xf32, #tpu.memory_space<vmem>>[vector<16xi32>], vector<16xf32>,
        %add3A_471 = arith.addf %add3A_463, %gather3A_470 : vector<16xf32>
        %mul3A_472 = arith.constant 16 : i32
        %mul3A_473 = vector.broadcast %mul3A_472 : i32 to vector<16xi32>
        %mul3A_474 = arith.muli %iota3A, %mul3A_473 : vector<16xi32>
        %add3A_475 = arith.constant 15 : i32
        %add3A_476 = vector.broadcast %add3A_475 : i32 to vector<16xi32>
        %add3A_477 = arith.addi %mul3A_474, %add3A_476 : vector<16xi32>
        %gather3A_478 = tpu.vector_load_idx %arg10[%add3A_477] : memref<256xf32, #tpu.memory_space<vmem>>[vector<16xi32>], vector<16xf32>,
        %add3A_479 = arith.addf %add3A_471, %gather3A_478 : vector<16xf32>
        %mul3A_480 = arith.constant 64 : i32
        %mul3A_481 = arith.muli %scan3A_304, %mul3A_480 : i32
        %mul3A_482 = arith.constant 16 : i32
        %mul3A_483 = arith.muli %scan3A_350, %mul3A_482 : i32
        %add3A_484 = arith.addi %mul3A_481, %mul3A_483 : i32
        %swap3A = arith.index_cast %add3A_484 : i32 to index
        %swap3A_485 = tpu.vector_load %arg9[%swap3A] {strides = array<i32>} : memref<512xf32, #tpu.memory_space<vmem>>, vector<16xf32>,
        tpu.vector_store %arg9[%swap3A], %add3A_479 {strides = array<i32>} : memref<512xf32, #tpu.memory_space<vmem>>, vector<16xf32>,
      }
      %scan3A_349 = arith.constant 4 : i32
    }
    %scan3A_303 = arith.constant 8 : i32
    "tpu.region"() ({
      %run_scoped3A_304 = tpu.sem_alloc : memref<!tpu.dma_semaphore, #tpu.memory_space<semaphore_mem>>
      %dma_start3A_305 = tpu.memref_slice %arg5[%mul3A_2] : memref<16384xf32, #tpu.memory_space<hbm>> -> memref<512xf32, #tpu.memory_space<hbm>>
      %dma_start3A_306 = tpu.memref_slice %arg5[%mul3A_2] : memref<16384xf32, #tpu.memory_space<hbm>> -> memref<512xf32, #tpu.memory_space<hbm>>
      tpu.enqueue_dma source(%arg9 : memref<512xf32, #tpu.memory_space<vmem>>) target(%dma_start3A_306 : memref<512xf32, #tpu.memory_space<hbm>>) target_semaphore(%run_scoped3A_304 : memref<!tpu.dma_semaphore, #tpu.memory_space<semaphore_mem>>)
      %dma_wait3A = tpu.memref_slice %arg5[%mul3A_2] : memref<16384xf32, #tpu.memory_space<hbm>> -> memref<512xf32, #tpu.memory_space<hbm>>
      %dma_wait3A_307 = tpu.memref_slice %arg5[%mul3A_2] : memref<16384xf32, #tpu.memory_space<hbm>> -> memref<512xf32, #tpu.memory_space<hbm>>
      tpu.wait_dma2 semaphore(%run_scoped3A_304 : memref<!tpu.dma_semaphore, #tpu.memory_space<semaphore_mem>>) src(%arg9 : memref<512xf32, #tpu.memory_space<vmem>>) dst(%dma_wait3A_307 : memref<512xf32, #tpu.memory_space<hbm>>)
      tpu.yield
    }) : () -> ()
    return
  }
}

</mosaic_0001>

<sc_bundles>
// kernel: kernel.4.cloned.1.call-start
scs
__scs_entry_jumppad:
0x0: {  	(pc) =	sbr.rel $0x88, $3  }
0x1: {  	(tag) =	ssettag $0x0;
	lr =	simm.s32 $0x1  }
0x2: {  	[smem:$0x3F9E] =	sst lr;
	_ =	strace $0xD0000000  }
0x3: {  	_ = 	snop  }
0x4: {  	_ = 	snop  }
0x5: {  	_ = 	snop  }
0x6: {  	_ = 	snop  }
0x7: {  	_ = 	snop  }
__scs_overlays_trampoline_lowered:
0x8: {  	[smem:$0x3FAD] =	sst s0  }
0x9: {  	[smem:$0x3FAE] =	sst s1  }
0xa: {  	[smem:$0x3FAF] =	sst s2  }
0xb: {  	[smem:$0x3FB0] =	sst s3  }
0xc: {  	[smem:$0x3FB1] =	sst s4  }
0xd: {  	[smem:$0x3FB2] =	sst s5  }
0xe: {  	[smem:$0x3FB3] =	sst s6  }
0xf: {  	[smem:$0x3FB4] =	sst s7  }
0x10: {  	[smem:$0x3FB5] =	sst s8  }
0x11: {  	[smem:$0x3FB6] =	sst s9;
	s0 =	simm.s32 @!p0 $0x0  }
0x12: {  	s1 =	sld [smem:$0x3F9C];
	s0 =	simm.s32 @p0 $0x1  }
0x13: {  	[smem:$0x3FB7] =	sst s0;
	s0 =	simm.s32 @!p1 $0x0  }
0x14: {  	s2 =	sld [smem:$0x3F9B];
	s0 =	simm.s32 @p1 $0x1  }
0x15: {  	[smem:$0x3FB8] =	sst s0;
	s0 =	simm.s32 @!p2 $0x0  }
0x16: {  	s3 =	sld [smem:$0x3FDB];
	s0 =	simm.s32 @p2 $0x1  }
0x17: {  	s4 =	simm.s32 $0x1BF5;
	[smem:$0x3FBA] =	sst s0  }
0x18: {  	s0 =	sld [smem:$0x3F9D];
	_ =	swait.ge [sflag:s4], $0x0  }
0x19: {  	s7 =	sld [smem:$0x3F9E]  }
0x1a: {  	s8 =	sadd.s32 $0xFFFFE003, lr  }
0x1b: {  	s9 =	sadd.s32 $0xFFFFFEF7, lr;
	s5 =	simm.s32 $0xFFFFFFFF;
	p2 =	slt.u32 s8, $0xFFFFF086  }
0x1c: {  	p1 =	slt.u32 s9, $0xF7A;
	s5 =	simm.s32 @!p2 $0x0  }
0x1d: {  	s5 =	simm.s32 @p1 $0x1;
	p0 =	seq.s32 s7, s2  }
0x1e: {  	s7 =	smul.u32 @!p0 $0xF7A, s2;
	p2 =	seq.s32 @!p0 s5, $0x0  }
0x1f: {  	s9 =	smul.u32 $0xF7A, s1;
	s8 =	simm.s32 @!p0 $0x1BF5;
	p2 =	por !p2, p0  }
0x20: {  	[sflag:s8] =	ssyncset.s32 @!p0 $0xFFFFF086;
	s6 =	sadd.s32 @!p0 s3, s7;
	s7 =	simm.s32 @!p0 $0x108  }
0x21: {  	s3 =	sadd.s32 s3, s9;
	s6 =	sadd.s32 @!p0 $0x88, s6;
	s7 =	simm.s32 @p2 $0x1082  }
0x22: {  	[simem:s7], [sflag:s8] =	dma.local @!p0 [hbm:s6], $0xF7A  }
0x23: {  	s9 =	sor.u32 $0xD0000000, s2;
	s6 =	simm.s32 $0x108;
	_ =	swait.ge @!p0 [sflag:s8], $0x0  }
0x24: {  	s3 =	sadd.s32 $0x88, s3;
	s6 =	simm.s32 @!p1 $0x1082;
	[sflag:s4] =	ssyncset.s32 $0xFFFFF086  }
0x25: {  	[simem:s6], [sflag:s4] =	dma.local [hbm:s3], $0xF7A  }
0x26: {  	[smem:$0x3F9E] =	sst s1;
	(tag) =	ssettag s2;
	_ =	strace s9  }
0x27: {  	s1 =	sld [smem:$0x3FAE]  }
0x28: {  	s2 =	sld [smem:$0x3FAF]  }
0x29: {  	s4 =	sld [smem:$0x3FB1]  }
0x2a: {  	p0 =	seq.s32 s5, $0x0;
	s5 =	sld [smem:$0x3FB2]  }
0x2b: {  	s6 =	sld [smem:$0x3FB3]  }
0x2c: {  	s7 =	sld [smem:$0x3FB4]  }
0x2d: {  	s3 =	simm.s32 $0x108;
	s8 =	sld [smem:$0x3FB5]  }
0x2e: {  	s3 =	simm.s32 @!p0 $0x1082;
	s9 =	sld [smem:$0x3FB6]  }
0x2f: {  	lr =	sadd.s32 s0, s3;
	s0 =	sld [smem:$0x3FAD]  }
0x30: {  	s3 =	sld [smem:$0x3FB0]  }
0x31: {  	[smem:$0x3FB9] =	sst s10  }
0x32: {  	s10 =	sld [smem:$0x3FB7];
	_ =	sdelay $0x3  }
0x33: {  	p0 =	seq.s32 s10, $0x1;
	s10 =	sld [smem:$0x3FB9];
	_ =	sdelay $0x3  }
0x34: {  	[smem:$0x3FB9] =	sst s10  }
0x35: {  	s10 =	sld [smem:$0x3FB8];
	_ =	sdelay $0x3  }
0x36: {  	p1 =	seq.s32 s10, $0x1;
	s10 =	sld [smem:$0x3FB9];
	_ =	sdelay $0x3  }
0x37: {  	[smem:$0x3FB9] =	sst s10  }
0x38: {  	s10 =	sld [smem:$0x3FBA]  }
0x39: {  	_ = 	snop;
	(pc) =	sbr.ind lr, $3  }
0x3a: {  	_ = 	snop  }
0x3b: {  	_ = 	snop  }
0x3c: {  	p2 =	seq.s32 s10, $0x1;
	s10 =	sld [smem:$0x3FB9]  }
0x3d: {  	_ =	shalt  }
0x3e: {  	_ =	shalt  }
0x3f: {  	_ =	shalt  }
0x40: {  	_ =	shalt  }
0x41: {  	_ =	shalt  }
0x42: {  	_ =	shalt  }
0x43: {  	_ =	shalt  }
0x44: {  	_ =	shalt  }
0x45: {  	_ =	shalt  }
0x46: {  	_ =	shalt  }
0x47: {  	_ =	shalt  }
0x48: {  	_ =	shalt  }
0x49: {  	_ =	shalt  }
0x4a: {  	_ =	shalt  }
0x4b: {  	_ =	shalt  }
0x4c: {  	_ =	shalt  }
0x4d: {  	_ =	shalt  }
0x4e: {  	_ =	shalt  }
0x4f: {  	_ =	shalt  }
0x50: {  	_ =	shalt  }
0x51: {  	_ =	shalt  }
0x52: {  	_ =	shalt  }
0x53: {  	_ =	shalt  }
0x54: {  	_ =	shalt  }
0x55: {  	_ =	shalt  }
0x56: {  	_ =	shalt  }
0x57: {  	_ =	shalt  }
0x58: {  	_ =	shalt  }
0x59: {  	_ =	shalt  }
0x5a: {  	_ =	shalt  }
0x5b: {  	_ =	shalt  }
0x5c: {  	_ =	shalt  }
0x5d: {  	_ =	shalt  }
0x5e: {  	_ =	shalt  }
0x5f: {  	_ =	shalt  }
0x60: {  	_ =	shalt  }
0x61: {  	_ =	shalt  }
0x62: {  	_ =	shalt  }
0x63: {  	_ =	shalt  }
0x64: {  	_ =	shalt  }
0x65: {  	_ =	shalt  }
0x66: {  	_ =	shalt  }
0x67: {  	_ =	shalt  }
0x68: {  	_ =	shalt  }
0x69: {  	_ =	shalt  }
0x6a: {  	_ =	shalt  }
0x6b: {  	_ =	shalt  }
0x6c: {  	_ =	shalt  }
0x6d: {  	_ =	shalt  }
0x6e: {  	_ =	shalt  }
0x6f: {  	_ =	shalt  }
0x70: {  	_ =	shalt  }
0x71: {  	_ =	shalt  }
0x72: {  	_ =	shalt  }
0x73: {  	_ =	shalt  }
0x74: {  	_ =	shalt  }
0x75: {  	_ =	shalt  }
0x76: {  	_ =	shalt  }
0x77: {  	_ =	shalt  }
0x78: {  	_ =	shalt  }
0x79: {  	_ =	shalt  }
0x7a: {  	_ =	shalt  }
0x7b: {  	_ =	shalt  }
0x7c: {  	_ =	shalt  }
0x7d: {  	_ =	shalt  }
0x7e: {  	_ =	shalt  }
0x7f: {  	_ =	shalt  }
0x80: {  	_ =	shalt  }
0x81: {  	_ =	shalt  }
0x82: {  	_ =	shalt  }
0x83: {  	_ =	shalt  }
0x84: {  	_ =	shalt  }
0x85: {  	_ =	shalt  }
0x86: {  	_ =	shalt  }
0x87: {  	_ =	shalt  }
.Lfunc_end0:
.L_simem_size_0:
called_computation_lowered:
.L_overlay_start_0:
0x88: {  	s2 =	sld [smem:$0x3FD9]  }
0x89: {  	s3 =	sld [smem:$0x3FFE];
	_ =	sdelay $0x1  }
0x8a: {  	s1 =	srdreg.scid  }
0x8b: {  	s0 =	sand.u32 $0x1, s1  }
0x8c: {  	s17 =	sshll.u32 s0, $0xA;
	s2 =	sadd.s32 s3, s2  }
0x8d: {  	s2 =	sadd.s32 s2, s17  }
0x8e: {  	[smem:$0x3FC5] =	sst s2  }
0x8f: {  	_ = 	snop  }
0x90: {  	s2 =	sld [smem:$0x3FC8];
	(tm) =	ssettm $0x1  }
0x91: {  	s18 =	sld [smem:$0x3FFB];
	_ =	sdelay $0x3  }
0x92: {  	_ =	strace s18  }
0x93: {  	s3 =	sld [smem:$0x3FFC];
	_ =	sdelay $0x3  }
0x94: {  	_ =	strace s3  }
0x95: {  	s3 =	sld [smem:$0x3FFD];
	_ =	sdelay $0x3  }
0x96: {  	_ =	strace s3  }
0x97: {  	_ =	strace $0x8FFFFFFF  }
0x98: {  	s19 =	sld [smem:$0x3FDB];
	_ =	sdelay $0x1  }
0x99: {  	s4 =	simm.s32 $_scs_section_size  }
0x9a: {  	s5 =	simm.s32 $_size__tile_overlayer_lowered;
	s6 =	simm.s32 $_tile_overlayer_lowered  }
0x9b: {  	s22 =	simm.s32 $0x1BFF;
	s21 =	sshll.u32 s6, $0x1;
	s3 =	sadd.s32 s4, s19  }
0x9c: {  	s7 =	simm.s32 $0x0;
	s20 =	sshll.u32 s5, $0x1;
	s5 =	sadd.s32 s21, s3  }
0x9d: {  	[timem:s7], [sflag:s22] =	dma.local [hbm:s5], s20  }
0x9e: {  	_ =	swait.ge [sflag:s22], s20  }
0x9f: {  	s4 =	ssub.s32 $0x0, s20;
	[sflag:s22] =	ssyncset.done $0x0  }
0xa0: {  	[sflag:s22] =	ssyncadd.s32 s4;
	_ =	sdelay $0x1  }
0xa1: {  	s23 =	simm.s32 $0x1B8B  }
0xa2: {  	_ =	swait.ge [sflag:s23], $0x1  }
0xa3: {  	[sflag:s23] =	ssyncset.done $0x0  }
0xa4: {  	s25 =	simm.s32 $0x1B8E;
	s24 =	sld [smem:$0x3FFE];
	[sflag:s23] =	ssyncadd.s32 $0xFFFFFFFF  }
0xa5: {  	s26 =	simm.s32 $execute0_lowered;
	[smem:$0x3FD2] =	sst s25  }
0xa6: {  	s5 =	sshll.u32 s26, $0x1;
	_ =	strace $0x80000046;
	[dreg:$0x1] =	wrdreg $0xFFFFFFFF  }
0xa7: {  	s28 =	simm.s32 $_size_execute0_lowered;
	s3 =	sadd.s32 s3, s5;
	[dreg:$0x0] =	wrdreg $0x0  }
0xa8: {  	s5 =	sshll.u32 s28, $0x1;
	[dreg:$0x2] =	wrdreg s3  }
0xa9: {  	[dreg:$0x3] =	wrdreg s5  }
0xaa: {  	[dreg:$0x4] =	wrdreg $0xC0  }
0xab: {  	_ =	task [dreg:s7], $0x5FFFF  }
0xac: {  	[dreg:$0x1] =	wrdreg $0xFFFFFFFF  }
0xad: {  	[dreg:$0x0] =	wrdreg $0x60  }
0xae: {  	[dreg:$0x2] =	wrdreg s2  }
0xaf: {  	[dreg:$0x3] =	wrdreg s24  }
0xb0: {  	[dreg:$0x4] =	wrdreg $0x9  }
0xb1: {  	_ =	task.clear_ibuf [dreg:s7], $0x5FFFF;
	_ =	strace $0x90000046  }
0xb2: {  	s29 =	simm.s32 $0x9;
	_ =	strace $0x80000048  }
0xb3: {  	_ =	swait.ge [sflag:s29], $0x1  }
0xb4: {  	[sflag:s29] =	ssyncadd.s32 $0xFFFFFFFF  }
0xb5: {  	_ =	strace $0x90000048  }
0xb6: {  	_ =	sfence  }
0xb7: {  	s30 =	sld [smem:$0x0];
	_ =	sdelay $0x2  }
0xb8: {  	s31 =	sshll.u32 s1, $0xD;
	s1 =	sshrl.u32 s1, $0x2  }
0xb9: {  	s3 =	sand.u32 $0x4000, s31;
	s1 =	sadd.s32 s1, s30  }
0xba: {  	s0 =	sor.u32 s3, s0;
	s1 =	sshll.u32 s1, $0x11  }
0xbb: {  	s0 =	sor.u32 s1, s0  }
0xbc: {  	s0 =	sadd.s32 $0x8F2B, s0  }
0xbd: {  	[sflag:s0] =	ssyncadd.remote.s32 $0x1  }
0xbe: {  	_ =	sfence.sel $0xFFFF  }
0xbf: {  	[dreg:$0x0] =	wrdreg $0xFFFFFFFF;
	(pc) =	sbr.abs _section_cstart, $3  }
0xc0: {  	[dreg:$0x1] =	wrdreg $0xFFFFFFFF  }
0xc1: {  	_ =	task.clear_ibuf [dreg:s7], $0x2FFFF;
	_ =	strace $0x9FFFFFFF  }
0xc2: {  	(tm) =	ssettm $0x7FFFFFFF  }
0xc3: {  	_ =	shalt  }
tec
execute0_lowered:
.L_overlay_start_1:
0x0: {  	(tag) =	ssettag $0x1  }
0x1: {  	v0 =	vimm.s32 $0xFEDCBA98  }
0x2: {  	v1 =	vimm.s32 $0x76543210;
	v2 =	vimm.s32 $0xBA98FEDC;
	v3 =	vimm.s32 $0x32107654  }
0x3: {  	vm0 =	vcmask $0x2F20;
	vm1 =	vcmask $0xF00;
	vm2 =	vcmask $0x700  }
0x4: {  	vm3 =	vcmask $0xB08;
	vm4 =	vcmask $0x300;
	v4 =	vimm.s32 $0xEFCDAB89  }
0x5: {  	v5 =	vimm.s32 $0x67452301;
	v0 =	vunpack.c.l.s4.s8 v0;
	v1 =	vunpack.c.l.s4.s8 v1  }
0x6: {  	s7 =	rddreg [dreg:$0x0];
	v2 =	vunpack.c.l.s4.s8 v2;
	v3 =	vunpack.c.l.s4.s8 v3;
	vm0 =	vmor vm1, vm0  }
0x7: {  	s4 =	rddreg [dreg:$0x1];
	vm1 =	vcmask $0x1710;
	vm3 =	vmor vm4, vm3;
	vm4 =	vcmask $0x1310  }
0x8: {  	s0 =	rddreg [dreg:$0x2];
	v4 =	vunpack.c.l.s4.s8 v4;
	v5 =	vunpack.c.l.s4.s8 v5;
	v0 =	vunpack.c.0.s8.s32 v0  }
0x9: {  	s2 =	simm.s32 $0x0;
	s1 =	stileid.u32;
	s3 =	srdreg.scid;
	vm3 =	vmor vm3, vm4;
	vm4 =	vcmask $0x1B18;
	v1 =	vunpack.c.0.s8.s32 v1  }
0xa: {  	s13 =	simm.s32 $0x800;
	s14 =	simm.s32 $0x1000;
	s15 =	simm.s32 $0x1800;
	vm3 =	vmor vm3, vm4;
	vm4 =	vcmask $0x2320;
	v0 =	vand.u32 $0xF, v0  }
0xb: {  	s16 =	simm.s32 $0x1;
	s17 =	simm.s32 $0x2;
	s18 =	simm.s32 $0x0;
	v0 =	vcombine.low v0, v1;
	v1 =	vunpack.c.0.s8.s32 v2;
	v2 =	vunpack.c.0.s8.s32 v3  }
0xc: {  	[smem:$0x7FF] =	sst s2;
	s8 =	sand.u32 $0x1, s3;
	s5 =	sshll.u32 s1, $0x9;
	vm1 =	vmor vm2, vm1;
	vm2 =	vcmask $0x2720;
	vm3 =	vmor vm3, vm4  }
0xd: {  	s28 =	sshll.u32 s1, $0x1;
	s11 =	sshll.u32 s1, $0x8;
	_ =	strace $0x80000047;
	v3 =	vimm.s32 $0x54761032;
	v1 =	vcombine.low v2, v1;
	v2 =	vimm.s32 $0xDCFE98BA  }
0xe: {  	s3 =	sor.u32 s8, s28;
	s6 =	ssub.s32 $0x2, s8;
	s10 =	sadd.s32 s5, s4;
	vm4 =	vcmask $0x2B28;
	v3 =	vunpack.c.l.s4.s8 v3;
	v2 =	vunpack.c.l.s4.s8 v2  }
0xf: {  	s11 =	sadd.s32 s11, s7;
	s12 =	sshll.u32 s8, $0x7;
	s31 =	sshll.u32 s8, $0x8;
	v4 =	vunpack.c.0.s8.s32 v4;
	v5 =	vunpack.c.0.s8.s32 v5;
	vm3 =	vmor vm3, vm4  }
.Ltmp0:
0x10: {  	s9 =	sshll.u32 s3, $0x7;
	s29 =	sshrl.u32 s6, $0x1;
	vm4 =	vcmask $0x3330;
	v3 =	vunpack.c.0.s8.s32 v3;
	v2 =	vunpack.c.0.s8.s32 v2;
	(pc) =	sbr.rel .LBB2_1-.Ltmp0, $4  }
0x11: {  	vm1 =	vmor vm1, vm2;
	vm2 =	vcmask $0x3730;
	s11 =	sadd.s32 s12, s11;
	s10 =	sadd.s32 s31, s10;
	s12 =	simm.s32 $0x7A1400;
	vm3 =	vmor vm3, vm4  }
0x12: {  	s4 =	sadd.s32 s7, s9;
	s30 =	ssub.s32 s6, s29;
	s9 =	sadd.s32 $0x4000, s11;
	vm4 =	vcmask $0x3B38;
	v2 =	vcombine.low v3, v2;
	v3 =	vcombine.low v5, v4  }
0x13: {  	vm1 =	vmor vm1, vm2;
	s10 =	sadd.s32 $0x800, s10;
	s11 =	simm.s32 $0x400;
	vm2 =	vmmov $0xff;
	s5 =	sadd.s32 $0x1000, s4;
	vm3 =	vmor vm3, vm4  }
0x14: {  	s6 =	sadd.s32 $0x2000, s4;
	s7 =	sadd.s32 $0x3000, s4;
	s8 =	smax.u32 s30, $0x1;
	v1 =	vand.u32 $0xF, v1;
	v2 =	vand.u32 $0xF, v2;
	v3 =	vand.u32 $0xF, v3  }
.LBB2_5:
0x15: {  	s18 =	sadd.s32 $0x1, s18  }
0x16: {  	_ =	swait.ge [sflag:s17], $0x800;
	p0 =	sne.s32 s18, s8  }
.Ltmp1:
0x17: {  	[sflag:s17] =	ssyncset.done $0x0;
	(pc) =	sbr.rel @!p0 .LBB2_6-.Ltmp1, $4  }
0x18: {  	[sflag:s17] =	ssyncadd.s32 $0xFFFFF800  }
0x19: {  	_ =	swait.ge [sflag:s17], $0x800  }
0x1a: {  	[sflag:s17] =	ssyncset.done $0x0  }
0x1b: {  	[sflag:s17] =	ssyncadd.s32 $0xFFFFF800  }
.LBB2_1:
0x1c: {  	[tilespmem:s2], [sflag:$0x1] =	stream.strided.gather [hbm4b:s4+s11], $0x800, s12, s11, $0x38;
	[tilespmem:$0x3000] =	vst v63  }
0x1d: {  	_ = 	snop  }
0x1e: {  	[tilespmem:s13], [sflag:$0x1] =	stream.strided.gather [hbm4b:s5+s11], $0x800, s12, s11, $0x38;
	[tilespmem:$0x3000] =	vst v63  }
.Ltmp2:
0x1f: {  	_ = 	snop;
	(pc) =	sbr.rel .LBB2_2-.Ltmp2, $4  }
0x20: {  	s19 =	simm.s32 $0x0;
	s20 =	simm.s32 $0x0;
	s21 =	smov.u32 s3  }
0x21: {  	[tilespmem:s14], [sflag:$0x1] =	stream.strided.gather [hbm4b:s6+s11], $0x800, s12, s11, $0x38;
	[tilespmem:$0x3000] =	vst v63  }
0x22: {  	s22 =	smov.u32 s10;
	s23 =	smov.u32 s9;
	s24 =	simm.s32 $0x0  }
0x23: {  	[tilespmem:s15], [sflag:$0x1] =	stream.strided.gather [hbm4b:s7+s11], $0x800, s12, s11, $0x38;
	[tilespmem:$0x3000] =	vst v63  }
.LBB2_4:
0x24: {  	s24 =	sadd.s32 $0x1, s24  }
0x25: {  	p0 =	sne.s32 s24, $0xF5  }
.Ltmp3:
0x26: {  	_ = 	snop;
	(pc) =	sbr.rel @!p0 .LBB2_5-.Ltmp3, $3  }
0x27: {  	_ =	sdelay $0x1  }
0x28: {  	s23 =	sadd.s32 $0x1000, s23;
	s22 =	sadd.s32 $0x2000, s22  }
0x29: {  	s21 =	sadd.s32 $0x20, s21;
	s20 =	sadd.s32 $0x800, s20;
	s19 =	sadd.s32 $0x80, s19  }
.LBB2_2:
0x2a: {  	p0 =	sgt.u32 s21, $0x1E83  }
.Ltmp4:
0x2b: {  	_ = 	snop;
	(pc) =	sbr.rel @p0 .LBB2_4-.Ltmp4, $1  }
0x2c: {  	_ =	sdelay $0x3  }
0x2d: {  	_ =	swait.ge [sflag:s16], $0x800  }
0x2e: {  	p0 =	slt.u32 s24, $0x2;
	[sflag:s16] =	ssyncset.done $0x0  }
0x2f: {  	s26 =	simm.s32 @!p0 $0x2;
	[sflag:s16] =	ssyncadd.s32 $0xFFFFF800  }
0x30: {  	_ =	swait.ge @!p0 [sflag:s26], $0x800  }
0x31: {  	[sflag:s26] =	ssyncset.done @!p0 $0x0  }
0x32: {  	s25 =	sand.u32 $0x1800, s20;
	[sflag:s26] =	ssyncadd.s32 @!p0 $0xFFFFF800  }
0x33: {  	v4 =	vld [tilespmem:s25+$0x0]  }
0x34: {  	v5 =	vld [tilespmem:s25+$0x80]  }
0x35: {  	v6 =	vld [tilespmem:s25+$0x100]  }
0x36: {  	v7 =	vld [tilespmem:s25+$0x180]  }
0x37: {  	v8 =	vld [tilespmem:s25+$0x200]  }
0x38: {  	v9 =	vld [tilespmem:s25+$0x280]  }
0x39: {  	v10 =	vld [tilespmem:s25+$0x400]  }
0x3a: {  	v11 =	vld [tilespmem:s25+$0x480]  }
0x3b: {  	v12 =	vld [tilespmem:s25+$0x300]  }
0x3c: {  	v13 =	vld [tilespmem:s25+$0x500]  }
0x3d: {  	v14 =	vld [tilespmem:s25+$0x580]  }
0x3e: {  	v15 =	vld [tilespmem:s25+$0x600]  }
0x3f: {  	v17 =	vld [tilespmem:s25+$0x380]  }
0x40: {  	v19 =	vld [tilespmem:s25+$0x680]  }
0x41: {  	v20 =	vld [tilespmem:s25+$0x700]  }
0x42: {  	v21 =	vld [tilespmem:s25+$0x780]  }
0x43: {  	v16 =	vsel vm2, v10, v4  }
0x44: {  	v18 =	vsel vm2, v11, v5;
	v41 =	vsel vm2, v13, v6;
	v22 =	vsel vm2, v14, v7  }
0x45: {  	v43 =	vsel vm2, v15, v8;
	v45 =	vsel vm2, v19, v9;
	v16 =	vperm.xlane v16, v0  }
0x46: {  	v46 =	vsel vm2, v20, v12;
	v18 =	vperm.xlane v18, v0;
	v42 =	vperm.xlane v22, v0  }
0x47: {  	v48 =	vsel vm2, v21, v17;
	v44 =	vperm.xlane v43, v0;
	v47 =	vperm.xlane v46, v0  }
0x48: {  	v49 =	vperm.xlane v48, v0;
	v4 =	vsel vm2, v4, v16;
	v10 =	vsel vm2, v16, v10  }
0x49: {  	v5 =	vsel vm2, v5, v18;
	v16 =	vperm.xlane v41, v0;
	v11 =	vsel vm2, v18, v11  }
0x4a: {  	v7 =	vsel vm2, v7, v42;
	v14 =	vsel vm2, v42, v14;
	v8 =	vsel vm2, v8, v44  }
0x4b: {  	v18 =	vperm.xlane v45, v0;
	v15 =	vsel vm2, v44, v15;
	v17 =	vsel vm2, v17, v49  }
0x4c: {  	v12 =	vsel vm2, v12, v47;
	v50 =	vsel vm0, v8, v4;
	v55 =	vsel vm0, v17, v7  }
0x4d: {  	v56 =	vsel vm0, v15, v10;
	v6 =	vsel vm2, v6, v16;
	v13 =	vsel vm2, v16, v13  }
0x4e: {  	v9 =	vsel vm2, v9, v18;
	v18 =	vsel vm2, v18, v19;
	v16 =	vsel vm2, v47, v20  }
0x4f: {  	v20 =	vperm.xlane v50, v1;
	v19 =	vsel vm2, v49, v21;
	v21 =	vperm.xlane v55, v1  }
0x50: {  	v57 =	vperm.xlane v56, v1;
	v51 =	vsel vm0, v9, v5;
	v53 =	vsel vm0, v12, v6  }
0x51: {  	v58 =	vsel vm0, v18, v11;
	v60 =	vsel vm0, v16, v13;
	v61 =	vsel vm0, v19, v14  }
0x52: {  	v52 =	vperm.xlane v51, v1;
	v4 =	vsel vm0, v4, v20;
	v8 =	vsel vm0, v20, v8  }
0x53: {  	v54 =	vperm.xlane v53, v1;
	v7 =	vsel vm0, v7, v21;
	v17 =	vsel vm0, v21, v17  }
0x54: {  	v59 =	vperm.xlane v58, v1;
	v10 =	vsel vm0, v10, v57;
	v15 =	vsel vm0, v57, v15  }
0x55: {  	v20 =	vperm.xlane v60, v1;
	v62 =	vperm.xlane v61, v1;
	v5 =	vsel vm0, v5, v52  }
0x56: {  	v9 =	vsel vm0, v52, v9;
	v6 =	vsel vm0, v6, v54;
	v12 =	vsel vm0, v54, v12  }
0x57: {  	v11 =	vsel vm0, v11, v59;
	v18 =	vsel vm0, v59, v18;
	v13 =	vsel vm0, v13, v20  }
0x58: {  	v16 =	vsel vm0, v20, v16;
	v14 =	vsel vm0, v14, v62;
	v19 =	vsel vm0, v62, v19  }
0x59: {  	v63 =	vsel vm1, v6, v4;
	v25 =	vsel vm1, v7, v5;
	v26 =	vsel vm1, v12, v8  }
0x5a: {  	v28 =	vsel vm1, v17, v9;
	v30 =	vsel vm1, v13, v10;
	v24 =	vperm.xlane v63, v2  }
0x5b: {  	v32 =	vsel vm1, v14, v11;
	v21 =	vperm.xlane v25, v2;
	v27 =	vperm.xlane v26, v2  }
0x5c: {  	v39 =	vsel vm1, v19, v18;
	v29 =	vperm.xlane v28, v2;
	v20 =	vperm.xlane v30, v2  }
0x5d: {  	v41 =	vperm.xlane v39, v2;
	v4 =	vsel vm1, v4, v24;
	v5 =	vsel vm1, v5, v21  }
0x5e: {  	v6 =	vsel vm1, v24, v6;
	v7 =	vsel vm1, v21, v7;
	v31 =	vsel vm3, v5, v4  }
0x5f: {  	v8 =	vsel vm1, v8, v27;
	v12 =	vsel vm1, v27, v12;
	v22 =	vperm.xlane v31, v3  }
0x60: {  	v9 =	vsel vm1, v9, v29;
	v17 =	vsel vm1, v29, v17;
	v23 =	vsel vm3, v7, v6  }
0x61: {  	s26 =	sand.u32 $0x80, s19;
	v10 =	vsel vm1, v10, v20;
	v33 =	vperm.xlane v23, v3;
	v4 =	vsel vm3, v4, v22  }
0x62: {  	v21 =	vperm.xlane v32, v2;
	v34 =	vsel vm3, v9, v8;
	v5 =	vsel vm3, v22, v5;
	[tilespmem:s26+$0x2000] =	vst v4  }
0x63: {  	v36 =	vsel vm3, v17, v12;
	v35 =	vperm.xlane v34, v3;
	v6 =	vsel vm3, v6, v33;
	[tilespmem:s26+$0x2010] =	vst v5  }
0x64: {  	v11 =	vsel vm1, v11, v21;
	v38 =	vperm.xlane v36, v3;
	v7 =	vsel vm3, v33, v7;
	[tilespmem:s26+$0x2020] =	vst v6  }
0x65: {  	v13 =	vsel vm1, v20, v13;
	v40 =	vsel vm3, v11, v10;
	v37 =	vsel vm3, v8, v35;
	[tilespmem:s26+$0x2030] =	vst v7  }
0x66: {  	v9 =	vsel vm3, v35, v9;
	v42 =	vsel vm3, v12, v38;
	v5 =	vsel vm1, v16, v15;
	[tilespmem:s26+$0x2040] =	vst v37  }
0x67: {  	v43 =	vperm.xlane v40, v3;
	v4 =	vsel vm1, v21, v14;
	[tilespmem:s26+$0x2050] =	vst v9;
	v5 =	vperm.xlane v5, v2  }
0x68: {  	v46 =	vsel vm1, v18, v41;
	v8 =	vsel vm3, v38, v17;
	[tilespmem:s26+$0x2060] =	vst v42;
	v45 =	vsel vm3, v4, v13  }
0x69: {  	[tilespmem:s26+$0x2070] =	vst v8;
	v10 =	vsel vm3, v10, v43;
	v14 =	vperm.xlane v45, v3;
	v44 =	vsel vm1, v15, v5  }
0x6a: {  	v6 =	vsel vm1, v41, v19;
	v47 =	vsel vm3, v43, v11;
	[tilespmem:s26+$0x2100] =	vst v10;
	v48 =	vsel vm3, v46, v44  }
0x6b: {  	[tilespmem:s26+$0x2110] =	vst v47;
	v5 =	vsel vm1, v5, v16;
	v49 =	vsel vm3, v13, v14;
	v11 =	vperm.xlane v48, v3  }
0x6c: {  	v4 =	vsel vm3, v14, v4;
	v50 =	vsel vm3, v6, v5;
	[tilespmem:s26+$0x2120] =	vst v49  }
0x6d: {  	v8 =	vperm.xlane v50, v3;
	[tilespmem:s26+$0x2130] =	vst v4;
	v9 =	vsel vm3, v44, v11  }
0x6e: {  	v4 =	vsel vm3, v11, v46;
	[tilespmem:s26+$0x2140] =	vst v9  }
0x6f: {  	v5 =	vsel vm3, v5, v8;
	[tilespmem:s26+$0x2150] =	vst v4  }
0x70: {  	v4 =	vsel vm3, v8, v6;
	[tilespmem:s26+$0x2160] =	vst v5  }
0x71: {  	[tilespmem:s26+$0x2170] =	vst v4  }
0x72: {  	v4 =	vld [tilespmem:s25+$0x10]  }
0x73: {  	v5 =	vld [tilespmem:s25+$0x90]  }
0x74: {  	v51 =	vld [tilespmem:s25+$0x110]  }
0x75: {  	v52 =	vld [tilespmem:s25+$0x190]  }
0x76: {  	v53 =	vld [tilespmem:s25+$0x210]  }
0x77: {  	v9 =	vld [tilespmem:s25+$0x290]  }
0x78: {  	v10 =	vld [tilespmem:s25+$0x410]  }
0x79: {  	v54 =	vld [tilespmem:s25+$0x490]  }
0x7a: {  	v55 =	vld [tilespmem:s25+$0x310]  }
0x7b: {  	v56 =	vld [tilespmem:s25+$0x510]  }
0x7c: {  	v57 =	vld [tilespmem:s25+$0x590]  }
0x7d: {  	v58 =	vld [tilespmem:s25+$0x610]  }
0x7e: {  	v60 =	vld [tilespmem:s25+$0x390]  }
0x7f: {  	v62 =	vld [tilespmem:s25+$0x690]  }
0x80: {  	v63 =	vld [tilespmem:s25+$0x710]  }
0x81: {  	v25 =	vld [tilespmem:s25+$0x790]  }
0x82: {  	v59 =	vsel vm2, v10, v4  }
0x83: {  	v61 =	vsel vm2, v54, v5;
	v24 =	vsel vm2, v56, v51;
	v26 =	vsel vm2, v57, v52  }
0x84: {  	v28 =	vsel vm2, v58, v53;
	v30 =	vsel vm2, v62, v9;
	v16 =	vperm.xlane v59, v0  }
0x85: {  	v31 =	vsel vm2, v63, v55;
	v18 =	vperm.xlane v61, v0;
	v27 =	vperm.xlane v26, v0  }
0x86: {  	v33 =	vsel vm2, v25, v60;
	v29 =	vperm.xlane v28, v0;
	v32 =	vperm.xlane v31, v0  }
0x87: {  	v34 =	vperm.xlane v33, v0;
	v4 =	vsel vm2, v4, v16;
	v10 =	vsel vm2, v16, v10  }
0x88: {  	v5 =	vsel vm2, v5, v18;
	v16 =	vperm.xlane v24, v0;
	v11 =	vsel vm2, v18, v54  }
0x89: {  	v7 =	vsel vm2, v52, v27;
	v14 =	vsel vm2, v27, v57;
	v8 =	vsel vm2, v53, v29  }
0x8a: {  	v18 =	vperm.xlane v30, v0;
	v15 =	vsel vm2, v29, v58;
	v12 =	vsel vm2, v55, v32  }
0x8b: {  	v17 =	vsel vm2, v60, v34;
	v19 =	vsel vm2, v34, v25;
	v35 =	vsel vm0, v8, v4  }
0x8c: {  	v40 =	vsel vm0, v17, v7;
	v41 =	vsel vm0, v15, v10;
	v46 =	vsel vm0, v19, v14  }
0x8d: {  	v6 =	vsel vm2, v51, v16;
	v13 =	vsel vm2, v16, v56;
	v9 =	vsel vm2, v9, v18  }
0x8e: {  	v18 =	vsel vm2, v18, v62;
	v20 =	vperm.xlane v35, v1;
	v21 =	vperm.xlane v40, v1  }
0x8f: {  	v16 =	vsel vm2, v32, v63;
	v42 =	vperm.xlane v41, v1;
	v47 =	vperm.xlane v46, v1  }
0x90: {  	v36 =	vsel vm0, v9, v5;
	v38 =	vsel vm0, v12, v6;
	v43 =	vsel vm0, v18, v11  }
0x91: {  	v45 =	vsel vm0, v16, v13;
	v37 =	vperm.xlane v36, v1;
	v4 =	vsel vm0, v4, v20  }
0x92: {  	v8 =	vsel vm0, v20, v8;
	v39 =	vperm.xlane v38, v1;
	v7 =	vsel vm0, v7, v21  }
0x93: {  	v17 =	vsel vm0, v21, v17;
	v44 =	vperm.xlane v43, v1;
	v10 =	vsel vm0, v10, v42  }
0x94: {  	v15 =	vsel vm0, v42, v15;
	v20 =	vperm.xlane v45, v1;
	v14 =	vsel vm0, v14, v47  }
0x95: {  	v19 =	vsel vm0, v47, v19;
	v5 =	vsel vm0, v5, v37;
	v9 =	vsel vm0, v37, v9  }
0x96: {  	v6 =	vsel vm0, v6, v39;
	v12 =	vsel vm0, v39, v12;
	v11 =	vsel vm0, v11, v44  }
0x97: {  	v18 =	vsel vm0, v44, v18;
	v13 =	vsel vm0, v13, v20;
	v16 =	vsel vm0, v20, v16  }
0x98: {  	v48 =	vsel vm1, v6, v4;
	v50 =	vsel vm1, v7, v5;
	v51 =	vsel vm1, v12, v8  }
0x99: {  	v53 =	vsel vm1, v17, v9;
	v55 =	vsel vm1, v13, v10;
	v49 =	vperm.xlane v48, v2  }
0x9a: {  	v57 =	vsel vm1, v14, v11;
	v21 =	vperm.xlane v50, v2;
	v52 =	vperm.xlane v51, v2  }
0x9b: {  	v54 =	vperm.xlane v53, v2;
	v20 =	vperm.xlane v55, v2;
	v4 =	vsel vm1, v4, v49  }
0x9c: {  	v6 =	vsel vm1, v49, v6;
	v5 =	vsel vm1, v5, v21;
	v7 =	vsel vm1, v21, v7  }
0x9d: {  	v8 =	vsel vm1, v8, v52;
	v12 =	vsel vm1, v52, v12;
	v56 =	vsel vm3, v5, v4  }
0x9e: {  	v9 =	vsel vm1, v9, v54;
	v17 =	vsel vm1, v54, v17;
	v22 =	vperm.xlane v56, v3  }
0x9f: {  	v10 =	vsel vm1, v10, v20;
	v21 =	vperm.xlane v57, v2;
	v58 =	vsel vm3, v7, v6  }
0xa0: {  	v60 =	vsel vm3, v9, v8;
	v59 =	vperm.xlane v58, v3;
	v4 =	vsel vm3, v4, v22  }
0xa1: {  	v13 =	vsel vm1, v20, v13;
	v61 =	vperm.xlane v60, v3;
	v5 =	vsel vm3, v22, v5;
	[tilespmem:s26+$0x2200] =	vst v4  }
0xa2: {  	v62 =	vsel vm3, v17, v12;
	v11 =	vsel vm1, v11, v21;
	v6 =	vsel vm3, v6, v59;
	[tilespmem:s26+$0x2210] =	vst v5  }
0xa3: {  	v23 =	vsel vm3, v11, v10;
	v7 =	vsel vm3, v59, v7;
	v63 =	vsel vm3, v8, v61;
	[tilespmem:s26+$0x2220] =	vst v6  }
0xa4: {  	v22 =	vsel vm1, v19, v18;
	v9 =	vsel vm3, v61, v9;
	v26 =	vperm.xlane v23, v3;
	[tilespmem:s26+$0x2230] =	vst v7  }
0xa5: {  	v4 =	vsel vm1, v21, v14;
	v5 =	vsel vm1, v16, v15;
	v21 =	vperm.xlane v62, v3;
	[tilespmem:s26+$0x2240] =	vst v63  }
0xa6: {  	v24 =	vperm.xlane v22, v2;
	[tilespmem:s26+$0x2250] =	vst v9;
	v5 =	vperm.xlane v5, v2;
	v10 =	vsel vm3, v10, v26  }
0xa7: {  	v28 =	vsel vm3, v4, v13;
	v30 =	vsel vm3, v26, v11;
	v25 =	vsel vm3, v12, v21;
	[tilespmem:s26+$0x2300] =	vst v10  }
0xa8: {  	v29 =	vsel vm1, v18, v24;
	v14 =	vperm.xlane v28, v3;
	[tilespmem:s26+$0x2310] =	vst v30;
	v27 =	vsel vm1, v15, v5  }
0xa9: {  	v8 =	vsel vm3, v21, v17;
	v6 =	vsel vm1, v24, v19;
	[tilespmem:s26+$0x2260] =	vst v25;
	v31 =	vsel vm3, v29, v27  }
0xaa: {  	[tilespmem:s26+$0x2270] =	vst v8;
	v5 =	vsel vm1, v5, v16;
	v32 =	vsel vm3, v13, v14;
	v11 =	vperm.xlane v31, v3  }
0xab: {  	v4 =	vsel vm3, v14, v4;
	v33 =	vsel vm3, v6, v5;
	[tilespmem:s26+$0x2320] =	vst v32  }
0xac: {  	v8 =	vperm.xlane v33, v3;
	[tilespmem:s26+$0x2330] =	vst v4;
	v9 =	vsel vm3, v27, v11  }
0xad: {  	v4 =	vsel vm3, v11, v29;
	[tilespmem:s26+$0x2340] =	vst v9  }
0xae: {  	v5 =	vsel vm3, v5, v8;
	[tilespmem:s26+$0x2350] =	vst v4  }
0xaf: {  	v4 =	vsel vm3, v8, v6;
	[tilespmem:s26+$0x2360] =	vst v5  }
0xb0: {  	[tilespmem:s26+$0x2370] =	vst v4  }
0xb1: {  	v4 =	vld [tilespmem:s25+$0x20]  }
0xb2: {  	v5 =	vld [tilespmem:s25+$0xA0]  }
0xb3: {  	v34 =	vld [tilespmem:s25+$0x120]  }
0xb4: {  	v35 =	vld [tilespmem:s25+$0x1A0]  }
0xb5: {  	v36 =	vld [tilespmem:s25+$0x220]  }
0xb6: {  	v9 =	vld [tilespmem:s25+$0x2A0]  }
0xb7: {  	v10 =	vld [tilespmem:s25+$0x420]  }
0xb8: {  	v37 =	vld [tilespmem:s25+$0x4A0]  }
0xb9: {  	v38 =	vld [tilespmem:s25+$0x320]  }
0xba: {  	v39 =	vld [tilespmem:s25+$0x520]  }
0xbb: {  	v40 =	vld [tilespmem:s25+$0x5A0]  }
0xbc: {  	v41 =	vld [tilespmem:s25+$0x620]  }
0xbd: {  	v43 =	vld [tilespmem:s25+$0x3A0]  }
0xbe: {  	v45 =	vld [tilespmem:s25+$0x6A0]  }
0xbf: {  	v46 =	vld [tilespmem:s25+$0x720]  }
0xc0: {  	v48 =	vld [tilespmem:s25+$0x7A0]  }
0xc1: {  	v42 =	vsel vm2, v10, v4  }
0xc2: {  	v44 =	vsel vm2, v37, v5;
	v47 =	vsel vm2, v39, v34;
	v49 =	vsel vm2, v40, v35  }
0xc3: {  	v51 =	vsel vm2, v41, v36;
	v53 =	vsel vm2, v45, v9;
	v16 =	vperm.xlane v42, v0  }
0xc4: {  	v54 =	vsel vm2, v46, v38;
	v18 =	vperm.xlane v44, v0;
	v50 =	vperm.xlane v49, v0  }
0xc5: {  	v56 =	vsel vm2, v48, v43;
	v52 =	vperm.xlane v51, v0;
	v55 =	vperm.xlane v54, v0  }
0xc6: {  	v57 =	vperm.xlane v56, v0;
	v4 =	vsel vm2, v4, v16;
	v10 =	vsel vm2, v16, v10  }
0xc7: {  	v5 =	vsel vm2, v5, v18;
	v16 =	vperm.xlane v47, v0;
	v11 =	vsel vm2, v18, v37  }
0xc8: {  	v7 =	vsel vm2, v35, v50;
	v14 =	vsel vm2, v50, v40;
	v8 =	vsel vm2, v36, v52  }
0xc9: {  	v18 =	vperm.xlane v53, v0;
	v15 =	vsel vm2, v52, v41;
	v12 =	vsel vm2, v38, v55  }
0xca: {  	v17 =	vsel vm2, v43, v57;
	v19 =	vsel vm2, v57, v48;
	v58 =	vsel vm0, v8, v4  }
0xcb: {  	v63 =	vsel vm0, v17, v7;
	v24 =	vsel vm0, v15, v10;
	v29 =	vsel vm0, v19, v14  }
0xcc: {  	v6 =	vsel vm2, v34, v16;
	v13 =	vsel vm2, v16, v39;
	v9 =	vsel vm2, v9, v18  }
0xcd: {  	v18 =	vsel vm2, v18, v45;
	v20 =	vperm.xlane v58, v1;
	v21 =	vperm.xlane v63, v1  }
0xce: {  	v16 =	vsel vm2, v55, v46;
	v25 =	vperm.xlane v24, v1;
	v30 =	vperm.xlane v29, v1  }
0xcf: {  	v59 =	vsel vm0, v9, v5;
	v61 =	vsel vm0, v12, v6;
	v26 =	vsel vm0, v18, v11  }
0xd0: {  	v28 =	vsel vm0, v16, v13;
	v60 =	vperm.xlane v59, v1;
	v4 =	vsel vm0, v4, v20  }
0xd1: {  	v8 =	vsel vm0, v20, v8;
	v62 =	vperm.xlane v61, v1;
	v7 =	vsel vm0, v7, v21  }
0xd2: {  	v17 =	vsel vm0, v21, v17;
	v27 =	vperm.xlane v26, v1;
	v10 =	vsel vm0, v10, v25  }
0xd3: {  	v15 =	vsel vm0, v25, v15;
	v20 =	vperm.xlane v28, v1;
	v14 =	vsel vm0, v14, v30  }
0xd4: {  	v19 =	vsel vm0, v30, v19;
	v5 =	vsel vm0, v5, v60;
	v9 =	vsel vm0, v60, v9  }
0xd5: {  	v6 =	vsel vm0, v6, v62;
	v12 =	vsel vm0, v62, v12;
	v11 =	vsel vm0, v11, v27  }
0xd6: {  	v18 =	vsel vm0, v27, v18;
	v13 =	vsel vm0, v13, v20;
	v16 =	vsel vm0, v20, v16  }
0xd7: {  	v31 =	vsel vm1, v6, v4;
	v33 =	vsel vm1, v7, v5;
	v34 =	vsel vm1, v12, v8  }
0xd8: {  	v36 =	vsel vm1, v17, v9;
	v38 =	vsel vm1, v13, v10;
	v32 =	vperm.xlane v31, v2  }
0xd9: {  	v40 =	vsel vm1, v14, v11;
	v21 =	vperm.xlane v33, v2;
	v35 =	vperm.xlane v34, v2  }
0xda: {  	v48 =	vsel vm1, v19, v18;
	v37 =	vperm.xlane v36, v2;
	v20 =	vperm.xlane v38, v2  }
0xdb: {  	v50 =	vperm.xlane v48, v2;
	v4 =	vsel vm1, v4, v32;
	v5 =	vsel vm1, v5, v21  }
0xdc: {  	v6 =	vsel vm1, v32, v6;
	v7 =	vsel vm1, v21, v7;
	v39 =	vsel vm3, v5, v4  }
0xdd: {  	v8 =	vsel vm1, v8, v35;
	v12 =	vsel vm1, v35, v12;
	v22 =	vperm.xlane v39, v3  }
0xde: {  	v9 =	vsel vm1, v9, v37;
	v17 =	vsel vm1, v37, v17;
	v41 =	vsel vm3, v7, v6  }
0xdf: {  	v10 =	vsel vm1, v10, v20;
	v42 =	vperm.xlane v41, v3;
	v4 =	vsel vm3, v4, v22  }
0xe0: {  	v21 =	vperm.xlane v40, v2;
	v43 =	vsel vm3, v9, v8;
	v5 =	vsel vm3, v22, v5;
	[tilespmem:s26+$0x2400] =	vst v4  }
0xe1: {  	v45 =	vsel vm3, v17, v12;
	v44 =	vperm.xlane v43, v3;
	v6 =	vsel vm3, v6, v42;
	[tilespmem:s26+$0x2410] =	vst v5  }
0xe2: {  	v11 =	vsel vm1, v11, v21;
	v47 =	vperm.xlane v45, v3;
	v7 =	vsel vm3, v42, v7;
	[tilespmem:s26+$0x2420] =	vst v6  }
0xe3: {  	v13 =	vsel vm1, v20, v13;
	v49 =	vsel vm3, v11, v10;
	v46 =	vsel vm3, v8, v44;
	[tilespmem:s26+$0x2430] =	vst v7  }
0xe4: {  	v9 =	vsel vm3, v44, v9;
	v51 =	vsel vm3, v12, v47;
	v5 =	vsel vm1, v16, v15;
	[tilespmem:s26+$0x2440] =	vst v46  }
0xe5: {  	v52 =	vperm.xlane v49, v3;
	v4 =	vsel vm1, v21, v14;
	[tilespmem:s26+$0x2450] =	vst v9;
	v5 =	vperm.xlane v5, v2  }
0xe6: {  	v55 =	vsel vm1, v18, v50;
	v8 =	vsel vm3, v47, v17;
	[tilespmem:s26+$0x2460] =	vst v51;
	v54 =	vsel vm3, v4, v13  }
0xe7: {  	[tilespmem:s26+$0x2470] =	vst v8;
	v10 =	vsel vm3, v10, v52;
	v14 =	vperm.xlane v54, v3;
	v53 =	vsel vm1, v15, v5  }
0xe8: {  	v6 =	vsel vm1, v50, v19;
	v56 =	vsel vm3, v52, v11;
	[tilespmem:s26+$0x2500] =	vst v10;
	v57 =	vsel vm3, v55, v53  }
0xe9: {  	[tilespmem:s26+$0x2510] =	vst v56;
	v5 =	vsel vm1, v5, v16;
	v58 =	vsel vm3, v13, v14;
	v11 =	vperm.xlane v57, v3  }
0xea: {  	v4 =	vsel vm3, v14, v4;
	v59 =	vsel vm3, v6, v5;
	[tilespmem:s26+$0x2520] =	vst v58  }
0xeb: {  	v8 =	vperm.xlane v59, v3;
	[tilespmem:s26+$0x2530] =	vst v4;
	v9 =	vsel vm3, v53, v11  }
0xec: {  	v4 =	vsel vm3, v11, v55;
	[tilespmem:s26+$0x2540] =	vst v9  }
0xed: {  	v5 =	vsel vm3, v5, v8;
	[tilespmem:s26+$0x2550] =	vst v4  }
0xee: {  	v4 =	vsel vm3, v8, v6;
	[tilespmem:s26+$0x2560] =	vst v5  }
0xef: {  	[tilespmem:s26+$0x2570] =	vst v4  }
0xf0: {  	v4 =	vld [tilespmem:s25+$0x30]  }
0xf1: {  	v5 =	vld [tilespmem:s25+$0xB0]  }
0xf2: {  	v60 =	vld [tilespmem:s25+$0x130]  }
0xf3: {  	v61 =	vld [tilespmem:s25+$0x1B0]  }
0xf4: {  	v62 =	vld [tilespmem:s25+$0x230]  }
0xf5: {  	v9 =	vld [tilespmem:s25+$0x2B0]  }
0xf6: {  	v10 =	vld [tilespmem:s25+$0x430]  }
0xf7: {  	v63 =	vld [tilespmem:s25+$0x4B0]  }
0xf8: {  	v24 =	vld [tilespmem:s25+$0x330]  }
0xf9: {  	v25 =	vld [tilespmem:s25+$0x530]  }
0xfa: {  	v26 =	vld [tilespmem:s25+$0x5B0]  }
0xfb: {  	v27 =	vld [tilespmem:s25+$0x630]  }
0xfc: {  	v29 =	vld [tilespmem:s25+$0x3B0]  }
0xfd: {  	v31 =	vld [tilespmem:s25+$0x6B0]  }
0xfe: {  	v32 =	vld [tilespmem:s25+$0x730]  }
0xff: {  	v34 =	vld [tilespmem:s25+$0x7B0]  }
0x100: {  	v28 =	vsel vm2, v10, v4  }
0x101: {  	v30 =	vsel vm2, v63, v5;
	v33 =	vsel vm2, v25, v60;
	v35 =	vsel vm2, v26, v61  }
0x102: {  	v37 =	vsel vm2, v27, v62;
	v39 =	vsel vm2, v31, v9;
	v16 =	vperm.xlane v28, v0  }
0x103: {  	v40 =	vsel vm2, v32, v24;
	v18 =	vperm.xlane v30, v0;
	v36 =	vperm.xlane v35, v0  }
0x104: {  	v42 =	vsel vm2, v34, v29;
	v38 =	vperm.xlane v37, v0;
	v41 =	vperm.xlane v40, v0  }
0x105: {  	v43 =	vperm.xlane v42, v0;
	v4 =	vsel vm2, v4, v16;
	v10 =	vsel vm2, v16, v10  }
0x106: {  	v5 =	vsel vm2, v5, v18;
	v16 =	vperm.xlane v33, v0;
	v11 =	vsel vm2, v18, v63  }
0x107: {  	v7 =	vsel vm2, v61, v36;
	v14 =	vsel vm2, v36, v26;
	v8 =	vsel vm2, v62, v38  }
0x108: {  	v18 =	vperm.xlane v39, v0;
	v15 =	vsel vm2, v38, v27;
	v12 =	vsel vm2, v24, v41  }
0x109: {  	v17 =	vsel vm2, v29, v43;
	v19 =	vsel vm2, v43, v34;
	v44 =	vsel vm0, v8, v4  }
0x10a: {  	v49 =	vsel vm0, v17, v7;
	v50 =	vsel vm0, v15, v10;
	v55 =	vsel vm0, v19, v14  }
0x10b: {  	v6 =	vsel vm2, v60, v16;
	v13 =	vsel vm2, v16, v25;
	v9 =	vsel vm2, v9, v18  }
0x10c: {  	v18 =	vsel vm2, v18, v31;
	v20 =	vperm.xlane v44, v1;
	v21 =	vperm.xlane v49, v1  }
0x10d: {  	v16 =	vsel vm2, v41, v32;
	v51 =	vperm.xlane v50, v1;
	v56 =	vperm.xlane v55, v1  }
0x10e: {  	v45 =	vsel vm0, v9, v5;
	v47 =	vsel vm0, v12, v6;
	v52 =	vsel vm0, v18, v11  }
0x10f: {  	v54 =	vsel vm0, v16, v13;
	v46 =	vperm.xlane v45, v1;
	v4 =	vsel vm0, v4, v20  }
0x110: {  	v8 =	vsel vm0, v20, v8;
	v48 =	vperm.xlane v47, v1;
	v7 =	vsel vm0, v7, v21  }
0x111: {  	v17 =	vsel vm0, v21, v17;
	v53 =	vperm.xlane v52, v1;
	v10 =	vsel vm0, v10, v51  }
0x112: {  	v15 =	vsel vm0, v51, v15;
	v20 =	vperm.xlane v54, v1;
	v14 =	vsel vm0, v14, v56  }
0x113: {  	v19 =	vsel vm0, v56, v19;
	v5 =	vsel vm0, v5, v46;
	v9 =	vsel vm0, v46, v9  }
0x114: {  	v6 =	vsel vm0, v6, v48;
	v12 =	vsel vm0, v48, v12;
	v11 =	vsel vm0, v11, v53  }
0x115: {  	v18 =	vsel vm0, v53, v18;
	v13 =	vsel vm0, v13, v20;
	v16 =	vsel vm0, v20, v16  }
0x116: {  	v57 =	vsel vm1, v6, v4;
	v59 =	vsel vm1, v7, v5;
	v60 =	vsel vm1, v12, v8  }
0x117: {  	v62 =	vsel vm1, v17, v9;
	v24 =	vsel vm1, v13, v10;
	v58 =	vperm.xlane v57, v2  }
0x118: {  	v26 =	vsel vm1, v14, v11;
	v21 =	vperm.xlane v59, v2;
	v61 =	vperm.xlane v60, v2  }
0x119: {  	v34 =	vsel vm1, v19, v18;
	v63 =	vperm.xlane v62, v2;
	v20 =	vperm.xlane v24, v2  }
0x11a: {  	v36 =	vperm.xlane v34, v2;
	v4 =	vsel vm1, v4, v58;
	v5 =	vsel vm1, v5, v21  }
0x11b: {  	v6 =	vsel vm1, v58, v6;
	v7 =	vsel vm1, v21, v7;
	v25 =	vsel vm3, v5, v4  }
0x11c: {  	v8 =	vsel vm1, v8, v61;
	v12 =	vsel vm1, v61, v12;
	v22 =	vperm.xlane v25, v3  }
0x11d: {  	v9 =	vsel vm1, v9, v63;
	v17 =	vsel vm1, v63, v17;
	v27 =	vsel vm3, v7, v6  }
0x11e: {  	v10 =	vsel vm1, v10, v20;
	v28 =	vperm.xlane v27, v3;
	v4 =	vsel vm3, v4, v22  }
0x11f: {  	v21 =	vperm.xlane v26, v2;
	v29 =	vsel vm3, v9, v8;
	v5 =	vsel vm3, v22, v5;
	[tilespmem:s26+$0x2600] =	vst v4  }
0x120: {  	v31 =	vsel vm3, v17, v12;
	v30 =	vperm.xlane v29, v3;
	v6 =	vsel vm3, v6, v28;
	[tilespmem:s26+$0x2610] =	vst v5  }
0x121: {  	v11 =	vsel vm1, v11, v21;
	v33 =	vperm.xlane v31, v3;
	v7 =	vsel vm3, v28, v7;
	[tilespmem:s26+$0x2620] =	vst v6  }
0x122: {  	v13 =	vsel vm1, v20, v13;
	v35 =	vsel vm3, v11, v10;
	v32 =	vsel vm3, v8, v30;
	[tilespmem:s26+$0x2630] =	vst v7  }
0x123: {  	v9 =	vsel vm3, v30, v9;
	v37 =	vsel vm3, v12, v33;
	v5 =	vsel vm1, v16, v15;
	[tilespmem:s26+$0x2640] =	vst v32  }
0x124: {  	v38 =	vperm.xlane v35, v3;
	v4 =	vsel vm1, v21, v14;
	[tilespmem:s26+$0x2650] =	vst v9;
	v5 =	vperm.xlane v5, v2  }
0x125: {  	v41 =	vsel vm1, v18, v36;
	v8 =	vsel vm3, v33, v17;
	[tilespmem:s26+$0x2660] =	vst v37;
	v40 =	vsel vm3, v4, v13  }
0x126: {  	[tilespmem:s26+$0x2670] =	vst v8;
	v10 =	vsel vm3, v10, v38;
	v14 =	vperm.xlane v40, v3;
	v39 =	vsel vm1, v15, v5  }
0x127: {  	v6 =	vsel vm1, v36, v19;
	v42 =	vsel vm3, v38, v11;
	[tilespmem:s26+$0x2700] =	vst v10;
	v43 =	vsel vm3, v41, v39  }
0x128: {  	[tilespmem:s26+$0x2710] =	vst v42;
	v5 =	vsel vm1, v5, v16;
	v44 =	vsel vm3, v13, v14;
	v11 =	vperm.xlane v43, v3  }
0x129: {  	v4 =	vsel vm3, v14, v4;
	v45 =	vsel vm3, v6, v5;
	[tilespmem:s26+$0x2720] =	vst v44  }
0x12a: {  	v8 =	vperm.xlane v45, v3;
	[tilespmem:s26+$0x2730] =	vst v4;
	v9 =	vsel vm3, v39, v11  }
0x12b: {  	v4 =	vsel vm3, v11, v41;
	[tilespmem:s26+$0x2740] =	vst v9  }
0x12c: {  	v5 =	vsel vm3, v5, v8;
	[tilespmem:s26+$0x2750] =	vst v4  }
0x12d: {  	v4 =	vsel vm3, v8, v6;
	[tilespmem:s26+$0x2760] =	vst v5  }
0x12e: {  	[tilespmem:s26+$0x2770] =	vst v4  }
0x12f: {  	v4 =	vld [tilespmem:s25+$0x40]  }
0x130: {  	v5 =	vld [tilespmem:s25+$0xC0]  }
0x131: {  	v46 =	vld [tilespmem:s25+$0x140]  }
0x132: {  	v47 =	vld [tilespmem:s25+$0x1C0]  }
0x133: {  	v48 =	vld [tilespmem:s25+$0x240]  }
0x134: {  	v9 =	vld [tilespmem:s25+$0x2C0]  }
0x135: {  	v10 =	vld [tilespmem:s25+$0x440]  }
0x136: {  	v49 =	vld [tilespmem:s25+$0x4C0]  }
0x137: {  	v50 =	vld [tilespmem:s25+$0x340]  }
0x138: {  	v51 =	vld [tilespmem:s25+$0x540]  }
0x139: {  	v52 =	vld [tilespmem:s25+$0x5C0]  }
0x13a: {  	v53 =	vld [tilespmem:s25+$0x640]  }
0x13b: {  	v55 =	vld [tilespmem:s25+$0x3C0]  }
0x13c: {  	v57 =	vld [tilespmem:s25+$0x6C0]  }
0x13d: {  	v58 =	vld [tilespmem:s25+$0x740]  }
0x13e: {  	v60 =	vld [tilespmem:s25+$0x7C0]  }
0x13f: {  	v54 =	vsel vm2, v10, v4  }
0x140: {  	v56 =	vsel vm2, v49, v5;
	v59 =	vsel vm2, v51, v46;
	v61 =	vsel vm2, v52, v47  }
0x141: {  	v63 =	vsel vm2, v53, v48;
	v25 =	vsel vm2, v57, v9;
	v16 =	vperm.xlane v54, v0  }
0x142: {  	v26 =	vsel vm2, v58, v50;
	v18 =	vperm.xlane v56, v0;
	v62 =	vperm.xlane v61, v0  }
0x143: {  	v28 =	vsel vm2, v60, v55;
	v24 =	vperm.xlane v63, v0;
	v27 =	vperm.xlane v26, v0  }
0x144: {  	v29 =	vperm.xlane v28, v0;
	v4 =	vsel vm2, v4, v16;
	v10 =	vsel vm2, v16, v10  }
0x145: {  	v5 =	vsel vm2, v5, v18;
	v16 =	vperm.xlane v59, v0;
	v11 =	vsel vm2, v18, v49  }
0x146: {  	v7 =	vsel vm2, v47, v62;
	v14 =	vsel vm2, v62, v52;
	v8 =	vsel vm2, v48, v24  }
0x147: {  	v18 =	vperm.xlane v25, v0;
	v15 =	vsel vm2, v24, v53;
	v12 =	vsel vm2, v50, v27  }
0x148: {  	v17 =	vsel vm2, v55, v29;
	v19 =	vsel vm2, v29, v60;
	v30 =	vsel vm0, v8, v4  }
0x149: {  	v35 =	vsel vm0, v17, v7;
	v36 =	vsel vm0, v15, v10;
	v41 =	vsel vm0, v19, v14  }
0x14a: {  	v6 =	vsel vm2, v46, v16;
	v13 =	vsel vm2, v16, v51;
	v9 =	vsel vm2, v9, v18  }
0x14b: {  	v18 =	vsel vm2, v18, v57;
	v20 =	vperm.xlane v30, v1;
	v21 =	vperm.xlane v35, v1  }
0x14c: {  	v16 =	vsel vm2, v27, v58;
	v37 =	vperm.xlane v36, v1;
	v42 =	vperm.xlane v41, v1  }
0x14d: {  	v31 =	vsel vm0, v9, v5;
	v33 =	vsel vm0, v12, v6;
	v38 =	vsel vm0, v18, v11  }
0x14e: {  	v40 =	vsel vm0, v16, v13;
	v32 =	vperm.xlane v31, v1;
	v4 =	vsel vm0, v4, v20  }
0x14f: {  	v8 =	vsel vm0, v20, v8;
	v34 =	vperm.xlane v33, v1;
	v7 =	vsel vm0, v7, v21  }
0x150: {  	v17 =	vsel vm0, v21, v17;
	v39 =	vperm.xlane v38, v1;
	v10 =	vsel vm0, v10, v37  }
0x151: {  	v15 =	vsel vm0, v37, v15;
	v20 =	vperm.xlane v40, v1;
	v14 =	vsel vm0, v14, v42  }
0x152: {  	v19 =	vsel vm0, v42, v19;
	v5 =	vsel vm0, v5, v32;
	v9 =	vsel vm0, v32, v9  }
0x153: {  	v6 =	vsel vm0, v6, v34;
	v12 =	vsel vm0, v34, v12;
	v11 =	vsel vm0, v11, v39  }
0x154: {  	v18 =	vsel vm0, v39, v18;
	v13 =	vsel vm0, v13, v20;
	v16 =	vsel vm0, v20, v16  }
0x155: {  	v43 =	vsel vm1, v6, v4;
	v45 =	vsel vm1, v7, v5;
	v46 =	vsel vm1, v12, v8  }
0x156: {  	v48 =	vsel vm1, v17, v9;
	v50 =	vsel vm1, v13, v10;
	v44 =	vperm.xlane v43, v2  }
0x157: {  	v52 =	vsel vm1, v14, v11;
	v21 =	vperm.xlane v45, v2;
	v47 =	vperm.xlane v46, v2  }
0x158: {  	v60 =	vsel vm1, v19, v18;
	v49 =	vperm.xlane v48, v2;
	v20 =	vperm.xlane v50, v2  }
0x159: {  	v62 =	vperm.xlane v60, v2;
	v4 =	vsel vm1, v4, v44;
	v5 =	vsel vm1, v5, v21  }
0x15a: {  	v6 =	vsel vm1, v44, v6;
	v7 =	vsel vm1, v21, v7;
	v51 =	vsel vm3, v5, v4  }
0x15b: {  	v8 =	vsel vm1, v8, v47;
	v12 =	vsel vm1, v47, v12;
	v22 =	vperm.xlane v51, v3  }
0x15c: {  	v9 =	vsel vm1, v9, v49;
	v17 =	vsel vm1, v49, v17;
	v53 =	vsel vm3, v7, v6  }
0x15d: {  	v10 =	vsel vm1, v10, v20;
	v54 =	vperm.xlane v53, v3;
	v4 =	vsel vm3, v4, v22  }
0x15e: {  	v21 =	vperm.xlane v52, v2;
	v55 =	vsel vm3, v9, v8;
	v5 =	vsel vm3, v22, v5;
	[tilespmem:s26+$0x2800] =	vst v4  }
0x15f: {  	v57 =	vsel vm3, v17, v12;
	v56 =	vperm.xlane v55, v3;
	v6 =	vsel vm3, v6, v54;
	[tilespmem:s26+$0x2810] =	vst v5  }
0x160: {  	v11 =	vsel vm1, v11, v21;
	v59 =	vperm.xlane v57, v3;
	v7 =	vsel vm3, v54, v7;
	[tilespmem:s26+$0x2820] =	vst v6  }
0x161: {  	v13 =	vsel vm1, v20, v13;
	v61 =	vsel vm3, v11, v10;
	v58 =	vsel vm3, v8, v56;
	[tilespmem:s26+$0x2830] =	vst v7  }
0x162: {  	v9 =	vsel vm3, v56, v9;
	v63 =	vsel vm3, v12, v59;
	v5 =	vsel vm1, v16, v15;
	[tilespmem:s26+$0x2840] =	vst v58  }
0x163: {  	v20 =	vperm.xlane v61, v3;
	v4 =	vsel vm1, v21, v14;
	[tilespmem:s26+$0x2850] =	vst v9;
	v5 =	vperm.xlane v5, v2  }
0x164: {  	v23 =	vsel vm1, v18, v62;
	v8 =	vsel vm3, v59, v17;
	[tilespmem:s26+$0x2860] =	vst v63;
	v22 =	vsel vm3, v4, v13  }
0x165: {  	[tilespmem:s26+$0x2870] =	vst v8;
	v10 =	vsel vm3, v10, v20;
	v14 =	vperm.xlane v22, v3;
	v21 =	vsel vm1, v15, v5  }
0x166: {  	v6 =	vsel vm1, v62, v19;
	v24 =	vsel vm3, v20, v11;
	[tilespmem:s26+$0x2900] =	vst v10;
	v25 =	vsel vm3, v23, v21  }
0x167: {  	[tilespmem:s26+$0x2910] =	vst v24;
	v5 =	vsel vm1, v5, v16;
	v26 =	vsel vm3, v13, v14;
	v11 =	vperm.xlane v25, v3  }
0x168: {  	v4 =	vsel vm3, v14, v4;
	v27 =	vsel vm3, v6, v5;
	[tilespmem:s26+$0x2920] =	vst v26  }
0x169: {  	v8 =	vperm.xlane v27, v3;
	[tilespmem:s26+$0x2930] =	vst v4;
	v9 =	vsel vm3, v21, v11  }
0x16a: {  	v4 =	vsel vm3, v11, v23;
	[tilespmem:s26+$0x2940] =	vst v9  }
0x16b: {  	v5 =	vsel vm3, v5, v8;
	[tilespmem:s26+$0x2950] =	vst v4  }
0x16c: {  	v4 =	vsel vm3, v8, v6;
	[tilespmem:s26+$0x2960] =	vst v5  }
0x16d: {  	[tilespmem:s26+$0x2970] =	vst v4  }
0x16e: {  	v4 =	vld [tilespmem:s25+$0x50]  }
0x16f: {  	v5 =	vld [tilespmem:s25+$0xD0]  }
0x170: {  	v28 =	vld [tilespmem:s25+$0x150]  }
0x171: {  	v29 =	vld [tilespmem:s25+$0x1D0]  }
0x172: {  	v30 =	vld [tilespmem:s25+$0x250]  }
0x173: {  	v9 =	vld [tilespmem:s25+$0x2D0]  }
0x174: {  	v10 =	vld [tilespmem:s25+$0x450]  }
0x175: {  	v31 =	vld [tilespmem:s25+$0x4D0]  }
0x176: {  	v32 =	vld [tilespmem:s25+$0x350]  }
0x177: {  	v33 =	vld [tilespmem:s25+$0x550]  }
0x178: {  	v34 =	vld [tilespmem:s25+$0x5D0]  }
0x179: {  	v35 =	vld [tilespmem:s25+$0x650]  }
0x17a: {  	v37 =	vld [tilespmem:s25+$0x3D0]  }
0x17b: {  	v39 =	vld [tilespmem:s25+$0x6D0]  }
0x17c: {  	v40 =	vld [tilespmem:s25+$0x750]  }
0x17d: {  	v42 =	vld [tilespmem:s25+$0x7D0]  }
0x17e: {  	v36 =	vsel vm2, v10, v4  }
0x17f: {  	v38 =	vsel vm2, v31, v5;
	v41 =	vsel vm2, v33, v28;
	v43 =	vsel vm2, v34, v29  }
0x180: {  	v45 =	vsel vm2, v35, v30;
	v47 =	vsel vm2, v39, v9;
	v16 =	vperm.xlane v36, v0  }
0x181: {  	v48 =	vsel vm2, v40, v32;
	v18 =	vperm.xlane v38, v0;
	v44 =	vperm.xlane v43, v0  }
0x182: {  	v50 =	vsel vm2, v42, v37;
	v46 =	vperm.xlane v45, v0;
	v49 =	vperm.xlane v48, v0  }
0x183: {  	v51 =	vperm.xlane v50, v0;
	v4 =	vsel vm2, v4, v16;
	v10 =	vsel vm2, v16, v10  }
0x184: {  	v5 =	vsel vm2, v5, v18;
	v16 =	vperm.xlane v41, v0;
	v11 =	vsel vm2, v18, v31  }
0x185: {  	v7 =	vsel vm2, v29, v44;
	v14 =	vsel vm2, v44, v34;
	v8 =	vsel vm2, v30, v46  }
0x186: {  	v18 =	vperm.xlane v47, v0;
	v15 =	vsel vm2, v46, v35;
	v12 =	vsel vm2, v32, v49  }
0x187: {  	v17 =	vsel vm2, v37, v51;
	v19 =	vsel vm2, v51, v42;
	v52 =	vsel vm0, v8, v4  }
0x188: {  	v57 =	vsel vm0, v17, v7;
	v58 =	vsel vm0, v15, v10;
	v63 =	vsel vm0, v19, v14  }
0x189: {  	v6 =	vsel vm2, v28, v16;
	v13 =	vsel vm2, v16, v33;
	v9 =	vsel vm2, v9, v18  }
0x18a: {  	v18 =	vsel vm2, v18, v39;
	v20 =	vperm.xlane v52, v1;
	v21 =	vperm.xlane v57, v1  }
0x18b: {  	v16 =	vsel vm2, v49, v40;
	v59 =	vperm.xlane v58, v1;
	v24 =	vperm.xlane v63, v1  }
0x18c: {  	v53 =	vsel vm0, v9, v5;
	v55 =	vsel vm0, v12, v6;
	v60 =	vsel vm0, v18, v11  }
0x18d: {  	v62 =	vsel vm0, v16, v13;
	v54 =	vperm.xlane v53, v1;
	v4 =	vsel vm0, v4, v20  }
0x18e: {  	v8 =	vsel vm0, v20, v8;
	v56 =	vperm.xlane v55, v1;
	v7 =	vsel vm0, v7, v21  }
0x18f: {  	v17 =	vsel vm0, v21, v17;
	v61 =	vperm.xlane v60, v1;
	v10 =	vsel vm0, v10, v59  }
0x190: {  	v15 =	vsel vm0, v59, v15;
	v20 =	vperm.xlane v62, v1;
	v14 =	vsel vm0, v14, v24  }
0x191: {  	v19 =	vsel vm0, v24, v19;
	v5 =	vsel vm0, v5, v54;
	v9 =	vsel vm0, v54, v9  }
0x192: {  	v6 =	vsel vm0, v6, v56;
	v12 =	vsel vm0, v56, v12;
	v11 =	vsel vm0, v11, v61  }
0x193: {  	v18 =	vsel vm0, v61, v18;
	v13 =	vsel vm0, v13, v20;
	v16 =	vsel vm0, v20, v16  }
0x194: {  	v25 =	vsel vm1, v6, v4;
	v27 =	vsel vm1, v7, v5;
	v28 =	vsel vm1, v12, v8  }
0x195: {  	v30 =	vsel vm1, v17, v9;
	v32 =	vsel vm1, v13, v10;
	v26 =	vperm.xlane v25, v2  }
0x196: {  	v34 =	vsel vm1, v14, v11;
	v21 =	vperm.xlane v27, v2;
	v29 =	vperm.xlane v28, v2  }
0x197: {  	v42 =	vsel vm1, v19, v18;
	v31 =	vperm.xlane v30, v2;
	v20 =	vperm.xlane v32, v2  }
0x198: {  	v44 =	vperm.xlane v42, v2;
	v4 =	vsel vm1, v4, v26;
	v5 =	vsel vm1, v5, v21  }
0x199: {  	v6 =	vsel vm1, v26, v6;
	v7 =	vsel vm1, v21, v7;
	v33 =	vsel vm3, v5, v4  }
0x19a: {  	v8 =	vsel vm1, v8, v29;
	v12 =	vsel vm1, v29, v12;
	v22 =	vperm.xlane v33, v3  }
0x19b: {  	v9 =	vsel vm1, v9, v31;
	v17 =	vsel vm1, v31, v17;
	v35 =	vsel vm3, v7, v6  }
0x19c: {  	v10 =	vsel vm1, v10, v20;
	v36 =	vperm.xlane v35, v3;
	v4 =	vsel vm3, v4, v22  }
0x19d: {  	v21 =	vperm.xlane v34, v2;
	v37 =	vsel vm3, v9, v8;
	v5 =	vsel vm3, v22, v5;
	[tilespmem:s26+$0x2A00] =	vst v4  }
0x19e: {  	v39 =	vsel vm3, v17, v12;
	v38 =	vperm.xlane v37, v3;
	v6 =	vsel vm3, v6, v36;
	[tilespmem:s26+$0x2A10] =	vst v5  }
0x19f: {  	v11 =	vsel vm1, v11, v21;
	v41 =	vperm.xlane v39, v3;
	v7 =	vsel vm3, v36, v7;
	[tilespmem:s26+$0x2A20] =	vst v6  }
0x1a0: {  	v13 =	vsel vm1, v20, v13;
	v43 =	vsel vm3, v11, v10;
	v40 =	vsel vm3, v8, v38;
	[tilespmem:s26+$0x2A30] =	vst v7  }
0x1a1: {  	v9 =	vsel vm3, v38, v9;
	v45 =	vsel vm3, v12, v41;
	v5 =	vsel vm1, v16, v15;
	[tilespmem:s26+$0x2A40] =	vst v40  }
0x1a2: {  	v46 =	vperm.xlane v43, v3;
	v4 =	vsel vm1, v21, v14;
	[tilespmem:s26+$0x2A50] =	vst v9;
	v5 =	vperm.xlane v5, v2  }
0x1a3: {  	v49 =	vsel vm1, v18, v44;
	v8 =	vsel vm3, v41, v17;
	[tilespmem:s26+$0x2A60] =	vst v45;
	v48 =	vsel vm3, v4, v13  }
0x1a4: {  	[tilespmem:s26+$0x2A70] =	vst v8;
	v10 =	vsel vm3, v10, v46;
	v14 =	vperm.xlane v48, v3;
	v47 =	vsel vm1, v15, v5  }
0x1a5: {  	v6 =	vsel vm1, v44, v19;
	v50 =	vsel vm3, v46, v11;
	[tilespmem:s26+$0x2B00] =	vst v10;
	v51 =	vsel vm3, v49, v47  }
0x1a6: {  	[tilespmem:s26+$0x2B10] =	vst v50;
	v5 =	vsel vm1, v5, v16;
	v52 =	vsel vm3, v13, v14;
	v11 =	vperm.xlane v51, v3  }
0x1a7: {  	v4 =	vsel vm3, v14, v4;
	v53 =	vsel vm3, v6, v5;
	[tilespmem:s26+$0x2B20] =	vst v52  }
0x1a8: {  	v8 =	vperm.xlane v53, v3;
	[tilespmem:s26+$0x2B30] =	vst v4;
	v9 =	vsel vm3, v47, v11  }
0x1a9: {  	v4 =	vsel vm3, v11, v49;
	[tilespmem:s26+$0x2B40] =	vst v9  }
0x1aa: {  	v5 =	vsel vm3, v5, v8;
	[tilespmem:s26+$0x2B50] =	vst v4  }
0x1ab: {  	v4 =	vsel vm3, v8, v6;
	[tilespmem:s26+$0x2B60] =	vst v5  }
0x1ac: {  	[tilespmem:s26+$0x2B70] =	vst v4  }
0x1ad: {  	v4 =	vld [tilespmem:s25+$0x60]  }
0x1ae: {  	v5 =	vld [tilespmem:s25+$0xE0]  }
0x1af: {  	v54 =	vld [tilespmem:s25+$0x160]  }
0x1b0: {  	v55 =	vld [tilespmem:s25+$0x1E0]  }
0x1b1: {  	v56 =	vld [tilespmem:s25+$0x260]  }
0x1b2: {  	v9 =	vld [tilespmem:s25+$0x2E0]  }
0x1b3: {  	v10 =	vld [tilespmem:s25+$0x460]  }
0x1b4: {  	v57 =	vld [tilespmem:s25+$0x4E0]  }
0x1b5: {  	v58 =	vld [tilespmem:s25+$0x360]  }
0x1b6: {  	v59 =	vld [tilespmem:s25+$0x560]  }
0x1b7: {  	v60 =	vld [tilespmem:s25+$0x5E0]  }
0x1b8: {  	v61 =	vld [tilespmem:s25+$0x660]  }
0x1b9: {  	v63 =	vld [tilespmem:s25+$0x3E0]  }
0x1ba: {  	v25 =	vld [tilespmem:s25+$0x6E0]  }
0x1bb: {  	v26 =	vld [tilespmem:s25+$0x760]  }
0x1bc: {  	v28 =	vld [tilespmem:s25+$0x7E0]  }
0x1bd: {  	v62 =	vsel vm2, v10, v4  }
0x1be: {  	v24 =	vsel vm2, v57, v5;
	v27 =	vsel vm2, v59, v54;
	v29 =	vsel vm2, v60, v55  }
0x1bf: {  	v31 =	vsel vm2, v61, v56;
	v33 =	vsel vm2, v25, v9;
	v16 =	vperm.xlane v62, v0  }
0x1c0: {  	v34 =	vsel vm2, v26, v58;
	v18 =	vperm.xlane v24, v0;
	v30 =	vperm.xlane v29, v0  }
0x1c1: {  	v36 =	vsel vm2, v28, v63;
	v32 =	vperm.xlane v31, v0;
	v35 =	vperm.xlane v34, v0  }
0x1c2: {  	v37 =	vperm.xlane v36, v0;
	v4 =	vsel vm2, v4, v16;
	v10 =	vsel vm2, v16, v10  }
0x1c3: {  	v5 =	vsel vm2, v5, v18;
	v16 =	vperm.xlane v27, v0;
	v11 =	vsel vm2, v18, v57  }
0x1c4: {  	v7 =	vsel vm2, v55, v30;
	v14 =	vsel vm2, v30, v60;
	v8 =	vsel vm2, v56, v32  }
0x1c5: {  	v18 =	vperm.xlane v33, v0;
	v15 =	vsel vm2, v32, v61;
	v12 =	vsel vm2, v58, v35  }
0x1c6: {  	v17 =	vsel vm2, v63, v37;
	v19 =	vsel vm2, v37, v28;
	v38 =	vsel vm0, v8, v4  }
0x1c7: {  	v43 =	vsel vm0, v17, v7;
	v44 =	vsel vm0, v15, v10;
	v49 =	vsel vm0, v19, v14  }
0x1c8: {  	v6 =	vsel vm2, v54, v16;
	v13 =	vsel vm2, v16, v59;
	v9 =	vsel vm2, v9, v18  }
0x1c9: {  	v18 =	vsel vm2, v18, v25;
	v20 =	vperm.xlane v38, v1;
	v21 =	vperm.xlane v43, v1  }
0x1ca: {  	v16 =	vsel vm2, v35, v26;
	v45 =	vperm.xlane v44, v1;
	v50 =	vperm.xlane v49, v1  }
0x1cb: {  	v39 =	vsel vm0, v9, v5;
	v41 =	vsel vm0, v12, v6;
	v46 =	vsel vm0, v18, v11  }
0x1cc: {  	v48 =	vsel vm0, v16, v13;
	v40 =	vperm.xlane v39, v1;
	v4 =	vsel vm0, v4, v20  }
0x1cd: {  	v8 =	vsel vm0, v20, v8;
	v42 =	vperm.xlane v41, v1;
	v7 =	vsel vm0, v7, v21  }
0x1ce: {  	v17 =	vsel vm0, v21, v17;
	v47 =	vperm.xlane v46, v1;
	v10 =	vsel vm0, v10, v45  }
0x1cf: {  	v15 =	vsel vm0, v45, v15;
	v20 =	vperm.xlane v48, v1;
	v14 =	vsel vm0, v14, v50  }
0x1d0: {  	v19 =	vsel vm0, v50, v19;
	v5 =	vsel vm0, v5, v40;
	v9 =	vsel vm0, v40, v9  }
0x1d1: {  	v6 =	vsel vm0, v6, v42;
	v12 =	vsel vm0, v42, v12;
	v11 =	vsel vm0, v11, v47  }
0x1d2: {  	v18 =	vsel vm0, v47, v18;
	v13 =	vsel vm0, v13, v20;
	v16 =	vsel vm0, v20, v16  }
0x1d3: {  	v51 =	vsel vm1, v6, v4;
	v53 =	vsel vm1, v7, v5;
	v54 =	vsel vm1, v12, v8  }
0x1d4: {  	v56 =	vsel vm1, v17, v9;
	v58 =	vsel vm1, v13, v10;
	v52 =	vperm.xlane v51, v2  }
0x1d5: {  	v60 =	vsel vm1, v14, v11;
	v21 =	vperm.xlane v53, v2;
	v55 =	vperm.xlane v54, v2  }
0x1d6: {  	v28 =	vsel vm1, v19, v18;
	v57 =	vperm.xlane v56, v2;
	v20 =	vperm.xlane v58, v2  }
0x1d7: {  	v30 =	vperm.xlane v28, v2;
	v4 =	vsel vm1, v4, v52;
	v5 =	vsel vm1, v5, v21  }
0x1d8: {  	v6 =	vsel vm1, v52, v6;
	v7 =	vsel vm1, v21, v7;
	v59 =	vsel vm3, v5, v4  }
0x1d9: {  	v8 =	vsel vm1, v8, v55;
	v12 =	vsel vm1, v55, v12;
	v22 =	vperm.xlane v59, v3  }
0x1da: {  	v9 =	vsel vm1, v9, v57;
	v17 =	vsel vm1, v57, v17;
	v61 =	vsel vm3, v7, v6  }
0x1db: {  	v10 =	vsel vm1, v10, v20;
	v62 =	vperm.xlane v61, v3;
	v4 =	vsel vm3, v4, v22  }
0x1dc: {  	v21 =	vperm.xlane v60, v2;
	v63 =	vsel vm3, v9, v8;
	v5 =	vsel vm3, v22, v5;
	[tilespmem:s26+$0x2C00] =	vst v4  }
0x1dd: {  	v25 =	vsel vm3, v17, v12;
	v24 =	vperm.xlane v63, v3;
	v6 =	vsel vm3, v6, v62;
	[tilespmem:s26+$0x2C10] =	vst v5  }
0x1de: {  	v11 =	vsel vm1, v11, v21;
	v27 =	vperm.xlane v25, v3;
	v7 =	vsel vm3, v62, v7;
	[tilespmem:s26+$0x2C20] =	vst v6  }
0x1df: {  	v13 =	vsel vm1, v20, v13;
	v29 =	vsel vm3, v11, v10;
	v26 =	vsel vm3, v8, v24;
	[tilespmem:s26+$0x2C30] =	vst v7  }
0x1e0: {  	v9 =	vsel vm3, v24, v9;
	v31 =	vsel vm3, v12, v27;
	v5 =	vsel vm1, v16, v15;
	[tilespmem:s26+$0x2C40] =	vst v26  }
0x1e1: {  	v32 =	vperm.xlane v29, v3;
	v4 =	vsel vm1, v21, v14;
	[tilespmem:s26+$0x2C50] =	vst v9;
	v5 =	vperm.xlane v5, v2  }
0x1e2: {  	v35 =	vsel vm1, v18, v30;
	v8 =	vsel vm3, v27, v17;
	[tilespmem:s26+$0x2C60] =	vst v31;
	v34 =	vsel vm3, v4, v13  }
0x1e3: {  	[tilespmem:s26+$0x2C70] =	vst v8;
	v10 =	vsel vm3, v10, v32;
	v14 =	vperm.xlane v34, v3;
	v33 =	vsel vm1, v15, v5  }
0x1e4: {  	v6 =	vsel vm1, v30, v19;
	v36 =	vsel vm3, v32, v11;
	[tilespmem:s26+$0x2D00] =	vst v10;
	v37 =	vsel vm3, v35, v33  }
0x1e5: {  	[tilespmem:s26+$0x2D10] =	vst v36;
	v5 =	vsel vm1, v5, v16;
	v38 =	vsel vm3, v13, v14;
	v11 =	vperm.xlane v37, v3  }
0x1e6: {  	v4 =	vsel vm3, v14, v4;
	v39 =	vsel vm3, v6, v5;
	[tilespmem:s26+$0x2D20] =	vst v38  }
0x1e7: {  	v8 =	vperm.xlane v39, v3;
	[tilespmem:s26+$0x2D30] =	vst v4;
	v9 =	vsel vm3, v33, v11  }
0x1e8: {  	v4 =	vsel vm3, v11, v35;
	[tilespmem:s26+$0x2D40] =	vst v9  }
0x1e9: {  	v5 =	vsel vm3, v5, v8;
	[tilespmem:s26+$0x2D50] =	vst v4  }
0x1ea: {  	v4 =	vsel vm3, v8, v6;
	[tilespmem:s26+$0x2D60] =	vst v5  }
0x1eb: {  	[tilespmem:s26+$0x2D70] =	vst v4  }
0x1ec: {  	v4 =	vld [tilespmem:s25+$0x70]  }
0x1ed: {  	v5 =	vld [tilespmem:s25+$0xF0]  }
0x1ee: {  	v40 =	vld [tilespmem:s25+$0x170]  }
0x1ef: {  	v41 =	vld [tilespmem:s25+$0x1F0]  }
0x1f0: {  	v42 =	vld [tilespmem:s25+$0x270]  }
0x1f1: {  	v9 =	vld [tilespmem:s25+$0x2F0]  }
0x1f2: {  	v10 =	vld [tilespmem:s25+$0x470]  }
0x1f3: {  	v43 =	vld [tilespmem:s25+$0x4F0]  }
0x1f4: {  	v44 =	vld [tilespmem:s25+$0x370]  }
0x1f5: {  	v45 =	vld [tilespmem:s25+$0x570]  }
0x1f6: {  	v46 =	vld [tilespmem:s25+$0x5F0]  }
0x1f7: {  	v47 =	vld [tilespmem:s25+$0x670]  }
0x1f8: {  	v49 =	vld [tilespmem:s25+$0x3F0]  }
0x1f9: {  	v52 =	vld [tilespmem:s25+$0x770]  }
0x1fa: {  	v54 =	vld [tilespmem:s25+$0x7F0]  }
0x1fb: {  	v51 =	vld [tilespmem:s25+$0x6F0]  }
0x1fc: {  	v48 =	vsel vm2, v10, v4;
	v50 =	vsel vm2, v43, v5  }
0x1fd: {  	v53 =	vsel vm2, v45, v40;
	v55 =	vsel vm2, v46, v41;
	v57 =	vsel vm2, v47, v42  }
0x1fe: {  	v60 =	vsel vm2, v52, v44;
	v16 =	vperm.xlane v48, v0;
	v18 =	vperm.xlane v50, v0  }
0x1ff: {  	v62 =	vsel vm2, v54, v49;
	v56 =	vperm.xlane v55, v0;
	v58 =	vperm.xlane v57, v0  }
0x200: {  	v59 =	vsel vm2, v51, v9;
	v61 =	vperm.xlane v60, v0;
	v63 =	vperm.xlane v62, v0  }
0x201: {  	v4 =	vsel vm2, v4, v16;
	v10 =	vsel vm2, v16, v10;
	v5 =	vsel vm2, v5, v18  }
0x202: {  	v16 =	vperm.xlane v53, v0;
	v11 =	vsel vm2, v18, v43;
	v7 =	vsel vm2, v41, v56  }
0x203: {  	v14 =	vsel vm2, v56, v46;
	v8 =	vsel vm2, v42, v58;
	v18 =	vperm.xlane v59, v0  }
0x204: {  	v15 =	vsel vm2, v58, v47;
	v12 =	vsel vm2, v44, v61;
	v17 =	vsel vm2, v49, v63  }
0x205: {  	v19 =	vsel vm2, v63, v54;
	v24 =	vsel vm0, v8, v4;
	v29 =	vsel vm0, v17, v7  }
0x206: {  	v30 =	vsel vm0, v15, v10;
	v35 =	vsel vm0, v19, v14;
	v6 =	vsel vm2, v40, v16  }
0x207: {  	v13 =	vsel vm2, v16, v45;
	v9 =	vsel vm2, v9, v18;
	v18 =	vsel vm2, v18, v51  }
0x208: {  	v16 =	vsel vm2, v61, v52;
	v20 =	vperm.xlane v24, v1;
	v21 =	vperm.xlane v29, v1  }
0x209: {  	v31 =	vperm.xlane v30, v1;
	v36 =	vperm.xlane v35, v1;
	v25 =	vsel vm0, v9, v5  }
0x20a: {  	v27 =	vsel vm0, v12, v6;
	v32 =	vsel vm0, v18, v11;
	v34 =	vsel vm0, v16, v13  }
0x20b: {  	v26 =	vperm.xlane v25, v1;
	v4 =	vsel vm0, v4, v20;
	v8 =	vsel vm0, v20, v8  }
0x20c: {  	v28 =	vperm.xlane v27, v1;
	v7 =	vsel vm0, v7, v21;
	v17 =	vsel vm0, v21, v17  }
0x20d: {  	v33 =	vperm.xlane v32, v1;
	v10 =	vsel vm0, v10, v31;
	v15 =	vsel vm0, v31, v15  }
0x20e: {  	v20 =	vperm.xlane v34, v1;
	v14 =	vsel vm0, v14, v36;
	v19 =	vsel vm0, v36, v19  }
0x20f: {  	v5 =	vsel vm0, v5, v26;
	v9 =	vsel vm0, v26, v9;
	v6 =	vsel vm0, v6, v28  }
0x210: {  	v12 =	vsel vm0, v28, v12;
	v11 =	vsel vm0, v11, v33;
	v18 =	vsel vm0, v33, v18  }
0x211: {  	v13 =	vsel vm0, v13, v20;
	v16 =	vsel vm0, v20, v16;
	v37 =	vsel vm1, v6, v4  }
0x212: {  	v39 =	vsel vm1, v7, v5;
	v40 =	vsel vm1, v12, v8;
	v42 =	vsel vm1, v17, v9  }
0x213: {  	v44 =	vsel vm1, v13, v10;
	v38 =	vperm.xlane v37, v2;
	v21 =	vperm.xlane v39, v2  }
0x214: {  	v52 =	vsel vm1, v19, v18;
	v41 =	vperm.xlane v40, v2;
	v43 =	vperm.xlane v42, v2  }
0x215: {  	v46 =	vsel vm1, v14, v11;
	v20 =	vperm.xlane v44, v2;
	v54 =	vperm.xlane v52, v2  }
0x216: {  	v4 =	vsel vm1, v4, v38;
	v6 =	vsel vm1, v38, v6;
	v5 =	vsel vm1, v5, v21  }
0x217: {  	v7 =	vsel vm1, v21, v7;
	v8 =	vsel vm1, v8, v41;
	v45 =	vsel vm3, v5, v4  }
0x218: {  	v12 =	vsel vm1, v41, v12;
	v17 =	vsel vm1, v43, v17;
	v22 =	vperm.xlane v45, v3  }
0x219: {  	v21 =	vperm.xlane v46, v2;
	v13 =	vsel vm1, v20, v13;
	v47 =	vsel vm3, v7, v6  }
0x21a: {  	v49 =	vsel vm3, v17, v12;
	v48 =	vperm.xlane v47, v3;
	v4 =	vsel vm3, v4, v22  }
0x21b: {  	v14 =	vsel vm1, v21, v14;
	v51 =	vperm.xlane v49, v3;
	v5 =	vsel vm3, v22, v5;
	[tilespmem:s26+$0x2E00] =	vst v4  }
0x21c: {  	v9 =	vsel vm1, v9, v43;
	v56 =	vsel vm3, v14, v13;
	v6 =	vsel vm3, v6, v48;
	[tilespmem:s26+$0x2E10] =	vst v5  }
0x21d: {  	v7 =	vsel vm3, v48, v7;
	v55 =	vsel vm3, v12, v51;
	v12 =	vperm.xlane v56, v3;
	[tilespmem:s26+$0x2E20] =	vst v6  }
0x21e: {  	v10 =	vsel vm1, v10, v20;
	v57 =	vsel vm1, v18, v54;
	v4 =	vsel vm3, v9, v8;
	[tilespmem:s26+$0x2E30] =	vst v7  }
0x21f: {  	v5 =	vsel vm1, v16, v15;
	[tilespmem:s26+$0x2E60] =	vst v55;
	v4 =	vperm.xlane v4, v3;
	v60 =	vsel vm3, v13, v12  }
0x220: {  	v11 =	vsel vm1, v11, v21;
	v5 =	vperm.xlane v5, v2;
	v61 =	vsel vm3, v12, v14;
	[tilespmem:s26+$0x2F20] =	vst v60  }
0x221: {  	v53 =	vsel vm3, v11, v10;
	[tilespmem:s26+$0x2F30] =	vst v61;
	v50 =	vsel vm3, v8, v4;
	v4 =	vsel vm3, v4, v9  }
0x222: {  	v6 =	vsel vm1, v54, v19;
	v9 =	vperm.xlane v53, v3;
	[tilespmem:s26+$0x2E50] =	vst v4;
	v4 =	vsel vm1, v15, v5  }
0x223: {  	v8 =	vsel vm3, v51, v17;
	[tilespmem:s26+$0x2E40] =	vst v50;
	v5 =	vsel vm1, v5, v16;
	v59 =	vsel vm3, v57, v4  }
0x224: {  	[tilespmem:s26+$0x2E70] =	vst v8;
	v10 =	vsel vm3, v10, v9;
	v58 =	vsel vm3, v9, v11;
	v9 =	vperm.xlane v59, v3  }
0x225: {  	v62 =	vsel vm3, v6, v5;
	[tilespmem:s26+$0x2F00] =	vst v10  }
0x226: {  	[tilespmem:s26+$0x2F10] =	vst v58;
	v63 =	vperm.xlane v62, v3;
	v4 =	vsel vm3, v4, v9  }
0x227: {  	v7 =	vsel vm3, v9, v57;
	[tilespmem:s26+$0x2F40] =	vst v4  }
0x228: {  	v4 =	vsel vm3, v5, v63;
	[tilespmem:s26+$0x2F50] =	vst v7  }
0x229: {  	v5 =	vsel vm3, v63, v6;
	[tilespmem:s26+$0x2F60] =	vst v4  }
0x22a: {  	s28 =	sor.u32 $0x2000, s26;
	[tilespmem:s26+$0x2F70] =	vst v5  }
0x22b: {  	[hbm4b:s22+s2] =	stream.linear.scatter [tilespmem:s28], [sflag:$0x2], $0x80, $0x38;
	[tilespmem:$0x3000] =	vst v63  }
0x22c: {  	s29 =	sadd.s32 $0x10, s22;
	s30 =	sor.u32 $0x2100, s26  }
0x22d: {  	[hbm4b:s29+s2] =	stream.linear.scatter [tilespmem:s30], [sflag:$0x2], $0x80, $0x38;
	[tilespmem:$0x3000] =	vst v63  }
0x22e: {  	s31 =	sor.u32 $0x2200, s26;
	s30 =	sadd.s32 $0x20, s22  }
0x22f: {  	[hbm4b:s30+s2] =	stream.linear.scatter [tilespmem:s31], [sflag:$0x2], $0x80, $0x38;
	[tilespmem:$0x3000] =	vst v63  }
0x230: {  	s31 =	sor.u32 $0x2300, s26;
	s30 =	sadd.s32 $0x30, s22  }
0x231: {  	[hbm4b:s30+s2] =	stream.linear.scatter [tilespmem:s31], [sflag:$0x2], $0x80, $0x38;
	[tilespmem:$0x3000] =	vst v63  }
0x232: {  	s31 =	sor.u32 $0x2400, s26;
	s30 =	sadd.s32 $0x40, s22  }
0x233: {  	[hbm4b:s30+s2] =	stream.linear.scatter [tilespmem:s31], [sflag:$0x2], $0x80, $0x38;
	[tilespmem:$0x3000] =	vst v63  }
0x234: {  	s31 =	sor.u32 $0x2500, s26;
	s30 =	sadd.s32 $0x50, s22  }
0x235: {  	[hbm4b:s30+s2] =	stream.linear.scatter [tilespmem:s31], [sflag:$0x2], $0x80, $0x38;
	[tilespmem:$0x3000] =	vst v63  }
0x236: {  	s31 =	sor.u32 $0x2600, s26;
	s30 =	sadd.s32 $0x60, s22  }
0x237: {  	[hbm4b:s30+s2] =	stream.linear.scatter [tilespmem:s31], [sflag:$0x2], $0x80, $0x38;
	[tilespmem:$0x3000] =	vst v63  }
0x238: {  	s31 =	sor.u32 $0x2700, s26;
	s30 =	sadd.s32 $0x70, s22  }
0x239: {  	[hbm4b:s30+s2] =	stream.linear.scatter [tilespmem:s31], [sflag:$0x2], $0x80, $0x38;
	[tilespmem:$0x3000] =	vst v63  }
0x23a: {  	s31 =	sor.u32 $0x2800, s26;
	s30 =	sadd.s32 $0x80, s22  }
0x23b: {  	[hbm4b:s30+s2] =	stream.linear.scatter [tilespmem:s31], [sflag:$0x2], $0x80, $0x38;
	[tilespmem:$0x3000] =	vst v63  }
0x23c: {  	s31 =	sor.u32 $0x2900, s26;
	s30 =	sadd.s32 $0x90, s22  }
0x23d: {  	[hbm4b:s30+s2] =	stream.linear.scatter [tilespmem:s31], [sflag:$0x2], $0x80, $0x38;
	[tilespmem:$0x3000] =	vst v63  }
0x23e: {  	s31 =	sor.u32 $0x2A00, s26;
	s30 =	sadd.s32 $0xA0, s22  }
0x23f: {  	[hbm4b:s30+s2] =	stream.linear.scatter [tilespmem:s31], [sflag:$0x2], $0x80, $0x38;
	[tilespmem:$0x3000] =	vst v63  }
0x240: {  	s31 =	sor.u32 $0x2B00, s26;
	s30 =	sadd.s32 $0xB0, s22  }
0x241: {  	[hbm4b:s30+s2] =	stream.linear.scatter [tilespmem:s31], [sflag:$0x2], $0x80, $0x38;
	[tilespmem:$0x3000] =	vst v63  }
0x242: {  	s31 =	sor.u32 $0x2C00, s26;
	s30 =	sadd.s32 $0xC0, s22  }
0x243: {  	[hbm4b:s30+s2] =	stream.linear.scatter [tilespmem:s31], [sflag:$0x2], $0x80, $0x38;
	[tilespmem:$0x3000] =	vst v63  }
0x244: {  	s31 =	sor.u32 $0x2D00, s26;
	s30 =	sadd.s32 $0xD0, s22  }
0x245: {  	[hbm4b:s30+s2] =	stream.linear.scatter [tilespmem:s31], [sflag:$0x2], $0x80, $0x38;
	[tilespmem:$0x3000] =	vst v63  }
0x246: {  	s31 =	sor.u32 $0x2E00, s26;
	s30 =	sadd.s32 $0xE0, s22  }
0x247: {  	[hbm4b:s30+s2] =	stream.linear.scatter [tilespmem:s31], [sflag:$0x2], $0x80, $0x38;
	[tilespmem:$0x3000] =	vst v63  }
.Ltmp5:
0x248: {  	_ = 	snop;
	(pc) =	sbr.rel .LBB2_4-.Ltmp5, $4  }
0x249: {  	p0 =	sgt.u32 s21, $0x1E03;
	s26 =	sor.u32 $0x2F00, s26;
	s31 =	sadd.s32 $0xF0, s22  }
0x24a: {  	[hbm4b:s31+s2] =	stream.linear.scatter [tilespmem:s26], [sflag:$0x2], $0x80, $0x38;
	[tilespmem:$0x3000] =	vst v63  }
0x24b: {  	s28 =	simm.s32 @!p0 $0x7A1400;
	s26 =	simm.s32 @!p0 $0x400  }
0x24c: {  	[tilespmem:s25], [sflag:$0x1] =	stream.strided.gather @!p0 [hbm4b:s23+s26], $0x800, s28, s26, $0x38;
	[tilespmem:$0x3000] =	vst v63  }
.LBB2_6:
0x24d: {  	_ =	sfence.sel $0x180000  }
0x24e: {  	[bflag:$0x0] =	sbarrier.arrive $0xFFFF  }
0x24f: {  	p0 =	sne.s32 s1, $0x0;
	_ =	strace $0x90000047  }
0x250: {  	s0 =	sadd.s32 @!p0 $0x100000, s0;
	[bflag:$0x2] =	sbarrier.arrive $0xFFFF  }
0x251: {  	[sflag:s0] =	ssyncadd.tile.s32 @!p0 $0x1;
	_ =	shalt  }
.Lfunc_end2:
_tile_overlayer_lowered:
.L_overlay_start_2:
0x252: {  	(tag) =	ssettag $0x2  }
0x253: {  	s0 =	rddreg [dreg:$0x0];
	s2 =	stileid.u32  }
0x254: {  	s1 =	rddreg [dreg:$0x1];
	p0 =	sne.s32 s2, $0x0  }
0x255: {  	s3 =	rddreg [dreg:$0x2];
	[bflag:$0x3] =	sbarrier.arrive $0xFFFF;
	s2 =	simm.s32 @!p0 $0x1C03  }
0x256: {  	[timem:s3], [sflag:s2] =	dma.local @!p0 [hbm:s0], s1  }
0x257: {  	s0 =	simm.s32 @!p0 $0x3  }
0x258: {  	_ =	swait.ge @!p0 [sflag:s0], s1  }
0x259: {  	s1 =	ssub.s32 @!p0 $0x0, s1;
	[sflag:s0] =	ssyncset.done @!p0 $0x0  }
0x25a: {  	[sflag:s0] =	ssyncadd.s32 @!p0 s1  }
0x25b: {  	[bflag:$0x3] =	sbarrier.arrive $0xFFFF  }
0x25c: {  	_ =	shalt  }

// kernel: kernel.7.cloned.1.call-start
scs
__scs_entry_jumppad:
0x0: {  	(pc) =	sbr.rel $0x88, $3  }
0x1: {  	(tag) =	ssettag $0x0;
	lr =	simm.s32 $0x1  }
0x2: {  	[smem:$0x3F9E] =	sst lr;
	_ =	strace $0xD0000000  }
0x3: {  	_ = 	snop  }
0x4: {  	_ = 	snop  }
0x5: {  	_ = 	snop  }
0x6: {  	_ = 	snop  }
0x7: {  	_ = 	snop  }
__scs_overlays_trampoline_lowered:
0x8: {  	[smem:$0x3FAD] =	sst s0  }
0x9: {  	[smem:$0x3FAE] =	sst s1  }
0xa: {  	[smem:$0x3FAF] =	sst s2  }
0xb: {  	[smem:$0x3FB0] =	sst s3  }
0xc: {  	[smem:$0x3FB1] =	sst s4  }
0xd: {  	[smem:$0x3FB2] =	sst s5  }
0xe: {  	[smem:$0x3FB3] =	sst s6  }
0xf: {  	[smem:$0x3FB4] =	sst s7  }
0x10: {  	[smem:$0x3FB5] =	sst s8  }
0x11: {  	[smem:$0x3FB6] =	sst s9;
	s0 =	simm.s32 @!p0 $0x0  }
0x12: {  	s1 =	sld [smem:$0x3F9C];
	s0 =	simm.s32 @p0 $0x1  }
0x13: {  	[smem:$0x3FB7] =	sst s0;
	s0 =	simm.s32 @!p1 $0x0  }
0x14: {  	s2 =	sld [smem:$0x3F9B];
	s0 =	simm.s32 @p1 $0x1  }
0x15: {  	[smem:$0x3FB8] =	sst s0;
	s0 =	simm.s32 @!p2 $0x0  }
0x16: {  	s3 =	sld [smem:$0x3FDB];
	s0 =	simm.s32 @p2 $0x1  }
0x17: {  	s4 =	simm.s32 $0x1BF5;
	[smem:$0x3FBA] =	sst s0  }
0x18: {  	s0 =	sld [smem:$0x3F9D];
	_ =	swait.ge [sflag:s4], $0x0  }
0x19: {  	s7 =	sld [smem:$0x3F9E]  }
0x1a: {  	s8 =	sadd.s32 $0xFFFFE003, lr  }
0x1b: {  	s9 =	sadd.s32 $0xFFFFFEF7, lr;
	s5 =	simm.s32 $0xFFFFFFFF;
	p2 =	slt.u32 s8, $0xFFFFF086  }
0x1c: {  	p1 =	slt.u32 s9, $0xF7A;
	s5 =	simm.s32 @!p2 $0x0  }
0x1d: {  	s5 =	simm.s32 @p1 $0x1;
	p0 =	seq.s32 s7, s2  }
0x1e: {  	s7 =	smul.u32 @!p0 $0xF7A, s2;
	p2 =	seq.s32 @!p0 s5, $0x0  }
0x1f: {  	s9 =	smul.u32 $0xF7A, s1;
	s8 =	simm.s32 @!p0 $0x1BF5;
	p2 =	por !p2, p0  }
0x20: {  	[sflag:s8] =	ssyncset.s32 @!p0 $0xFFFFF086;
	s6 =	sadd.s32 @!p0 s3, s7;
	s7 =	simm.s32 @!p0 $0x108  }
0x21: {  	s3 =	sadd.s32 s3, s9;
	s6 =	sadd.s32 @!p0 $0x88, s6;
	s7 =	simm.s32 @p2 $0x1082  }
0x22: {  	[simem:s7], [sflag:s8] =	dma.local @!p0 [hbm:s6], $0xF7A  }
0x23: {  	s9 =	sor.u32 $0xD0000000, s2;
	s6 =	simm.s32 $0x108;
	_ =	swait.ge @!p0 [sflag:s8], $0x0  }
0x24: {  	s3 =	sadd.s32 $0x88, s3;
	s6 =	simm.s32 @!p1 $0x1082;
	[sflag:s4] =	ssyncset.s32 $0xFFFFF086  }
0x25: {  	[simem:s6], [sflag:s4] =	dma.local [hbm:s3], $0xF7A  }
0x26: {  	[smem:$0x3F9E] =	sst s1;
	(tag) =	ssettag s2;
	_ =	strace s9  }
0x27: {  	s1 =	sld [smem:$0x3FAE]  }
0x28: {  	s2 =	sld [smem:$0x3FAF]  }
0x29: {  	s4 =	sld [smem:$0x3FB1]  }
0x2a: {  	p0 =	seq.s32 s5, $0x0;
	s5 =	sld [smem:$0x3FB2]  }
0x2b: {  	s6 =	sld [smem:$0x3FB3]  }
0x2c: {  	s7 =	sld [smem:$0x3FB4]  }
0x2d: {  	s3 =	simm.s32 $0x108;
	s8 =	sld [smem:$0x3FB5]  }
0x2e: {  	s3 =	simm.s32 @!p0 $0x1082;
	s9 =	sld [smem:$0x3FB6]  }
0x2f: {  	lr =	sadd.s32 s0, s3;
	s0 =	sld [smem:$0x3FAD]  }
0x30: {  	s3 =	sld [smem:$0x3FB0]  }
0x31: {  	[smem:$0x3FB9] =	sst s10  }
0x32: {  	s10 =	sld [smem:$0x3FB7];
	_ =	sdelay $0x3  }
0x33: {  	p0 =	seq.s32 s10, $0x1;
	s10 =	sld [smem:$0x3FB9];
	_ =	sdelay $0x3  }
0x34: {  	[smem:$0x3FB9] =	sst s10  }
0x35: {  	s10 =	sld [smem:$0x3FB8];
	_ =	sdelay $0x3  }
0x36: {  	p1 =	seq.s32 s10, $0x1;
	s10 =	sld [smem:$0x3FB9];
	_ =	sdelay $0x3  }
0x37: {  	[smem:$0x3FB9] =	sst s10  }
0x38: {  	s10 =	sld [smem:$0x3FBA]  }
0x39: {  	_ = 	snop;
	(pc) =	sbr.ind lr, $3  }
0x3a: {  	_ = 	snop  }
0x3b: {  	_ = 	snop  }
0x3c: {  	p2 =	seq.s32 s10, $0x1;
	s10 =	sld [smem:$0x3FB9]  }
0x3d: {  	_ =	shalt  }
0x3e: {  	_ =	shalt  }
0x3f: {  	_ =	shalt  }
0x40: {  	_ =	shalt  }
0x41: {  	_ =	shalt  }
0x42: {  	_ =	shalt  }
0x43: {  	_ =	shalt  }
0x44: {  	_ =	shalt  }
0x45: {  	_ =	shalt  }
0x46: {  	_ =	shalt  }
0x47: {  	_ =	shalt  }
0x48: {  	_ =	shalt  }
0x49: {  	_ =	shalt  }
0x4a: {  	_ =	shalt  }
0x4b: {  	_ =	shalt  }
0x4c: {  	_ =	shalt  }
0x4d: {  	_ =	shalt  }
0x4e: {  	_ =	shalt  }
0x4f: {  	_ =	shalt  }
0x50: {  	_ =	shalt  }
0x51: {  	_ =	shalt  }
0x52: {  	_ =	shalt  }
0x53: {  	_ =	shalt  }
0x54: {  	_ =	shalt  }
0x55: {  	_ =	shalt  }
0x56: {  	_ =	shalt  }
0x57: {  	_ =	shalt  }
0x58: {  	_ =	shalt  }
0x59: {  	_ =	shalt  }
0x5a: {  	_ =	shalt  }
0x5b: {  	_ =	shalt  }
0x5c: {  	_ =	shalt  }
0x5d: {  	_ =	shalt  }
0x5e: {  	_ =	shalt  }
0x5f: {  	_ =	shalt  }
0x60: {  	_ =	shalt  }
0x61: {  	_ =	shalt  }
0x62: {  	_ =	shalt  }
0x63: {  	_ =	shalt  }
0x64: {  	_ =	shalt  }
0x65: {  	_ =	shalt  }
0x66: {  	_ =	shalt  }
0x67: {  	_ =	shalt  }
0x68: {  	_ =	shalt  }
0x69: {  	_ =	shalt  }
0x6a: {  	_ =	shalt  }
0x6b: {  	_ =	shalt  }
0x6c: {  	_ =	shalt  }
0x6d: {  	_ =	shalt  }
0x6e: {  	_ =	shalt  }
0x6f: {  	_ =	shalt  }
0x70: {  	_ =	shalt  }
0x71: {  	_ =	shalt  }
0x72: {  	_ =	shalt  }
0x73: {  	_ =	shalt  }
0x74: {  	_ =	shalt  }
0x75: {  	_ =	shalt  }
0x76: {  	_ =	shalt  }
0x77: {  	_ =	shalt  }
0x78: {  	_ =	shalt  }
0x79: {  	_ =	shalt  }
0x7a: {  	_ =	shalt  }
0x7b: {  	_ =	shalt  }
0x7c: {  	_ =	shalt  }
0x7d: {  	_ =	shalt  }
0x7e: {  	_ =	shalt  }
0x7f: {  	_ =	shalt  }
0x80: {  	_ =	shalt  }
0x81: {  	_ =	shalt  }
0x82: {  	_ =	shalt  }
0x83: {  	_ =	shalt  }
0x84: {  	_ =	shalt  }
0x85: {  	_ =	shalt  }
0x86: {  	_ =	shalt  }
0x87: {  	_ =	shalt  }
.Lfunc_end0:
.L_simem_size_0:
called_computation.1_lowered:
.L_overlay_start_0:
0x88: {  	s2 =	sld [smem:$0x3FD9]  }
0x89: {  	s3 =	sld [smem:$0x3FFE];
	_ =	sdelay $0x1  }
0x8a: {  	s1 =	srdreg.scid  }
0x8b: {  	s0 =	sand.u32 $0x1, s1  }
0x8c: {  	s17 =	sshll.u32 s0, $0xA;
	s2 =	sadd.s32 s3, s2  }
0x8d: {  	s2 =	sadd.s32 s2, s17  }
0x8e: {  	[smem:$0x3FC5] =	sst s2  }
0x8f: {  	_ = 	snop  }
0x90: {  	s2 =	sld [smem:$0x3FD0];
	(tm) =	ssettm $0x1  }
0x91: {  	s18 =	sld [smem:$0x3FFB];
	_ =	sdelay $0x3  }
0x92: {  	_ =	strace s18  }
0x93: {  	s3 =	sld [smem:$0x3FFC];
	_ =	sdelay $0x3  }
0x94: {  	_ =	strace s3  }
0x95: {  	s3 =	sld [smem:$0x3FFD];
	_ =	sdelay $0x3  }
0x96: {  	_ =	strace s3  }
0x97: {  	_ =	strace $0x8FFFFFFF  }
0x98: {  	s19 =	sld [smem:$0x3FDB];
	_ =	sdelay $0x1  }
0x99: {  	s4 =	simm.s32 $_scs_section_size  }
0x9a: {  	s5 =	simm.s32 $_size__tile_overlayer_lowered;
	s6 =	simm.s32 $_tile_overlayer_lowered  }
0x9b: {  	s22 =	simm.s32 $0x1BFF;
	s21 =	sshll.u32 s6, $0x1;
	s3 =	sadd.s32 s4, s19  }
0x9c: {  	s7 =	simm.s32 $0x0;
	s20 =	sshll.u32 s5, $0x1;
	s5 =	sadd.s32 s21, s3  }
0x9d: {  	[timem:s7], [sflag:s22] =	dma.local [hbm:s5], s20  }
0x9e: {  	_ =	swait.ge [sflag:s22], s20  }
0x9f: {  	s4 =	ssub.s32 $0x0, s20;
	[sflag:s22] =	ssyncset.done $0x0  }
0xa0: {  	[sflag:s22] =	ssyncadd.s32 s4;
	_ =	sdelay $0x1  }
0xa1: {  	s23 =	simm.s32 $0x1B8B  }
0xa2: {  	_ =	swait.ge [sflag:s23], $0x1  }
0xa3: {  	[sflag:s23] =	ssyncset.done $0x0  }
0xa4: {  	s25 =	simm.s32 $0x1B8E;
	s24 =	sld [smem:$0x3FFE];
	[sflag:s23] =	ssyncadd.s32 $0xFFFFFFFF  }
0xa5: {  	s26 =	simm.s32 $execute0_lowered;
	[smem:$0x3FD2] =	sst s25  }
0xa6: {  	s5 =	sshll.u32 s26, $0x1;
	_ =	strace $0x80000049;
	[dreg:$0x1] =	wrdreg $0xFFFFFFFF  }
0xa7: {  	s28 =	simm.s32 $_size_execute0_lowered;
	s3 =	sadd.s32 s3, s5;
	[dreg:$0x0] =	wrdreg $0x0  }
0xa8: {  	s5 =	sshll.u32 s28, $0x1;
	[dreg:$0x2] =	wrdreg s3  }
0xa9: {  	[dreg:$0x3] =	wrdreg s5  }
0xaa: {  	[dreg:$0x4] =	wrdreg $0xC0  }
0xab: {  	_ =	task [dreg:s7], $0x5FFFF  }
0xac: {  	[dreg:$0x1] =	wrdreg $0xFFFFFFFF  }
0xad: {  	[dreg:$0x0] =	wrdreg $0x60  }
0xae: {  	[dreg:$0x2] =	wrdreg s24  }
0xaf: {  	[dreg:$0x3] =	wrdreg s2  }
0xb0: {  	[dreg:$0x4] =	wrdreg $0x9  }
0xb1: {  	_ =	task.clear_ibuf [dreg:s7], $0x5FFFF;
	_ =	strace $0x90000049  }
0xb2: {  	s29 =	simm.s32 $0x9;
	_ =	strace $0x8000004B  }
0xb3: {  	_ =	swait.ge [sflag:s29], $0x1  }
0xb4: {  	[sflag:s29] =	ssyncadd.s32 $0xFFFFFFFF  }
0xb5: {  	_ =	strace $0x9000004B  }
0xb6: {  	_ =	sfence  }
0xb7: {  	s30 =	sld [smem:$0x0];
	_ =	sdelay $0x2  }
0xb8: {  	s31 =	sshll.u32 s1, $0xD;
	s1 =	sshrl.u32 s1, $0x2  }
0xb9: {  	s3 =	sand.u32 $0x4000, s31;
	s1 =	sadd.s32 s1, s30  }
0xba: {  	s0 =	sor.u32 s3, s0;
	s1 =	sshll.u32 s1, $0x11  }
0xbb: {  	s0 =	sor.u32 s1, s0  }
0xbc: {  	s0 =	sadd.s32 $0x8F2B, s0  }
0xbd: {  	[sflag:s0] =	ssyncadd.remote.s32 $0x1  }
0xbe: {  	_ =	sfence.sel $0xFFFF  }
0xbf: {  	[dreg:$0x0] =	wrdreg $0xFFFFFFFF;
	(pc) =	sbr.abs _section_cstart, $3  }
0xc0: {  	[dreg:$0x1] =	wrdreg $0xFFFFFFFF  }
0xc1: {  	_ =	task.clear_ibuf [dreg:s7], $0x2FFFF;
	_ =	strace $0x9FFFFFFF  }
0xc2: {  	(tm) =	ssettm $0x7FFFFFFF  }
0xc3: {  	_ =	shalt  }
tec
execute0_lowered:
.L_overlay_start_1:
0x0: {  	(tag) =	ssettag $0x1  }
0x1: {  	s0 =	rddreg [dreg:$0x0]  }
0x2: {  	s1 =	rddreg [dreg:$0x1];
	s2 =	simm.s32 $0x0  }
0x3: {  	s3 =	srdreg.scid;
	s4 =	stileid.u32;
	s11 =	simm.s32 $0x3  }
0x4: {  	s12 =	simm.s32 $0x80;
	s30 =	simm.s32 $0x300;
	s15 =	simm.s32 $0x400  }
0x5: {  	s19 =	simm.s32 $0x480;
	s24 =	simm.s32 $0x500;
	s29 =	simm.s32 $0x580  }
0x6: {  	s13 =	simm.s32 $0x600;
	s21 =	simm.s32 $0x1;
	s22 =	simm.s32 $0x2  }
0x7: {  	s31 =	simm.s32 $0x0;
	[smem:$0x7FF] =	sst s2;
	s6 =	sand.u32 $0x1, s3  }
0x8: {  	s25 =	sshll.u32 s4, $0x1;
	s3 =	sadd.s32 $0x1E8E00, s0;
	s4 =	sadd.s32 $0x800, s0  }
0x9: {  	v0 =	vlaneseq.u32;
	s5 =	sadd.s32 $0x1F5E00, s0;
	s7 =	sor.u32 s6, s25;
	s26 =	ssub.s32 $0x2, s6  }
0xa: {  	v0 =	vmul.u32 $0x10, v0;
	_ =	strace $0x8000004A;
	s8 =	smul.u32 $0x3400, s7;
	s6 =	sshrl.u32 s26, $0x1  }
0xb: {  	vm0 =	vmmov $0x3ff;
	s9 =	smul.u32 $0x680, s7;
	s28 =	sshll.u32 s7, $0x9;
	s7 =	sshll.u32 s7, $0x6  }
0xc: {  	s25 =	simm.s32 $0xEC40;
	v1 =	vor.u32 $0x1, v0;
	v2 =	vor.u32 $0x2, v0;
	v3 =	vor.u32 $0x3, v0;
	s0 =	ssub.s32 s26, s6;
	s1 =	sadd.s32 s1, s7  }
0xd: {  	v4 =	vor.u32 $0x4, v0;
	v5 =	vor.u32 $0x5, v0;
	v6 =	vor.u32 $0x6, v0;
	s8 =	sshrl.u32 s8, $0x3;
	s9 =	sadd.s32 s3, s9;
	[dreg:$0x5] =	wrdreg s1  }
0xe: {  	v7 =	vor.u32 $0x7, v0;
	v8 =	vor.u32 $0x8, v0;
	v9 =	vor.u32 $0x9, v0;
	s0 =	smax.u32 s0, $0x1;
	s8 =	sadd.s32 s3, s8;
	[dreg:$0x3] =	wrdreg s9  }
0xf: {  	v10 =	vor.u32 $0xA, v0;
	v11 =	vor.u32 $0xB, v0;
	v12 =	vor.u32 $0xC, v0;
	s26 =	simm.s32 $0x280;
	[dreg:$0x6] =	wrdreg s0;
	s8 =	sadd.s32 $0xD0, s8  }
0x10: {  	v13 =	vor.u32 $0xD, v0;
	v14 =	vor.u32 $0xE, v0;
	v15 =	vor.u32 $0xF, v0;
	s1 =	simm.s32 $0x380;
	[dreg:$0x4] =	wrdreg s8;
	s8 =	sor.u32 $0x80, s28  }
.LBB2_1:
0x11: {  	s0 =	rddreg [dreg:$0x3]  }
0x12: {  	[tilespmem:s2], [sflag:$0x3] =	stream.linear.gather [hbm4b:s0+s2], $0x680, $0x38;
	[tilespmem:$0xED40] =	vst v63  }
0x13: {  	_ =	swait.ge [sflag:s11], $0x680  }
0x14: {  	[sflag:s11] =	ssyncset.done $0x0  }
0x15: {  	s9 =	simm.s32 $0xD00;
	[sflag:s11] =	ssyncadd.s32 $0xFFFFF980  }
0x16: {  	[tilespmem:s9], [sflag:$0x1] =	stream.indirect.gather [hbm4b:s4+s12], $0x10, s2, s12, $0xb8;
	[tilespmem:$0xED40] =	vst v63  }
0x17: {  	s10 =	simm.s32 $0xDD00  }
0x18: {  	[tilespmem:s10], [sflag:$0x2] =	stream.indirect.gather [hbm4b:s5+s12], $0x1, s2, s12, $0xb8;
	[tilespmem:$0xED40] =	vst v63  }
0x19: {  	s14 =	simm.s32 $0x1500  }
0x1a: {  	[tilespmem:s14], [sflag:$0x1] =	stream.indirect.gather [hbm4b:s4+s12], $0x10, s12, s12, $0xb8;
	[tilespmem:$0xED40] =	vst v63  }
0x1b: {  	s16 =	simm.s32 $0xDD80  }
0x1c: {  	[tilespmem:s16], [sflag:$0x2] =	stream.indirect.gather [hbm4b:s5+s12], $0x1, s12, s12, $0xb8;
	[tilespmem:$0xED40] =	vst v63  }
0x1d: {  	s17 =	simm.s32 $0x100;
	s6 =	simm.s32 $0x1D00  }
0x1e: {  	[tilespmem:s6], [sflag:$0x1] =	stream.indirect.gather [hbm4b:s4+s12], $0x10, s17, s12, $0xb8;
	[tilespmem:$0xED40] =	vst v63  }
0x1f: {  	s18 =	simm.s32 $0xDE00  }
0x20: {  	[tilespmem:s18], [sflag:$0x2] =	stream.indirect.gather [hbm4b:s5+s12], $0x1, s17, s12, $0xb8;
	[tilespmem:$0xED40] =	vst v63  }
0x21: {  	s20 =	simm.s32 $0x180;
	s23 =	simm.s32 $0x2500  }
0x22: {  	[tilespmem:s23], [sflag:$0x1] =	stream.indirect.gather [hbm4b:s4+s12], $0x10, s20, s12, $0xb8;
	[tilespmem:$0xED40] =	vst v63  }
0x23: {  	s28 =	simm.s32 $0xDE80  }
0x24: {  	[tilespmem:s28], [sflag:$0x2] =	stream.indirect.gather [hbm4b:s5+s12], $0x1, s20, s12, $0xb8;
	[tilespmem:$0xED40] =	vst v63  }
0x25: {  	s7 =	simm.s32 $0x200;
	s9 =	simm.s32 $0x2D00  }
0x26: {  	[tilespmem:s9], [sflag:$0x1] =	stream.indirect.gather [hbm4b:s4+s12], $0x10, s7, s12, $0xb8;
	[tilespmem:$0xED40] =	vst v63  }
0x27: {  	s10 =	simm.s32 $0xDF00  }
0x28: {  	[tilespmem:s10], [sflag:$0x2] =	stream.indirect.gather [hbm4b:s5+s12], $0x1, s7, s12, $0xb8;
	[tilespmem:$0xED40] =	vst v63  }
0x29: {  	s14 =	simm.s32 $0x3500  }
0x2a: {  	[tilespmem:s14], [sflag:$0x1] =	stream.indirect.gather [hbm4b:s4+s12], $0x10, s26, s12, $0xb8;
	[tilespmem:$0xED40] =	vst v63  }
0x2b: {  	s16 =	simm.s32 $0xDF80  }
0x2c: {  	[tilespmem:s16], [sflag:$0x2] =	stream.indirect.gather [hbm4b:s5+s12], $0x1, s26, s12, $0xb8;
	[tilespmem:$0xED40] =	vst v63  }
0x2d: {  	s17 =	simm.s32 $0x3D00  }
0x2e: {  	[tilespmem:s17], [sflag:$0x1] =	stream.indirect.gather [hbm4b:s4+s12], $0x10, s30, s12, $0xb8;
	[tilespmem:$0xED40] =	vst v63  }
0x2f: {  	s18 =	simm.s32 $0xE000  }
0x30: {  	[tilespmem:s18], [sflag:$0x2] =	stream.indirect.gather [hbm4b:s5+s12], $0x1, s30, s12, $0xb8;
	[tilespmem:$0xED40] =	vst v63  }
0x31: {  	s20 =	simm.s32 $0x4500  }
0x32: {  	[tilespmem:s20], [sflag:$0x1] =	stream.indirect.gather [hbm4b:s4+s12], $0x10, s1, s12, $0xb8;
	[tilespmem:$0xED40] =	vst v63  }
0x33: {  	s23 =	simm.s32 $0xE080  }
0x34: {  	[tilespmem:s23], [sflag:$0x2] =	stream.indirect.gather [hbm4b:s5+s12], $0x1, s1, s12, $0xb8;
	[tilespmem:$0xED40] =	vst v63  }
0x35: {  	s28 =	simm.s32 $0x4D00  }
0x36: {  	[tilespmem:s28], [sflag:$0x1] =	stream.indirect.gather [hbm4b:s4+s12], $0x10, s15, s12, $0xb8;
	[tilespmem:$0xED40] =	vst v63  }
0x37: {  	s6 =	simm.s32 $0xE100  }
0x38: {  	[tilespmem:s6], [sflag:$0x2] =	stream.indirect.gather [hbm4b:s5+s12], $0x1, s15, s12, $0xb8;
	[tilespmem:$0xED40] =	vst v63  }
0x39: {  	s7 =	simm.s32 $0x5500  }
0x3a: {  	[tilespmem:s7], [sflag:$0x1] =	stream.indirect.gather [hbm4b:s4+s12], $0x10, s19, s12, $0xb8;
	[tilespmem:$0xED40] =	vst v63  }
0x3b: {  	s9 =	simm.s32 $0xE180  }
0x3c: {  	[tilespmem:s9], [sflag:$0x2] =	stream.indirect.gather [hbm4b:s5+s12], $0x1, s19, s12, $0xb8;
	[tilespmem:$0xED40] =	vst v63  }
0x3d: {  	s10 =	simm.s32 $0x5D00  }
0x3e: {  	[tilespmem:s10], [sflag:$0x1] =	stream.indirect.gather [hbm4b:s4+s12], $0x10, s24, s12, $0xb8;
	[tilespmem:$0xED40] =	vst v63  }
0x3f: {  	s14 =	simm.s32 $0xE200  }
0x40: {  	[tilespmem:s14], [sflag:$0x2] =	stream.indirect.gather [hbm4b:s5+s12], $0x1, s24, s12, $0xb8;
	[tilespmem:$0xED40] =	vst v63  }
0x41: {  	s16 =	simm.s32 $0x6500  }
0x42: {  	[tilespmem:s16], [sflag:$0x1] =	stream.indirect.gather [hbm4b:s4+s12], $0x10, s29, s12, $0xb8;
	[tilespmem:$0xED40] =	vst v63  }
0x43: {  	s17 =	simm.s32 $0xE280  }
0x44: {  	[tilespmem:s17], [sflag:$0x2] =	stream.indirect.gather [hbm4b:s5+s12], $0x1, s29, s12, $0xb8;
	[tilespmem:$0xED40] =	vst v63  }
0x45: {  	s18 =	simm.s32 $0x6D00  }
0x46: {  	[tilespmem:s18], [sflag:$0x1] =	stream.indirect.gather [hbm4b:s4+s12], $0x10, s13, s12, $0xb8;
	[tilespmem:$0xED40] =	vst v63  }
0x47: {  	s20 =	simm.s32 $0xE300  }
0x48: {  	[tilespmem:s20], [sflag:$0x2] =	stream.indirect.gather [hbm4b:s5+s12], $0x1, s13, s12, $0xb8;
	[tilespmem:$0xED40] =	vst v63  }
0x49: {  	s23 =	rddreg [dreg:$0x4];
	s28 =	simm.s32 $0x680  }
0x4a: {  	[tilespmem:s28], [sflag:$0x3] =	stream.linear.gather [hbm4b:s23+s2], $0x680, $0x38;
	[tilespmem:$0xED40] =	vst v63  }
0x4b: {  	_ =	swait.ge [sflag:s11], $0x680  }
0x4c: {  	[sflag:s11] =	ssyncset.done $0x0  }
0x4d: {  	p0 =	por $0x0, $0x0;
	s6 =	simm.s32 $0x0;
	[sflag:s11] =	ssyncadd.s32 $0xFFFFF980  }
.LBB2_3:
0x4e: {  	p1 =	seq.s32 s6, $0x7  }
.Ltmp0:
0x4f: {  	_ = 	snop;
	(pc) =	sbr.rel @p1 .LBB2_5-.Ltmp0, $2  }
0x50: {  	_ =	sdelay $0x2  }
0x51: {  	s0 =	sadd.s32 $0x1, s6  }
0x52: {  	s14 =	sand.u32 $0x1, s0  }
0x53: {  	s7 =	smul.u32 $0x1A000, s14  }
0x54: {  	s16 =	smul.u32 $0x1A00, s14  }
0x55: {  	s14 =	smul.u32 $0x1A80, s14  }
0x56: {  	s7 =	sshrl.u32 s7, $0x2  }
0x57: {  	s16 =	sshrl.u32 s16, $0x2;
	s14 =	sshrl.u32 s14, $0x2;
	s17 =	sadd.s32 $0xD00, s7  }
0x58: {  	[tilespmem:s17], [sflag:$0x1] =	stream.indirect.gather [hbm4b:s4+s12], $0x10, s16, s12, $0xb8;
	[tilespmem:$0xED40] =	vst v63  }
0x59: {  	s18 =	sadd.s32 $0xDD00, s14  }
0x5a: {  	[tilespmem:s18], [sflag:$0x2] =	stream.indirect.gather [hbm4b:s5+s12], $0x1, s16, s12, $0xb8;
	[tilespmem:$0xED40] =	vst v63  }
0x5b: {  	s20 =	sadd.s32 $0x1500, s7;
	s18 =	sadd.s32 $0x80, s16  }
0x5c: {  	[tilespmem:s20], [sflag:$0x1] =	stream.indirect.gather [hbm4b:s4+s12], $0x10, s18, s12, $0xb8;
	[tilespmem:$0xED40] =	vst v63  }
0x5d: {  	s23 =	sadd.s32 $0xDD80, s14  }
0x5e: {  	[tilespmem:s23], [sflag:$0x2] =	stream.indirect.gather [hbm4b:s5+s12], $0x1, s18, s12, $0xb8;
	[tilespmem:$0xED40] =	vst v63  }
0x5f: {  	s28 =	sadd.s32 $0x1D00, s7;
	s9 =	sadd.s32 $0x100, s16  }
0x60: {  	[tilespmem:s28], [sflag:$0x1] =	stream.indirect.gather [hbm4b:s4+s12], $0x10, s9, s12, $0xb8;
	[tilespmem:$0xED40] =	vst v63  }
0x61: {  	s10 =	sadd.s32 $0xDE00, s14  }
0x62: {  	[tilespmem:s10], [sflag:$0x2] =	stream.indirect.gather [hbm4b:s5+s12], $0x1, s9, s12, $0xb8;
	[tilespmem:$0xED40] =	vst v63  }
0x63: {  	s20 =	sadd.s32 $0x180, s16;
	s18 =	sadd.s32 $0x2500, s7  }
0x64: {  	[tilespmem:s18], [sflag:$0x1] =	stream.indirect.gather [hbm4b:s4+s12], $0x10, s20, s12, $0xb8;
	[tilespmem:$0xED40] =	vst v63  }
0x65: {  	s23 =	sadd.s32 $0xDE80, s14  }
0x66: {  	[tilespmem:s23], [sflag:$0x2] =	stream.indirect.gather [hbm4b:s5+s12], $0x1, s20, s12, $0xb8;
	[tilespmem:$0xED40] =	vst v63  }
0x67: {  	s28 =	sadd.s32 $0x2D00, s7;
	s9 =	sadd.s32 $0x200, s16  }
0x68: {  	[tilespmem:s28], [sflag:$0x1] =	stream.indirect.gather [hbm4b:s4+s12], $0x10, s9, s12, $0xb8;
	[tilespmem:$0xED40] =	vst v63  }
0x69: {  	s10 =	sadd.s32 $0xDF00, s14  }
0x6a: {  	[tilespmem:s10], [sflag:$0x2] =	stream.indirect.gather [hbm4b:s5+s12], $0x1, s9, s12, $0xb8;
	[tilespmem:$0xED40] =	vst v63  }
0x6b: {  	s18 =	sadd.s32 $0x3500, s7;
	s20 =	sadd.s32 $0x280, s16  }
0x6c: {  	[tilespmem:s18], [sflag:$0x1] =	stream.indirect.gather [hbm4b:s4+s12], $0x10, s20, s12, $0xb8;
	[tilespmem:$0xED40] =	vst v63  }
0x6d: {  	s23 =	sadd.s32 $0xDF80, s14  }
0x6e: {  	[tilespmem:s23], [sflag:$0x2] =	stream.indirect.gather [hbm4b:s5+s12], $0x1, s20, s12, $0xb8;
	[tilespmem:$0xED40] =	vst v63  }
0x6f: {  	s28 =	sadd.s32 $0x3D00, s7;
	s9 =	sadd.s32 $0x300, s16  }
0x70: {  	[tilespmem:s28], [sflag:$0x1] =	stream.indirect.gather [hbm4b:s4+s12], $0x10, s9, s12, $0xb8;
	[tilespmem:$0xED40] =	vst v63  }
0x71: {  	s10 =	sor.u32 $0xE000, s14  }
0x72: {  	[tilespmem:s10], [sflag:$0x2] =	stream.indirect.gather [hbm4b:s5+s12], $0x1, s9, s12, $0xb8;
	[tilespmem:$0xED40] =	vst v63  }
0x73: {  	s18 =	sadd.s32 $0x4500, s7;
	s20 =	sadd.s32 $0x380, s16  }
0x74: {  	[tilespmem:s18], [sflag:$0x1] =	stream.indirect.gather [hbm4b:s4+s12], $0x10, s20, s12, $0xb8;
	[tilespmem:$0xED40] =	vst v63  }
0x75: {  	s23 =	sadd.s32 $0xE080, s14  }
0x76: {  	[tilespmem:s23], [sflag:$0x2] =	stream.indirect.gather [hbm4b:s5+s12], $0x1, s20, s12, $0xb8;
	[tilespmem:$0xED40] =	vst v63  }
0x77: {  	s28 =	sadd.s32 $0x4D00, s7;
	s9 =	sadd.s32 $0x400, s16  }
0x78: {  	[tilespmem:s28], [sflag:$0x1] =	stream.indirect.gather [hbm4b:s4+s12], $0x10, s9, s12, $0xb8;
	[tilespmem:$0xED40] =	vst v63  }
0x79: {  	s10 =	sadd.s32 $0xE100, s14  }
0x7a: {  	[tilespmem:s10], [sflag:$0x2] =	stream.indirect.gather [hbm4b:s5+s12], $0x1, s9, s12, $0xb8;
	[tilespmem:$0xED40] =	vst v63  }
0x7b: {  	s18 =	sadd.s32 $0x5500, s7;
	s20 =	sadd.s32 $0x480, s16  }
0x7c: {  	[tilespmem:s18], [sflag:$0x1] =	stream.indirect.gather [hbm4b:s4+s12], $0x10, s20, s12, $0xb8;
	[tilespmem:$0xED40] =	vst v63  }
0x7d: {  	s23 =	sadd.s32 $0xE180, s14  }
0x7e: {  	[tilespmem:s23], [sflag:$0x2] =	stream.indirect.gather [hbm4b:s5+s12], $0x1, s20, s12, $0xb8;
	[tilespmem:$0xED40] =	vst v63  }
0x7f: {  	s28 =	sadd.s32 $0x5D00, s7;
	s9 =	sadd.s32 $0x500, s16  }
0x80: {  	[tilespmem:s28], [sflag:$0x1] =	stream.indirect.gather [hbm4b:s4+s12], $0x10, s9, s12, $0xb8;
	[tilespmem:$0xED40] =	vst v63  }
0x81: {  	s10 =	sadd.s32 $0xE200, s14  }
0x82: {  	[tilespmem:s10], [sflag:$0x2] =	stream.indirect.gather [hbm4b:s5+s12], $0x1, s9, s12, $0xb8;
	[tilespmem:$0xED40] =	vst v63  }
0x83: {  	s18 =	sadd.s32 $0x6500, s7;
	s20 =	sadd.s32 $0x580, s16  }
0x84: {  	[tilespmem:s18], [sflag:$0x1] =	stream.indirect.gather [hbm4b:s4+s12], $0x10, s20, s12, $0xb8;
	[tilespmem:$0xED40] =	vst v63  }
0x85: {  	s23 =	sadd.s32 $0xE280, s14  }
0x86: {  	[tilespmem:s23], [sflag:$0x2] =	stream.indirect.gather [hbm4b:s5+s12], $0x1, s20, s12, $0xb8;
	[tilespmem:$0xED40] =	vst v63  }
0x87: {  	s7 =	sadd.s32 $0x6D00, s7;
	s16 =	sadd.s32 $0x600, s16  }
0x88: {  	[tilespmem:s7], [sflag:$0x1] =	stream.indirect.gather [hbm4b:s4+s12], $0x10, s16, s12, $0xb8;
	[tilespmem:$0xED40] =	vst v63  }
0x89: {  	s28 =	sadd.s32 $0xE300, s14  }
0x8a: {  	[tilespmem:s28], [sflag:$0x2] =	stream.indirect.gather [hbm4b:s5+s12], $0x1, s16, s12, $0xb8;
	[tilespmem:$0xED40] =	vst v63  }
.LBB2_5:
0x8b: {  	_ =	swait.ge [sflag:s21], $0x6800  }
0x8c: {  	p1 =	sgt.u32 s6, $0x5;
	s14 =	simm.s32 $0x1;
	s16 =	sand.u32 $0x1, s6  }
0x8d: {  	s23 =	sshll.u32 s6, $0x6;
	[sflag:s21] =	ssyncset.done $0x0;
	s7 =	sshll.u32 @!p1 s6, $0x6  }
0x8e: {  	s14 =	simm.s32 @!p0 $0x0;
	s17 =	smul.u32 @!p1 $0x1A00, s16;
	s7 =	sadd.s32 @!p1 s7, s8  }
0x8f: {  	s18 =	simm.s32 @!p1 $0x0;
	[sflag:s21] =	ssyncadd.s32 $0xFFFF9800;
	s7 =	smul.u32 @!p1 $0x1A, s7  }
0x90: {  	s16 =	smul.u32 $0x1A80, s16;
	s6 =	sand.u32 $0x3FFFFFC0, s23;
	_ =	swait.ge [sflag:s22], $0x680  }
0x91: {  	s14 =	smul.u32 $0x1A000, s14;
	[sflag:s22] =	ssyncset.done $0x0;
	s7 =	sshrl.u32 @!p1 s7, $0x3  }
0x92: {  	s17 =	sshrl.u32 @!p1 s17, $0x2;
	[sflag:s22] =	ssyncadd.s32 $0xFFFFF980;
	s7 =	sadd.s32 @!p1 s3, s7  }
0x93: {  	[tilespmem:s17], [sflag:$0x3] =	stream.linear.gather @!p1 [hbm4b:s7+s18], $0x680, $0x38;
	[tilespmem:$0xED40] =	vst v63  }
0x94: {  	s6 =	sadd.s32 $0xEA40, s6;
	s17 =	simm.s32 @!p1 $0x3  }
0x95: {  	s28 =	sshrl.u32 s16, $0x2;
	s20 =	sshrl.u32 s14, $0x2;
	_ =	swait.ge @!p1 [sflag:s17], $0x680  }
0x96: {  	s16 =	sadd.s32 $0xDD00, s28;
	s14 =	sadd.s32 $0xDD0, s20;
	[sflag:s17] =	ssyncset.done @!p1 $0x0  }
0x97: {  	v16 =	vmov s6;
	s18 =	simm.s32 $0x0;
	[sflag:s17] =	ssyncadd.s32 @!p1 $0xFFFFF980;
	s17 =	simm.s32 $0x10  }
.LBB2_6:
0x98: {  	v17 =	vld [tilespmem:s14+$0xFFFFFF30]  }
0x99: {  	v18 =	vld [tilespmem:s14+$0xFFFFFF40];
	_ =	sdelay $0x1  }
0x9a: {  	v19 =	vld [tilespmem:s14+$0xFFFFFF50];
	_ =	sdelay $0x1  }
0x9b: {  	v20 =	vld [tilespmem:s14+$0xFFFFFF60]  }
0x9c: {  	v21 =	vmul.f32 v17, v17;
	v17 =	vadd.f32 v18, v17;
	v18 =	vmul.f32 v18, v18  }
0x9d: {  	v22 =	vld [tilespmem:s14+$0xFFFFFF70]  }
0x9e: {  	v18 =	vadd.f32 v18, v21;
	v17 =	vadd.f32 v19, v17;
	v19 =	vmul.f32 v19, v19  }
0x9f: {  	v50 =	vld [tilespmem:s14+$0xFFFFFF80]  }
0xa0: {  	v18 =	vadd.f32 v19, v18;
	v17 =	vadd.f32 v20, v17;
	v19 =	vmul.f32 v20, v20  }
0xa1: {  	v20 =	vld [tilespmem:s14+$0xFFFFFF90]  }
0xa2: {  	v18 =	vadd.f32 v19, v18;
	v17 =	vadd.f32 v22, v17;
	v19 =	vmul.f32 v22, v22  }
0xa3: {  	v51 =	vld [tilespmem:s14+$0xFFFFFFA0]  }
0xa4: {  	v18 =	vadd.f32 v19, v18;
	v17 =	vadd.f32 v50, v17;
	v19 =	vmul.f32 v50, v50  }
0xa5: {  	v52 =	vld [tilespmem:s14+$0xFFFFFFB0]  }
0xa6: {  	v18 =	vadd.f32 v19, v18;
	v17 =	vadd.f32 v20, v17;
	v19 =	vmul.f32 v20, v20  }
0xa7: {  	v20 =	vld [tilespmem:s14+$0xFFFFFFC0]  }
0xa8: {  	v18 =	vadd.f32 v19, v18;
	v17 =	vadd.f32 v51, v17;
	v19 =	vmul.f32 v51, v51  }
0xa9: {  	v53 =	vld [tilespmem:s14+$0xFFFFFFD0]  }
0xaa: {  	v18 =	vadd.f32 v19, v18;
	v17 =	vadd.f32 v52, v17;
	v19 =	vmul.f32 v52, v52  }
0xab: {  	v54 =	vld [tilespmem:s14+$0xFFFFFFE0]  }
0xac: {  	v18 =	vadd.f32 v19, v18;
	v17 =	vadd.f32 v20, v17;
	v19 =	vmul.f32 v20, v20  }
0xad: {  	v20 =	vld [tilespmem:s14+$0xFFFFFFF0]  }
0xae: {  	v18 =	vadd.f32 v19, v18;
	v17 =	vadd.f32 v53, v17;
	v19 =	vmul.f32 v53, v53  }
0xaf: {  	v55 =	vld [tilespmem:s14+$0x0]  }
0xb0: {  	v18 =	vadd.f32 v19, v18;
	v17 =	vadd.f32 v54, v17;
	v19 =	vmul.f32 v54, v54  }
0xb1: {  	v56 =	vld [tilespmem:s14+$0x10]  }
0xb2: {  	v18 =	vadd.f32 v19, v18;
	v17 =	vadd.f32 v20, v17;
	v19 =	vmul.f32 v20, v20  }
0xb3: {  	v20 =	vld [tilespmem:s14+$0x20]  }
0xb4: {  	v18 =	vadd.f32 v19, v18;
	v17 =	vadd.f32 v55, v17;
	v19 =	vmul.f32 v55, v55  }
0xb5: {  	v57 =	vld [tilespmem:s14+$0x30]  }
0xb6: {  	v18 =	vadd.f32 v19, v18;
	v17 =	vadd.f32 v56, v17;
	v19 =	vmul.f32 v56, v56  }
0xb7: {  	v58 =	vld [tilespmem:s14+$0x40]  }
0xb8: {  	v18 =	vadd.f32 v19, v18;
	v17 =	vadd.f32 v20, v17;
	v19 =	vmul.f32 v20, v20  }
0xb9: {  	v20 =	vld [tilespmem:s14+$0x50]  }
0xba: {  	v18 =	vadd.f32 v19, v18;
	v17 =	vadd.f32 v57, v17;
	v19 =	vmul.f32 v57, v57  }
0xbb: {  	v59 =	vld [tilespmem:s14+$0x60]  }
0xbc: {  	v18 =	vadd.f32 v19, v18;
	v17 =	vadd.f32 v58, v17;
	v19 =	vmul.f32 v58, v58  }
0xbd: {  	v60 =	vld [tilespmem:s14+$0x70]  }
0xbe: {  	v18 =	vadd.f32 v19, v18;
	v17 =	vadd.f32 v20, v17;
	v19 =	vmul.f32 v20, v20  }
0xbf: {  	v20 =	vld [tilespmem:s14+$0x80]  }
0xc0: {  	v18 =	vadd.f32 v19, v18;
	v17 =	vadd.f32 v59, v17;
	v19 =	vmul.f32 v59, v59  }
0xc1: {  	v61 =	vld [tilespmem:s14+$0x90]  }
0xc2: {  	v18 =	vadd.f32 v19, v18;
	v17 =	vadd.f32 v60, v17;
	v19 =	vmul.f32 v60, v60  }
0xc3: {  	v62 =	vld [tilespmem:s14+$0xA0]  }
0xc4: {  	v18 =	vadd.f32 v19, v18;
	v17 =	vadd.f32 v20, v17;
	v19 =	vmul.f32 v20, v20  }
0xc5: {  	v20 =	vld [tilespmem:s14+$0xB0]  }
0xc6: {  	v18 =	vadd.f32 v19, v18;
	v17 =	vadd.f32 v61, v17;
	v19 =	vmul.f32 v61, v61  }
0xc7: {  	v63 =	vld [tilespmem:s14+$0xC0]  }
0xc8: {  	v18 =	vadd.f32 v19, v18;
	v17 =	vadd.f32 v62, v17;
	v19 =	vmul.f32 v62, v62;
	_ =	sdelay $0x1  }
0xc9: {  	v18 =	vadd.f32 v19, v18;
	v17 =	vadd.f32 v20, v17;
	v19 =	vmul.f32 v20, v20  }
0xca: {  	s6 =	sadd.s32 $0xFFFFFFF0, s17  }
0xcb: {  	s7 =	sand.u32 $0x7F8, s6;
	v18 =	vadd.f32 v19, v18;
	v17 =	vadd.f32 v63, v17;
	v19 =	vmul.f32 v63, v63  }
0xcc: {  	s20 =	sand.u32 $0xFF8, s17;
	s6 =	sand.u32 $0x6, s6;
	s7 =	sadd.s32 s7, s16  }
0xcd: {  	s20 =	sadd.s32 s20, s16;
	s7 =	sadd.s32 s6, s7;
	v18 =	vadd.f32 v19, v18;
	v17 =	vmul.f32 v17, v17  }
0xce: {  	s6 =	sadd.s32 s6, s20;
	v19 =	vld [tilespmem:s7+$0x0]  }
0xcf: {  	v20 =	vld [tilespmem:s6+$0x0];
	v17 =	vsub.f32 v17, v18;
	_ =	sdelay $0x1  }
0xd0: {  	v17 =	vmul.f32 $5.000000000e-01, v17;
	_ =	sdelay $0x1  }
0xd1: {  	v17 =	vadd.f32 v17, v19  }
0xd2: {  	v18 =	vnsel vm0, $0x0, v20  }
0xd3: {  	v17 =	vadd.f32 v17, v18  }
0xd4: {  	s23 =	simm.s32 $0x0  }
0xd5: {  	s7 =	sadd.s32 $0x1A0, s14;
	[tilespmem:s23+$0xEC40] =	vst v17  }
0xd6: {  	v17 =	vld [tilespmem:s7+$0xFFFFFF30]  }
0xd7: {  	s28 =	smov.u32 s17;
	s20 =	simm.s32 $0x80;
	s6 =	simm.s32 $0x40;
	v18 =	vld [tilespmem:s7+$0xFFFFFF40]  }
.LBB2_7:
0xd8: {  	p1 =	sne.s32 s20, $0x3C0  }
0xd9: {  	v19 =	vld [tilespmem:s7+$0xFFFFFF50];
	_ =	sdelay $0x1  }
0xda: {  	v20 =	vld [tilespmem:s7+$0xFFFFFF60]  }
0xdb: {  	v21 =	vmul.f32 v17, v17;
	v17 =	vadd.f32 v18, v17;
	v18 =	vmul.f32 v18, v18  }
0xdc: {  	v22 =	vld [tilespmem:s7+$0xFFFFFF70]  }
0xdd: {  	v18 =	vadd.f32 v18, v21;
	v17 =	vadd.f32 v19, v17;
	v19 =	vmul.f32 v19, v19  }
0xde: {  	v21 =	vld [tilespmem:s7+$0xFFFFFF80]  }
0xdf: {  	v18 =	vadd.f32 v19, v18;
	v17 =	vadd.f32 v20, v17;
	v19 =	vmul.f32 v20, v20  }
0xe0: {  	v20 =	vld [tilespmem:s7+$0xFFFFFF90]  }
0xe1: {  	v18 =	vadd.f32 v19, v18;
	v17 =	vadd.f32 v22, v17;
	v19 =	vmul.f32 v22, v22  }
0xe2: {  	v22 =	vld [tilespmem:s7+$0xFFFFFFA0]  }
0xe3: {  	v18 =	vadd.f32 v19, v18;
	v17 =	vadd.f32 v21, v17;
	v19 =	vmul.f32 v21, v21  }
0xe4: {  	v21 =	vld [tilespmem:s7+$0xFFFFFFB0]  }
0xe5: {  	v18 =	vadd.f32 v19, v18;
	v17 =	vadd.f32 v20, v17;
	v19 =	vmul.f32 v20, v20  }
0xe6: {  	v20 =	vld [tilespmem:s7+$0xFFFFFFC0]  }
0xe7: {  	v18 =	vadd.f32 v19, v18;
	v17 =	vadd.f32 v22, v17;
	v19 =	vmul.f32 v22, v22  }
0xe8: {  	v22 =	vld [tilespmem:s7+$0xFFFFFFD0]  }
0xe9: {  	v18 =	vadd.f32 v19, v18;
	v17 =	vadd.f32 v21, v17;
	v19 =	vmul.f32 v21, v21  }
0xea: {  	v21 =	vld [tilespmem:s7+$0xFFFFFFE0]  }
0xeb: {  	v18 =	vadd.f32 v19, v18;
	v17 =	vadd.f32 v20, v17;
	v19 =	vmul.f32 v20, v20  }
0xec: {  	v20 =	vld [tilespmem:s7+$0xFFFFFFF0]  }
0xed: {  	v18 =	vadd.f32 v19, v18;
	v17 =	vadd.f32 v22, v17;
	v19 =	vmul.f32 v22, v22  }
0xee: {  	v22 =	vld [tilespmem:s7+$0x0]  }
0xef: {  	v18 =	vadd.f32 v19, v18;
	v17 =	vadd.f32 v21, v17;
	v19 =	vmul.f32 v21, v21  }
0xf0: {  	v21 =	vld [tilespmem:s7+$0x10]  }
0xf1: {  	v18 =	vadd.f32 v19, v18;
	v17 =	vadd.f32 v20, v17;
	v19 =	vmul.f32 v20, v20  }
0xf2: {  	v20 =	vld [tilespmem:s7+$0x20]  }
0xf3: {  	v18 =	vadd.f32 v19, v18;
	v17 =	vadd.f32 v22, v17;
	v19 =	vmul.f32 v22, v22  }
0xf4: {  	v22 =	vld [tilespmem:s7+$0x30]  }
0xf5: {  	v18 =	vadd.f32 v19, v18;
	v17 =	vadd.f32 v21, v17;
	v19 =	vmul.f32 v21, v21  }
0xf6: {  	v21 =	vld [tilespmem:s7+$0x40]  }
0xf7: {  	v18 =	vadd.f32 v19, v18;
	v17 =	vadd.f32 v20, v17;
	v19 =	vmul.f32 v20, v20  }
0xf8: {  	v20 =	vld [tilespmem:s7+$0x50]  }
0xf9: {  	v18 =	vadd.f32 v19, v18;
	v17 =	vadd.f32 v22, v17;
	v19 =	vmul.f32 v22, v22  }
0xfa: {  	v22 =	vld [tilespmem:s7+$0x60]  }
0xfb: {  	v18 =	vadd.f32 v19, v18;
	v17 =	vadd.f32 v21, v17;
	v19 =	vmul.f32 v21, v21  }
0xfc: {  	v21 =	vld [tilespmem:s7+$0x70]  }
0xfd: {  	v18 =	vadd.f32 v19, v18;
	v17 =	vadd.f32 v20, v17;
	v19 =	vmul.f32 v20, v20  }
0xfe: {  	v20 =	vld [tilespmem:s7+$0x80]  }
0xff: {  	v18 =	vadd.f32 v19, v18;
	v17 =	vadd.f32 v22, v17;
	v19 =	vmul.f32 v22, v22  }
0x100: {  	v22 =	vld [tilespmem:s7+$0x90]  }
0x101: {  	v18 =	vadd.f32 v19, v18;
	v17 =	vadd.f32 v21, v17;
	v19 =	vmul.f32 v21, v21  }
0x102: {  	v21 =	vld [tilespmem:s7+$0xA0]  }
0x103: {  	v18 =	vadd.f32 v19, v18;
	v17 =	vadd.f32 v20, v17;
	v19 =	vmul.f32 v20, v20  }
0x104: {  	v20 =	vld [tilespmem:s7+$0xB0]  }
0x105: {  	v18 =	vadd.f32 v19, v18;
	v17 =	vadd.f32 v22, v17;
	v19 =	vmul.f32 v22, v22  }
0x106: {  	v22 =	vld [tilespmem:s7+$0xC0]  }
0x107: {  	v18 =	vadd.f32 v19, v18;
	v17 =	vadd.f32 v21, v17;
	v19 =	vmul.f32 v21, v21;
	_ =	sdelay $0x1  }
0x108: {  	s28 =	sadd.s32 $0x1A, s28;
	v18 =	vadd.f32 v19, v18;
	v17 =	vadd.f32 v20, v17;
	v19 =	vmul.f32 v20, v20  }
0x109: {  	s9 =	sadd.s32 $0xFFFFFFF0, s28  }
0x10a: {  	s10 =	sand.u32 $0x7F8, s9;
	v18 =	vadd.f32 v19, v18;
	v17 =	vadd.f32 v22, v17;
	v19 =	vmul.f32 v22, v22  }
0x10b: {  	s23 =	sand.u32 $0xFF8, s28;
	s9 =	sand.u32 $0x6, s9;
	s10 =	sadd.s32 s10, s16  }
0x10c: {  	s23 =	sadd.s32 s23, s16;
	s10 =	sadd.s32 s9, s10;
	v18 =	vadd.f32 v19, v18;
	v17 =	vmul.f32 v17, v17  }
0x10d: {  	s9 =	sadd.s32 s9, s23;
	v19 =	vld [tilespmem:s10+$0x0]  }
0x10e: {  	v20 =	vld [tilespmem:s9+$0x0];
	v17 =	vsub.f32 v17, v18;
	_ =	sdelay $0x1  }
0x10f: {  	v17 =	vmul.f32 $5.000000000e-01, v17;
	_ =	sdelay $0x1  }
0x110: {  	v17 =	vadd.f32 v17, v19  }
0x111: {  	v18 =	vnsel vm0, $0x0, v20  }
.Ltmp1:
0x112: {  	v17 =	vadd.f32 v17, v18;
	(pc) =	sbr.rel @p1 .LBB2_7-.Ltmp1, $4  }
0x113: {  	s9 =	sshra.s32 s6, $0x2;
	s6 =	smov.u32 s20  }
0x114: {  	s7 =	sadd.s32 $0x1A0, s7;
	[tilespmem:s9+$0xEC40] =	vst v17  }
0x115: {  	v17 =	vld [tilespmem:s7+$0xFFFFFF30]  }
0x116: {  	s20 =	sadd.s32 $0x40, s20;
	v18 =	vld [tilespmem:s7+$0xFFFFFF40]  }
0x117: {  	_ = 	snop  }
0x118: {  	v19 =	vld [tilespmem:s7+$0xFFFFFF50];
	_ =	sdelay $0x1  }
0x119: {  	v20 =	vld [tilespmem:s7+$0xFFFFFF60]  }
0x11a: {  	v21 =	vmul.f32 v17, v17;
	v17 =	vadd.f32 v18, v17;
	v18 =	vmul.f32 v18, v18  }
0x11b: {  	v22 =	vld [tilespmem:s7+$0xFFFFFF70]  }
0x11c: {  	v18 =	vadd.f32 v18, v21;
	v17 =	vadd.f32 v19, v17;
	v19 =	vmul.f32 v19, v19  }
0x11d: {  	v37 =	vld [tilespmem:s7+$0xFFFFFF80]  }
0x11e: {  	v18 =	vadd.f32 v19, v18;
	v17 =	vadd.f32 v20, v17;
	v19 =	vmul.f32 v20, v20  }
0x11f: {  	v38 =	vld [tilespmem:s7+$0xFFFFFF90]  }
0x120: {  	v18 =	vadd.f32 v19, v18;
	v17 =	vadd.f32 v22, v17;
	v19 =	vmul.f32 v22, v22  }
0x121: {  	v39 =	vld [tilespmem:s7+$0xFFFFFFA0]  }
0x122: {  	v18 =	vadd.f32 v19, v18;
	v17 =	vadd.f32 v37, v17;
	v19 =	vmul.f32 v37, v37  }
0x123: {  	v40 =	vld [tilespmem:s7+$0xFFFFFFB0]  }
0x124: {  	v18 =	vadd.f32 v19, v18;
	v17 =	vadd.f32 v38, v17;
	v19 =	vmul.f32 v38, v38  }
0x125: {  	v41 =	vld [tilespmem:s7+$0xFFFFFFC0]  }
0x126: {  	v18 =	vadd.f32 v19, v18;
	v17 =	vadd.f32 v39, v17;
	v19 =	vmul.f32 v39, v39  }
0x127: {  	v42 =	vld [tilespmem:s7+$0xFFFFFFD0]  }
0x128: {  	v18 =	vadd.f32 v19, v18;
	v17 =	vadd.f32 v40, v17;
	v19 =	vmul.f32 v40, v40  }
0x129: {  	v43 =	vld [tilespmem:s7+$0xFFFFFFE0]  }
0x12a: {  	v18 =	vadd.f32 v19, v18;
	v17 =	vadd.f32 v41, v17;
	v19 =	vmul.f32 v41, v41  }
0x12b: {  	v44 =	vld [tilespmem:s7+$0xFFFFFFF0]  }
0x12c: {  	v18 =	vadd.f32 v19, v18;
	v17 =	vadd.f32 v42, v17;
	v19 =	vmul.f32 v42, v42  }
0x12d: {  	v45 =	vld [tilespmem:s7+$0x0]  }
0x12e: {  	v18 =	vadd.f32 v19, v18;
	v17 =	vadd.f32 v43, v17;
	v19 =	vmul.f32 v43, v43  }
0x12f: {  	v46 =	vld [tilespmem:s7+$0x10]  }
0x130: {  	v18 =	vadd.f32 v19, v18;
	v17 =	vadd.f32 v44, v17;
	v19 =	vmul.f32 v44, v44  }
0x131: {  	v47 =	vld [tilespmem:s7+$0x20]  }
0x132: {  	v18 =	vadd.f32 v19, v18;
	v17 =	vadd.f32 v45, v17;
	v19 =	vmul.f32 v45, v45  }
0x133: {  	v48 =	vld [tilespmem:s7+$0x30]  }
0x134: {  	v18 =	vadd.f32 v19, v18;
	v17 =	vadd.f32 v46, v17;
	v19 =	vmul.f32 v46, v46  }
0x135: {  	v49 =	vld [tilespmem:s7+$0x40]  }
0x136: {  	v18 =	vadd.f32 v19, v18;
	v17 =	vadd.f32 v47, v17;
	v19 =	vmul.f32 v47, v47  }
0x137: {  	v50 =	vld [tilespmem:s7+$0x50]  }
0x138: {  	v18 =	vadd.f32 v19, v18;
	v17 =	vadd.f32 v48, v17;
	v19 =	vmul.f32 v48, v48  }
0x139: {  	v51 =	vld [tilespmem:s7+$0x60]  }
0x13a: {  	v18 =	vadd.f32 v19, v18;
	v17 =	vadd.f32 v49, v17;
	v19 =	vmul.f32 v49, v49  }
0x13b: {  	v52 =	vld [tilespmem:s7+$0x70]  }
0x13c: {  	v18 =	vadd.f32 v19, v18;
	v17 =	vadd.f32 v50, v17;
	v19 =	vmul.f32 v50, v50  }
0x13d: {  	v53 =	vld [tilespmem:s7+$0x80]  }
0x13e: {  	v18 =	vadd.f32 v19, v18;
	v17 =	vadd.f32 v51, v17;
	v19 =	vmul.f32 v51, v51  }
0x13f: {  	v54 =	vld [tilespmem:s7+$0x90]  }
0x140: {  	v18 =	vadd.f32 v19, v18;
	v17 =	vadd.f32 v52, v17;
	v19 =	vmul.f32 v52, v52  }
0x141: {  	v55 =	vld [tilespmem:s7+$0xA0]  }
0x142: {  	v18 =	vadd.f32 v19, v18;
	v17 =	vadd.f32 v53, v17;
	v19 =	vmul.f32 v53, v53  }
0x143: {  	v56 =	vld [tilespmem:s7+$0xB0]  }
0x144: {  	v18 =	vadd.f32 v19, v18;
	v17 =	vadd.f32 v54, v17;
	v19 =	vmul.f32 v54, v54  }
0x145: {  	v57 =	vld [tilespmem:s7+$0xC0]  }
0x146: {  	v18 =	vadd.f32 v19, v18;
	v17 =	vadd.f32 v55, v17;
	v19 =	vmul.f32 v55, v55;
	_ =	sdelay $0x1  }
0x147: {  	s23 =	sadd.s32 $0x1A, s28;
	v18 =	vadd.f32 v19, v18;
	v17 =	vadd.f32 v56, v17;
	v19 =	vmul.f32 v56, v56  }
0x148: {  	s9 =	sadd.s32 $0xFFFFFFF0, s23  }
0x149: {  	s10 =	sand.u32 $0x7F8, s9;
	v18 =	vadd.f32 v19, v18;
	v17 =	vadd.f32 v57, v17;
	v19 =	vmul.f32 v57, v57  }
0x14a: {  	s7 =	sand.u32 $0xFF8, s23;
	s9 =	sand.u32 $0x6, s9;
	s10 =	sadd.s32 s10, s16  }
0x14b: {  	s7 =	sadd.s32 s7, s16;
	s10 =	sadd.s32 s9, s10;
	v18 =	vadd.f32 v19, v18;
	v17 =	vmul.f32 v17, v17  }
0x14c: {  	s7 =	sadd.s32 s9, s7;
	v19 =	vld [tilespmem:s10+$0x0]  }
0x14d: {  	v58 =	vld [tilespmem:s7+$0x0];
	v17 =	vsub.f32 v17, v18;
	_ =	sdelay $0x1  }
0x14e: {  	v17 =	vmul.f32 $5.000000000e-01, v17;
	_ =	sdelay $0x1  }
0x14f: {  	v17 =	vadd.f32 v17, v19  }
0x150: {  	v18 =	vnsel vm0, $0x0, v58  }
0x151: {  	v17 =	vadd.f32 v17, v18  }
0x152: {  	s6 =	sshra.s32 s6, $0x2  }
0x153: {  	[tilespmem:s6+$0xEC40] =	vst v17  }
0x154: {  	v17 =	vld.idx.msk [tilespmem:v0+s25+$0x0], $0xffff  }
0x155: {  	v18 =	vld.idx.msk [tilespmem:v1+s25+$0x0], $0xffff;
	_ =	sdelay $0x1  }
0x156: {  	v19 =	vld.idx.msk [tilespmem:v2+s25+$0x0], $0xffff;
	_ =	sdelay $0x1  }
0x157: {  	v59 =	vld.idx.msk [tilespmem:v3+s25+$0x0], $0xffff  }
0x158: {  	v17 =	vadd.f32 v18, v17  }
0x159: {  	v18 =	vld.idx.msk [tilespmem:v4+s25+$0x0], $0xffff  }
0x15a: {  	v17 =	vadd.f32 v19, v17  }
0x15b: {  	v19 =	vld.idx.msk [tilespmem:v5+s25+$0x0], $0xffff  }
0x15c: {  	v17 =	vadd.f32 v59, v17  }
0x15d: {  	v60 =	vld.idx.msk [tilespmem:v6+s25+$0x0], $0xffff  }
0x15e: {  	v17 =	vadd.f32 v18, v17  }
0x15f: {  	v18 =	vld.idx.msk [tilespmem:v7+s25+$0x0], $0xffff  }
0x160: {  	v17 =	vadd.f32 v19, v17  }
0x161: {  	v19 =	vld.idx.msk [tilespmem:v8+s25+$0x0], $0xffff  }
0x162: {  	v17 =	vadd.f32 v60, v17  }
0x163: {  	v61 =	vld.idx.msk [tilespmem:v9+s25+$0x0], $0xffff  }
0x164: {  	v17 =	vadd.f32 v18, v17  }
0x165: {  	v18 =	vld.idx.msk [tilespmem:v10+s25+$0x0], $0xffff  }
0x166: {  	v17 =	vadd.f32 v19, v17  }
0x167: {  	v19 =	vld.idx.msk [tilespmem:v11+s25+$0x0], $0xffff  }
0x168: {  	v17 =	vadd.f32 v61, v17  }
0x169: {  	v62 =	vld.idx.msk [tilespmem:v12+s25+$0x0], $0xffff  }
0x16a: {  	v17 =	vadd.f32 v18, v17  }
0x16b: {  	v18 =	vld.idx.msk [tilespmem:v13+s25+$0x0], $0xffff  }
0x16c: {  	v17 =	vadd.f32 v19, v17  }
0x16d: {  	v19 =	vld.idx.msk [tilespmem:v14+s25+$0x0], $0xffff  }
0x16e: {  	v17 =	vadd.f32 v62, v17  }
0x16f: {  	v63 =	vld.idx.msk [tilespmem:v15+s25+$0x0], $0xffff  }
0x170: {  	s28 =	sshll.u32 s18, $0x4;
	s18 =	sadd.s32 $0x1, s18;
	v17 =	vadd.f32 v18, v17  }
0x171: {  	p1 =	seq.s32 s18, $0x4  }
.Ltmp2:
0x172: {  	v17 =	vadd.f32 v19, v17;
	(pc) =	sbr.rel @!p1 .LBB2_6-.Ltmp2, $4  }
0x173: {  	_ = 	snop  }
0x174: {  	v17 =	vadd.f32 v63, v17  }
0x175: {  	s6 =	sand.u32 $0x3FFFFFF0, s28  }
0x176: {  	s17 =	sadd.s32 $0x1A0, s17;
	s14 =	sadd.s32 $0x1A00, s14;
	[tilespmem:v16+s6+$0x0 ss:$0x1] =	vst.idx.msk $0xffff, v17  }
0x177: {  	p1 =	seq.s32 s0, $0x8  }
.Ltmp3:
0x178: {  	_ = 	snop;
	(pc) =	sbr.rel @!p1 .LBB2_3-.Ltmp3, $2  }
0x179: {  	_ =	sdelay $0x2  }
0x17a: {  	p0 =	por !p0, !p0;
	s6 =	smov.u32 s0  }
0x17b: {  	s0 =	rddreg [dreg:$0x5];
	s6 =	simm.s32 $0xEA40  }
0x17c: {  	[hbm4b:s0+s2] =	stream.linear.scatter [tilespmem:s6], [sflag:$0x3], $0x200, $0x38;
	[tilespmem:$0xED40] =	vst v63  }
0x17d: {  	_ =	swait.ge [sflag:s11], $0x200  }
0x17e: {  	s31 =	sadd.s32 $0x1, s31;
	s28 =	rddreg [dreg:$0x6]  }
0x17f: {  	p0 =	sne.s32 s31, s28  }
.Ltmp4:
0x180: {  	_ = 	snop;
	(pc) =	sbr.rel @p0 .LBB2_1-.Ltmp4, $3  }
0x181: {  	_ =	sdelay $0x1  }
0x182: {  	[sflag:s11] =	ssyncset.done $0x0  }
0x183: {  	[sflag:s11] =	ssyncadd.s32 $0xFFFFFE00  }
0x184: {  	_ =	sfence.sel $0x180000  }
0x185: {  	[bflag:$0x0] =	sbarrier.arrive $0xFFFF  }
0x186: {  	_ =	strace $0x9000004A  }
0x187: {  	s0 =	stileid.u32;
	[bflag:$0x2] =	sbarrier.arrive $0xFFFF  }
0x188: {  	p0 =	sne.s32 s0, $0x0;
	s0 =	rddreg [dreg:$0x2]  }
0x189: {  	s0 =	sadd.s32 @!p0 $0x100000, s0  }
0x18a: {  	[sflag:s0] =	ssyncadd.tile.s32 @!p0 $0x1;
	_ =	shalt  }
.Lfunc_end2:
_tile_overlayer_lowered:
.L_overlay_start_2:
0x18b: {  	(tag) =	ssettag $0x2  }
0x18c: {  	s0 =	rddreg [dreg:$0x0];
	s2 =	stileid.u32  }
0x18d: {  	s1 =	rddreg [dreg:$0x1];
	p0 =	sne.s32 s2, $0x0  }
0x18e: {  	s3 =	rddreg [dreg:$0x2];
	[bflag:$0x3] =	sbarrier.arrive $0xFFFF;
	s2 =	simm.s32 @!p0 $0x1C03  }
0x18f: {  	[timem:s3], [sflag:s2] =	dma.local @!p0 [hbm:s0], s1  }
0x190: {  	s0 =	simm.s32 @!p0 $0x3  }
0x191: {  	_ =	swait.ge @!p0 [sflag:s0], s1  }
0x192: {  	s1 =	ssub.s32 @!p0 $0x0, s1;
	[sflag:s0] =	ssyncset.done @!p0 $0x0  }
0x193: {  	[sflag:s0] =	ssyncadd.s32 @!p0 s1  }
0x194: {  	[bflag:$0x3] =	sbarrier.arrive $0xFFFF  }
0x195: {  	_ =	shalt  }

</sc_bundles>
